<compile_context>
chip_gen: v7x
topology: tpu7x:2x2x1
jax: 0.10.2.dev20260603
libtpu: 0.0.44.dev20260713+nightly
codegen_flags: <defaults>
</compile_context>

<pallas_src>
import functools

import jax
import jax.numpy as jnp
from jax import lax
from jax.experimental import pallas as pl
from jax.experimental.pallas import tpu as pltpu
from jax.experimental.pallas import tpu_sc as plsc

NC = 2
NS = 16
NW = NC * NS
LANES = 128


def _pick_chunks(epw):
    nchunks = max(1, -(-epw // 10240))
    while epw % nchunks != 0 or (epw // nchunks) % 8 != 0:
        nchunks += 1
    return nchunks


def _edge_agg_kernel(ncols, NP, EPW, gather):
    NPS = NP // NS
    nchunks = _pick_chunks(EPW)
    CH = EPW // nchunks
    mesh = plsc.VectorSubcoreMesh(
        core_axis_name="c", subcore_axis_name="s", num_cores=NC, num_subcores=NS
    )

    scratch = [pltpu.VMEM((CH,), jnp.int32) for _ in range(2)]
    scratch += [pltpu.VMEM((CH,), jnp.int32) for _ in range(2)]
    nrbuf = 2 if gather else 1
    scratch += [pltpu.VMEM((CH,), jnp.float32)
                for _ in range(ncols * nrbuf)]
    scratch += [pltpu.VMEM((NPS,), jnp.float32)]
    scratch += [pltpu.VMEM_SHARED((NP,), jnp.float32) for _ in range(ncols)]
    if gather:
        scratch += [pltpu.VMEM_SHARED((NP,), jnp.float32) for _ in range(ncols)]
    scratch += [pltpu.SemaphoreType.DMA for _ in range(2 * ncols)]

    @functools.partial(
        pl.kernel,
        out_type=jax.ShapeDtypeStruct((NC, ncols, NP), jnp.float32),
        mesh=mesh,
        scratch_types=scratch,
    )
    def k(*refs):
        ei_hbm = refs[0]
        ntbl = ncols if gather else 1
        tbls = refs[1:1 + ntbl]
        zeros_hbm = refs[1 + ntbl]
        out_hbm = refs[2 + ntbl]
        sc = list(refs[3 + ntbl:])
        sidx = sc[0:2]
        didx = sc[2:4]
        rows = [sc[4 + b * ncols: 4 + (b + 1) * ncols] for b in range(nrbuf)]
        p = 4 + ncols * nrbuf
        zbuf = sc[p]
        shared = sc[p + 1: p + 1 + ncols]
        q = p + 1 + ncols
        if gather:
            stbl = sc[q: q + ncols]
            q += ncols
        semg = [sc[q + b * ncols: q + (b + 1) * ncols] for b in range(2)]

        cid = lax.axis_index("c")
        sid = lax.axis_index("s")
        wid = cid * NS + sid

        base_n = sid * NPS
        pltpu.sync_copy(zeros_hbm, zbuf)
        for col in range(ncols):
            pltpu.sync_copy(zbuf, shared[col].at[pl.ds(base_n, NPS)])
        if gather:
            for col in range(ncols):
                pltpu.sync_copy(tbls[col].at[pl.ds(base_n, NPS)], zbuf)
                pltpu.sync_copy(zbuf, stbl[col].at[pl.ds(base_n, NPS)])
        if not gather:
            pltpu.sync_copy(tbls[0], rows[0][0])
        plsc.subcore_barrier()

        base_e = wid * EPW

        EP = NW * EPW

        def load_idx(kk, b):
            off = base_e + kk * CH
            pltpu.sync_copy(ei_hbm.at[pl.ds(off, CH)], sidx[b])
            pltpu.sync_copy(ei_hbm.at[pl.ds(EP + off, CH)], didx[b])

        def start_gather(b):
            return [pltpu.async_copy(stbl[c].at[sidx[b]], rows[b][c], semg[b][c])
                    for c in range(ncols)]

        def do_scatter(b):
            rb = rows[b] if gather else rows[0]
            for c in range(ncols):
                pltpu.sync_copy(rb[c], shared[c].at[didx[b]], add=True)

        gd = [None, None]
        load_idx(0, 0)
        if gather:
            gd[0] = start_gather(0)
        for kk in range(nchunks):
            b = kk & 1
            nb = 1 - b
            if kk + 1 < nchunks:
                load_idx(kk + 1, nb)
                if gather:
                    gd[nb] = start_gather(nb)
            if gather:
                for d in gd[b]:
                    d.wait()
            do_scatter(b)
        plsc.subcore_barrier()

        for col in range(ncols):
            pltpu.sync_copy(shared[col].at[pl.ds(base_n, NPS)], zbuf)
            pltpu.sync_copy(zbuf, out_hbm.at[cid, col, pl.ds(base_n, NPS)])

    return k


def _round_bf16(a):
    u = lax.bitcast_convert_type(a, jnp.uint32)
    r = u + jnp.uint32(0x7FFF) + ((u >> 16) & jnp.uint32(1))
    return lax.bitcast_convert_type(r & jnp.uint32(0xFFFF0000), jnp.float32)


def _tc1_body(degp_ref, x_ref, dinv_ref, y0_ref, y1_ref):
    deg = degp_ref[0] + degp_ref[1] + 1.0
    dinv = 1.0 / jnp.sqrt(deg)
    dinv_ref[...] = dinv
    y0_ref[...] = x_ref[0] * dinv
    y1_ref[...] = x_ref[1] * dinv


def _tc2_body(H, accp_ref, x_ref, dinv_ref, w1_ref, b1_ref, w2_ref, y2_ref):
    dinv = dinv_ref[...]
    agg0 = dinv * (accp_ref[0, 0] + accp_ref[1, 0] + dinv * x_ref[0])
    agg1 = dinv * (accp_ref[0, 1] + accp_ref[1, 1] + dinv * x_ref[1])
    acc = jnp.zeros_like(dinv)
    for j in range(H):
        hj = jnp.maximum(agg0 * w1_ref[0, j] + agg1 * w1_ref[1, j] + b1_ref[j], 0.0)
        acc = acc + _round_bf16(hj) * w2_ref[j, 0]
    y2_ref[...] = dinv * acc


def _tc3_body(accp2_ref, dinv_ref, y2_ref, b2_ref, out_ref):
    dinv = dinv_ref[...]
    acc2 = accp2_ref[0, 0] + accp2_ref[1, 0]
    out_ref[...] = dinv * acc2 + dinv * y2_ref[...] + b2_ref[0]


def kernel(x, edge_index, W1, b1, W2, b2):
    N = x.shape[0]
    E = edge_index.shape[1]
    H = W1.shape[1]
    f32 = jnp.float32

    NP = ((N + 256) + 255) // 256 * 256
    NPR = NP // LANES
    NPS = NP // NS
    unit = NW * 8
    EP = (E + unit - 1) // unit * unit
    if EP != E:
        pad_idx = (jnp.arange(EP - E, dtype=edge_index.dtype) % 256) + N
        ei = jnp.concatenate(
            [edge_index, jnp.stack([pad_idx, pad_idx])], axis=1)
    else:
        ei = edge_index
    ei = ei.reshape(2 * EP)
    EPW = EP // NW

    xb = _round_bf16(x)
    xp = jnp.pad(xb.T, ((0, 0), (0, NP - N)))
    zeros_v = jnp.zeros((NPS,), f32)
    CH0 = EPW // _pick_chunks(EPW)
    ones_v = jnp.ones((CH0,), f32)

    degk = _edge_agg_kernel(1, NP, EPW, gather=False)
    degp = degk(ei, ones_v, zeros_v)

    t1 = pl.pallas_call(
        _tc1_body,
        out_shape=[jax.ShapeDtypeStruct((NPR, LANES), f32)] * 3,
    )
    dinv, y0, y1 = t1(
        degp[:, 0].reshape(NC, NPR, LANES), xp.reshape(2, NPR, LANES)
    )

    agg2k = _edge_agg_kernel(2, NP, EPW, gather=True)
    accp = agg2k(ei, y0.reshape(NP), y1.reshape(NP), zeros_v)

    smem = pl.BlockSpec(memory_space=pltpu.SMEM)
    t2 = pl.pallas_call(
        functools.partial(_tc2_body, H),
        out_shape=jax.ShapeDtypeStruct((NPR, LANES), f32),
        in_specs=[pl.BlockSpec(), pl.BlockSpec(), pl.BlockSpec(), smem, smem, smem],
    )
    W1b = _round_bf16(W1)
    W2b = _round_bf16(W2)
    y2 = t2(accp.reshape(NC, 2, NPR, LANES), xp.reshape(2, NPR, LANES), dinv,
            W1b, b1, W2b)

    agg1k = _edge_agg_kernel(1, NP, EPW, gather=True)
    accp2 = agg1k(ei, y2.reshape(NP), zeros_v)

    t3 = pl.pallas_call(
        _tc3_body,
        out_shape=jax.ShapeDtypeStruct((NPR, LANES), f32),
        in_specs=[pl.BlockSpec(), pl.BlockSpec(), pl.BlockSpec(), smem],
    )
    outg = t3(accp2.reshape(NC, 1, NPR, LANES), dinv, y2, b2)

    return outg.reshape(NP)[:N].reshape(N, 1)

# --- scband reference (transcript-rebuilt; emitter-appended) ---
"""Pipeline reference for scband-gcn-45148696216046 (READ-ONLY COPY).

The authoritative reference and input builder live on the scoring server;
editing this copy changes nothing except your own understanding.
"""

import jax, jax.numpy as jnp
import numpy as np

N = 100000
E = 1600000
H = 64


def gcn_conv(x, src, dst, W, b, n):
    # linear transform
    h = x @ W
    # symmetric normalization deg^{-1/2} A_hat deg^{-1/2} (self-loops already appended)
    deg = jax.ops.segment_sum(jnp.ones_like(dst, dtype=h.dtype), dst, num_segments=n)
    dinv = jnp.where(deg > 0, 1.0 / jnp.sqrt(deg), 0.0)
    norm = dinv[src] * dinv[dst]
    msg = h[src] * norm[:, None]
    out = jax.ops.segment_sum(msg, dst, num_segments=n)
    return out + b


def setup_inputs(seed: int = 0) -> dict:
    key = jax.random.key(seed)
    k1, k2, k3, k4, k5, k6 = jax.random.split(key, 6)
    x = jax.random.normal(k1, (N, 2), dtype=jnp.float32)
    edge_index = jax.random.randint(k2, (2, E), 0, N, dtype=jnp.int32)
    W1 = jax.random.normal(k3, (2, H), dtype=jnp.float32) * (1.0 / np.sqrt(2.0))
    b1 = jnp.zeros((H,), dtype=jnp.float32)
    W2 = jax.random.normal(k4, (H, 1), dtype=jnp.float32) * (1.0 / np.sqrt(H))
    b2 = jnp.zeros((1,), dtype=jnp.float32)
    return {"x": x, "edge_index": edge_index, "W1": W1, "b1": b1, "W2": W2, "b2": b2}


def reference(x, edge_index, W1, b1, W2, b2):
    src0 = edge_index[0]
    dst0 = edge_index[1]
    loop = jnp.arange(N, dtype=edge_index.dtype)
    src = jnp.concatenate([src0, loop])
    dst = jnp.concatenate([dst0, loop])
    h = gcn_conv(x, src, dst, W1, b1, N)
    h = jax.nn.relu(h)
    # F.dropout(p=0.5, training=self.training) is identity in eval mode
    out = gcn_conv(h, src, dst, W2, b2, N)
    return out

if __name__ == "__main__":
    import jax
    _d = setup_inputs()
    print(jax.jit(kernel)(*tuple(_d.values())))

</pallas_src>

<mosaic_0001>
#map = affine_map<(d0, d1) -> (0)>
#map1 = affine_map<(d0, d1) -> (0, 0, 0)>
module attributes {stable_mosaic.version = 14 : i64} {
  func.func @k(%arg0: i32, %arg1: i32, %arg2: memref<3200000xi32, #tpu.memory_space<hbm>>, %arg3: memref<100352xf32, #tpu.memory_space<hbm>>, %arg4: memref<100352xf32, #tpu.memory_space<hbm>>, %arg5: memref<6272xf32, #tpu.memory_space<hbm>>, %arg6: memref<2x2x100352xf32, #tpu.memory_space<hbm>>, %arg7: memref<10000xi32, #tpu.memory_space<vmem>>, %arg8: memref<10000xi32, #tpu.memory_space<vmem>>, %arg9: memref<10000xi32, #tpu.memory_space<vmem>>, %arg10: memref<10000xi32, #tpu.memory_space<vmem>>, %arg11: memref<10000xf32, #tpu.memory_space<vmem>>, %arg12: memref<10000xf32, #tpu.memory_space<vmem>>, %arg13: memref<10000xf32, #tpu.memory_space<vmem>>, %arg14: memref<10000xf32, #tpu.memory_space<vmem>>, %arg15: memref<6272xf32, #tpu.memory_space<vmem>>, %arg16: memref<100352xf32, #tpu.memory_space<vmem_shared>>, %arg17: memref<100352xf32, #tpu.memory_space<vmem_shared>>, %arg18: memref<100352xf32, #tpu.memory_space<vmem_shared>>, %arg19: memref<100352xf32, #tpu.memory_space<vmem_shared>>, %arg20: memref<!tpu.dma_semaphore, #tpu.memory_space<semaphore_mem>>, %arg21: memref<!tpu.dma_semaphore, #tpu.memory_space<semaphore_mem>>, %arg22: memref<!tpu.dma_semaphore, #tpu.memory_space<semaphore_mem>>, %arg23: memref<!tpu.dma_semaphore, #tpu.memory_space<semaphore_mem>>) attributes {dimension_semantics = [#tpu.dimension_semantics<core_parallel>, #tpu.dimension_semantics<subcore_parallel>], iteration_bounds = array<i64: 2, 16>, scalar_prefetch = 0 : i64, scratch_operands = 17 : i64, tpu.core_type = #tpu.core_type<sc_vector_subcore>, window_params = [{transform_indices = #map}, {transform_indices = #map}, {transform_indices = #map}, {transform_indices = #map}, {transform_indices = #map1}]} {
    %mul3A = arith.constant 16 : i32
    %mul3A_0 = arith.muli %arg0, %mul3A : i32
    %add3A = arith.addi %mul3A_0, %arg1 : i32
    %mul3A_1 = arith.constant 6272 : i32
    %mul3A_2 = arith.muli %arg1, %mul3A_1 : i32
    "tpu.region"() ({
      %run_scoped3A_65 = tpu.sem_alloc : memref<!tpu.dma_semaphore, #tpu.memory_space<semaphore_mem>>
      tpu.enqueue_dma source(%arg5 : memref<6272xf32, #tpu.memory_space<hbm>>) target(%arg15 : memref<6272xf32, #tpu.memory_space<vmem>>) target_semaphore(%run_scoped3A_65 : memref<!tpu.dma_semaphore, #tpu.memory_space<semaphore_mem>>)
      tpu.wait_dma2 semaphore(%run_scoped3A_65 : memref<!tpu.dma_semaphore, #tpu.memory_space<semaphore_mem>>) src(%arg5 : memref<6272xf32, #tpu.memory_space<hbm>>) dst(%arg15 : memref<6272xf32, #tpu.memory_space<vmem>>)
      tpu.yield
    }) : () -> ()
    "tpu.region"() ({
      %run_scoped3A_65 = tpu.sem_alloc : memref<!tpu.dma_semaphore, #tpu.memory_space<semaphore_mem>>
      %dma_start3A_66 = tpu.memref_slice %arg16[%mul3A_2] : memref<100352xf32, #tpu.memory_space<vmem_shared>> -> memref<6272xf32, #tpu.memory_space<vmem_shared>>
      %dma_start3A_67 = tpu.memref_slice %arg16[%mul3A_2] : memref<100352xf32, #tpu.memory_space<vmem_shared>> -> memref<6272xf32, #tpu.memory_space<vmem_shared>>
      tpu.enqueue_dma source(%arg15 : memref<6272xf32, #tpu.memory_space<vmem>>) target(%dma_start3A_67 : memref<6272xf32, #tpu.memory_space<vmem_shared>>) target_semaphore(%run_scoped3A_65 : memref<!tpu.dma_semaphore, #tpu.memory_space<semaphore_mem>>)
      %dma_wait3A_68 = tpu.memref_slice %arg16[%mul3A_2] : memref<100352xf32, #tpu.memory_space<vmem_shared>> -> memref<6272xf32, #tpu.memory_space<vmem_shared>>
      %dma_wait3A_69 = tpu.memref_slice %arg16[%mul3A_2] : memref<100352xf32, #tpu.memory_space<vmem_shared>> -> memref<6272xf32, #tpu.memory_space<vmem_shared>>
      tpu.wait_dma2 semaphore(%run_scoped3A_65 : memref<!tpu.dma_semaphore, #tpu.memory_space<semaphore_mem>>) src(%arg15 : memref<6272xf32, #tpu.memory_space<vmem>>) dst(%dma_wait3A_69 : memref<6272xf32, #tpu.memory_space<vmem_shared>>)
      tpu.yield
    }) : () -> ()
    "tpu.region"() ({
      %run_scoped3A_65 = tpu.sem_alloc : memref<!tpu.dma_semaphore, #tpu.memory_space<semaphore_mem>>
      %dma_start3A_66 = tpu.memref_slice %arg17[%mul3A_2] : memref<100352xf32, #tpu.memory_space<vmem_shared>> -> memref<6272xf32, #tpu.memory_space<vmem_shared>>
      %dma_start3A_67 = tpu.memref_slice %arg17[%mul3A_2] : memref<100352xf32, #tpu.memory_space<vmem_shared>> -> memref<6272xf32, #tpu.memory_space<vmem_shared>>
      tpu.enqueue_dma source(%arg15 : memref<6272xf32, #tpu.memory_space<vmem>>) target(%dma_start3A_67 : memref<6272xf32, #tpu.memory_space<vmem_shared>>) target_semaphore(%run_scoped3A_65 : memref<!tpu.dma_semaphore, #tpu.memory_space<semaphore_mem>>)
      %dma_wait3A_68 = tpu.memref_slice %arg17[%mul3A_2] : memref<100352xf32, #tpu.memory_space<vmem_shared>> -> memref<6272xf32, #tpu.memory_space<vmem_shared>>
      %dma_wait3A_69 = tpu.memref_slice %arg17[%mul3A_2] : memref<100352xf32, #tpu.memory_space<vmem_shared>> -> memref<6272xf32, #tpu.memory_space<vmem_shared>>
      tpu.wait_dma2 semaphore(%run_scoped3A_65 : memref<!tpu.dma_semaphore, #tpu.memory_space<semaphore_mem>>) src(%arg15 : memref<6272xf32, #tpu.memory_space<vmem>>) dst(%dma_wait3A_69 : memref<6272xf32, #tpu.memory_space<vmem_shared>>)
      tpu.yield
    }) : () -> ()
    "tpu.region"() ({
      %run_scoped3A_65 = tpu.sem_alloc : memref<!tpu.dma_semaphore, #tpu.memory_space<semaphore_mem>>
      %dma_start3A_66 = tpu.memref_slice %arg3[%mul3A_2] : memref<100352xf32, #tpu.memory_space<hbm>> -> memref<6272xf32, #tpu.memory_space<hbm>>
      %dma_start3A_67 = tpu.memref_slice %arg3[%mul3A_2] : memref<100352xf32, #tpu.memory_space<hbm>> -> memref<6272xf32, #tpu.memory_space<hbm>>
      tpu.enqueue_dma source(%dma_start3A_67 : memref<6272xf32, #tpu.memory_space<hbm>>) target(%arg15 : memref<6272xf32, #tpu.memory_space<vmem>>) target_semaphore(%run_scoped3A_65 : memref<!tpu.dma_semaphore, #tpu.memory_space<semaphore_mem>>)
      %dma_wait3A_68 = tpu.memref_slice %arg3[%mul3A_2] : memref<100352xf32, #tpu.memory_space<hbm>> -> memref<6272xf32, #tpu.memory_space<hbm>>
      %dma_wait3A_69 = tpu.memref_slice %arg3[%mul3A_2] : memref<100352xf32, #tpu.memory_space<hbm>> -> memref<6272xf32, #tpu.memory_space<hbm>>
      tpu.wait_dma2 semaphore(%run_scoped3A_65 : memref<!tpu.dma_semaphore, #tpu.memory_space<semaphore_mem>>) src(%dma_wait3A_69 : memref<6272xf32, #tpu.memory_space<hbm>>) dst(%arg15 : memref<6272xf32, #tpu.memory_space<vmem>>)
      tpu.yield
    }) : () -> ()
    "tpu.region"() ({
      %run_scoped3A_65 = tpu.sem_alloc : memref<!tpu.dma_semaphore, #tpu.memory_space<semaphore_mem>>
      %dma_start3A_66 = tpu.memref_slice %arg18[%mul3A_2] : memref<100352xf32, #tpu.memory_space<vmem_shared>> -> memref<6272xf32, #tpu.memory_space<vmem_shared>>
      %dma_start3A_67 = tpu.memref_slice %arg18[%mul3A_2] : memref<100352xf32, #tpu.memory_space<vmem_shared>> -> memref<6272xf32, #tpu.memory_space<vmem_shared>>
      tpu.enqueue_dma source(%arg15 : memref<6272xf32, #tpu.memory_space<vmem>>) target(%dma_start3A_67 : memref<6272xf32, #tpu.memory_space<vmem_shared>>) target_semaphore(%run_scoped3A_65 : memref<!tpu.dma_semaphore, #tpu.memory_space<semaphore_mem>>)
      %dma_wait3A_68 = tpu.memref_slice %arg18[%mul3A_2] : memref<100352xf32, #tpu.memory_space<vmem_shared>> -> memref<6272xf32, #tpu.memory_space<vmem_shared>>
      %dma_wait3A_69 = tpu.memref_slice %arg18[%mul3A_2] : memref<100352xf32, #tpu.memory_space<vmem_shared>> -> memref<6272xf32, #tpu.memory_space<vmem_shared>>
      tpu.wait_dma2 semaphore(%run_scoped3A_65 : memref<!tpu.dma_semaphore, #tpu.memory_space<semaphore_mem>>) src(%arg15 : memref<6272xf32, #tpu.memory_space<vmem>>) dst(%dma_wait3A_69 : memref<6272xf32, #tpu.memory_space<vmem_shared>>)
      tpu.yield
    }) : () -> ()
    "tpu.region"() ({
      %run_scoped3A_65 = tpu.sem_alloc : memref<!tpu.dma_semaphore, #tpu.memory_space<semaphore_mem>>
      %dma_start3A_66 = tpu.memref_slice %arg4[%mul3A_2] : memref<100352xf32, #tpu.memory_space<hbm>> -> memref<6272xf32, #tpu.memory_space<hbm>>
      %dma_start3A_67 = tpu.memref_slice %arg4[%mul3A_2] : memref<100352xf32, #tpu.memory_space<hbm>> -> memref<6272xf32, #tpu.memory_space<hbm>>
      tpu.enqueue_dma source(%dma_start3A_67 : memref<6272xf32, #tpu.memory_space<hbm>>) target(%arg15 : memref<6272xf32, #tpu.memory_space<vmem>>) target_semaphore(%run_scoped3A_65 : memref<!tpu.dma_semaphore, #tpu.memory_space<semaphore_mem>>)
      %dma_wait3A_68 = tpu.memref_slice %arg4[%mul3A_2] : memref<100352xf32, #tpu.memory_space<hbm>> -> memref<6272xf32, #tpu.memory_space<hbm>>
      %dma_wait3A_69 = tpu.memref_slice %arg4[%mul3A_2] : memref<100352xf32, #tpu.memory_space<hbm>> -> memref<6272xf32, #tpu.memory_space<hbm>>
      tpu.wait_dma2 semaphore(%run_scoped3A_65 : memref<!tpu.dma_semaphore, #tpu.memory_space<semaphore_mem>>) src(%dma_wait3A_69 : memref<6272xf32, #tpu.memory_space<hbm>>) dst(%arg15 : memref<6272xf32, #tpu.memory_space<vmem>>)
      tpu.yield
    }) : () -> ()
    "tpu.region"() ({
      %run_scoped3A_65 = tpu.sem_alloc : memref<!tpu.dma_semaphore, #tpu.memory_space<semaphore_mem>>
      %dma_start3A_66 = tpu.memref_slice %arg19[%mul3A_2] : memref<100352xf32, #tpu.memory_space<vmem_shared>> -> memref<6272xf32, #tpu.memory_space<vmem_shared>>
      %dma_start3A_67 = tpu.memref_slice %arg19[%mul3A_2] : memref<100352xf32, #tpu.memory_space<vmem_shared>> -> memref<6272xf32, #tpu.memory_space<vmem_shared>>
      tpu.enqueue_dma source(%arg15 : memref<6272xf32, #tpu.memory_space<vmem>>) target(%dma_start3A_67 : memref<6272xf32, #tpu.memory_space<vmem_shared>>) target_semaphore(%run_scoped3A_65 : memref<!tpu.dma_semaphore, #tpu.memory_space<semaphore_mem>>)
      %dma_wait3A_68 = tpu.memref_slice %arg19[%mul3A_2] : memref<100352xf32, #tpu.memory_space<vmem_shared>> -> memref<6272xf32, #tpu.memory_space<vmem_shared>>
      %dma_wait3A_69 = tpu.memref_slice %arg19[%mul3A_2] : memref<100352xf32, #tpu.memory_space<vmem_shared>> -> memref<6272xf32, #tpu.memory_space<vmem_shared>>
      tpu.wait_dma2 semaphore(%run_scoped3A_65 : memref<!tpu.dma_semaphore, #tpu.memory_space<semaphore_mem>>) src(%arg15 : memref<6272xf32, #tpu.memory_space<vmem>>) dst(%dma_wait3A_69 : memref<6272xf32, #tpu.memory_space<vmem_shared>>)
      tpu.yield
    }) : () -> ()
    %barrier3A = arith.constant 0 : index
    tpu.barrier barrier_id(%barrier3A)
    %mul3A_3 = arith.constant 50000 : i32
    %mul3A_4 = arith.muli %add3A, %mul3A_3 : i32
    %add3A_5 = arith.constant 0 : i32
    %add3A_6 = arith.addi %mul3A_4, %add3A_5 : i32
    "tpu.region"() ({
      %run_scoped3A_65 = tpu.sem_alloc : memref<!tpu.dma_semaphore, #tpu.memory_space<semaphore_mem>>
      %dma_start3A_66 = tpu.memref_slice %arg2[%add3A_6] : memref<3200000xi32, #tpu.memory_space<hbm>> -> memref<10000xi32, #tpu.memory_space<hbm>>
      %dma_start3A_67 = tpu.memref_slice %arg2[%add3A_6] : memref<3200000xi32, #tpu.memory_space<hbm>> -> memref<10000xi32, #tpu.memory_space<hbm>>
      tpu.enqueue_dma source(%dma_start3A_67 : memref<10000xi32, #tpu.memory_space<hbm>>) target(%arg7 : memref<10000xi32, #tpu.memory_space<vmem>>) target_semaphore(%run_scoped3A_65 : memref<!tpu.dma_semaphore, #tpu.memory_space<semaphore_mem>>)
      %dma_wait3A_68 = tpu.memref_slice %arg2[%add3A_6] : memref<3200000xi32, #tpu.memory_space<hbm>> -> memref<10000xi32, #tpu.memory_space<hbm>>
      %dma_wait3A_69 = tpu.memref_slice %arg2[%add3A_6] : memref<3200000xi32, #tpu.memory_space<hbm>> -> memref<10000xi32, #tpu.memory_space<hbm>>
      tpu.wait_dma2 semaphore(%run_scoped3A_65 : memref<!tpu.dma_semaphore, #tpu.memory_space<semaphore_mem>>) src(%dma_wait3A_69 : memref<10000xi32, #tpu.memory_space<hbm>>) dst(%arg7 : memref<10000xi32, #tpu.memory_space<vmem>>)
      tpu.yield
    }) : () -> ()
    %add3A_7 = arith.constant 1600000 : i32
    %add3A_8 = arith.addi %add3A_7, %add3A_6 : i32
    "tpu.region"() ({
      %run_scoped3A_65 = tpu.sem_alloc : memref<!tpu.dma_semaphore, #tpu.memory_space<semaphore_mem>>
      %dma_start3A_66 = tpu.memref_slice %arg2[%add3A_8] : memref<3200000xi32, #tpu.memory_space<hbm>> -> memref<10000xi32, #tpu.memory_space<hbm>>
      %dma_start3A_67 = tpu.memref_slice %arg2[%add3A_8] : memref<3200000xi32, #tpu.memory_space<hbm>> -> memref<10000xi32, #tpu.memory_space<hbm>>
      tpu.enqueue_dma source(%dma_start3A_67 : memref<10000xi32, #tpu.memory_space<hbm>>) target(%arg9 : memref<10000xi32, #tpu.memory_space<vmem>>) target_semaphore(%run_scoped3A_65 : memref<!tpu.dma_semaphore, #tpu.memory_space<semaphore_mem>>)
      %dma_wait3A_68 = tpu.memref_slice %arg2[%add3A_8] : memref<3200000xi32, #tpu.memory_space<hbm>> -> memref<10000xi32, #tpu.memory_space<hbm>>
      %dma_wait3A_69 = tpu.memref_slice %arg2[%add3A_8] : memref<3200000xi32, #tpu.memory_space<hbm>> -> memref<10000xi32, #tpu.memory_space<hbm>>
      tpu.wait_dma2 semaphore(%run_scoped3A_65 : memref<!tpu.dma_semaphore, #tpu.memory_space<semaphore_mem>>) src(%dma_wait3A_69 : memref<10000xi32, #tpu.memory_space<hbm>>) dst(%arg9 : memref<10000xi32, #tpu.memory_space<vmem>>)
      tpu.yield
    }) : () -> ()
    %dma_start3A = arith.constant 0 : i32
    %dma_start3A_9 = tpu.memref_slice %arg18[%dma_start3A] : memref<100352xf32, #tpu.memory_space<vmem_shared>> -> memref<100352xf32, #tpu.memory_space<vmem_shared>>
    tpu.enqueue_indirect_dma source(%dma_start3A_9 : memref<100352xf32, #tpu.memory_space<vmem_shared>>) target(%arg11 : memref<10000xf32, #tpu.memory_space<vmem>>) offsets(%arg7 : memref<10000xi32, #tpu.memory_space<vmem>>) semaphore(%arg20 : memref<!tpu.dma_semaphore, #tpu.memory_space<semaphore_mem>>)
    %dma_start3A_10 = arith.constant 0 : i32
    %dma_start3A_11 = tpu.memref_slice %arg19[%dma_start3A_10] : memref<100352xf32, #tpu.memory_space<vmem_shared>> -> memref<100352xf32, #tpu.memory_space<vmem_shared>>
    tpu.enqueue_indirect_dma source(%dma_start3A_11 : memref<100352xf32, #tpu.memory_space<vmem_shared>>) target(%arg12 : memref<10000xf32, #tpu.memory_space<vmem>>) offsets(%arg7 : memref<10000xi32, #tpu.memory_space<vmem>>) semaphore(%arg21 : memref<!tpu.dma_semaphore, #tpu.memory_space<semaphore_mem>>)
    %add3A_12 = arith.constant 10000 : i32
    %add3A_13 = arith.addi %mul3A_4, %add3A_12 : i32
    "tpu.region"() ({
      %run_scoped3A_65 = tpu.sem_alloc : memref<!tpu.dma_semaphore, #tpu.memory_space<semaphore_mem>>
      %dma_start3A_66 = tpu.memref_slice %arg2[%add3A_13] : memref<3200000xi32, #tpu.memory_space<hbm>> -> memref<10000xi32, #tpu.memory_space<hbm>>
      %dma_start3A_67 = tpu.memref_slice %arg2[%add3A_13] : memref<3200000xi32, #tpu.memory_space<hbm>> -> memref<10000xi32, #tpu.memory_space<hbm>>
      tpu.enqueue_dma source(%dma_start3A_67 : memref<10000xi32, #tpu.memory_space<hbm>>) target(%arg8 : memref<10000xi32, #tpu.memory_space<vmem>>) target_semaphore(%run_scoped3A_65 : memref<!tpu.dma_semaphore, #tpu.memory_space<semaphore_mem>>)
      %dma_wait3A_68 = tpu.memref_slice %arg2[%add3A_13] : memref<3200000xi32, #tpu.memory_space<hbm>> -> memref<10000xi32, #tpu.memory_space<hbm>>
      %dma_wait3A_69 = tpu.memref_slice %arg2[%add3A_13] : memref<3200000xi32, #tpu.memory_space<hbm>> -> memref<10000xi32, #tpu.memory_space<hbm>>
      tpu.wait_dma2 semaphore(%run_scoped3A_65 : memref<!tpu.dma_semaphore, #tpu.memory_space<semaphore_mem>>) src(%dma_wait3A_69 : memref<10000xi32, #tpu.memory_space<hbm>>) dst(%arg8 : memref<10000xi32, #tpu.memory_space<vmem>>)
      tpu.yield
    }) : () -> ()
    %add3A_14 = arith.constant 1600000 : i32
    %add3A_15 = arith.addi %add3A_14, %add3A_13 : i32
    "tpu.region"() ({
      %run_scoped3A_65 = tpu.sem_alloc : memref<!tpu.dma_semaphore, #tpu.memory_space<semaphore_mem>>
      %dma_start3A_66 = tpu.memref_slice %arg2[%add3A_15] : memref<3200000xi32, #tpu.memory_space<hbm>> -> memref<10000xi32, #tpu.memory_space<hbm>>
      %dma_start3A_67 = tpu.memref_slice %arg2[%add3A_15] : memref<3200000xi32, #tpu.memory_space<hbm>> -> memref<10000xi32, #tpu.memory_space<hbm>>
      tpu.enqueue_dma source(%dma_start3A_67 : memref<10000xi32, #tpu.memory_space<hbm>>) target(%arg10 : memref<10000xi32, #tpu.memory_space<vmem>>) target_semaphore(%run_scoped3A_65 : memref<!tpu.dma_semaphore, #tpu.memory_space<semaphore_mem>>)
      %dma_wait3A_68 = tpu.memref_slice %arg2[%add3A_15] : memref<3200000xi32, #tpu.memory_space<hbm>> -> memref<10000xi32, #tpu.memory_space<hbm>>
      %dma_wait3A_69 = tpu.memref_slice %arg2[%add3A_15] : memref<3200000xi32, #tpu.memory_space<hbm>> -> memref<10000xi32, #tpu.memory_space<hbm>>
      tpu.wait_dma2 semaphore(%run_scoped3A_65 : memref<!tpu.dma_semaphore, #tpu.memory_space<semaphore_mem>>) src(%dma_wait3A_69 : memref<10000xi32, #tpu.memory_space<hbm>>) dst(%arg10 : memref<10000xi32, #tpu.memory_space<vmem>>)
      tpu.yield
    }) : () -> ()
    %dma_start3A_16 = arith.constant 0 : i32
    %dma_start3A_17 = tpu.memref_slice %arg18[%dma_start3A_16] : memref<100352xf32, #tpu.memory_space<vmem_shared>> -> memref<100352xf32, #tpu.memory_space<vmem_shared>>
    tpu.enqueue_indirect_dma source(%dma_start3A_17 : memref<100352xf32, #tpu.memory_space<vmem_shared>>) target(%arg13 : memref<10000xf32, #tpu.memory_space<vmem>>) offsets(%arg8 : memref<10000xi32, #tpu.memory_space<vmem>>) semaphore(%arg22 : memref<!tpu.dma_semaphore, #tpu.memory_space<semaphore_mem>>)
    %dma_start3A_18 = arith.constant 0 : i32
    %dma_start3A_19 = tpu.memref_slice %arg19[%dma_start3A_18] : memref<100352xf32, #tpu.memory_space<vmem_shared>> -> memref<100352xf32, #tpu.memory_space<vmem_shared>>
    tpu.enqueue_indirect_dma source(%dma_start3A_19 : memref<100352xf32, #tpu.memory_space<vmem_shared>>) target(%arg14 : memref<10000xf32, #tpu.memory_space<vmem>>) offsets(%arg8 : memref<10000xi32, #tpu.memory_space<vmem>>) semaphore(%arg23 : memref<!tpu.dma_semaphore, #tpu.memory_space<semaphore_mem>>)
    %dma_wait3A = arith.constant 0 : i32
    %dma_wait3A_20 = tpu.memref_slice %arg18[%dma_wait3A] : memref<100352xf32, #tpu.memory_space<vmem_shared>> -> memref<100352xf32, #tpu.memory_space<vmem_shared>>
    tpu.wait_indirect_dma semaphore(%arg20 : memref<!tpu.dma_semaphore, #tpu.memory_space<semaphore_mem>>) src(%dma_wait3A_20 : memref<100352xf32, #tpu.memory_space<vmem_shared>>) dst(%arg11 : memref<10000xf32, #tpu.memory_space<vmem>>)
    %dma_wait3A_21 = arith.constant 0 : i32
    %dma_wait3A_22 = tpu.memref_slice %arg19[%dma_wait3A_21] : memref<100352xf32, #tpu.memory_space<vmem_shared>> -> memref<100352xf32, #tpu.memory_space<vmem_shared>>
    tpu.wait_indirect_dma semaphore(%arg21 : memref<!tpu.dma_semaphore, #tpu.memory_space<semaphore_mem>>) src(%dma_wait3A_22 : memref<100352xf32, #tpu.memory_space<vmem_shared>>) dst(%arg12 : memref<10000xf32, #tpu.memory_space<vmem>>)
    "tpu.region"() ({
      %run_scoped3A_65 = tpu.sem_alloc : memref<!tpu.dma_semaphore, #tpu.memory_space<semaphore_mem>>
      %dma_start3A_66 = arith.constant 0 : i32
      %dma_start3A_67 = tpu.memref_slice %arg16[%dma_start3A_66] : memref<100352xf32, #tpu.memory_space<vmem_shared>> -> memref<100352xf32, #tpu.memory_space<vmem_shared>>
      tpu.enqueue_indirect_dma source(%arg11 : memref<10000xf32, #tpu.memory_space<vmem>>) target(%dma_start3A_67 : memref<100352xf32, #tpu.memory_space<vmem_shared>>) offsets(%arg9 : memref<10000xi32, #tpu.memory_space<vmem>>) semaphore(%run_scoped3A_65 : memref<!tpu.dma_semaphore, #tpu.memory_space<semaphore_mem>>) {add = true}
      %dma_wait3A_68 = arith.constant 0 : i32
      %dma_wait3A_69 = tpu.memref_slice %arg16[%dma_wait3A_68] : memref<100352xf32, #tpu.memory_space<vmem_shared>> -> memref<100352xf32, #tpu.memory_space<vmem_shared>>
      tpu.wait_indirect_dma semaphore(%run_scoped3A_65 : memref<!tpu.dma_semaphore, #tpu.memory_space<semaphore_mem>>) src(%arg11 : memref<10000xf32, #tpu.memory_space<vmem>>) dst(%dma_wait3A_69 : memref<100352xf32, #tpu.memory_space<vmem_shared>>)
      tpu.yield
    }) : () -> ()
    "tpu.region"() ({
      %run_scoped3A_65 = tpu.sem_alloc : memref<!tpu.dma_semaphore, #tpu.memory_space<semaphore_mem>>
      %dma_start3A_66 = arith.constant 0 : i32
      %dma_start3A_67 = tpu.memref_slice %arg17[%dma_start3A_66] : memref<100352xf32, #tpu.memory_space<vmem_shared>> -> memref<100352xf32, #tpu.memory_space<vmem_shared>>
      tpu.enqueue_indirect_dma source(%arg12 : memref<10000xf32, #tpu.memory_space<vmem>>) target(%dma_start3A_67 : memref<100352xf32, #tpu.memory_space<vmem_shared>>) offsets(%arg9 : memref<10000xi32, #tpu.memory_space<vmem>>) semaphore(%run_scoped3A_65 : memref<!tpu.dma_semaphore, #tpu.memory_space<semaphore_mem>>) {add = true}
      %dma_wait3A_68 = arith.constant 0 : i32
      %dma_wait3A_69 = tpu.memref_slice %arg17[%dma_wait3A_68] : memref<100352xf32, #tpu.memory_space<vmem_shared>> -> memref<100352xf32, #tpu.memory_space<vmem_shared>>
      tpu.wait_indirect_dma semaphore(%run_scoped3A_65 : memref<!tpu.dma_semaphore, #tpu.memory_space<semaphore_mem>>) src(%arg12 : memref<10000xf32, #tpu.memory_space<vmem>>) dst(%dma_wait3A_69 : memref<100352xf32, #tpu.memory_space<vmem_shared>>)
      tpu.yield
    }) : () -> ()
    %add3A_23 = arith.constant 20000 : i32
    %add3A_24 = arith.addi %mul3A_4, %add3A_23 : i32
    "tpu.region"() ({
      %run_scoped3A_65 = tpu.sem_alloc : memref<!tpu.dma_semaphore, #tpu.memory_space<semaphore_mem>>
      %dma_start3A_66 = tpu.memref_slice %arg2[%add3A_24] : memref<3200000xi32, #tpu.memory_space<hbm>> -> memref<10000xi32, #tpu.memory_space<hbm>>
      %dma_start3A_67 = tpu.memref_slice %arg2[%add3A_24] : memref<3200000xi32, #tpu.memory_space<hbm>> -> memref<10000xi32, #tpu.memory_space<hbm>>
      tpu.enqueue_dma source(%dma_start3A_67 : memref<10000xi32, #tpu.memory_space<hbm>>) target(%arg7 : memref<10000xi32, #tpu.memory_space<vmem>>) target_semaphore(%run_scoped3A_65 : memref<!tpu.dma_semaphore, #tpu.memory_space<semaphore_mem>>)
      %dma_wait3A_68 = tpu.memref_slice %arg2[%add3A_24] : memref<3200000xi32, #tpu.memory_space<hbm>> -> memref<10000xi32, #tpu.memory_space<hbm>>
      %dma_wait3A_69 = tpu.memref_slice %arg2[%add3A_24] : memref<3200000xi32, #tpu.memory_space<hbm>> -> memref<10000xi32, #tpu.memory_space<hbm>>
      tpu.wait_dma2 semaphore(%run_scoped3A_65 : memref<!tpu.dma_semaphore, #tpu.memory_space<semaphore_mem>>) src(%dma_wait3A_69 : memref<10000xi32, #tpu.memory_space<hbm>>) dst(%arg7 : memref<10000xi32, #tpu.memory_space<vmem>>)
      tpu.yield
    }) : () -> ()
    %add3A_25 = arith.constant 1600000 : i32
    %add3A_26 = arith.addi %add3A_25, %add3A_24 : i32
    "tpu.region"() ({
      %run_scoped3A_65 = tpu.sem_alloc : memref<!tpu.dma_semaphore, #tpu.memory_space<semaphore_mem>>
      %dma_start3A_66 = tpu.memref_slice %arg2[%add3A_26] : memref<3200000xi32, #tpu.memory_space<hbm>> -> memref<10000xi32, #tpu.memory_space<hbm>>
      %dma_start3A_67 = tpu.memref_slice %arg2[%add3A_26] : memref<3200000xi32, #tpu.memory_space<hbm>> -> memref<10000xi32, #tpu.memory_space<hbm>>
      tpu.enqueue_dma source(%dma_start3A_67 : memref<10000xi32, #tpu.memory_space<hbm>>) target(%arg9 : memref<10000xi32, #tpu.memory_space<vmem>>) target_semaphore(%run_scoped3A_65 : memref<!tpu.dma_semaphore, #tpu.memory_space<semaphore_mem>>)
      %dma_wait3A_68 = tpu.memref_slice %arg2[%add3A_26] : memref<3200000xi32, #tpu.memory_space<hbm>> -> memref<10000xi32, #tpu.memory_space<hbm>>
      %dma_wait3A_69 = tpu.memref_slice %arg2[%add3A_26] : memref<3200000xi32, #tpu.memory_space<hbm>> -> memref<10000xi32, #tpu.memory_space<hbm>>
      tpu.wait_dma2 semaphore(%run_scoped3A_65 : memref<!tpu.dma_semaphore, #tpu.memory_space<semaphore_mem>>) src(%dma_wait3A_69 : memref<10000xi32, #tpu.memory_space<hbm>>) dst(%arg9 : memref<10000xi32, #tpu.memory_space<vmem>>)
      tpu.yield
    }) : () -> ()
    %dma_start3A_27 = arith.constant 0 : i32
    %dma_start3A_28 = tpu.memref_slice %arg18[%dma_start3A_27] : memref<100352xf32, #tpu.memory_space<vmem_shared>> -> memref<100352xf32, #tpu.memory_space<vmem_shared>>
    tpu.enqueue_indirect_dma source(%dma_start3A_28 : memref<100352xf32, #tpu.memory_space<vmem_shared>>) target(%arg11 : memref<10000xf32, #tpu.memory_space<vmem>>) offsets(%arg7 : memref<10000xi32, #tpu.memory_space<vmem>>) semaphore(%arg20 : memref<!tpu.dma_semaphore, #tpu.memory_space<semaphore_mem>>)
    %dma_start3A_29 = arith.constant 0 : i32
    %dma_start3A_30 = tpu.memref_slice %arg19[%dma_start3A_29] : memref<100352xf32, #tpu.memory_space<vmem_shared>> -> memref<100352xf32, #tpu.memory_space<vmem_shared>>
    tpu.enqueue_indirect_dma source(%dma_start3A_30 : memref<100352xf32, #tpu.memory_space<vmem_shared>>) target(%arg12 : memref<10000xf32, #tpu.memory_space<vmem>>) offsets(%arg7 : memref<10000xi32, #tpu.memory_space<vmem>>) semaphore(%arg21 : memref<!tpu.dma_semaphore, #tpu.memory_space<semaphore_mem>>)
    %dma_wait3A_31 = arith.constant 0 : i32
    %dma_wait3A_32 = tpu.memref_slice %arg18[%dma_wait3A_31] : memref<100352xf32, #tpu.memory_space<vmem_shared>> -> memref<100352xf32, #tpu.memory_space<vmem_shared>>
    tpu.wait_indirect_dma semaphore(%arg22 : memref<!tpu.dma_semaphore, #tpu.memory_space<semaphore_mem>>) src(%dma_wait3A_32 : memref<100352xf32, #tpu.memory_space<vmem_shared>>) dst(%arg13 : memref<10000xf32, #tpu.memory_space<vmem>>)
    %dma_wait3A_33 = arith.constant 0 : i32
    %dma_wait3A_34 = tpu.memref_slice %arg19[%dma_wait3A_33] : memref<100352xf32, #tpu.memory_space<vmem_shared>> -> memref<100352xf32, #tpu.memory_space<vmem_shared>>
    tpu.wait_indirect_dma semaphore(%arg23 : memref<!tpu.dma_semaphore, #tpu.memory_space<semaphore_mem>>) src(%dma_wait3A_34 : memref<100352xf32, #tpu.memory_space<vmem_shared>>) dst(%arg14 : memref<10000xf32, #tpu.memory_space<vmem>>)
    "tpu.region"() ({
      %run_scoped3A_65 = tpu.sem_alloc : memref<!tpu.dma_semaphore, #tpu.memory_space<semaphore_mem>>
      %dma_start3A_66 = arith.constant 0 : i32
      %dma_start3A_67 = tpu.memref_slice %arg16[%dma_start3A_66] : memref<100352xf32, #tpu.memory_space<vmem_shared>> -> memref<100352xf32, #tpu.memory_space<vmem_shared>>
      tpu.enqueue_indirect_dma source(%arg13 : memref<10000xf32, #tpu.memory_space<vmem>>) target(%dma_start3A_67 : memref<100352xf32, #tpu.memory_space<vmem_shared>>) offsets(%arg10 : memref<10000xi32, #tpu.memory_space<vmem>>) semaphore(%run_scoped3A_65 : memref<!tpu.dma_semaphore, #tpu.memory_space<semaphore_mem>>) {add = true}
      %dma_wait3A_68 = arith.constant 0 : i32
      %dma_wait3A_69 = tpu.memref_slice %arg16[%dma_wait3A_68] : memref<100352xf32, #tpu.memory_space<vmem_shared>> -> memref<100352xf32, #tpu.memory_space<vmem_shared>>
      tpu.wait_indirect_dma semaphore(%run_scoped3A_65 : memref<!tpu.dma_semaphore, #tpu.memory_space<semaphore_mem>>) src(%arg13 : memref<10000xf32, #tpu.memory_space<vmem>>) dst(%dma_wait3A_69 : memref<100352xf32, #tpu.memory_space<vmem_shared>>)
      tpu.yield
    }) : () -> ()
    "tpu.region"() ({
      %run_scoped3A_65 = tpu.sem_alloc : memref<!tpu.dma_semaphore, #tpu.memory_space<semaphore_mem>>
      %dma_start3A_66 = arith.constant 0 : i32
      %dma_start3A_67 = tpu.memref_slice %arg17[%dma_start3A_66] : memref<100352xf32, #tpu.memory_space<vmem_shared>> -> memref<100352xf32, #tpu.memory_space<vmem_shared>>
      tpu.enqueue_indirect_dma source(%arg14 : memref<10000xf32, #tpu.memory_space<vmem>>) target(%dma_start3A_67 : memref<100352xf32, #tpu.memory_space<vmem_shared>>) offsets(%arg10 : memref<10000xi32, #tpu.memory_space<vmem>>) semaphore(%run_scoped3A_65 : memref<!tpu.dma_semaphore, #tpu.memory_space<semaphore_mem>>) {add = true}
      %dma_wait3A_68 = arith.constant 0 : i32
      %dma_wait3A_69 = tpu.memref_slice %arg17[%dma_wait3A_68] : memref<100352xf32, #tpu.memory_space<vmem_shared>> -> memref<100352xf32, #tpu.memory_space<vmem_shared>>
      tpu.wait_indirect_dma semaphore(%run_scoped3A_65 : memref<!tpu.dma_semaphore, #tpu.memory_space<semaphore_mem>>) src(%arg14 : memref<10000xf32, #tpu.memory_space<vmem>>) dst(%dma_wait3A_69 : memref<100352xf32, #tpu.memory_space<vmem_shared>>)
      tpu.yield
    }) : () -> ()
    %add3A_35 = arith.constant 30000 : i32
    %add3A_36 = arith.addi %mul3A_4, %add3A_35 : i32
    "tpu.region"() ({
      %run_scoped3A_65 = tpu.sem_alloc : memref<!tpu.dma_semaphore, #tpu.memory_space<semaphore_mem>>
      %dma_start3A_66 = tpu.memref_slice %arg2[%add3A_36] : memref<3200000xi32, #tpu.memory_space<hbm>> -> memref<10000xi32, #tpu.memory_space<hbm>>
      %dma_start3A_67 = tpu.memref_slice %arg2[%add3A_36] : memref<3200000xi32, #tpu.memory_space<hbm>> -> memref<10000xi32, #tpu.memory_space<hbm>>
      tpu.enqueue_dma source(%dma_start3A_67 : memref<10000xi32, #tpu.memory_space<hbm>>) target(%arg8 : memref<10000xi32, #tpu.memory_space<vmem>>) target_semaphore(%run_scoped3A_65 : memref<!tpu.dma_semaphore, #tpu.memory_space<semaphore_mem>>)
      %dma_wait3A_68 = tpu.memref_slice %arg2[%add3A_36] : memref<3200000xi32, #tpu.memory_space<hbm>> -> memref<10000xi32, #tpu.memory_space<hbm>>
      %dma_wait3A_69 = tpu.memref_slice %arg2[%add3A_36] : memref<3200000xi32, #tpu.memory_space<hbm>> -> memref<10000xi32, #tpu.memory_space<hbm>>
      tpu.wait_dma2 semaphore(%run_scoped3A_65 : memref<!tpu.dma_semaphore, #tpu.memory_space<semaphore_mem>>) src(%dma_wait3A_69 : memref<10000xi32, #tpu.memory_space<hbm>>) dst(%arg8 : memref<10000xi32, #tpu.memory_space<vmem>>)
      tpu.yield
    }) : () -> ()
    %add3A_37 = arith.constant 1600000 : i32
    %add3A_38 = arith.addi %add3A_37, %add3A_36 : i32
    "tpu.region"() ({
      %run_scoped3A_65 = tpu.sem_alloc : memref<!tpu.dma_semaphore, #tpu.memory_space<semaphore_mem>>
      %dma_start3A_66 = tpu.memref_slice %arg2[%add3A_38] : memref<3200000xi32, #tpu.memory_space<hbm>> -> memref<10000xi32, #tpu.memory_space<hbm>>
      %dma_start3A_67 = tpu.memref_slice %arg2[%add3A_38] : memref<3200000xi32, #tpu.memory_space<hbm>> -> memref<10000xi32, #tpu.memory_space<hbm>>
      tpu.enqueue_dma source(%dma_start3A_67 : memref<10000xi32, #tpu.memory_space<hbm>>) target(%arg10 : memref<10000xi32, #tpu.memory_space<vmem>>) target_semaphore(%run_scoped3A_65 : memref<!tpu.dma_semaphore, #tpu.memory_space<semaphore_mem>>)
      %dma_wait3A_68 = tpu.memref_slice %arg2[%add3A_38] : memref<3200000xi32, #tpu.memory_space<hbm>> -> memref<10000xi32, #tpu.memory_space<hbm>>
      %dma_wait3A_69 = tpu.memref_slice %arg2[%add3A_38] : memref<3200000xi32, #tpu.memory_space<hbm>> -> memref<10000xi32, #tpu.memory_space<hbm>>
      tpu.wait_dma2 semaphore(%run_scoped3A_65 : memref<!tpu.dma_semaphore, #tpu.memory_space<semaphore_mem>>) src(%dma_wait3A_69 : memref<10000xi32, #tpu.memory_space<hbm>>) dst(%arg10 : memref<10000xi32, #tpu.memory_space<vmem>>)
      tpu.yield
    }) : () -> ()
    %dma_start3A_39 = arith.constant 0 : i32
    %dma_start3A_40 = tpu.memref_slice %arg18[%dma_start3A_39] : memref<100352xf32, #tpu.memory_space<vmem_shared>> -> memref<100352xf32, #tpu.memory_space<vmem_shared>>
    tpu.enqueue_indirect_dma source(%dma_start3A_40 : memref<100352xf32, #tpu.memory_space<vmem_shared>>) target(%arg13 : memref<10000xf32, #tpu.memory_space<vmem>>) offsets(%arg8 : memref<10000xi32, #tpu.memory_space<vmem>>) semaphore(%arg22 : memref<!tpu.dma_semaphore, #tpu.memory_space<semaphore_mem>>)
    %dma_start3A_41 = arith.constant 0 : i32
    %dma_start3A_42 = tpu.memref_slice %arg19[%dma_start3A_41] : memref<100352xf32, #tpu.memory_space<vmem_shared>> -> memref<100352xf32, #tpu.memory_space<vmem_shared>>
    tpu.enqueue_indirect_dma source(%dma_start3A_42 : memref<100352xf32, #tpu.memory_space<vmem_shared>>) target(%arg14 : memref<10000xf32, #tpu.memory_space<vmem>>) offsets(%arg8 : memref<10000xi32, #tpu.memory_space<vmem>>) semaphore(%arg23 : memref<!tpu.dma_semaphore, #tpu.memory_space<semaphore_mem>>)
    %dma_wait3A_43 = arith.constant 0 : i32
    %dma_wait3A_44 = tpu.memref_slice %arg18[%dma_wait3A_43] : memref<100352xf32, #tpu.memory_space<vmem_shared>> -> memref<100352xf32, #tpu.memory_space<vmem_shared>>
    tpu.wait_indirect_dma semaphore(%arg20 : memref<!tpu.dma_semaphore, #tpu.memory_space<semaphore_mem>>) src(%dma_wait3A_44 : memref<100352xf32, #tpu.memory_space<vmem_shared>>) dst(%arg11 : memref<10000xf32, #tpu.memory_space<vmem>>)
    %dma_wait3A_45 = arith.constant 0 : i32
    %dma_wait3A_46 = tpu.memref_slice %arg19[%dma_wait3A_45] : memref<100352xf32, #tpu.memory_space<vmem_shared>> -> memref<100352xf32, #tpu.memory_space<vmem_shared>>
    tpu.wait_indirect_dma semaphore(%arg21 : memref<!tpu.dma_semaphore, #tpu.memory_space<semaphore_mem>>) src(%dma_wait3A_46 : memref<100352xf32, #tpu.memory_space<vmem_shared>>) dst(%arg12 : memref<10000xf32, #tpu.memory_space<vmem>>)
    "tpu.region"() ({
      %run_scoped3A_65 = tpu.sem_alloc : memref<!tpu.dma_semaphore, #tpu.memory_space<semaphore_mem>>
      %dma_start3A_66 = arith.constant 0 : i32
      %dma_start3A_67 = tpu.memref_slice %arg16[%dma_start3A_66] : memref<100352xf32, #tpu.memory_space<vmem_shared>> -> memref<100352xf32, #tpu.memory_space<vmem_shared>>
      tpu.enqueue_indirect_dma source(%arg11 : memref<10000xf32, #tpu.memory_space<vmem>>) target(%dma_start3A_67 : memref<100352xf32, #tpu.memory_space<vmem_shared>>) offsets(%arg9 : memref<10000xi32, #tpu.memory_space<vmem>>) semaphore(%run_scoped3A_65 : memref<!tpu.dma_semaphore, #tpu.memory_space<semaphore_mem>>) {add = true}
      %dma_wait3A_68 = arith.constant 0 : i32
      %dma_wait3A_69 = tpu.memref_slice %arg16[%dma_wait3A_68] : memref<100352xf32, #tpu.memory_space<vmem_shared>> -> memref<100352xf32, #tpu.memory_space<vmem_shared>>
      tpu.wait_indirect_dma semaphore(%run_scoped3A_65 : memref<!tpu.dma_semaphore, #tpu.memory_space<semaphore_mem>>) src(%arg11 : memref<10000xf32, #tpu.memory_space<vmem>>) dst(%dma_wait3A_69 : memref<100352xf32, #tpu.memory_space<vmem_shared>>)
      tpu.yield
    }) : () -> ()
    "tpu.region"() ({
      %run_scoped3A_65 = tpu.sem_alloc : memref<!tpu.dma_semaphore, #tpu.memory_space<semaphore_mem>>
      %dma_start3A_66 = arith.constant 0 : i32
      %dma_start3A_67 = tpu.memref_slice %arg17[%dma_start3A_66] : memref<100352xf32, #tpu.memory_space<vmem_shared>> -> memref<100352xf32, #tpu.memory_space<vmem_shared>>
      tpu.enqueue_indirect_dma source(%arg12 : memref<10000xf32, #tpu.memory_space<vmem>>) target(%dma_start3A_67 : memref<100352xf32, #tpu.memory_space<vmem_shared>>) offsets(%arg9 : memref<10000xi32, #tpu.memory_space<vmem>>) semaphore(%run_scoped3A_65 : memref<!tpu.dma_semaphore, #tpu.memory_space<semaphore_mem>>) {add = true}
      %dma_wait3A_68 = arith.constant 0 : i32
      %dma_wait3A_69 = tpu.memref_slice %arg17[%dma_wait3A_68] : memref<100352xf32, #tpu.memory_space<vmem_shared>> -> memref<100352xf32, #tpu.memory_space<vmem_shared>>
      tpu.wait_indirect_dma semaphore(%run_scoped3A_65 : memref<!tpu.dma_semaphore, #tpu.memory_space<semaphore_mem>>) src(%arg12 : memref<10000xf32, #tpu.memory_space<vmem>>) dst(%dma_wait3A_69 : memref<100352xf32, #tpu.memory_space<vmem_shared>>)
      tpu.yield
    }) : () -> ()
    %add3A_47 = arith.constant 40000 : i32
    %add3A_48 = arith.addi %mul3A_4, %add3A_47 : i32
    "tpu.region"() ({
      %run_scoped3A_65 = tpu.sem_alloc : memref<!tpu.dma_semaphore, #tpu.memory_space<semaphore_mem>>
      %dma_start3A_66 = tpu.memref_slice %arg2[%add3A_48] : memref<3200000xi32, #tpu.memory_space<hbm>> -> memref<10000xi32, #tpu.memory_space<hbm>>
      %dma_start3A_67 = tpu.memref_slice %arg2[%add3A_48] : memref<3200000xi32, #tpu.memory_space<hbm>> -> memref<10000xi32, #tpu.memory_space<hbm>>
      tpu.enqueue_dma source(%dma_start3A_67 : memref<10000xi32, #tpu.memory_space<hbm>>) target(%arg7 : memref<10000xi32, #tpu.memory_space<vmem>>) target_semaphore(%run_scoped3A_65 : memref<!tpu.dma_semaphore, #tpu.memory_space<semaphore_mem>>)
      %dma_wait3A_68 = tpu.memref_slice %arg2[%add3A_48] : memref<3200000xi32, #tpu.memory_space<hbm>> -> memref<10000xi32, #tpu.memory_space<hbm>>
      %dma_wait3A_69 = tpu.memref_slice %arg2[%add3A_48] : memref<3200000xi32, #tpu.memory_space<hbm>> -> memref<10000xi32, #tpu.memory_space<hbm>>
      tpu.wait_dma2 semaphore(%run_scoped3A_65 : memref<!tpu.dma_semaphore, #tpu.memory_space<semaphore_mem>>) src(%dma_wait3A_69 : memref<10000xi32, #tpu.memory_space<hbm>>) dst(%arg7 : memref<10000xi32, #tpu.memory_space<vmem>>)
      tpu.yield
    }) : () -> ()
    %add3A_49 = arith.constant 1600000 : i32
    %add3A_50 = arith.addi %add3A_49, %add3A_48 : i32
    "tpu.region"() ({
      %run_scoped3A_65 = tpu.sem_alloc : memref<!tpu.dma_semaphore, #tpu.memory_space<semaphore_mem>>
      %dma_start3A_66 = tpu.memref_slice %arg2[%add3A_50] : memref<3200000xi32, #tpu.memory_space<hbm>> -> memref<10000xi32, #tpu.memory_space<hbm>>
      %dma_start3A_67 = tpu.memref_slice %arg2[%add3A_50] : memref<3200000xi32, #tpu.memory_space<hbm>> -> memref<10000xi32, #tpu.memory_space<hbm>>
      tpu.enqueue_dma source(%dma_start3A_67 : memref<10000xi32, #tpu.memory_space<hbm>>) target(%arg9 : memref<10000xi32, #tpu.memory_space<vmem>>) target_semaphore(%run_scoped3A_65 : memref<!tpu.dma_semaphore, #tpu.memory_space<semaphore_mem>>)
      %dma_wait3A_68 = tpu.memref_slice %arg2[%add3A_50] : memref<3200000xi32, #tpu.memory_space<hbm>> -> memref<10000xi32, #tpu.memory_space<hbm>>
      %dma_wait3A_69 = tpu.memref_slice %arg2[%add3A_50] : memref<3200000xi32, #tpu.memory_space<hbm>> -> memref<10000xi32, #tpu.memory_space<hbm>>
      tpu.wait_dma2 semaphore(%run_scoped3A_65 : memref<!tpu.dma_semaphore, #tpu.memory_space<semaphore_mem>>) src(%dma_wait3A_69 : memref<10000xi32, #tpu.memory_space<hbm>>) dst(%arg9 : memref<10000xi32, #tpu.memory_space<vmem>>)
      tpu.yield
    }) : () -> ()
    %dma_start3A_51 = arith.constant 0 : i32
    %dma_start3A_52 = tpu.memref_slice %arg18[%dma_start3A_51] : memref<100352xf32, #tpu.memory_space<vmem_shared>> -> memref<100352xf32, #tpu.memory_space<vmem_shared>>
    tpu.enqueue_indirect_dma source(%dma_start3A_52 : memref<100352xf32, #tpu.memory_space<vmem_shared>>) target(%arg11 : memref<10000xf32, #tpu.memory_space<vmem>>) offsets(%arg7 : memref<10000xi32, #tpu.memory_space<vmem>>) semaphore(%arg20 : memref<!tpu.dma_semaphore, #tpu.memory_space<semaphore_mem>>)
    %dma_start3A_53 = arith.constant 0 : i32
    %dma_start3A_54 = tpu.memref_slice %arg19[%dma_start3A_53] : memref<100352xf32, #tpu.memory_space<vmem_shared>> -> memref<100352xf32, #tpu.memory_space<vmem_shared>>
    tpu.enqueue_indirect_dma source(%dma_start3A_54 : memref<100352xf32, #tpu.memory_space<vmem_shared>>) target(%arg12 : memref<10000xf32, #tpu.memory_space<vmem>>) offsets(%arg7 : memref<10000xi32, #tpu.memory_space<vmem>>) semaphore(%arg21 : memref<!tpu.dma_semaphore, #tpu.memory_space<semaphore_mem>>)
    %dma_wait3A_55 = arith.constant 0 : i32
    %dma_wait3A_56 = tpu.memref_slice %arg18[%dma_wait3A_55] : memref<100352xf32, #tpu.memory_space<vmem_shared>> -> memref<100352xf32, #tpu.memory_space<vmem_shared>>
    tpu.wait_indirect_dma semaphore(%arg22 : memref<!tpu.dma_semaphore, #tpu.memory_space<semaphore_mem>>) src(%dma_wait3A_56 : memref<100352xf32, #tpu.memory_space<vmem_shared>>) dst(%arg13 : memref<10000xf32, #tpu.memory_space<vmem>>)
    %dma_wait3A_57 = arith.constant 0 : i32
    %dma_wait3A_58 = tpu.memref_slice %arg19[%dma_wait3A_57] : memref<100352xf32, #tpu.memory_space<vmem_shared>> -> memref<100352xf32, #tpu.memory_space<vmem_shared>>
    tpu.wait_indirect_dma semaphore(%arg23 : memref<!tpu.dma_semaphore, #tpu.memory_space<semaphore_mem>>) src(%dma_wait3A_58 : memref<100352xf32, #tpu.memory_space<vmem_shared>>) dst(%arg14 : memref<10000xf32, #tpu.memory_space<vmem>>)
    "tpu.region"() ({
      %run_scoped3A_65 = tpu.sem_alloc : memref<!tpu.dma_semaphore, #tpu.memory_space<semaphore_mem>>
      %dma_start3A_66 = arith.constant 0 : i32
      %dma_start3A_67 = tpu.memref_slice %arg16[%dma_start3A_66] : memref<100352xf32, #tpu.memory_space<vmem_shared>> -> memref<100352xf32, #tpu.memory_space<vmem_shared>>
      tpu.enqueue_indirect_dma source(%arg13 : memref<10000xf32, #tpu.memory_space<vmem>>) target(%dma_start3A_67 : memref<100352xf32, #tpu.memory_space<vmem_shared>>) offsets(%arg10 : memref<10000xi32, #tpu.memory_space<vmem>>) semaphore(%run_scoped3A_65 : memref<!tpu.dma_semaphore, #tpu.memory_space<semaphore_mem>>) {add = true}
      %dma_wait3A_68 = arith.constant 0 : i32
      %dma_wait3A_69 = tpu.memref_slice %arg16[%dma_wait3A_68] : memref<100352xf32, #tpu.memory_space<vmem_shared>> -> memref<100352xf32, #tpu.memory_space<vmem_shared>>
      tpu.wait_indirect_dma semaphore(%run_scoped3A_65 : memref<!tpu.dma_semaphore, #tpu.memory_space<semaphore_mem>>) src(%arg13 : memref<10000xf32, #tpu.memory_space<vmem>>) dst(%dma_wait3A_69 : memref<100352xf32, #tpu.memory_space<vmem_shared>>)
      tpu.yield
    }) : () -> ()
    "tpu.region"() ({
      %run_scoped3A_65 = tpu.sem_alloc : memref<!tpu.dma_semaphore, #tpu.memory_space<semaphore_mem>>
      %dma_start3A_66 = arith.constant 0 : i32
      %dma_start3A_67 = tpu.memref_slice %arg17[%dma_start3A_66] : memref<100352xf32, #tpu.memory_space<vmem_shared>> -> memref<100352xf32, #tpu.memory_space<vmem_shared>>
      tpu.enqueue_indirect_dma source(%arg14 : memref<10000xf32, #tpu.memory_space<vmem>>) target(%dma_start3A_67 : memref<100352xf32, #tpu.memory_space<vmem_shared>>) offsets(%arg10 : memref<10000xi32, #tpu.memory_space<vmem>>) semaphore(%run_scoped3A_65 : memref<!tpu.dma_semaphore, #tpu.memory_space<semaphore_mem>>) {add = true}
      %dma_wait3A_68 = arith.constant 0 : i32
      %dma_wait3A_69 = tpu.memref_slice %arg17[%dma_wait3A_68] : memref<100352xf32, #tpu.memory_space<vmem_shared>> -> memref<100352xf32, #tpu.memory_space<vmem_shared>>
      tpu.wait_indirect_dma semaphore(%run_scoped3A_65 : memref<!tpu.dma_semaphore, #tpu.memory_space<semaphore_mem>>) src(%arg14 : memref<10000xf32, #tpu.memory_space<vmem>>) dst(%dma_wait3A_69 : memref<100352xf32, #tpu.memory_space<vmem_shared>>)
      tpu.yield
    }) : () -> ()
    %dma_wait3A_59 = arith.constant 0 : i32
    %dma_wait3A_60 = tpu.memref_slice %arg18[%dma_wait3A_59] : memref<100352xf32, #tpu.memory_space<vmem_shared>> -> memref<100352xf32, #tpu.memory_space<vmem_shared>>
    tpu.wait_indirect_dma semaphore(%arg20 : memref<!tpu.dma_semaphore, #tpu.memory_space<semaphore_mem>>) src(%dma_wait3A_60 : memref<100352xf32, #tpu.memory_space<vmem_shared>>) dst(%arg11 : memref<10000xf32, #tpu.memory_space<vmem>>)
    %dma_wait3A_61 = arith.constant 0 : i32
    %dma_wait3A_62 = tpu.memref_slice %arg19[%dma_wait3A_61] : memref<100352xf32, #tpu.memory_space<vmem_shared>> -> memref<100352xf32, #tpu.memory_space<vmem_shared>>
    tpu.wait_indirect_dma semaphore(%arg21 : memref<!tpu.dma_semaphore, #tpu.memory_space<semaphore_mem>>) src(%dma_wait3A_62 : memref<100352xf32, #tpu.memory_space<vmem_shared>>) dst(%arg12 : memref<10000xf32, #tpu.memory_space<vmem>>)
    "tpu.region"() ({
      %run_scoped3A_65 = tpu.sem_alloc : memref<!tpu.dma_semaphore, #tpu.memory_space<semaphore_mem>>
      %dma_start3A_66 = arith.constant 0 : i32
      %dma_start3A_67 = tpu.memref_slice %arg16[%dma_start3A_66] : memref<100352xf32, #tpu.memory_space<vmem_shared>> -> memref<100352xf32, #tpu.memory_space<vmem_shared>>
      tpu.enqueue_indirect_dma source(%arg11 : memref<10000xf32, #tpu.memory_space<vmem>>) target(%dma_start3A_67 : memref<100352xf32, #tpu.memory_space<vmem_shared>>) offsets(%arg9 : memref<10000xi32, #tpu.memory_space<vmem>>) semaphore(%run_scoped3A_65 : memref<!tpu.dma_semaphore, #tpu.memory_space<semaphore_mem>>) {add = true}
      %dma_wait3A_68 = arith.constant 0 : i32
      %dma_wait3A_69 = tpu.memref_slice %arg16[%dma_wait3A_68] : memref<100352xf32, #tpu.memory_space<vmem_shared>> -> memref<100352xf32, #tpu.memory_space<vmem_shared>>
      tpu.wait_indirect_dma semaphore(%run_scoped3A_65 : memref<!tpu.dma_semaphore, #tpu.memory_space<semaphore_mem>>) src(%arg11 : memref<10000xf32, #tpu.memory_space<vmem>>) dst(%dma_wait3A_69 : memref<100352xf32, #tpu.memory_space<vmem_shared>>)
      tpu.yield
    }) : () -> ()
    "tpu.region"() ({
      %run_scoped3A_65 = tpu.sem_alloc : memref<!tpu.dma_semaphore, #tpu.memory_space<semaphore_mem>>
      %dma_start3A_66 = arith.constant 0 : i32
      %dma_start3A_67 = tpu.memref_slice %arg17[%dma_start3A_66] : memref<100352xf32, #tpu.memory_space<vmem_shared>> -> memref<100352xf32, #tpu.memory_space<vmem_shared>>
      tpu.enqueue_indirect_dma source(%arg12 : memref<10000xf32, #tpu.memory_space<vmem>>) target(%dma_start3A_67 : memref<100352xf32, #tpu.memory_space<vmem_shared>>) offsets(%arg9 : memref<10000xi32, #tpu.memory_space<vmem>>) semaphore(%run_scoped3A_65 : memref<!tpu.dma_semaphore, #tpu.memory_space<semaphore_mem>>) {add = true}
      %dma_wait3A_68 = arith.constant 0 : i32
      %dma_wait3A_69 = tpu.memref_slice %arg17[%dma_wait3A_68] : memref<100352xf32, #tpu.memory_space<vmem_shared>> -> memref<100352xf32, #tpu.memory_space<vmem_shared>>
      tpu.wait_indirect_dma semaphore(%run_scoped3A_65 : memref<!tpu.dma_semaphore, #tpu.memory_space<semaphore_mem>>) src(%arg12 : memref<10000xf32, #tpu.memory_space<vmem>>) dst(%dma_wait3A_69 : memref<100352xf32, #tpu.memory_space<vmem_shared>>)
      tpu.yield
    }) : () -> ()
    %barrier3A_63 = arith.constant 0 : index
    tpu.barrier barrier_id(%barrier3A_63)
    "tpu.region"() ({
      %run_scoped3A_65 = tpu.sem_alloc : memref<!tpu.dma_semaphore, #tpu.memory_space<semaphore_mem>>
      %dma_start3A_66 = tpu.memref_slice %arg16[%mul3A_2] : memref<100352xf32, #tpu.memory_space<vmem_shared>> -> memref<6272xf32, #tpu.memory_space<vmem_shared>>
      %dma_start3A_67 = tpu.memref_slice %arg16[%mul3A_2] : memref<100352xf32, #tpu.memory_space<vmem_shared>> -> memref<6272xf32, #tpu.memory_space<vmem_shared>>
      tpu.enqueue_dma source(%dma_start3A_67 : memref<6272xf32, #tpu.memory_space<vmem_shared>>) target(%arg15 : memref<6272xf32, #tpu.memory_space<vmem>>) target_semaphore(%run_scoped3A_65 : memref<!tpu.dma_semaphore, #tpu.memory_space<semaphore_mem>>)
      %dma_wait3A_68 = tpu.memref_slice %arg16[%mul3A_2] : memref<100352xf32, #tpu.memory_space<vmem_shared>> -> memref<6272xf32, #tpu.memory_space<vmem_shared>>
      %dma_wait3A_69 = tpu.memref_slice %arg16[%mul3A_2] : memref<100352xf32, #tpu.memory_space<vmem_shared>> -> memref<6272xf32, #tpu.memory_space<vmem_shared>>
      tpu.wait_dma2 semaphore(%run_scoped3A_65 : memref<!tpu.dma_semaphore, #tpu.memory_space<semaphore_mem>>) src(%dma_wait3A_69 : memref<6272xf32, #tpu.memory_space<vmem_shared>>) dst(%arg15 : memref<6272xf32, #tpu.memory_space<vmem>>)
      tpu.yield
    }) : () -> ()
    %run_scoped3A = arith.constant 0 : i32
    "tpu.region"() ({
      %run_scoped3A_65 = tpu.sem_alloc : memref<!tpu.dma_semaphore, #tpu.memory_space<semaphore_mem>>
      %dma_start3A_66 = tpu.memref_slice %arg6[%arg0, %run_scoped3A, %mul3A_2] : memref<2x2x100352xf32, #tpu.memory_space<hbm>> -> memref<1x1x6272xf32, #tpu.memory_space<hbm>>
      %dma_start3A_67 = tpu.memref_squeeze %dma_start3A_66 : memref<1x1x6272xf32, #tpu.memory_space<hbm>> -> memref<6272xf32, #tpu.memory_space<hbm>>
      %dma_start3A_68 = tpu.memref_slice %arg6[%arg0, %run_scoped3A, %mul3A_2] : memref<2x2x100352xf32, #tpu.memory_space<hbm>> -> memref<1x1x6272xf32, #tpu.memory_space<hbm>>
      %dma_start3A_69 = tpu.memref_squeeze %dma_start3A_68 : memref<1x1x6272xf32, #tpu.memory_space<hbm>> -> memref<6272xf32, #tpu.memory_space<hbm>>
      tpu.enqueue_dma source(%arg15 : memref<6272xf32, #tpu.memory_space<vmem>>) target(%dma_start3A_69 : memref<6272xf32, #tpu.memory_space<hbm>>) target_semaphore(%run_scoped3A_65 : memref<!tpu.dma_semaphore, #tpu.memory_space<semaphore_mem>>)
      %dma_wait3A_70 = tpu.memref_slice %arg6[%arg0, %run_scoped3A, %mul3A_2] : memref<2x2x100352xf32, #tpu.memory_space<hbm>> -> memref<1x1x6272xf32, #tpu.memory_space<hbm>>
      %dma_wait3A_71 = tpu.memref_squeeze %dma_wait3A_70 : memref<1x1x6272xf32, #tpu.memory_space<hbm>> -> memref<6272xf32, #tpu.memory_space<hbm>>
      %dma_wait3A_72 = tpu.memref_slice %arg6[%arg0, %run_scoped3A, %mul3A_2] : memref<2x2x100352xf32, #tpu.memory_space<hbm>> -> memref<1x1x6272xf32, #tpu.memory_space<hbm>>
      %dma_wait3A_73 = tpu.memref_squeeze %dma_wait3A_72 : memref<1x1x6272xf32, #tpu.memory_space<hbm>> -> memref<6272xf32, #tpu.memory_space<hbm>>
      tpu.wait_dma2 semaphore(%run_scoped3A_65 : memref<!tpu.dma_semaphore, #tpu.memory_space<semaphore_mem>>) src(%arg15 : memref<6272xf32, #tpu.memory_space<vmem>>) dst(%dma_wait3A_73 : memref<6272xf32, #tpu.memory_space<hbm>>)
      tpu.yield
    }) : () -> ()
    "tpu.region"() ({
      %run_scoped3A_65 = tpu.sem_alloc : memref<!tpu.dma_semaphore, #tpu.memory_space<semaphore_mem>>
      %dma_start3A_66 = tpu.memref_slice %arg17[%mul3A_2] : memref<100352xf32, #tpu.memory_space<vmem_shared>> -> memref<6272xf32, #tpu.memory_space<vmem_shared>>
      %dma_start3A_67 = tpu.memref_slice %arg17[%mul3A_2] : memref<100352xf32, #tpu.memory_space<vmem_shared>> -> memref<6272xf32, #tpu.memory_space<vmem_shared>>
      tpu.enqueue_dma source(%dma_start3A_67 : memref<6272xf32, #tpu.memory_space<vmem_shared>>) target(%arg15 : memref<6272xf32, #tpu.memory_space<vmem>>) target_semaphore(%run_scoped3A_65 : memref<!tpu.dma_semaphore, #tpu.memory_space<semaphore_mem>>)
      %dma_wait3A_68 = tpu.memref_slice %arg17[%mul3A_2] : memref<100352xf32, #tpu.memory_space<vmem_shared>> -> memref<6272xf32, #tpu.memory_space<vmem_shared>>
      %dma_wait3A_69 = tpu.memref_slice %arg17[%mul3A_2] : memref<100352xf32, #tpu.memory_space<vmem_shared>> -> memref<6272xf32, #tpu.memory_space<vmem_shared>>
      tpu.wait_dma2 semaphore(%run_scoped3A_65 : memref<!tpu.dma_semaphore, #tpu.memory_space<semaphore_mem>>) src(%dma_wait3A_69 : memref<6272xf32, #tpu.memory_space<vmem_shared>>) dst(%arg15 : memref<6272xf32, #tpu.memory_space<vmem>>)
      tpu.yield
    }) : () -> ()
    %run_scoped3A_64 = arith.constant 1 : i32
    "tpu.region"() ({
      %run_scoped3A_65 = tpu.sem_alloc : memref<!tpu.dma_semaphore, #tpu.memory_space<semaphore_mem>>
      %dma_start3A_66 = tpu.memref_slice %arg6[%arg0, %run_scoped3A_64, %mul3A_2] : memref<2x2x100352xf32, #tpu.memory_space<hbm>> -> memref<1x1x6272xf32, #tpu.memory_space<hbm>>
      %dma_start3A_67 = tpu.memref_squeeze %dma_start3A_66 : memref<1x1x6272xf32, #tpu.memory_space<hbm>> -> memref<6272xf32, #tpu.memory_space<hbm>>
      %dma_start3A_68 = tpu.memref_slice %arg6[%arg0, %run_scoped3A_64, %mul3A_2] : memref<2x2x100352xf32, #tpu.memory_space<hbm>> -> memref<1x1x6272xf32, #tpu.memory_space<hbm>>
      %dma_start3A_69 = tpu.memref_squeeze %dma_start3A_68 : memref<1x1x6272xf32, #tpu.memory_space<hbm>> -> memref<6272xf32, #tpu.memory_space<hbm>>
      tpu.enqueue_dma source(%arg15 : memref<6272xf32, #tpu.memory_space<vmem>>) target(%dma_start3A_69 : memref<6272xf32, #tpu.memory_space<hbm>>) target_semaphore(%run_scoped3A_65 : memref<!tpu.dma_semaphore, #tpu.memory_space<semaphore_mem>>)
      %dma_wait3A_70 = tpu.memref_slice %arg6[%arg0, %run_scoped3A_64, %mul3A_2] : memref<2x2x100352xf32, #tpu.memory_space<hbm>> -> memref<1x1x6272xf32, #tpu.memory_space<hbm>>
      %dma_wait3A_71 = tpu.memref_squeeze %dma_wait3A_70 : memref<1x1x6272xf32, #tpu.memory_space<hbm>> -> memref<6272xf32, #tpu.memory_space<hbm>>
      %dma_wait3A_72 = tpu.memref_slice %arg6[%arg0, %run_scoped3A_64, %mul3A_2] : memref<2x2x100352xf32, #tpu.memory_space<hbm>> -> memref<1x1x6272xf32, #tpu.memory_space<hbm>>
      %dma_wait3A_73 = tpu.memref_squeeze %dma_wait3A_72 : memref<1x1x6272xf32, #tpu.memory_space<hbm>> -> memref<6272xf32, #tpu.memory_space<hbm>>
      tpu.wait_dma2 semaphore(%run_scoped3A_65 : memref<!tpu.dma_semaphore, #tpu.memory_space<semaphore_mem>>) src(%arg15 : memref<6272xf32, #tpu.memory_space<vmem>>) dst(%dma_wait3A_73 : memref<6272xf32, #tpu.memory_space<hbm>>)
      tpu.yield
    }) : () -> ()
    return
  }
}

#map = affine_map<(d0, d1) -> (0)>
#map1 = affine_map<(d0, d1) -> (0, 0, 0)>
module attributes {stable_mosaic.version = 14 : i64} {
  func.func @k(%arg0: i32, %arg1: i32, %arg2: memref<3200000xi32, #tpu.memory_space<hbm>>, %arg3: memref<10000xf32, #tpu.memory_space<hbm>>, %arg4: memref<6272xf32, #tpu.memory_space<hbm>>, %arg5: memref<2x1x100352xf32, #tpu.memory_space<hbm>>, %arg6: memref<10000xi32, #tpu.memory_space<vmem>>, %arg7: memref<10000xi32, #tpu.memory_space<vmem>>, %arg8: memref<10000xi32, #tpu.memory_space<vmem>>, %arg9: memref<10000xi32, #tpu.memory_space<vmem>>, %arg10: memref<10000xf32, #tpu.memory_space<vmem>>, %arg11: memref<6272xf32, #tpu.memory_space<vmem>>, %arg12: memref<100352xf32, #tpu.memory_space<vmem_shared>>, %arg13: memref<!tpu.dma_semaphore, #tpu.memory_space<semaphore_mem>>, %arg14: memref<!tpu.dma_semaphore, #tpu.memory_space<semaphore_mem>>) attributes {dimension_semantics = [#tpu.dimension_semantics<core_parallel>, #tpu.dimension_semantics<subcore_parallel>], iteration_bounds = array<i64: 2, 16>, scalar_prefetch = 0 : i64, scratch_operands = 9 : i64, tpu.core_type = #tpu.core_type<sc_vector_subcore>, window_params = [{transform_indices = #map}, {transform_indices = #map}, {transform_indices = #map}, {transform_indices = #map1}]} {
    %mul3A = arith.constant 16 : i32
    %mul3A_0 = arith.muli %arg0, %mul3A : i32
    %add3A = arith.addi %mul3A_0, %arg1 : i32
    %mul3A_1 = arith.constant 6272 : i32
    %mul3A_2 = arith.muli %arg1, %mul3A_1 : i32
    "tpu.region"() ({
      %run_scoped3A_26 = tpu.sem_alloc : memref<!tpu.dma_semaphore, #tpu.memory_space<semaphore_mem>>
      tpu.enqueue_dma source(%arg4 : memref<6272xf32, #tpu.memory_space<hbm>>) target(%arg11 : memref<6272xf32, #tpu.memory_space<vmem>>) target_semaphore(%run_scoped3A_26 : memref<!tpu.dma_semaphore, #tpu.memory_space<semaphore_mem>>)
      tpu.wait_dma2 semaphore(%run_scoped3A_26 : memref<!tpu.dma_semaphore, #tpu.memory_space<semaphore_mem>>) src(%arg4 : memref<6272xf32, #tpu.memory_space<hbm>>) dst(%arg11 : memref<6272xf32, #tpu.memory_space<vmem>>)
      tpu.yield
    }) : () -> ()
    "tpu.region"() ({
      %run_scoped3A_26 = tpu.sem_alloc : memref<!tpu.dma_semaphore, #tpu.memory_space<semaphore_mem>>
      %dma_start3A = tpu.memref_slice %arg12[%mul3A_2] : memref<100352xf32, #tpu.memory_space<vmem_shared>> -> memref<6272xf32, #tpu.memory_space<vmem_shared>>
      %dma_start3A_27 = tpu.memref_slice %arg12[%mul3A_2] : memref<100352xf32, #tpu.memory_space<vmem_shared>> -> memref<6272xf32, #tpu.memory_space<vmem_shared>>
      tpu.enqueue_dma source(%arg11 : memref<6272xf32, #tpu.memory_space<vmem>>) target(%dma_start3A_27 : memref<6272xf32, #tpu.memory_space<vmem_shared>>) target_semaphore(%run_scoped3A_26 : memref<!tpu.dma_semaphore, #tpu.memory_space<semaphore_mem>>)
      %dma_wait3A = tpu.memref_slice %arg12[%mul3A_2] : memref<100352xf32, #tpu.memory_space<vmem_shared>> -> memref<6272xf32, #tpu.memory_space<vmem_shared>>
      %dma_wait3A_28 = tpu.memref_slice %arg12[%mul3A_2] : memref<100352xf32, #tpu.memory_space<vmem_shared>> -> memref<6272xf32, #tpu.memory_space<vmem_shared>>
      tpu.wait_dma2 semaphore(%run_scoped3A_26 : memref<!tpu.dma_semaphore, #tpu.memory_space<semaphore_mem>>) src(%arg11 : memref<6272xf32, #tpu.memory_space<vmem>>) dst(%dma_wait3A_28 : memref<6272xf32, #tpu.memory_space<vmem_shared>>)
      tpu.yield
    }) : () -> ()
    "tpu.region"() ({
      %run_scoped3A_26 = tpu.sem_alloc : memref<!tpu.dma_semaphore, #tpu.memory_space<semaphore_mem>>
      tpu.enqueue_dma source(%arg3 : memref<10000xf32, #tpu.memory_space<hbm>>) target(%arg10 : memref<10000xf32, #tpu.memory_space<vmem>>) target_semaphore(%run_scoped3A_26 : memref<!tpu.dma_semaphore, #tpu.memory_space<semaphore_mem>>)
      tpu.wait_dma2 semaphore(%run_scoped3A_26 : memref<!tpu.dma_semaphore, #tpu.memory_space<semaphore_mem>>) src(%arg3 : memref<10000xf32, #tpu.memory_space<hbm>>) dst(%arg10 : memref<10000xf32, #tpu.memory_space<vmem>>)
      tpu.yield
    }) : () -> ()
    %barrier3A = arith.constant 0 : index
    tpu.barrier barrier_id(%barrier3A)
    %mul3A_3 = arith.constant 50000 : i32
    %mul3A_4 = arith.muli %add3A, %mul3A_3 : i32
    %add3A_5 = arith.constant 0 : i32
    %add3A_6 = arith.addi %mul3A_4, %add3A_5 : i32
    "tpu.region"() ({
      %run_scoped3A_26 = tpu.sem_alloc : memref<!tpu.dma_semaphore, #tpu.memory_space<semaphore_mem>>
      %dma_start3A = tpu.memref_slice %arg2[%add3A_6] : memref<3200000xi32, #tpu.memory_space<hbm>> -> memref<10000xi32, #tpu.memory_space<hbm>>
      %dma_start3A_27 = tpu.memref_slice %arg2[%add3A_6] : memref<3200000xi32, #tpu.memory_space<hbm>> -> memref<10000xi32, #tpu.memory_space<hbm>>
      tpu.enqueue_dma source(%dma_start3A_27 : memref<10000xi32, #tpu.memory_space<hbm>>) target(%arg6 : memref<10000xi32, #tpu.memory_space<vmem>>) target_semaphore(%run_scoped3A_26 : memref<!tpu.dma_semaphore, #tpu.memory_space<semaphore_mem>>)
      %dma_wait3A = tpu.memref_slice %arg2[%add3A_6] : memref<3200000xi32, #tpu.memory_space<hbm>> -> memref<10000xi32, #tpu.memory_space<hbm>>
      %dma_wait3A_28 = tpu.memref_slice %arg2[%add3A_6] : memref<3200000xi32, #tpu.memory_space<hbm>> -> memref<10000xi32, #tpu.memory_space<hbm>>
      tpu.wait_dma2 semaphore(%run_scoped3A_26 : memref<!tpu.dma_semaphore, #tpu.memory_space<semaphore_mem>>) src(%dma_wait3A_28 : memref<10000xi32, #tpu.memory_space<hbm>>) dst(%arg6 : memref<10000xi32, #tpu.memory_space<vmem>>)
      tpu.yield
    }) : () -> ()
    %add3A_7 = arith.constant 1600000 : i32
    %add3A_8 = arith.addi %add3A_7, %add3A_6 : i32
    "tpu.region"() ({
      %run_scoped3A_26 = tpu.sem_alloc : memref<!tpu.dma_semaphore, #tpu.memory_space<semaphore_mem>>
      %dma_start3A = tpu.memref_slice %arg2[%add3A_8] : memref<3200000xi32, #tpu.memory_space<hbm>> -> memref<10000xi32, #tpu.memory_space<hbm>>
      %dma_start3A_27 = tpu.memref_slice %arg2[%add3A_8] : memref<3200000xi32, #tpu.memory_space<hbm>> -> memref<10000xi32, #tpu.memory_space<hbm>>
      tpu.enqueue_dma source(%dma_start3A_27 : memref<10000xi32, #tpu.memory_space<hbm>>) target(%arg8 : memref<10000xi32, #tpu.memory_space<vmem>>) target_semaphore(%run_scoped3A_26 : memref<!tpu.dma_semaphore, #tpu.memory_space<semaphore_mem>>)
      %dma_wait3A = tpu.memref_slice %arg2[%add3A_8] : memref<3200000xi32, #tpu.memory_space<hbm>> -> memref<10000xi32, #tpu.memory_space<hbm>>
      %dma_wait3A_28 = tpu.memref_slice %arg2[%add3A_8] : memref<3200000xi32, #tpu.memory_space<hbm>> -> memref<10000xi32, #tpu.memory_space<hbm>>
      tpu.wait_dma2 semaphore(%run_scoped3A_26 : memref<!tpu.dma_semaphore, #tpu.memory_space<semaphore_mem>>) src(%dma_wait3A_28 : memref<10000xi32, #tpu.memory_space<hbm>>) dst(%arg8 : memref<10000xi32, #tpu.memory_space<vmem>>)
      tpu.yield
    }) : () -> ()
    %add3A_9 = arith.constant 10000 : i32
    %add3A_10 = arith.addi %mul3A_4, %add3A_9 : i32
    "tpu.region"() ({
      %run_scoped3A_26 = tpu.sem_alloc : memref<!tpu.dma_semaphore, #tpu.memory_space<semaphore_mem>>
      %dma_start3A = tpu.memref_slice %arg2[%add3A_10] : memref<3200000xi32, #tpu.memory_space<hbm>> -> memref<10000xi32, #tpu.memory_space<hbm>>
      %dma_start3A_27 = tpu.memref_slice %arg2[%add3A_10] : memref<3200000xi32, #tpu.memory_space<hbm>> -> memref<10000xi32, #tpu.memory_space<hbm>>
      tpu.enqueue_dma source(%dma_start3A_27 : memref<10000xi32, #tpu.memory_space<hbm>>) target(%arg7 : memref<10000xi32, #tpu.memory_space<vmem>>) target_semaphore(%run_scoped3A_26 : memref<!tpu.dma_semaphore, #tpu.memory_space<semaphore_mem>>)
      %dma_wait3A = tpu.memref_slice %arg2[%add3A_10] : memref<3200000xi32, #tpu.memory_space<hbm>> -> memref<10000xi32, #tpu.memory_space<hbm>>
      %dma_wait3A_28 = tpu.memref_slice %arg2[%add3A_10] : memref<3200000xi32, #tpu.memory_space<hbm>> -> memref<10000xi32, #tpu.memory_space<hbm>>
      tpu.wait_dma2 semaphore(%run_scoped3A_26 : memref<!tpu.dma_semaphore, #tpu.memory_space<semaphore_mem>>) src(%dma_wait3A_28 : memref<10000xi32, #tpu.memory_space<hbm>>) dst(%arg7 : memref<10000xi32, #tpu.memory_space<vmem>>)
      tpu.yield
    }) : () -> ()
    %add3A_11 = arith.constant 1600000 : i32
    %add3A_12 = arith.addi %add3A_11, %add3A_10 : i32
    "tpu.region"() ({
      %run_scoped3A_26 = tpu.sem_alloc : memref<!tpu.dma_semaphore, #tpu.memory_space<semaphore_mem>>
      %dma_start3A = tpu.memref_slice %arg2[%add3A_12] : memref<3200000xi32, #tpu.memory_space<hbm>> -> memref<10000xi32, #tpu.memory_space<hbm>>
      %dma_start3A_27 = tpu.memref_slice %arg2[%add3A_12] : memref<3200000xi32, #tpu.memory_space<hbm>> -> memref<10000xi32, #tpu.memory_space<hbm>>
      tpu.enqueue_dma source(%dma_start3A_27 : memref<10000xi32, #tpu.memory_space<hbm>>) target(%arg9 : memref<10000xi32, #tpu.memory_space<vmem>>) target_semaphore(%run_scoped3A_26 : memref<!tpu.dma_semaphore, #tpu.memory_space<semaphore_mem>>)
      %dma_wait3A = tpu.memref_slice %arg2[%add3A_12] : memref<3200000xi32, #tpu.memory_space<hbm>> -> memref<10000xi32, #tpu.memory_space<hbm>>
      %dma_wait3A_28 = tpu.memref_slice %arg2[%add3A_12] : memref<3200000xi32, #tpu.memory_space<hbm>> -> memref<10000xi32, #tpu.memory_space<hbm>>
      tpu.wait_dma2 semaphore(%run_scoped3A_26 : memref<!tpu.dma_semaphore, #tpu.memory_space<semaphore_mem>>) src(%dma_wait3A_28 : memref<10000xi32, #tpu.memory_space<hbm>>) dst(%arg9 : memref<10000xi32, #tpu.memory_space<vmem>>)
      tpu.yield
    }) : () -> ()
    "tpu.region"() ({
      %run_scoped3A_26 = tpu.sem_alloc : memref<!tpu.dma_semaphore, #tpu.memory_space<semaphore_mem>>
      %dma_start3A = arith.constant 0 : i32
      %dma_start3A_27 = tpu.memref_slice %arg12[%dma_start3A] : memref<100352xf32, #tpu.memory_space<vmem_shared>> -> memref<100352xf32, #tpu.memory_space<vmem_shared>>
      tpu.enqueue_indirect_dma source(%arg10 : memref<10000xf32, #tpu.memory_space<vmem>>) target(%dma_start3A_27 : memref<100352xf32, #tpu.memory_space<vmem_shared>>) offsets(%arg8 : memref<10000xi32, #tpu.memory_space<vmem>>) semaphore(%run_scoped3A_26 : memref<!tpu.dma_semaphore, #tpu.memory_space<semaphore_mem>>) {add = true}
      %dma_wait3A = arith.constant 0 : i32
      %dma_wait3A_28 = tpu.memref_slice %arg12[%dma_wait3A] : memref<100352xf32, #tpu.memory_space<vmem_shared>> -> memref<100352xf32, #tpu.memory_space<vmem_shared>>
      tpu.wait_indirect_dma semaphore(%run_scoped3A_26 : memref<!tpu.dma_semaphore, #tpu.memory_space<semaphore_mem>>) src(%arg10 : memref<10000xf32, #tpu.memory_space<vmem>>) dst(%dma_wait3A_28 : memref<100352xf32, #tpu.memory_space<vmem_shared>>)
      tpu.yield
    }) : () -> ()
    %add3A_13 = arith.constant 20000 : i32
    %add3A_14 = arith.addi %mul3A_4, %add3A_13 : i32
    "tpu.region"() ({
      %run_scoped3A_26 = tpu.sem_alloc : memref<!tpu.dma_semaphore, #tpu.memory_space<semaphore_mem>>
      %dma_start3A = tpu.memref_slice %arg2[%add3A_14] : memref<3200000xi32, #tpu.memory_space<hbm>> -> memref<10000xi32, #tpu.memory_space<hbm>>
      %dma_start3A_27 = tpu.memref_slice %arg2[%add3A_14] : memref<3200000xi32, #tpu.memory_space<hbm>> -> memref<10000xi32, #tpu.memory_space<hbm>>
      tpu.enqueue_dma source(%dma_start3A_27 : memref<10000xi32, #tpu.memory_space<hbm>>) target(%arg6 : memref<10000xi32, #tpu.memory_space<vmem>>) target_semaphore(%run_scoped3A_26 : memref<!tpu.dma_semaphore, #tpu.memory_space<semaphore_mem>>)
      %dma_wait3A = tpu.memref_slice %arg2[%add3A_14] : memref<3200000xi32, #tpu.memory_space<hbm>> -> memref<10000xi32, #tpu.memory_space<hbm>>
      %dma_wait3A_28 = tpu.memref_slice %arg2[%add3A_14] : memref<3200000xi32, #tpu.memory_space<hbm>> -> memref<10000xi32, #tpu.memory_space<hbm>>
      tpu.wait_dma2 semaphore(%run_scoped3A_26 : memref<!tpu.dma_semaphore, #tpu.memory_space<semaphore_mem>>) src(%dma_wait3A_28 : memref<10000xi32, #tpu.memory_space<hbm>>) dst(%arg6 : memref<10000xi32, #tpu.memory_space<vmem>>)
      tpu.yield
    }) : () -> ()
    %add3A_15 = arith.constant 1600000 : i32
    %add3A_16 = arith.addi %add3A_15, %add3A_14 : i32
    "tpu.region"() ({
      %run_scoped3A_26 = tpu.sem_alloc : memref<!tpu.dma_semaphore, #tpu.memory_space<semaphore_mem>>
      %dma_start3A = tpu.memref_slice %arg2[%add3A_16] : memref<3200000xi32, #tpu.memory_space<hbm>> -> memref<10000xi32, #tpu.memory_space<hbm>>
      %dma_start3A_27 = tpu.memref_slice %arg2[%add3A_16] : memref<3200000xi32, #tpu.memory_space<hbm>> -> memref<10000xi32, #tpu.memory_space<hbm>>
      tpu.enqueue_dma source(%dma_start3A_27 : memref<10000xi32, #tpu.memory_space<hbm>>) target(%arg8 : memref<10000xi32, #tpu.memory_space<vmem>>) target_semaphore(%run_scoped3A_26 : memref<!tpu.dma_semaphore, #tpu.memory_space<semaphore_mem>>)
      %dma_wait3A = tpu.memref_slice %arg2[%add3A_16] : memref<3200000xi32, #tpu.memory_space<hbm>> -> memref<10000xi32, #tpu.memory_space<hbm>>
      %dma_wait3A_28 = tpu.memref_slice %arg2[%add3A_16] : memref<3200000xi32, #tpu.memory_space<hbm>> -> memref<10000xi32, #tpu.memory_space<hbm>>
      tpu.wait_dma2 semaphore(%run_scoped3A_26 : memref<!tpu.dma_semaphore, #tpu.memory_space<semaphore_mem>>) src(%dma_wait3A_28 : memref<10000xi32, #tpu.memory_space<hbm>>) dst(%arg8 : memref<10000xi32, #tpu.memory_space<vmem>>)
      tpu.yield
    }) : () -> ()
    "tpu.region"() ({
      %run_scoped3A_26 = tpu.sem_alloc : memref<!tpu.dma_semaphore, #tpu.memory_space<semaphore_mem>>
      %dma_start3A = arith.constant 0 : i32
      %dma_start3A_27 = tpu.memref_slice %arg12[%dma_start3A] : memref<100352xf32, #tpu.memory_space<vmem_shared>> -> memref<100352xf32, #tpu.memory_space<vmem_shared>>
      tpu.enqueue_indirect_dma source(%arg10 : memref<10000xf32, #tpu.memory_space<vmem>>) target(%dma_start3A_27 : memref<100352xf32, #tpu.memory_space<vmem_shared>>) offsets(%arg9 : memref<10000xi32, #tpu.memory_space<vmem>>) semaphore(%run_scoped3A_26 : memref<!tpu.dma_semaphore, #tpu.memory_space<semaphore_mem>>) {add = true}
      %dma_wait3A = arith.constant 0 : i32
      %dma_wait3A_28 = tpu.memref_slice %arg12[%dma_wait3A] : memref<100352xf32, #tpu.memory_space<vmem_shared>> -> memref<100352xf32, #tpu.memory_space<vmem_shared>>
      tpu.wait_indirect_dma semaphore(%run_scoped3A_26 : memref<!tpu.dma_semaphore, #tpu.memory_space<semaphore_mem>>) src(%arg10 : memref<10000xf32, #tpu.memory_space<vmem>>) dst(%dma_wait3A_28 : memref<100352xf32, #tpu.memory_space<vmem_shared>>)
      tpu.yield
    }) : () -> ()
    %add3A_17 = arith.constant 30000 : i32
    %add3A_18 = arith.addi %mul3A_4, %add3A_17 : i32
    "tpu.region"() ({
      %run_scoped3A_26 = tpu.sem_alloc : memref<!tpu.dma_semaphore, #tpu.memory_space<semaphore_mem>>
      %dma_start3A = tpu.memref_slice %arg2[%add3A_18] : memref<3200000xi32, #tpu.memory_space<hbm>> -> memref<10000xi32, #tpu.memory_space<hbm>>
      %dma_start3A_27 = tpu.memref_slice %arg2[%add3A_18] : memref<3200000xi32, #tpu.memory_space<hbm>> -> memref<10000xi32, #tpu.memory_space<hbm>>
      tpu.enqueue_dma source(%dma_start3A_27 : memref<10000xi32, #tpu.memory_space<hbm>>) target(%arg7 : memref<10000xi32, #tpu.memory_space<vmem>>) target_semaphore(%run_scoped3A_26 : memref<!tpu.dma_semaphore, #tpu.memory_space<semaphore_mem>>)
      %dma_wait3A = tpu.memref_slice %arg2[%add3A_18] : memref<3200000xi32, #tpu.memory_space<hbm>> -> memref<10000xi32, #tpu.memory_space<hbm>>
      %dma_wait3A_28 = tpu.memref_slice %arg2[%add3A_18] : memref<3200000xi32, #tpu.memory_space<hbm>> -> memref<10000xi32, #tpu.memory_space<hbm>>
      tpu.wait_dma2 semaphore(%run_scoped3A_26 : memref<!tpu.dma_semaphore, #tpu.memory_space<semaphore_mem>>) src(%dma_wait3A_28 : memref<10000xi32, #tpu.memory_space<hbm>>) dst(%arg7 : memref<10000xi32, #tpu.memory_space<vmem>>)
      tpu.yield
    }) : () -> ()
    %add3A_19 = arith.constant 1600000 : i32
    %add3A_20 = arith.addi %add3A_19, %add3A_18 : i32
    "tpu.region"() ({
      %run_scoped3A_26 = tpu.sem_alloc : memref<!tpu.dma_semaphore, #tpu.memory_space<semaphore_mem>>
      %dma_start3A = tpu.memref_slice %arg2[%add3A_20] : memref<3200000xi32, #tpu.memory_space<hbm>> -> memref<10000xi32, #tpu.memory_space<hbm>>
      %dma_start3A_27 = tpu.memref_slice %arg2[%add3A_20] : memref<3200000xi32, #tpu.memory_space<hbm>> -> memref<10000xi32, #tpu.memory_space<hbm>>
      tpu.enqueue_dma source(%dma_start3A_27 : memref<10000xi32, #tpu.memory_space<hbm>>) target(%arg9 : memref<10000xi32, #tpu.memory_space<vmem>>) target_semaphore(%run_scoped3A_26 : memref<!tpu.dma_semaphore, #tpu.memory_space<semaphore_mem>>)
      %dma_wait3A = tpu.memref_slice %arg2[%add3A_20] : memref<3200000xi32, #tpu.memory_space<hbm>> -> memref<10000xi32, #tpu.memory_space<hbm>>
      %dma_wait3A_28 = tpu.memref_slice %arg2[%add3A_20] : memref<3200000xi32, #tpu.memory_space<hbm>> -> memref<10000xi32, #tpu.memory_space<hbm>>
      tpu.wait_dma2 semaphore(%run_scoped3A_26 : memref<!tpu.dma_semaphore, #tpu.memory_space<semaphore_mem>>) src(%dma_wait3A_28 : memref<10000xi32, #tpu.memory_space<hbm>>) dst(%arg9 : memref<10000xi32, #tpu.memory_space<vmem>>)
      tpu.yield
    }) : () -> ()
    "tpu.region"() ({
      %run_scoped3A_26 = tpu.sem_alloc : memref<!tpu.dma_semaphore, #tpu.memory_space<semaphore_mem>>
      %dma_start3A = arith.constant 0 : i32
      %dma_start3A_27 = tpu.memref_slice %arg12[%dma_start3A] : memref<100352xf32, #tpu.memory_space<vmem_shared>> -> memref<100352xf32, #tpu.memory_space<vmem_shared>>
      tpu.enqueue_indirect_dma source(%arg10 : memref<10000xf32, #tpu.memory_space<vmem>>) target(%dma_start3A_27 : memref<100352xf32, #tpu.memory_space<vmem_shared>>) offsets(%arg8 : memref<10000xi32, #tpu.memory_space<vmem>>) semaphore(%run_scoped3A_26 : memref<!tpu.dma_semaphore, #tpu.memory_space<semaphore_mem>>) {add = true}
      %dma_wait3A = arith.constant 0 : i32
      %dma_wait3A_28 = tpu.memref_slice %arg12[%dma_wait3A] : memref<100352xf32, #tpu.memory_space<vmem_shared>> -> memref<100352xf32, #tpu.memory_space<vmem_shared>>
      tpu.wait_indirect_dma semaphore(%run_scoped3A_26 : memref<!tpu.dma_semaphore, #tpu.memory_space<semaphore_mem>>) src(%arg10 : memref<10000xf32, #tpu.memory_space<vmem>>) dst(%dma_wait3A_28 : memref<100352xf32, #tpu.memory_space<vmem_shared>>)
      tpu.yield
    }) : () -> ()
    %add3A_21 = arith.constant 40000 : i32
    %add3A_22 = arith.addi %mul3A_4, %add3A_21 : i32
    "tpu.region"() ({
      %run_scoped3A_26 = tpu.sem_alloc : memref<!tpu.dma_semaphore, #tpu.memory_space<semaphore_mem>>
      %dma_start3A = tpu.memref_slice %arg2[%add3A_22] : memref<3200000xi32, #tpu.memory_space<hbm>> -> memref<10000xi32, #tpu.memory_space<hbm>>
      %dma_start3A_27 = tpu.memref_slice %arg2[%add3A_22] : memref<3200000xi32, #tpu.memory_space<hbm>> -> memref<10000xi32, #tpu.memory_space<hbm>>
      tpu.enqueue_dma source(%dma_start3A_27 : memref<10000xi32, #tpu.memory_space<hbm>>) target(%arg6 : memref<10000xi32, #tpu.memory_space<vmem>>) target_semaphore(%run_scoped3A_26 : memref<!tpu.dma_semaphore, #tpu.memory_space<semaphore_mem>>)
      %dma_wait3A = tpu.memref_slice %arg2[%add3A_22] : memref<3200000xi32, #tpu.memory_space<hbm>> -> memref<10000xi32, #tpu.memory_space<hbm>>
      %dma_wait3A_28 = tpu.memref_slice %arg2[%add3A_22] : memref<3200000xi32, #tpu.memory_space<hbm>> -> memref<10000xi32, #tpu.memory_space<hbm>>
      tpu.wait_dma2 semaphore(%run_scoped3A_26 : memref<!tpu.dma_semaphore, #tpu.memory_space<semaphore_mem>>) src(%dma_wait3A_28 : memref<10000xi32, #tpu.memory_space<hbm>>) dst(%arg6 : memref<10000xi32, #tpu.memory_space<vmem>>)
      tpu.yield
    }) : () -> ()
    %add3A_23 = arith.constant 1600000 : i32
    %add3A_24 = arith.addi %add3A_23, %add3A_22 : i32
    "tpu.region"() ({
      %run_scoped3A_26 = tpu.sem_alloc : memref<!tpu.dma_semaphore, #tpu.memory_space<semaphore_mem>>
      %dma_start3A = tpu.memref_slice %arg2[%add3A_24] : memref<3200000xi32, #tpu.memory_space<hbm>> -> memref<10000xi32, #tpu.memory_space<hbm>>
      %dma_start3A_27 = tpu.memref_slice %arg2[%add3A_24] : memref<3200000xi32, #tpu.memory_space<hbm>> -> memref<10000xi32, #tpu.memory_space<hbm>>
      tpu.enqueue_dma source(%dma_start3A_27 : memref<10000xi32, #tpu.memory_space<hbm>>) target(%arg8 : memref<10000xi32, #tpu.memory_space<vmem>>) target_semaphore(%run_scoped3A_26 : memref<!tpu.dma_semaphore, #tpu.memory_space<semaphore_mem>>)
      %dma_wait3A = tpu.memref_slice %arg2[%add3A_24] : memref<3200000xi32, #tpu.memory_space<hbm>> -> memref<10000xi32, #tpu.memory_space<hbm>>
      %dma_wait3A_28 = tpu.memref_slice %arg2[%add3A_24] : memref<3200000xi32, #tpu.memory_space<hbm>> -> memref<10000xi32, #tpu.memory_space<hbm>>
      tpu.wait_dma2 semaphore(%run_scoped3A_26 : memref<!tpu.dma_semaphore, #tpu.memory_space<semaphore_mem>>) src(%dma_wait3A_28 : memref<10000xi32, #tpu.memory_space<hbm>>) dst(%arg8 : memref<10000xi32, #tpu.memory_space<vmem>>)
      tpu.yield
    }) : () -> ()
    "tpu.region"() ({
      %run_scoped3A_26 = tpu.sem_alloc : memref<!tpu.dma_semaphore, #tpu.memory_space<semaphore_mem>>
      %dma_start3A = arith.constant 0 : i32
      %dma_start3A_27 = tpu.memref_slice %arg12[%dma_start3A] : memref<100352xf32, #tpu.memory_space<vmem_shared>> -> memref<100352xf32, #tpu.memory_space<vmem_shared>>
      tpu.enqueue_indirect_dma source(%arg10 : memref<10000xf32, #tpu.memory_space<vmem>>) target(%dma_start3A_27 : memref<100352xf32, #tpu.memory_space<vmem_shared>>) offsets(%arg9 : memref<10000xi32, #tpu.memory_space<vmem>>) semaphore(%run_scoped3A_26 : memref<!tpu.dma_semaphore, #tpu.memory_space<semaphore_mem>>) {add = true}
      %dma_wait3A = arith.constant 0 : i32
      %dma_wait3A_28 = tpu.memref_slice %arg12[%dma_wait3A] : memref<100352xf32, #tpu.memory_space<vmem_shared>> -> memref<100352xf32, #tpu.memory_space<vmem_shared>>
      tpu.wait_indirect_dma semaphore(%run_scoped3A_26 : memref<!tpu.dma_semaphore, #tpu.memory_space<semaphore_mem>>) src(%arg10 : memref<10000xf32, #tpu.memory_space<vmem>>) dst(%dma_wait3A_28 : memref<100352xf32, #tpu.memory_space<vmem_shared>>)
      tpu.yield
    }) : () -> ()
    "tpu.region"() ({
      %run_scoped3A_26 = tpu.sem_alloc : memref<!tpu.dma_semaphore, #tpu.memory_space<semaphore_mem>>
      %dma_start3A = arith.constant 0 : i32
      %dma_start3A_27 = tpu.memref_slice %arg12[%dma_start3A] : memref<100352xf32, #tpu.memory_space<vmem_shared>> -> memref<100352xf32, #tpu.memory_space<vmem_shared>>
      tpu.enqueue_indirect_dma source(%arg10 : memref<10000xf32, #tpu.memory_space<vmem>>) target(%dma_start3A_27 : memref<100352xf32, #tpu.memory_space<vmem_shared>>) offsets(%arg8 : memref<10000xi32, #tpu.memory_space<vmem>>) semaphore(%run_scoped3A_26 : memref<!tpu.dma_semaphore, #tpu.memory_space<semaphore_mem>>) {add = true}
      %dma_wait3A = arith.constant 0 : i32
      %dma_wait3A_28 = tpu.memref_slice %arg12[%dma_wait3A] : memref<100352xf32, #tpu.memory_space<vmem_shared>> -> memref<100352xf32, #tpu.memory_space<vmem_shared>>
      tpu.wait_indirect_dma semaphore(%run_scoped3A_26 : memref<!tpu.dma_semaphore, #tpu.memory_space<semaphore_mem>>) src(%arg10 : memref<10000xf32, #tpu.memory_space<vmem>>) dst(%dma_wait3A_28 : memref<100352xf32, #tpu.memory_space<vmem_shared>>)
      tpu.yield
    }) : () -> ()
    %barrier3A_25 = arith.constant 0 : index
    tpu.barrier barrier_id(%barrier3A_25)
    "tpu.region"() ({
      %run_scoped3A_26 = tpu.sem_alloc : memref<!tpu.dma_semaphore, #tpu.memory_space<semaphore_mem>>
      %dma_start3A = tpu.memref_slice %arg12[%mul3A_2] : memref<100352xf32, #tpu.memory_space<vmem_shared>> -> memref<6272xf32, #tpu.memory_space<vmem_shared>>
      %dma_start3A_27 = tpu.memref_slice %arg12[%mul3A_2] : memref<100352xf32, #tpu.memory_space<vmem_shared>> -> memref<6272xf32, #tpu.memory_space<vmem_shared>>
      tpu.enqueue_dma source(%dma_start3A_27 : memref<6272xf32, #tpu.memory_space<vmem_shared>>) target(%arg11 : memref<6272xf32, #tpu.memory_space<vmem>>) target_semaphore(%run_scoped3A_26 : memref<!tpu.dma_semaphore, #tpu.memory_space<semaphore_mem>>)
      %dma_wait3A = tpu.memref_slice %arg12[%mul3A_2] : memref<100352xf32, #tpu.memory_space<vmem_shared>> -> memref<6272xf32, #tpu.memory_space<vmem_shared>>
      %dma_wait3A_28 = tpu.memref_slice %arg12[%mul3A_2] : memref<100352xf32, #tpu.memory_space<vmem_shared>> -> memref<6272xf32, #tpu.memory_space<vmem_shared>>
      tpu.wait_dma2 semaphore(%run_scoped3A_26 : memref<!tpu.dma_semaphore, #tpu.memory_space<semaphore_mem>>) src(%dma_wait3A_28 : memref<6272xf32, #tpu.memory_space<vmem_shared>>) dst(%arg11 : memref<6272xf32, #tpu.memory_space<vmem>>)
      tpu.yield
    }) : () -> ()
    %run_scoped3A = arith.constant 0 : i32
    "tpu.region"() ({
      %run_scoped3A_26 = tpu.sem_alloc : memref<!tpu.dma_semaphore, #tpu.memory_space<semaphore_mem>>
      %dma_start3A = tpu.memref_slice %arg5[%arg0, %run_scoped3A, %mul3A_2] : memref<2x1x100352xf32, #tpu.memory_space<hbm>> -> memref<1x1x6272xf32, #tpu.memory_space<hbm>>
      %dma_start3A_27 = tpu.memref_squeeze %dma_start3A : memref<1x1x6272xf32, #tpu.memory_space<hbm>> -> memref<6272xf32, #tpu.memory_space<hbm>>
      %dma_start3A_28 = tpu.memref_slice %arg5[%arg0, %run_scoped3A, %mul3A_2] : memref<2x1x100352xf32, #tpu.memory_space<hbm>> -> memref<1x1x6272xf32, #tpu.memory_space<hbm>>
      %dma_start3A_29 = tpu.memref_squeeze %dma_start3A_28 : memref<1x1x6272xf32, #tpu.memory_space<hbm>> -> memref<6272xf32, #tpu.memory_space<hbm>>
      tpu.enqueue_dma source(%arg11 : memref<6272xf32, #tpu.memory_space<vmem>>) target(%dma_start3A_29 : memref<6272xf32, #tpu.memory_space<hbm>>) target_semaphore(%run_scoped3A_26 : memref<!tpu.dma_semaphore, #tpu.memory_space<semaphore_mem>>)
      %dma_wait3A = tpu.memref_slice %arg5[%arg0, %run_scoped3A, %mul3A_2] : memref<2x1x100352xf32, #tpu.memory_space<hbm>> -> memref<1x1x6272xf32, #tpu.memory_space<hbm>>
      %dma_wait3A_30 = tpu.memref_squeeze %dma_wait3A : memref<1x1x6272xf32, #tpu.memory_space<hbm>> -> memref<6272xf32, #tpu.memory_space<hbm>>
      %dma_wait3A_31 = tpu.memref_slice %arg5[%arg0, %run_scoped3A, %mul3A_2] : memref<2x1x100352xf32, #tpu.memory_space<hbm>> -> memref<1x1x6272xf32, #tpu.memory_space<hbm>>
      %dma_wait3A_32 = tpu.memref_squeeze %dma_wait3A_31 : memref<1x1x6272xf32, #tpu.memory_space<hbm>> -> memref<6272xf32, #tpu.memory_space<hbm>>
      tpu.wait_dma2 semaphore(%run_scoped3A_26 : memref<!tpu.dma_semaphore, #tpu.memory_space<semaphore_mem>>) src(%arg11 : memref<6272xf32, #tpu.memory_space<vmem>>) dst(%dma_wait3A_32 : memref<6272xf32, #tpu.memory_space<hbm>>)
      tpu.yield
    }) : () -> ()
    return
  }
}

#map = affine_map<(d0, d1) -> (0)>
#map1 = affine_map<(d0, d1) -> (0, 0, 0)>
module attributes {stable_mosaic.version = 14 : i64} {
  func.func @k(%arg0: i32, %arg1: i32, %arg2: memref<3200000xi32, #tpu.memory_space<hbm>>, %arg3: memref<100352xf32, #tpu.memory_space<hbm>>, %arg4: memref<6272xf32, #tpu.memory_space<hbm>>, %arg5: memref<2x1x100352xf32, #tpu.memory_space<hbm>>, %arg6: memref<10000xi32, #tpu.memory_space<vmem>>, %arg7: memref<10000xi32, #tpu.memory_space<vmem>>, %arg8: memref<10000xi32, #tpu.memory_space<vmem>>, %arg9: memref<10000xi32, #tpu.memory_space<vmem>>, %arg10: memref<10000xf32, #tpu.memory_space<vmem>>, %arg11: memref<10000xf32, #tpu.memory_space<vmem>>, %arg12: memref<6272xf32, #tpu.memory_space<vmem>>, %arg13: memref<100352xf32, #tpu.memory_space<vmem_shared>>, %arg14: memref<100352xf32, #tpu.memory_space<vmem_shared>>, %arg15: memref<!tpu.dma_semaphore, #tpu.memory_space<semaphore_mem>>, %arg16: memref<!tpu.dma_semaphore, #tpu.memory_space<semaphore_mem>>) attributes {dimension_semantics = [#tpu.dimension_semantics<core_parallel>, #tpu.dimension_semantics<subcore_parallel>], iteration_bounds = array<i64: 2, 16>, scalar_prefetch = 0 : i64, scratch_operands = 11 : i64, tpu.core_type = #tpu.core_type<sc_vector_subcore>, window_params = [{transform_indices = #map}, {transform_indices = #map}, {transform_indices = #map}, {transform_indices = #map1}]} {
    %mul3A = arith.constant 16 : i32
    %mul3A_0 = arith.muli %arg0, %mul3A : i32
    %add3A = arith.addi %mul3A_0, %arg1 : i32
    %mul3A_1 = arith.constant 6272 : i32
    %mul3A_2 = arith.muli %arg1, %mul3A_1 : i32
    "tpu.region"() ({
      %run_scoped3A_44 = tpu.sem_alloc : memref<!tpu.dma_semaphore, #tpu.memory_space<semaphore_mem>>
      tpu.enqueue_dma source(%arg4 : memref<6272xf32, #tpu.memory_space<hbm>>) target(%arg12 : memref<6272xf32, #tpu.memory_space<vmem>>) target_semaphore(%run_scoped3A_44 : memref<!tpu.dma_semaphore, #tpu.memory_space<semaphore_mem>>)
      tpu.wait_dma2 semaphore(%run_scoped3A_44 : memref<!tpu.dma_semaphore, #tpu.memory_space<semaphore_mem>>) src(%arg4 : memref<6272xf32, #tpu.memory_space<hbm>>) dst(%arg12 : memref<6272xf32, #tpu.memory_space<vmem>>)
      tpu.yield
    }) : () -> ()
    "tpu.region"() ({
      %run_scoped3A_44 = tpu.sem_alloc : memref<!tpu.dma_semaphore, #tpu.memory_space<semaphore_mem>>
      %dma_start3A_45 = tpu.memref_slice %arg13[%mul3A_2] : memref<100352xf32, #tpu.memory_space<vmem_shared>> -> memref<6272xf32, #tpu.memory_space<vmem_shared>>
      %dma_start3A_46 = tpu.memref_slice %arg13[%mul3A_2] : memref<100352xf32, #tpu.memory_space<vmem_shared>> -> memref<6272xf32, #tpu.memory_space<vmem_shared>>
      tpu.enqueue_dma source(%arg12 : memref<6272xf32, #tpu.memory_space<vmem>>) target(%dma_start3A_46 : memref<6272xf32, #tpu.memory_space<vmem_shared>>) target_semaphore(%run_scoped3A_44 : memref<!tpu.dma_semaphore, #tpu.memory_space<semaphore_mem>>)
      %dma_wait3A_47 = tpu.memref_slice %arg13[%mul3A_2] : memref<100352xf32, #tpu.memory_space<vmem_shared>> -> memref<6272xf32, #tpu.memory_space<vmem_shared>>
      %dma_wait3A_48 = tpu.memref_slice %arg13[%mul3A_2] : memref<100352xf32, #tpu.memory_space<vmem_shared>> -> memref<6272xf32, #tpu.memory_space<vmem_shared>>
      tpu.wait_dma2 semaphore(%run_scoped3A_44 : memref<!tpu.dma_semaphore, #tpu.memory_space<semaphore_mem>>) src(%arg12 : memref<6272xf32, #tpu.memory_space<vmem>>) dst(%dma_wait3A_48 : memref<6272xf32, #tpu.memory_space<vmem_shared>>)
      tpu.yield
    }) : () -> ()
    "tpu.region"() ({
      %run_scoped3A_44 = tpu.sem_alloc : memref<!tpu.dma_semaphore, #tpu.memory_space<semaphore_mem>>
      %dma_start3A_45 = tpu.memref_slice %arg3[%mul3A_2] : memref<100352xf32, #tpu.memory_space<hbm>> -> memref<6272xf32, #tpu.memory_space<hbm>>
      %dma_start3A_46 = tpu.memref_slice %arg3[%mul3A_2] : memref<100352xf32, #tpu.memory_space<hbm>> -> memref<6272xf32, #tpu.memory_space<hbm>>
      tpu.enqueue_dma source(%dma_start3A_46 : memref<6272xf32, #tpu.memory_space<hbm>>) target(%arg12 : memref<6272xf32, #tpu.memory_space<vmem>>) target_semaphore(%run_scoped3A_44 : memref<!tpu.dma_semaphore, #tpu.memory_space<semaphore_mem>>)
      %dma_wait3A_47 = tpu.memref_slice %arg3[%mul3A_2] : memref<100352xf32, #tpu.memory_space<hbm>> -> memref<6272xf32, #tpu.memory_space<hbm>>
      %dma_wait3A_48 = tpu.memref_slice %arg3[%mul3A_2] : memref<100352xf32, #tpu.memory_space<hbm>> -> memref<6272xf32, #tpu.memory_space<hbm>>
      tpu.wait_dma2 semaphore(%run_scoped3A_44 : memref<!tpu.dma_semaphore, #tpu.memory_space<semaphore_mem>>) src(%dma_wait3A_48 : memref<6272xf32, #tpu.memory_space<hbm>>) dst(%arg12 : memref<6272xf32, #tpu.memory_space<vmem>>)
      tpu.yield
    }) : () -> ()
    "tpu.region"() ({
      %run_scoped3A_44 = tpu.sem_alloc : memref<!tpu.dma_semaphore, #tpu.memory_space<semaphore_mem>>
      %dma_start3A_45 = tpu.memref_slice %arg14[%mul3A_2] : memref<100352xf32, #tpu.memory_space<vmem_shared>> -> memref<6272xf32, #tpu.memory_space<vmem_shared>>
      %dma_start3A_46 = tpu.memref_slice %arg14[%mul3A_2] : memref<100352xf32, #tpu.memory_space<vmem_shared>> -> memref<6272xf32, #tpu.memory_space<vmem_shared>>
      tpu.enqueue_dma source(%arg12 : memref<6272xf32, #tpu.memory_space<vmem>>) target(%dma_start3A_46 : memref<6272xf32, #tpu.memory_space<vmem_shared>>) target_semaphore(%run_scoped3A_44 : memref<!tpu.dma_semaphore, #tpu.memory_space<semaphore_mem>>)
      %dma_wait3A_47 = tpu.memref_slice %arg14[%mul3A_2] : memref<100352xf32, #tpu.memory_space<vmem_shared>> -> memref<6272xf32, #tpu.memory_space<vmem_shared>>
      %dma_wait3A_48 = tpu.memref_slice %arg14[%mul3A_2] : memref<100352xf32, #tpu.memory_space<vmem_shared>> -> memref<6272xf32, #tpu.memory_space<vmem_shared>>
      tpu.wait_dma2 semaphore(%run_scoped3A_44 : memref<!tpu.dma_semaphore, #tpu.memory_space<semaphore_mem>>) src(%arg12 : memref<6272xf32, #tpu.memory_space<vmem>>) dst(%dma_wait3A_48 : memref<6272xf32, #tpu.memory_space<vmem_shared>>)
      tpu.yield
    }) : () -> ()
    %barrier3A = arith.constant 0 : index
    tpu.barrier barrier_id(%barrier3A)
    %mul3A_3 = arith.constant 50000 : i32
    %mul3A_4 = arith.muli %add3A, %mul3A_3 : i32
    %add3A_5 = arith.constant 0 : i32
    %add3A_6 = arith.addi %mul3A_4, %add3A_5 : i32
    "tpu.region"() ({
      %run_scoped3A_44 = tpu.sem_alloc : memref<!tpu.dma_semaphore, #tpu.memory_space<semaphore_mem>>
      %dma_start3A_45 = tpu.memref_slice %arg2[%add3A_6] : memref<3200000xi32, #tpu.memory_space<hbm>> -> memref<10000xi32, #tpu.memory_space<hbm>>
      %dma_start3A_46 = tpu.memref_slice %arg2[%add3A_6] : memref<3200000xi32, #tpu.memory_space<hbm>> -> memref<10000xi32, #tpu.memory_space<hbm>>
      tpu.enqueue_dma source(%dma_start3A_46 : memref<10000xi32, #tpu.memory_space<hbm>>) target(%arg6 : memref<10000xi32, #tpu.memory_space<vmem>>) target_semaphore(%run_scoped3A_44 : memref<!tpu.dma_semaphore, #tpu.memory_space<semaphore_mem>>)
      %dma_wait3A_47 = tpu.memref_slice %arg2[%add3A_6] : memref<3200000xi32, #tpu.memory_space<hbm>> -> memref<10000xi32, #tpu.memory_space<hbm>>
      %dma_wait3A_48 = tpu.memref_slice %arg2[%add3A_6] : memref<3200000xi32, #tpu.memory_space<hbm>> -> memref<10000xi32, #tpu.memory_space<hbm>>
      tpu.wait_dma2 semaphore(%run_scoped3A_44 : memref<!tpu.dma_semaphore, #tpu.memory_space<semaphore_mem>>) src(%dma_wait3A_48 : memref<10000xi32, #tpu.memory_space<hbm>>) dst(%arg6 : memref<10000xi32, #tpu.memory_space<vmem>>)
      tpu.yield
    }) : () -> ()
    %add3A_7 = arith.constant 1600000 : i32
    %add3A_8 = arith.addi %add3A_7, %add3A_6 : i32
    "tpu.region"() ({
      %run_scoped3A_44 = tpu.sem_alloc : memref<!tpu.dma_semaphore, #tpu.memory_space<semaphore_mem>>
      %dma_start3A_45 = tpu.memref_slice %arg2[%add3A_8] : memref<3200000xi32, #tpu.memory_space<hbm>> -> memref<10000xi32, #tpu.memory_space<hbm>>
      %dma_start3A_46 = tpu.memref_slice %arg2[%add3A_8] : memref<3200000xi32, #tpu.memory_space<hbm>> -> memref<10000xi32, #tpu.memory_space<hbm>>
      tpu.enqueue_dma source(%dma_start3A_46 : memref<10000xi32, #tpu.memory_space<hbm>>) target(%arg8 : memref<10000xi32, #tpu.memory_space<vmem>>) target_semaphore(%run_scoped3A_44 : memref<!tpu.dma_semaphore, #tpu.memory_space<semaphore_mem>>)
      %dma_wait3A_47 = tpu.memref_slice %arg2[%add3A_8] : memref<3200000xi32, #tpu.memory_space<hbm>> -> memref<10000xi32, #tpu.memory_space<hbm>>
      %dma_wait3A_48 = tpu.memref_slice %arg2[%add3A_8] : memref<3200000xi32, #tpu.memory_space<hbm>> -> memref<10000xi32, #tpu.memory_space<hbm>>
      tpu.wait_dma2 semaphore(%run_scoped3A_44 : memref<!tpu.dma_semaphore, #tpu.memory_space<semaphore_mem>>) src(%dma_wait3A_48 : memref<10000xi32, #tpu.memory_space<hbm>>) dst(%arg8 : memref<10000xi32, #tpu.memory_space<vmem>>)
      tpu.yield
    }) : () -> ()
    %dma_start3A = arith.constant 0 : i32
    %dma_start3A_9 = tpu.memref_slice %arg14[%dma_start3A] : memref<100352xf32, #tpu.memory_space<vmem_shared>> -> memref<100352xf32, #tpu.memory_space<vmem_shared>>
    tpu.enqueue_indirect_dma source(%dma_start3A_9 : memref<100352xf32, #tpu.memory_space<vmem_shared>>) target(%arg10 : memref<10000xf32, #tpu.memory_space<vmem>>) offsets(%arg6 : memref<10000xi32, #tpu.memory_space<vmem>>) semaphore(%arg15 : memref<!tpu.dma_semaphore, #tpu.memory_space<semaphore_mem>>)
    %add3A_10 = arith.constant 10000 : i32
    %add3A_11 = arith.addi %mul3A_4, %add3A_10 : i32
    "tpu.region"() ({
      %run_scoped3A_44 = tpu.sem_alloc : memref<!tpu.dma_semaphore, #tpu.memory_space<semaphore_mem>>
      %dma_start3A_45 = tpu.memref_slice %arg2[%add3A_11] : memref<3200000xi32, #tpu.memory_space<hbm>> -> memref<10000xi32, #tpu.memory_space<hbm>>
      %dma_start3A_46 = tpu.memref_slice %arg2[%add3A_11] : memref<3200000xi32, #tpu.memory_space<hbm>> -> memref<10000xi32, #tpu.memory_space<hbm>>
      tpu.enqueue_dma source(%dma_start3A_46 : memref<10000xi32, #tpu.memory_space<hbm>>) target(%arg7 : memref<10000xi32, #tpu.memory_space<vmem>>) target_semaphore(%run_scoped3A_44 : memref<!tpu.dma_semaphore, #tpu.memory_space<semaphore_mem>>)
      %dma_wait3A_47 = tpu.memref_slice %arg2[%add3A_11] : memref<3200000xi32, #tpu.memory_space<hbm>> -> memref<10000xi32, #tpu.memory_space<hbm>>
      %dma_wait3A_48 = tpu.memref_slice %arg2[%add3A_11] : memref<3200000xi32, #tpu.memory_space<hbm>> -> memref<10000xi32, #tpu.memory_space<hbm>>
      tpu.wait_dma2 semaphore(%run_scoped3A_44 : memref<!tpu.dma_semaphore, #tpu.memory_space<semaphore_mem>>) src(%dma_wait3A_48 : memref<10000xi32, #tpu.memory_space<hbm>>) dst(%arg7 : memref<10000xi32, #tpu.memory_space<vmem>>)
      tpu.yield
    }) : () -> ()
    %add3A_12 = arith.constant 1600000 : i32
    %add3A_13 = arith.addi %add3A_12, %add3A_11 : i32
    "tpu.region"() ({
      %run_scoped3A_44 = tpu.sem_alloc : memref<!tpu.dma_semaphore, #tpu.memory_space<semaphore_mem>>
      %dma_start3A_45 = tpu.memref_slice %arg2[%add3A_13] : memref<3200000xi32, #tpu.memory_space<hbm>> -> memref<10000xi32, #tpu.memory_space<hbm>>
      %dma_start3A_46 = tpu.memref_slice %arg2[%add3A_13] : memref<3200000xi32, #tpu.memory_space<hbm>> -> memref<10000xi32, #tpu.memory_space<hbm>>
      tpu.enqueue_dma source(%dma_start3A_46 : memref<10000xi32, #tpu.memory_space<hbm>>) target(%arg9 : memref<10000xi32, #tpu.memory_space<vmem>>) target_semaphore(%run_scoped3A_44 : memref<!tpu.dma_semaphore, #tpu.memory_space<semaphore_mem>>)
      %dma_wait3A_47 = tpu.memref_slice %arg2[%add3A_13] : memref<3200000xi32, #tpu.memory_space<hbm>> -> memref<10000xi32, #tpu.memory_space<hbm>>
      %dma_wait3A_48 = tpu.memref_slice %arg2[%add3A_13] : memref<3200000xi32, #tpu.memory_space<hbm>> -> memref<10000xi32, #tpu.memory_space<hbm>>
      tpu.wait_dma2 semaphore(%run_scoped3A_44 : memref<!tpu.dma_semaphore, #tpu.memory_space<semaphore_mem>>) src(%dma_wait3A_48 : memref<10000xi32, #tpu.memory_space<hbm>>) dst(%arg9 : memref<10000xi32, #tpu.memory_space<vmem>>)
      tpu.yield
    }) : () -> ()
    %dma_start3A_14 = arith.constant 0 : i32
    %dma_start3A_15 = tpu.memref_slice %arg14[%dma_start3A_14] : memref<100352xf32, #tpu.memory_space<vmem_shared>> -> memref<100352xf32, #tpu.memory_space<vmem_shared>>
    tpu.enqueue_indirect_dma source(%dma_start3A_15 : memref<100352xf32, #tpu.memory_space<vmem_shared>>) target(%arg11 : memref<10000xf32, #tpu.memory_space<vmem>>) offsets(%arg7 : memref<10000xi32, #tpu.memory_space<vmem>>) semaphore(%arg16 : memref<!tpu.dma_semaphore, #tpu.memory_space<semaphore_mem>>)
    %dma_wait3A = arith.constant 0 : i32
    %dma_wait3A_16 = tpu.memref_slice %arg14[%dma_wait3A] : memref<100352xf32, #tpu.memory_space<vmem_shared>> -> memref<100352xf32, #tpu.memory_space<vmem_shared>>
    tpu.wait_indirect_dma semaphore(%arg15 : memref<!tpu.dma_semaphore, #tpu.memory_space<semaphore_mem>>) src(%dma_wait3A_16 : memref<100352xf32, #tpu.memory_space<vmem_shared>>) dst(%arg10 : memref<10000xf32, #tpu.memory_space<vmem>>)
    "tpu.region"() ({
      %run_scoped3A_44 = tpu.sem_alloc : memref<!tpu.dma_semaphore, #tpu.memory_space<semaphore_mem>>
      %dma_start3A_45 = arith.constant 0 : i32
      %dma_start3A_46 = tpu.memref_slice %arg13[%dma_start3A_45] : memref<100352xf32, #tpu.memory_space<vmem_shared>> -> memref<100352xf32, #tpu.memory_space<vmem_shared>>
      tpu.enqueue_indirect_dma source(%arg10 : memref<10000xf32, #tpu.memory_space<vmem>>) target(%dma_start3A_46 : memref<100352xf32, #tpu.memory_space<vmem_shared>>) offsets(%arg8 : memref<10000xi32, #tpu.memory_space<vmem>>) semaphore(%run_scoped3A_44 : memref<!tpu.dma_semaphore, #tpu.memory_space<semaphore_mem>>) {add = true}
      %dma_wait3A_47 = arith.constant 0 : i32
      %dma_wait3A_48 = tpu.memref_slice %arg13[%dma_wait3A_47] : memref<100352xf32, #tpu.memory_space<vmem_shared>> -> memref<100352xf32, #tpu.memory_space<vmem_shared>>
      tpu.wait_indirect_dma semaphore(%run_scoped3A_44 : memref<!tpu.dma_semaphore, #tpu.memory_space<semaphore_mem>>) src(%arg10 : memref<10000xf32, #tpu.memory_space<vmem>>) dst(%dma_wait3A_48 : memref<100352xf32, #tpu.memory_space<vmem_shared>>)
      tpu.yield
    }) : () -> ()
    %add3A_17 = arith.constant 20000 : i32
    %add3A_18 = arith.addi %mul3A_4, %add3A_17 : i32
    "tpu.region"() ({
      %run_scoped3A_44 = tpu.sem_alloc : memref<!tpu.dma_semaphore, #tpu.memory_space<semaphore_mem>>
      %dma_start3A_45 = tpu.memref_slice %arg2[%add3A_18] : memref<3200000xi32, #tpu.memory_space<hbm>> -> memref<10000xi32, #tpu.memory_space<hbm>>
      %dma_start3A_46 = tpu.memref_slice %arg2[%add3A_18] : memref<3200000xi32, #tpu.memory_space<hbm>> -> memref<10000xi32, #tpu.memory_space<hbm>>
      tpu.enqueue_dma source(%dma_start3A_46 : memref<10000xi32, #tpu.memory_space<hbm>>) target(%arg6 : memref<10000xi32, #tpu.memory_space<vmem>>) target_semaphore(%run_scoped3A_44 : memref<!tpu.dma_semaphore, #tpu.memory_space<semaphore_mem>>)
      %dma_wait3A_47 = tpu.memref_slice %arg2[%add3A_18] : memref<3200000xi32, #tpu.memory_space<hbm>> -> memref<10000xi32, #tpu.memory_space<hbm>>
      %dma_wait3A_48 = tpu.memref_slice %arg2[%add3A_18] : memref<3200000xi32, #tpu.memory_space<hbm>> -> memref<10000xi32, #tpu.memory_space<hbm>>
      tpu.wait_dma2 semaphore(%run_scoped3A_44 : memref<!tpu.dma_semaphore, #tpu.memory_space<semaphore_mem>>) src(%dma_wait3A_48 : memref<10000xi32, #tpu.memory_space<hbm>>) dst(%arg6 : memref<10000xi32, #tpu.memory_space<vmem>>)
      tpu.yield
    }) : () -> ()
    %add3A_19 = arith.constant 1600000 : i32
    %add3A_20 = arith.addi %add3A_19, %add3A_18 : i32
    "tpu.region"() ({
      %run_scoped3A_44 = tpu.sem_alloc : memref<!tpu.dma_semaphore, #tpu.memory_space<semaphore_mem>>
      %dma_start3A_45 = tpu.memref_slice %arg2[%add3A_20] : memref<3200000xi32, #tpu.memory_space<hbm>> -> memref<10000xi32, #tpu.memory_space<hbm>>
      %dma_start3A_46 = tpu.memref_slice %arg2[%add3A_20] : memref<3200000xi32, #tpu.memory_space<hbm>> -> memref<10000xi32, #tpu.memory_space<hbm>>
      tpu.enqueue_dma source(%dma_start3A_46 : memref<10000xi32, #tpu.memory_space<hbm>>) target(%arg8 : memref<10000xi32, #tpu.memory_space<vmem>>) target_semaphore(%run_scoped3A_44 : memref<!tpu.dma_semaphore, #tpu.memory_space<semaphore_mem>>)
      %dma_wait3A_47 = tpu.memref_slice %arg2[%add3A_20] : memref<3200000xi32, #tpu.memory_space<hbm>> -> memref<10000xi32, #tpu.memory_space<hbm>>
      %dma_wait3A_48 = tpu.memref_slice %arg2[%add3A_20] : memref<3200000xi32, #tpu.memory_space<hbm>> -> memref<10000xi32, #tpu.memory_space<hbm>>
      tpu.wait_dma2 semaphore(%run_scoped3A_44 : memref<!tpu.dma_semaphore, #tpu.memory_space<semaphore_mem>>) src(%dma_wait3A_48 : memref<10000xi32, #tpu.memory_space<hbm>>) dst(%arg8 : memref<10000xi32, #tpu.memory_space<vmem>>)
      tpu.yield
    }) : () -> ()
    %dma_start3A_21 = arith.constant 0 : i32
    %dma_start3A_22 = tpu.memref_slice %arg14[%dma_start3A_21] : memref<100352xf32, #tpu.memory_space<vmem_shared>> -> memref<100352xf32, #tpu.memory_space<vmem_shared>>
    tpu.enqueue_indirect_dma source(%dma_start3A_22 : memref<100352xf32, #tpu.memory_space<vmem_shared>>) target(%arg10 : memref<10000xf32, #tpu.memory_space<vmem>>) offsets(%arg6 : memref<10000xi32, #tpu.memory_space<vmem>>) semaphore(%arg15 : memref<!tpu.dma_semaphore, #tpu.memory_space<semaphore_mem>>)
    %dma_wait3A_23 = arith.constant 0 : i32
    %dma_wait3A_24 = tpu.memref_slice %arg14[%dma_wait3A_23] : memref<100352xf32, #tpu.memory_space<vmem_shared>> -> memref<100352xf32, #tpu.memory_space<vmem_shared>>
    tpu.wait_indirect_dma semaphore(%arg16 : memref<!tpu.dma_semaphore, #tpu.memory_space<semaphore_mem>>) src(%dma_wait3A_24 : memref<100352xf32, #tpu.memory_space<vmem_shared>>) dst(%arg11 : memref<10000xf32, #tpu.memory_space<vmem>>)
    "tpu.region"() ({
      %run_scoped3A_44 = tpu.sem_alloc : memref<!tpu.dma_semaphore, #tpu.memory_space<semaphore_mem>>
      %dma_start3A_45 = arith.constant 0 : i32
      %dma_start3A_46 = tpu.memref_slice %arg13[%dma_start3A_45] : memref<100352xf32, #tpu.memory_space<vmem_shared>> -> memref<100352xf32, #tpu.memory_space<vmem_shared>>
      tpu.enqueue_indirect_dma source(%arg11 : memref<10000xf32, #tpu.memory_space<vmem>>) target(%dma_start3A_46 : memref<100352xf32, #tpu.memory_space<vmem_shared>>) offsets(%arg9 : memref<10000xi32, #tpu.memory_space<vmem>>) semaphore(%run_scoped3A_44 : memref<!tpu.dma_semaphore, #tpu.memory_space<semaphore_mem>>) {add = true}
      %dma_wait3A_47 = arith.constant 0 : i32
      %dma_wait3A_48 = tpu.memref_slice %arg13[%dma_wait3A_47] : memref<100352xf32, #tpu.memory_space<vmem_shared>> -> memref<100352xf32, #tpu.memory_space<vmem_shared>>
      tpu.wait_indirect_dma semaphore(%run_scoped3A_44 : memref<!tpu.dma_semaphore, #tpu.memory_space<semaphore_mem>>) src(%arg11 : memref<10000xf32, #tpu.memory_space<vmem>>) dst(%dma_wait3A_48 : memref<100352xf32, #tpu.memory_space<vmem_shared>>)
      tpu.yield
    }) : () -> ()
    %add3A_25 = arith.constant 30000 : i32
    %add3A_26 = arith.addi %mul3A_4, %add3A_25 : i32
    "tpu.region"() ({
      %run_scoped3A_44 = tpu.sem_alloc : memref<!tpu.dma_semaphore, #tpu.memory_space<semaphore_mem>>
      %dma_start3A_45 = tpu.memref_slice %arg2[%add3A_26] : memref<3200000xi32, #tpu.memory_space<hbm>> -> memref<10000xi32, #tpu.memory_space<hbm>>
      %dma_start3A_46 = tpu.memref_slice %arg2[%add3A_26] : memref<3200000xi32, #tpu.memory_space<hbm>> -> memref<10000xi32, #tpu.memory_space<hbm>>
      tpu.enqueue_dma source(%dma_start3A_46 : memref<10000xi32, #tpu.memory_space<hbm>>) target(%arg7 : memref<10000xi32, #tpu.memory_space<vmem>>) target_semaphore(%run_scoped3A_44 : memref<!tpu.dma_semaphore, #tpu.memory_space<semaphore_mem>>)
      %dma_wait3A_47 = tpu.memref_slice %arg2[%add3A_26] : memref<3200000xi32, #tpu.memory_space<hbm>> -> memref<10000xi32, #tpu.memory_space<hbm>>
      %dma_wait3A_48 = tpu.memref_slice %arg2[%add3A_26] : memref<3200000xi32, #tpu.memory_space<hbm>> -> memref<10000xi32, #tpu.memory_space<hbm>>
      tpu.wait_dma2 semaphore(%run_scoped3A_44 : memref<!tpu.dma_semaphore, #tpu.memory_space<semaphore_mem>>) src(%dma_wait3A_48 : memref<10000xi32, #tpu.memory_space<hbm>>) dst(%arg7 : memref<10000xi32, #tpu.memory_space<vmem>>)
      tpu.yield
    }) : () -> ()
    %add3A_27 = arith.constant 1600000 : i32
    %add3A_28 = arith.addi %add3A_27, %add3A_26 : i32
    "tpu.region"() ({
      %run_scoped3A_44 = tpu.sem_alloc : memref<!tpu.dma_semaphore, #tpu.memory_space<semaphore_mem>>
      %dma_start3A_45 = tpu.memref_slice %arg2[%add3A_28] : memref<3200000xi32, #tpu.memory_space<hbm>> -> memref<10000xi32, #tpu.memory_space<hbm>>
      %dma_start3A_46 = tpu.memref_slice %arg2[%add3A_28] : memref<3200000xi32, #tpu.memory_space<hbm>> -> memref<10000xi32, #tpu.memory_space<hbm>>
      tpu.enqueue_dma source(%dma_start3A_46 : memref<10000xi32, #tpu.memory_space<hbm>>) target(%arg9 : memref<10000xi32, #tpu.memory_space<vmem>>) target_semaphore(%run_scoped3A_44 : memref<!tpu.dma_semaphore, #tpu.memory_space<semaphore_mem>>)
      %dma_wait3A_47 = tpu.memref_slice %arg2[%add3A_28] : memref<3200000xi32, #tpu.memory_space<hbm>> -> memref<10000xi32, #tpu.memory_space<hbm>>
      %dma_wait3A_48 = tpu.memref_slice %arg2[%add3A_28] : memref<3200000xi32, #tpu.memory_space<hbm>> -> memref<10000xi32, #tpu.memory_space<hbm>>
      tpu.wait_dma2 semaphore(%run_scoped3A_44 : memref<!tpu.dma_semaphore, #tpu.memory_space<semaphore_mem>>) src(%dma_wait3A_48 : memref<10000xi32, #tpu.memory_space<hbm>>) dst(%arg9 : memref<10000xi32, #tpu.memory_space<vmem>>)
      tpu.yield
    }) : () -> ()
    %dma_start3A_29 = arith.constant 0 : i32
    %dma_start3A_30 = tpu.memref_slice %arg14[%dma_start3A_29] : memref<100352xf32, #tpu.memory_space<vmem_shared>> -> memref<100352xf32, #tpu.memory_space<vmem_shared>>
    tpu.enqueue_indirect_dma source(%dma_start3A_30 : memref<100352xf32, #tpu.memory_space<vmem_shared>>) target(%arg11 : memref<10000xf32, #tpu.memory_space<vmem>>) offsets(%arg7 : memref<10000xi32, #tpu.memory_space<vmem>>) semaphore(%arg16 : memref<!tpu.dma_semaphore, #tpu.memory_space<semaphore_mem>>)
    %dma_wait3A_31 = arith.constant 0 : i32
    %dma_wait3A_32 = tpu.memref_slice %arg14[%dma_wait3A_31] : memref<100352xf32, #tpu.memory_space<vmem_shared>> -> memref<100352xf32, #tpu.memory_space<vmem_shared>>
    tpu.wait_indirect_dma semaphore(%arg15 : memref<!tpu.dma_semaphore, #tpu.memory_space<semaphore_mem>>) src(%dma_wait3A_32 : memref<100352xf32, #tpu.memory_space<vmem_shared>>) dst(%arg10 : memref<10000xf32, #tpu.memory_space<vmem>>)
    "tpu.region"() ({
      %run_scoped3A_44 = tpu.sem_alloc : memref<!tpu.dma_semaphore, #tpu.memory_space<semaphore_mem>>
      %dma_start3A_45 = arith.constant 0 : i32
      %dma_start3A_46 = tpu.memref_slice %arg13[%dma_start3A_45] : memref<100352xf32, #tpu.memory_space<vmem_shared>> -> memref<100352xf32, #tpu.memory_space<vmem_shared>>
      tpu.enqueue_indirect_dma source(%arg10 : memref<10000xf32, #tpu.memory_space<vmem>>) target(%dma_start3A_46 : memref<100352xf32, #tpu.memory_space<vmem_shared>>) offsets(%arg8 : memref<10000xi32, #tpu.memory_space<vmem>>) semaphore(%run_scoped3A_44 : memref<!tpu.dma_semaphore, #tpu.memory_space<semaphore_mem>>) {add = true}
      %dma_wait3A_47 = arith.constant 0 : i32
      %dma_wait3A_48 = tpu.memref_slice %arg13[%dma_wait3A_47] : memref<100352xf32, #tpu.memory_space<vmem_shared>> -> memref<100352xf32, #tpu.memory_space<vmem_shared>>
      tpu.wait_indirect_dma semaphore(%run_scoped3A_44 : memref<!tpu.dma_semaphore, #tpu.memory_space<semaphore_mem>>) src(%arg10 : memref<10000xf32, #tpu.memory_space<vmem>>) dst(%dma_wait3A_48 : memref<100352xf32, #tpu.memory_space<vmem_shared>>)
      tpu.yield
    }) : () -> ()
    %add3A_33 = arith.constant 40000 : i32
    %add3A_34 = arith.addi %mul3A_4, %add3A_33 : i32
    "tpu.region"() ({
      %run_scoped3A_44 = tpu.sem_alloc : memref<!tpu.dma_semaphore, #tpu.memory_space<semaphore_mem>>
      %dma_start3A_45 = tpu.memref_slice %arg2[%add3A_34] : memref<3200000xi32, #tpu.memory_space<hbm>> -> memref<10000xi32, #tpu.memory_space<hbm>>
      %dma_start3A_46 = tpu.memref_slice %arg2[%add3A_34] : memref<3200000xi32, #tpu.memory_space<hbm>> -> memref<10000xi32, #tpu.memory_space<hbm>>
      tpu.enqueue_dma source(%dma_start3A_46 : memref<10000xi32, #tpu.memory_space<hbm>>) target(%arg6 : memref<10000xi32, #tpu.memory_space<vmem>>) target_semaphore(%run_scoped3A_44 : memref<!tpu.dma_semaphore, #tpu.memory_space<semaphore_mem>>)
      %dma_wait3A_47 = tpu.memref_slice %arg2[%add3A_34] : memref<3200000xi32, #tpu.memory_space<hbm>> -> memref<10000xi32, #tpu.memory_space<hbm>>
      %dma_wait3A_48 = tpu.memref_slice %arg2[%add3A_34] : memref<3200000xi32, #tpu.memory_space<hbm>> -> memref<10000xi32, #tpu.memory_space<hbm>>
      tpu.wait_dma2 semaphore(%run_scoped3A_44 : memref<!tpu.dma_semaphore, #tpu.memory_space<semaphore_mem>>) src(%dma_wait3A_48 : memref<10000xi32, #tpu.memory_space<hbm>>) dst(%arg6 : memref<10000xi32, #tpu.memory_space<vmem>>)
      tpu.yield
    }) : () -> ()
    %add3A_35 = arith.constant 1600000 : i32
    %add3A_36 = arith.addi %add3A_35, %add3A_34 : i32
    "tpu.region"() ({
      %run_scoped3A_44 = tpu.sem_alloc : memref<!tpu.dma_semaphore, #tpu.memory_space<semaphore_mem>>
      %dma_start3A_45 = tpu.memref_slice %arg2[%add3A_36] : memref<3200000xi32, #tpu.memory_space<hbm>> -> memref<10000xi32, #tpu.memory_space<hbm>>
      %dma_start3A_46 = tpu.memref_slice %arg2[%add3A_36] : memref<3200000xi32, #tpu.memory_space<hbm>> -> memref<10000xi32, #tpu.memory_space<hbm>>
      tpu.enqueue_dma source(%dma_start3A_46 : memref<10000xi32, #tpu.memory_space<hbm>>) target(%arg8 : memref<10000xi32, #tpu.memory_space<vmem>>) target_semaphore(%run_scoped3A_44 : memref<!tpu.dma_semaphore, #tpu.memory_space<semaphore_mem>>)
      %dma_wait3A_47 = tpu.memref_slice %arg2[%add3A_36] : memref<3200000xi32, #tpu.memory_space<hbm>> -> memref<10000xi32, #tpu.memory_space<hbm>>
      %dma_wait3A_48 = tpu.memref_slice %arg2[%add3A_36] : memref<3200000xi32, #tpu.memory_space<hbm>> -> memref<10000xi32, #tpu.memory_space<hbm>>
      tpu.wait_dma2 semaphore(%run_scoped3A_44 : memref<!tpu.dma_semaphore, #tpu.memory_space<semaphore_mem>>) src(%dma_wait3A_48 : memref<10000xi32, #tpu.memory_space<hbm>>) dst(%arg8 : memref<10000xi32, #tpu.memory_space<vmem>>)
      tpu.yield
    }) : () -> ()
    %dma_start3A_37 = arith.constant 0 : i32
    %dma_start3A_38 = tpu.memref_slice %arg14[%dma_start3A_37] : memref<100352xf32, #tpu.memory_space<vmem_shared>> -> memref<100352xf32, #tpu.memory_space<vmem_shared>>
    tpu.enqueue_indirect_dma source(%dma_start3A_38 : memref<100352xf32, #tpu.memory_space<vmem_shared>>) target(%arg10 : memref<10000xf32, #tpu.memory_space<vmem>>) offsets(%arg6 : memref<10000xi32, #tpu.memory_space<vmem>>) semaphore(%arg15 : memref<!tpu.dma_semaphore, #tpu.memory_space<semaphore_mem>>)
    %dma_wait3A_39 = arith.constant 0 : i32
    %dma_wait3A_40 = tpu.memref_slice %arg14[%dma_wait3A_39] : memref<100352xf32, #tpu.memory_space<vmem_shared>> -> memref<100352xf32, #tpu.memory_space<vmem_shared>>
    tpu.wait_indirect_dma semaphore(%arg16 : memref<!tpu.dma_semaphore, #tpu.memory_space<semaphore_mem>>) src(%dma_wait3A_40 : memref<100352xf32, #tpu.memory_space<vmem_shared>>) dst(%arg11 : memref<10000xf32, #tpu.memory_space<vmem>>)
    "tpu.region"() ({
      %run_scoped3A_44 = tpu.sem_alloc : memref<!tpu.dma_semaphore, #tpu.memory_space<semaphore_mem>>
      %dma_start3A_45 = arith.constant 0 : i32
      %dma_start3A_46 = tpu.memref_slice %arg13[%dma_start3A_45] : memref<100352xf32, #tpu.memory_space<vmem_shared>> -> memref<100352xf32, #tpu.memory_space<vmem_shared>>
      tpu.enqueue_indirect_dma source(%arg11 : memref<10000xf32, #tpu.memory_space<vmem>>) target(%dma_start3A_46 : memref<100352xf32, #tpu.memory_space<vmem_shared>>) offsets(%arg9 : memref<10000xi32, #tpu.memory_space<vmem>>) semaphore(%run_scoped3A_44 : memref<!tpu.dma_semaphore, #tpu.memory_space<semaphore_mem>>) {add = true}
      %dma_wait3A_47 = arith.constant 0 : i32
      %dma_wait3A_48 = tpu.memref_slice %arg13[%dma_wait3A_47] : memref<100352xf32, #tpu.memory_space<vmem_shared>> -> memref<100352xf32, #tpu.memory_space<vmem_shared>>
      tpu.wait_indirect_dma semaphore(%run_scoped3A_44 : memref<!tpu.dma_semaphore, #tpu.memory_space<semaphore_mem>>) src(%arg11 : memref<10000xf32, #tpu.memory_space<vmem>>) dst(%dma_wait3A_48 : memref<100352xf32, #tpu.memory_space<vmem_shared>>)
      tpu.yield
    }) : () -> ()
    %dma_wait3A_41 = arith.constant 0 : i32
    %dma_wait3A_42 = tpu.memref_slice %arg14[%dma_wait3A_41] : memref<100352xf32, #tpu.memory_space<vmem_shared>> -> memref<100352xf32, #tpu.memory_space<vmem_shared>>
    tpu.wait_indirect_dma semaphore(%arg15 : memref<!tpu.dma_semaphore, #tpu.memory_space<semaphore_mem>>) src(%dma_wait3A_42 : memref<100352xf32, #tpu.memory_space<vmem_shared>>) dst(%arg10 : memref<10000xf32, #tpu.memory_space<vmem>>)
    "tpu.region"() ({
      %run_scoped3A_44 = tpu.sem_alloc : memref<!tpu.dma_semaphore, #tpu.memory_space<semaphore_mem>>
      %dma_start3A_45 = arith.constant 0 : i32
      %dma_start3A_46 = tpu.memref_slice %arg13[%dma_start3A_45] : memref<100352xf32, #tpu.memory_space<vmem_shared>> -> memref<100352xf32, #tpu.memory_space<vmem_shared>>
      tpu.enqueue_indirect_dma source(%arg10 : memref<10000xf32, #tpu.memory_space<vmem>>) target(%dma_start3A_46 : memref<100352xf32, #tpu.memory_space<vmem_shared>>) offsets(%arg8 : memref<10000xi32, #tpu.memory_space<vmem>>) semaphore(%run_scoped3A_44 : memref<!tpu.dma_semaphore, #tpu.memory_space<semaphore_mem>>) {add = true}
      %dma_wait3A_47 = arith.constant 0 : i32
      %dma_wait3A_48 = tpu.memref_slice %arg13[%dma_wait3A_47] : memref<100352xf32, #tpu.memory_space<vmem_shared>> -> memref<100352xf32, #tpu.memory_space<vmem_shared>>
      tpu.wait_indirect_dma semaphore(%run_scoped3A_44 : memref<!tpu.dma_semaphore, #tpu.memory_space<semaphore_mem>>) src(%arg10 : memref<10000xf32, #tpu.memory_space<vmem>>) dst(%dma_wait3A_48 : memref<100352xf32, #tpu.memory_space<vmem_shared>>)
      tpu.yield
    }) : () -> ()
    %barrier3A_43 = arith.constant 0 : index
    tpu.barrier barrier_id(%barrier3A_43)
    "tpu.region"() ({
      %run_scoped3A_44 = tpu.sem_alloc : memref<!tpu.dma_semaphore, #tpu.memory_space<semaphore_mem>>
      %dma_start3A_45 = tpu.memref_slice %arg13[%mul3A_2] : memref<100352xf32, #tpu.memory_space<vmem_shared>> -> memref<6272xf32, #tpu.memory_space<vmem_shared>>
      %dma_start3A_46 = tpu.memref_slice %arg13[%mul3A_2] : memref<100352xf32, #tpu.memory_space<vmem_shared>> -> memref<6272xf32, #tpu.memory_space<vmem_shared>>
      tpu.enqueue_dma source(%dma_start3A_46 : memref<6272xf32, #tpu.memory_space<vmem_shared>>) target(%arg12 : memref<6272xf32, #tpu.memory_space<vmem>>) target_semaphore(%run_scoped3A_44 : memref<!tpu.dma_semaphore, #tpu.memory_space<semaphore_mem>>)
      %dma_wait3A_47 = tpu.memref_slice %arg13[%mul3A_2] : memref<100352xf32, #tpu.memory_space<vmem_shared>> -> memref<6272xf32, #tpu.memory_space<vmem_shared>>
      %dma_wait3A_48 = tpu.memref_slice %arg13[%mul3A_2] : memref<100352xf32, #tpu.memory_space<vmem_shared>> -> memref<6272xf32, #tpu.memory_space<vmem_shared>>
      tpu.wait_dma2 semaphore(%run_scoped3A_44 : memref<!tpu.dma_semaphore, #tpu.memory_space<semaphore_mem>>) src(%dma_wait3A_48 : memref<6272xf32, #tpu.memory_space<vmem_shared>>) dst(%arg12 : memref<6272xf32, #tpu.memory_space<vmem>>)
      tpu.yield
    }) : () -> ()
    %run_scoped3A = arith.constant 0 : i32
    "tpu.region"() ({
      %run_scoped3A_44 = tpu.sem_alloc : memref<!tpu.dma_semaphore, #tpu.memory_space<semaphore_mem>>
      %dma_start3A_45 = tpu.memref_slice %arg5[%arg0, %run_scoped3A, %mul3A_2] : memref<2x1x100352xf32, #tpu.memory_space<hbm>> -> memref<1x1x6272xf32, #tpu.memory_space<hbm>>
      %dma_start3A_46 = tpu.memref_squeeze %dma_start3A_45 : memref<1x1x6272xf32, #tpu.memory_space<hbm>> -> memref<6272xf32, #tpu.memory_space<hbm>>
      %dma_start3A_47 = tpu.memref_slice %arg5[%arg0, %run_scoped3A, %mul3A_2] : memref<2x1x100352xf32, #tpu.memory_space<hbm>> -> memref<1x1x6272xf32, #tpu.memory_space<hbm>>
      %dma_start3A_48 = tpu.memref_squeeze %dma_start3A_47 : memref<1x1x6272xf32, #tpu.memory_space<hbm>> -> memref<6272xf32, #tpu.memory_space<hbm>>
      tpu.enqueue_dma source(%arg12 : memref<6272xf32, #tpu.memory_space<vmem>>) target(%dma_start3A_48 : memref<6272xf32, #tpu.memory_space<hbm>>) target_semaphore(%run_scoped3A_44 : memref<!tpu.dma_semaphore, #tpu.memory_space<semaphore_mem>>)
      %dma_wait3A_49 = tpu.memref_slice %arg5[%arg0, %run_scoped3A, %mul3A_2] : memref<2x1x100352xf32, #tpu.memory_space<hbm>> -> memref<1x1x6272xf32, #tpu.memory_space<hbm>>
      %dma_wait3A_50 = tpu.memref_squeeze %dma_wait3A_49 : memref<1x1x6272xf32, #tpu.memory_space<hbm>> -> memref<6272xf32, #tpu.memory_space<hbm>>
      %dma_wait3A_51 = tpu.memref_slice %arg5[%arg0, %run_scoped3A, %mul3A_2] : memref<2x1x100352xf32, #tpu.memory_space<hbm>> -> memref<1x1x6272xf32, #tpu.memory_space<hbm>>
      %dma_wait3A_52 = tpu.memref_squeeze %dma_wait3A_51 : memref<1x1x6272xf32, #tpu.memory_space<hbm>> -> memref<6272xf32, #tpu.memory_space<hbm>>
      tpu.wait_dma2 semaphore(%run_scoped3A_44 : memref<!tpu.dma_semaphore, #tpu.memory_space<semaphore_mem>>) src(%arg12 : memref<6272xf32, #tpu.memory_space<vmem>>) dst(%dma_wait3A_52 : memref<6272xf32, #tpu.memory_space<hbm>>)
      tpu.yield
    }) : () -> ()
    return
  }
}

module attributes {stable_mosaic.version = 14 : i64} {
  func.func @_tc1_body(%arg0: memref<2x784x128xf32, #tpu.memory_space<vmem>>, %arg1: memref<2x784x128xf32, #tpu.memory_space<vmem>>, %arg2: memref<784x128xf32, #tpu.memory_space<vmem>>, %arg3: memref<784x128xf32, #tpu.memory_space<vmem>>, %arg4: memref<784x128xf32, #tpu.memory_space<vmem>>) attributes {dimension_semantics = [], scalar_prefetch = 0 : i64, scratch_operands = 0 : i64, tpu.core_type = #tpu.core_type<tc>} {
    %get3A = arith.constant 0 : index
    %get3A_0 = arith.constant 0 : index
    %get3A_1 = arith.constant 0 : index
    %get3A_2 = vector.load %arg0[%get3A, %get3A_0, %get3A_1] : memref<2x784x128xf32, #tpu.memory_space<vmem>>, vector<1x784x128xf32>
    %get3A_3 = vector.shape_cast %get3A_2 : vector<1x784x128xf32> to vector<784x128xf32>
    %get3A_4 = arith.constant 1 : index
    %get3A_5 = arith.constant 0 : index
    %get3A_6 = arith.constant 0 : index
    %get3A_7 = vector.load %arg0[%get3A_4, %get3A_5, %get3A_6] : memref<2x784x128xf32, #tpu.memory_space<vmem>>, vector<1x784x128xf32>
    %get3A_8 = vector.shape_cast %get3A_7 : vector<1x784x128xf32> to vector<784x128xf32>
    %add3A = arith.addf %get3A_3, %get3A_8 : vector<784x128xf32>
    %add3A_9 = arith.constant 1.000000e+00 : f32
    %add3A_10 = vector.broadcast %add3A_9 : f32 to vector<784x128xf32>
    %add3A_11 = arith.addf %add3A, %add3A_10 : vector<784x128xf32>
    %sqrt3A = math.sqrt %add3A_11 : vector<784x128xf32>
    %div3A = arith.constant 1.000000e+00 : f32
    %div3A_12 = vector.broadcast %div3A : f32 to vector<784x128xf32>
    %div3A_13 = arith.divf %div3A_12, %sqrt3A : vector<784x128xf32>
    %swap3A = arith.constant 0 : index
    %swap3A_14 = arith.constant 0 : index
    %swap3A_15 = vector.load %arg2[%swap3A, %swap3A_14] : memref<784x128xf32, #tpu.memory_space<vmem>>, vector<784x128xf32>
    tpu.vector_store %arg2[%swap3A, %swap3A_14], %div3A_13 {strides = array<i32>} : memref<784x128xf32, #tpu.memory_space<vmem>>, vector<784x128xf32>,
    %get3A_16 = arith.constant 0 : index
    %get3A_17 = arith.constant 0 : index
    %get3A_18 = arith.constant 0 : index
    %get3A_19 = vector.load %arg1[%get3A_16, %get3A_17, %get3A_18] : memref<2x784x128xf32, #tpu.memory_space<vmem>>, vector<1x784x128xf32>
    %get3A_20 = vector.shape_cast %get3A_19 : vector<1x784x128xf32> to vector<784x128xf32>
    %mul3A = arith.mulf %get3A_20, %div3A_13 : vector<784x128xf32>
    %swap3A_21 = arith.constant 0 : index
    %swap3A_22 = arith.constant 0 : index
    %swap3A_23 = vector.load %arg3[%swap3A_21, %swap3A_22] : memref<784x128xf32, #tpu.memory_space<vmem>>, vector<784x128xf32>
    tpu.vector_store %arg3[%swap3A_21, %swap3A_22], %mul3A {strides = array<i32>} : memref<784x128xf32, #tpu.memory_space<vmem>>, vector<784x128xf32>,
    %get3A_24 = arith.constant 1 : index
    %get3A_25 = arith.constant 0 : index
    %get3A_26 = arith.constant 0 : index
    %get3A_27 = vector.load %arg1[%get3A_24, %get3A_25, %get3A_26] : memref<2x784x128xf32, #tpu.memory_space<vmem>>, vector<1x784x128xf32>
    %get3A_28 = vector.shape_cast %get3A_27 : vector<1x784x128xf32> to vector<784x128xf32>
    %mul3A_29 = arith.mulf %get3A_28, %div3A_13 : vector<784x128xf32>
    %swap3A_30 = arith.constant 0 : index
    %swap3A_31 = arith.constant 0 : index
    %swap3A_32 = vector.load %arg4[%swap3A_30, %swap3A_31] : memref<784x128xf32, #tpu.memory_space<vmem>>, vector<784x128xf32>
    tpu.vector_store %arg4[%swap3A_30, %swap3A_31], %mul3A_29 {strides = array<i32>} : memref<784x128xf32, #tpu.memory_space<vmem>>, vector<784x128xf32>,
    return
  }
}

module attributes {stable_mosaic.version = 14 : i64} {
  func.func @_tc2_body(%arg0: memref<2x2x784x128xf32, #tpu.memory_space<vmem>>, %arg1: memref<2x784x128xf32, #tpu.memory_space<vmem>>, %arg2: memref<784x128xf32, #tpu.memory_space<vmem>>, %arg3: memref<2x64xf32, #tpu.memory_space<smem>>, %arg4: memref<64xf32, #tpu.memory_space<smem>>, %arg5: memref<64x1xf32, #tpu.memory_space<smem>>, %arg6: memref<784x128xf32, #tpu.memory_space<vmem>>) attributes {dimension_semantics = [], scalar_prefetch = 0 : i64, scratch_operands = 0 : i64, tpu.core_type = #tpu.core_type<tc>} {
    %get3A = arith.constant 0 : index
    %get3A_0 = arith.constant 0 : index
    %get3A_1 = vector.load %arg2[%get3A, %get3A_0] : memref<784x128xf32, #tpu.memory_space<vmem>>, vector<784x128xf32>
    %get3A_2 = arith.constant 0 : index
    %get3A_3 = arith.constant 0 : index
    %get3A_4 = arith.constant 0 : index
    %get3A_5 = arith.constant 0 : index
    %get3A_6 = vector.load %arg0[%get3A_2, %get3A_3, %get3A_4, %get3A_5] : memref<2x2x784x128xf32, #tpu.memory_space<vmem>>, vector<1x1x784x128xf32>
    %get3A_7 = vector.shape_cast %get3A_6 : vector<1x1x784x128xf32> to vector<784x128xf32>
    %get3A_8 = arith.constant 1 : index
    %get3A_9 = arith.constant 0 : index
    %get3A_10 = arith.constant 0 : index
    %get3A_11 = arith.constant 0 : index
    %get3A_12 = vector.load %arg0[%get3A_8, %get3A_9, %get3A_10, %get3A_11] : memref<2x2x784x128xf32, #tpu.memory_space<vmem>>, vector<1x1x784x128xf32>
    %get3A_13 = vector.shape_cast %get3A_12 : vector<1x1x784x128xf32> to vector<784x128xf32>
    %add3A = arith.addf %get3A_7, %get3A_13 : vector<784x128xf32>
    %get3A_14 = arith.constant 0 : index
    %get3A_15 = arith.constant 0 : index
    %get3A_16 = arith.constant 0 : index
    %get3A_17 = vector.load %arg1[%get3A_14, %get3A_15, %get3A_16] : memref<2x784x128xf32, #tpu.memory_space<vmem>>, vector<1x784x128xf32>
    %get3A_18 = vector.shape_cast %get3A_17 : vector<1x784x128xf32> to vector<784x128xf32>
    %mul3A = arith.mulf %get3A_1, %get3A_18 : vector<784x128xf32>
    %add3A_19 = arith.addf %add3A, %mul3A : vector<784x128xf32>
    %mul3A_20 = arith.mulf %get3A_1, %add3A_19 : vector<784x128xf32>
    %get3A_21 = arith.constant 0 : index
    %get3A_22 = arith.constant 1 : index
    %get3A_23 = arith.constant 0 : index
    %get3A_24 = arith.constant 0 : index
    %get3A_25 = vector.load %arg0[%get3A_21, %get3A_22, %get3A_23, %get3A_24] : memref<2x2x784x128xf32, #tpu.memory_space<vmem>>, vector<1x1x784x128xf32>
    %get3A_26 = vector.shape_cast %get3A_25 : vector<1x1x784x128xf32> to vector<784x128xf32>
    %get3A_27 = arith.constant 1 : index
    %get3A_28 = arith.constant 1 : index
    %get3A_29 = arith.constant 0 : index
    %get3A_30 = arith.constant 0 : index
    %get3A_31 = vector.load %arg0[%get3A_27, %get3A_28, %get3A_29, %get3A_30] : memref<2x2x784x128xf32, #tpu.memory_space<vmem>>, vector<1x1x784x128xf32>
    %get3A_32 = vector.shape_cast %get3A_31 : vector<1x1x784x128xf32> to vector<784x128xf32>
    %add3A_33 = arith.addf %get3A_26, %get3A_32 : vector<784x128xf32>
    %get3A_34 = arith.constant 1 : index
    %get3A_35 = arith.constant 0 : index
    %get3A_36 = arith.constant 0 : index
    %get3A_37 = vector.load %arg1[%get3A_34, %get3A_35, %get3A_36] : memref<2x784x128xf32, #tpu.memory_space<vmem>>, vector<1x784x128xf32>
    %get3A_38 = vector.shape_cast %get3A_37 : vector<1x784x128xf32> to vector<784x128xf32>
    %mul3A_39 = arith.mulf %get3A_1, %get3A_38 : vector<784x128xf32>
    %add3A_40 = arith.addf %add3A_33, %mul3A_39 : vector<784x128xf32>
    %mul3A_41 = arith.mulf %get3A_1, %add3A_40 : vector<784x128xf32>
    %broadcast_in_dim3A = arith.constant 0.000000e+00 : f32
    %broadcast_in_dim3A_42 = vector.broadcast %broadcast_in_dim3A : f32 to vector<784x128xf32>
    %get3A_43 = arith.constant 0 : index
    %get3A_44 = arith.constant 0 : index
    %get3A_45 = memref.load %arg3[%get3A_43, %get3A_44] : memref<2x64xf32, #tpu.memory_space<smem>>
    %mul3A_46 = vector.broadcast %get3A_45 : f32 to vector<784x128xf32>
    %mul3A_47 = arith.mulf %mul3A_20, %mul3A_46 : vector<784x128xf32>
    %get3A_48 = arith.constant 1 : index
    %get3A_49 = arith.constant 0 : index
    %get3A_50 = memref.load %arg3[%get3A_48, %get3A_49] : memref<2x64xf32, #tpu.memory_space<smem>>
    %mul3A_51 = vector.broadcast %get3A_50 : f32 to vector<784x128xf32>
    %mul3A_52 = arith.mulf %mul3A_41, %mul3A_51 : vector<784x128xf32>
    %add3A_53 = arith.addf %mul3A_47, %mul3A_52 : vector<784x128xf32>
    %get3A_54 = arith.constant 0 : index
    %get3A_55 = memref.load %arg4[%get3A_54] : memref<64xf32, #tpu.memory_space<smem>>
    %add3A_56 = vector.broadcast %get3A_55 : f32 to vector<784x128xf32>
    %add3A_57 = arith.addf %add3A_53, %add3A_56 : vector<784x128xf32>
    %max3A = arith.constant 0.000000e+00 : f32
    %max3A_58 = vector.broadcast %max3A : f32 to vector<784x128xf32>
    %max3A_59 = arith.maximumf %add3A_57, %max3A_58 : vector<784x128xf32>
    %bitcast_convert_type3A = tpu.bitcast %max3A_59 : vector<784x128xf32> -> vector<784x128xi32>
    %add3A_60 = arith.constant 32767 : i32
    %add3A_61 = vector.broadcast %add3A_60 : i32 to vector<784x128xi32>
    %add3A_62 = arith.addi %bitcast_convert_type3A, %add3A_61 : vector<784x128xi32>
    %shift_right_logical3A = arith.constant 16 : i32
    %shift_right_logical3A_63 = vector.broadcast %shift_right_logical3A : i32 to vector<784x128xi32>
    %shift_right_logical3A_64 = arith.shrui %bitcast_convert_type3A, %shift_right_logical3A_63 : vector<784x128xi32>
    %and3A = arith.constant 1 : i32
    %and3A_65 = vector.broadcast %and3A : i32 to vector<784x128xi32>
    %and3A_66 = arith.andi %shift_right_logical3A_64, %and3A_65 : vector<784x128xi32>
    %add3A_67 = arith.addi %add3A_62, %and3A_66 : vector<784x128xi32>
    %and3A_68 = arith.constant -65536 : i32
    %and3A_69 = vector.broadcast %and3A_68 : i32 to vector<784x128xi32>
    %and3A_70 = arith.andi %add3A_67, %and3A_69 : vector<784x128xi32>
    %bitcast_convert_type3A_71 = tpu.bitcast %and3A_70 : vector<784x128xi32> -> vector<784x128xf32>
    %get3A_72 = arith.constant 0 : index
    %get3A_73 = arith.constant 0 : index
    %get3A_74 = memref.load %arg5[%get3A_72, %get3A_73] : memref<64x1xf32, #tpu.memory_space<smem>>
    %mul3A_75 = vector.broadcast %get3A_74 : f32 to vector<784x128xf32>
    %mul3A_76 = arith.mulf %bitcast_convert_type3A_71, %mul3A_75 : vector<784x128xf32>
    %add3A_77 = arith.addf %broadcast_in_dim3A_42, %mul3A_76 : vector<784x128xf32>
    %get3A_78 = arith.constant 0 : index
    %get3A_79 = arith.constant 1 : index
    %get3A_80 = memref.load %arg3[%get3A_78, %get3A_79] : memref<2x64xf32, #tpu.memory_space<smem>>
    %mul3A_81 = vector.broadcast %get3A_80 : f32 to vector<784x128xf32>
    %mul3A_82 = arith.mulf %mul3A_20, %mul3A_81 : vector<784x128xf32>
    %get3A_83 = arith.constant 1 : index
    %get3A_84 = arith.constant 1 : index
    %get3A_85 = memref.load %arg3[%get3A_83, %get3A_84] : memref<2x64xf32, #tpu.memory_space<smem>>
    %mul3A_86 = vector.broadcast %get3A_85 : f32 to vector<784x128xf32>
    %mul3A_87 = arith.mulf %mul3A_41, %mul3A_86 : vector<784x128xf32>
    %add3A_88 = arith.addf %mul3A_82, %mul3A_87 : vector<784x128xf32>
    %get3A_89 = arith.constant 1 : index
    %get3A_90 = memref.load %arg4[%get3A_89] : memref<64xf32, #tpu.memory_space<smem>>
    %add3A_91 = vector.broadcast %get3A_90 : f32 to vector<784x128xf32>
    %add3A_92 = arith.addf %add3A_88, %add3A_91 : vector<784x128xf32>
    %max3A_93 = arith.constant 0.000000e+00 : f32
    %max3A_94 = vector.broadcast %max3A_93 : f32 to vector<784x128xf32>
    %max3A_95 = arith.maximumf %add3A_92, %max3A_94 : vector<784x128xf32>
    %bitcast_convert_type3A_96 = tpu.bitcast %max3A_95 : vector<784x128xf32> -> vector<784x128xi32>
    %add3A_97 = arith.constant 32767 : i32
    %add3A_98 = vector.broadcast %add3A_97 : i32 to vector<784x128xi32>
    %add3A_99 = arith.addi %bitcast_convert_type3A_96, %add3A_98 : vector<784x128xi32>
    %shift_right_logical3A_100 = arith.constant 16 : i32
    %shift_right_logical3A_101 = vector.broadcast %shift_right_logical3A_100 : i32 to vector<784x128xi32>
    %shift_right_logical3A_102 = arith.shrui %bitcast_convert_type3A_96, %shift_right_logical3A_101 : vector<784x128xi32>
    %and3A_103 = arith.constant 1 : i32
    %and3A_104 = vector.broadcast %and3A_103 : i32 to vector<784x128xi32>
    %and3A_105 = arith.andi %shift_right_logical3A_102, %and3A_104 : vector<784x128xi32>
    %add3A_106 = arith.addi %add3A_99, %and3A_105 : vector<784x128xi32>
    %and3A_107 = arith.constant -65536 : i32
    %and3A_108 = vector.broadcast %and3A_107 : i32 to vector<784x128xi32>
    %and3A_109 = arith.andi %add3A_106, %and3A_108 : vector<784x128xi32>
    %bitcast_convert_type3A_110 = tpu.bitcast %and3A_109 : vector<784x128xi32> -> vector<784x128xf32>
    %get3A_111 = arith.constant 1 : index
    %get3A_112 = arith.constant 0 : index
    %get3A_113 = memref.load %arg5[%get3A_111, %get3A_112] : memref<64x1xf32, #tpu.memory_space<smem>>
    %mul3A_114 = vector.broadcast %get3A_113 : f32 to vector<784x128xf32>
    %mul3A_115 = arith.mulf %bitcast_convert_type3A_110, %mul3A_114 : vector<784x128xf32>
    %add3A_116 = arith.addf %add3A_77, %mul3A_115 : vector<784x128xf32>
    %get3A_117 = arith.constant 0 : index
    %get3A_118 = arith.constant 2 : index
    %get3A_119 = memref.load %arg3[%get3A_117, %get3A_118] : memref<2x64xf32, #tpu.memory_space<smem>>
    %mul3A_120 = vector.broadcast %get3A_119 : f32 to vector<784x128xf32>
    %mul3A_121 = arith.mulf %mul3A_20, %mul3A_120 : vector<784x128xf32>
    %get3A_122 = arith.constant 1 : index
    %get3A_123 = arith.constant 2 : index
    %get3A_124 = memref.load %arg3[%get3A_122, %get3A_123] : memref<2x64xf32, #tpu.memory_space<smem>>
    %mul3A_125 = vector.broadcast %get3A_124 : f32 to vector<784x128xf32>
    %mul3A_126 = arith.mulf %mul3A_41, %mul3A_125 : vector<784x128xf32>
    %add3A_127 = arith.addf %mul3A_121, %mul3A_126 : vector<784x128xf32>
    %get3A_128 = arith.constant 2 : index
    %get3A_129 = memref.load %arg4[%get3A_128] : memref<64xf32, #tpu.memory_space<smem>>
    %add3A_130 = vector.broadcast %get3A_129 : f32 to vector<784x128xf32>
    %add3A_131 = arith.addf %add3A_127, %add3A_130 : vector<784x128xf32>
    %max3A_132 = arith.constant 0.000000e+00 : f32
    %max3A_133 = vector.broadcast %max3A_132 : f32 to vector<784x128xf32>
    %max3A_134 = arith.maximumf %add3A_131, %max3A_133 : vector<784x128xf32>
    %bitcast_convert_type3A_135 = tpu.bitcast %max3A_134 : vector<784x128xf32> -> vector<784x128xi32>
    %add3A_136 = arith.constant 32767 : i32
    %add3A_137 = vector.broadcast %add3A_136 : i32 to vector<784x128xi32>
    %add3A_138 = arith.addi %bitcast_convert_type3A_135, %add3A_137 : vector<784x128xi32>
    %shift_right_logical3A_139 = arith.constant 16 : i32
    %shift_right_logical3A_140 = vector.broadcast %shift_right_logical3A_139 : i32 to vector<784x128xi32>
    %shift_right_logical3A_141 = arith.shrui %bitcast_convert_type3A_135, %shift_right_logical3A_140 : vector<784x128xi32>
    %and3A_142 = arith.constant 1 : i32
    %and3A_143 = vector.broadcast %and3A_142 : i32 to vector<784x128xi32>
    %and3A_144 = arith.andi %shift_right_logical3A_141, %and3A_143 : vector<784x128xi32>
    %add3A_145 = arith.addi %add3A_138, %and3A_144 : vector<784x128xi32>
    %and3A_146 = arith.constant -65536 : i32
    %and3A_147 = vector.broadcast %and3A_146 : i32 to vector<784x128xi32>
    %and3A_148 = arith.andi %add3A_145, %and3A_147 : vector<784x128xi32>
    %bitcast_convert_type3A_149 = tpu.bitcast %and3A_148 : vector<784x128xi32> -> vector<784x128xf32>
    %get3A_150 = arith.constant 2 : index
    %get3A_151 = arith.constant 0 : index
    %get3A_152 = memref.load %arg5[%get3A_150, %get3A_151] : memref<64x1xf32, #tpu.memory_space<smem>>
    %mul3A_153 = vector.broadcast %get3A_152 : f32 to vector<784x128xf32>
    %mul3A_154 = arith.mulf %bitcast_convert_type3A_149, %mul3A_153 : vector<784x128xf32>
    %add3A_155 = arith.addf %add3A_116, %mul3A_154 : vector<784x128xf32>
    %get3A_156 = arith.constant 0 : index
    %get3A_157 = arith.constant 3 : index
    %get3A_158 = memref.load %arg3[%get3A_156, %get3A_157] : memref<2x64xf32, #tpu.memory_space<smem>>
    %mul3A_159 = vector.broadcast %get3A_158 : f32 to vector<784x128xf32>
    %mul3A_160 = arith.mulf %mul3A_20, %mul3A_159 : vector<784x128xf32>
    %get3A_161 = arith.constant 1 : index
    %get3A_162 = arith.constant 3 : index
    %get3A_163 = memref.load %arg3[%get3A_161, %get3A_162] : memref<2x64xf32, #tpu.memory_space<smem>>
    %mul3A_164 = vector.broadcast %get3A_163 : f32 to vector<784x128xf32>
    %mul3A_165 = arith.mulf %mul3A_41, %mul3A_164 : vector<784x128xf32>
    %add3A_166 = arith.addf %mul3A_160, %mul3A_165 : vector<784x128xf32>
    %get3A_167 = arith.constant 3 : index
    %get3A_168 = memref.load %arg4[%get3A_167] : memref<64xf32, #tpu.memory_space<smem>>
    %add3A_169 = vector.broadcast %get3A_168 : f32 to vector<784x128xf32>
    %add3A_170 = arith.addf %add3A_166, %add3A_169 : vector<784x128xf32>
    %max3A_171 = arith.constant 0.000000e+00 : f32
    %max3A_172 = vector.broadcast %max3A_171 : f32 to vector<784x128xf32>
    %max3A_173 = arith.maximumf %add3A_170, %max3A_172 : vector<784x128xf32>
    %bitcast_convert_type3A_174 = tpu.bitcast %max3A_173 : vector<784x128xf32> -> vector<784x128xi32>
    %add3A_175 = arith.constant 32767 : i32
    %add3A_176 = vector.broadcast %add3A_175 : i32 to vector<784x128xi32>
    %add3A_177 = arith.addi %bitcast_convert_type3A_174, %add3A_176 : vector<784x128xi32>
    %shift_right_logical3A_178 = arith.constant 16 : i32
    %shift_right_logical3A_179 = vector.broadcast %shift_right_logical3A_178 : i32 to vector<784x128xi32>
    %shift_right_logical3A_180 = arith.shrui %bitcast_convert_type3A_174, %shift_right_logical3A_179 : vector<784x128xi32>
    %and3A_181 = arith.constant 1 : i32
    %and3A_182 = vector.broadcast %and3A_181 : i32 to vector<784x128xi32>
    %and3A_183 = arith.andi %shift_right_logical3A_180, %and3A_182 : vector<784x128xi32>
    %add3A_184 = arith.addi %add3A_177, %and3A_183 : vector<784x128xi32>
    %and3A_185 = arith.constant -65536 : i32
    %and3A_186 = vector.broadcast %and3A_185 : i32 to vector<784x128xi32>
    %and3A_187 = arith.andi %add3A_184, %and3A_186 : vector<784x128xi32>
    %bitcast_convert_type3A_188 = tpu.bitcast %and3A_187 : vector<784x128xi32> -> vector<784x128xf32>
    %get3A_189 = arith.constant 3 : index
    %get3A_190 = arith.constant 0 : index
    %get3A_191 = memref.load %arg5[%get3A_189, %get3A_190] : memref<64x1xf32, #tpu.memory_space<smem>>
    %mul3A_192 = vector.broadcast %get3A_191 : f32 to vector<784x128xf32>
    %mul3A_193 = arith.mulf %bitcast_convert_type3A_188, %mul3A_192 : vector<784x128xf32>
    %add3A_194 = arith.addf %add3A_155, %mul3A_193 : vector<784x128xf32>
    %get3A_195 = arith.constant 0 : index
    %get3A_196 = arith.constant 4 : index
    %get3A_197 = memref.load %arg3[%get3A_195, %get3A_196] : memref<2x64xf32, #tpu.memory_space<smem>>
    %mul3A_198 = vector.broadcast %get3A_197 : f32 to vector<784x128xf32>
    %mul3A_199 = arith.mulf %mul3A_20, %mul3A_198 : vector<784x128xf32>
    %get3A_200 = arith.constant 1 : index
    %get3A_201 = arith.constant 4 : index
    %get3A_202 = memref.load %arg3[%get3A_200, %get3A_201] : memref<2x64xf32, #tpu.memory_space<smem>>
    %mul3A_203 = vector.broadcast %get3A_202 : f32 to vector<784x128xf32>
    %mul3A_204 = arith.mulf %mul3A_41, %mul3A_203 : vector<784x128xf32>
    %add3A_205 = arith.addf %mul3A_199, %mul3A_204 : vector<784x128xf32>
    %get3A_206 = arith.constant 4 : index
    %get3A_207 = memref.load %arg4[%get3A_206] : memref<64xf32, #tpu.memory_space<smem>>
    %add3A_208 = vector.broadcast %get3A_207 : f32 to vector<784x128xf32>
    %add3A_209 = arith.addf %add3A_205, %add3A_208 : vector<784x128xf32>
    %max3A_210 = arith.constant 0.000000e+00 : f32
    %max3A_211 = vector.broadcast %max3A_210 : f32 to vector<784x128xf32>
    %max3A_212 = arith.maximumf %add3A_209, %max3A_211 : vector<784x128xf32>
    %bitcast_convert_type3A_213 = tpu.bitcast %max3A_212 : vector<784x128xf32> -> vector<784x128xi32>
    %add3A_214 = arith.constant 32767 : i32
    %add3A_215 = vector.broadcast %add3A_214 : i32 to vector<784x128xi32>
    %add3A_216 = arith.addi %bitcast_convert_type3A_213, %add3A_215 : vector<784x128xi32>
    %shift_right_logical3A_217 = arith.constant 16 : i32
    %shift_right_logical3A_218 = vector.broadcast %shift_right_logical3A_217 : i32 to vector<784x128xi32>
    %shift_right_logical3A_219 = arith.shrui %bitcast_convert_type3A_213, %shift_right_logical3A_218 : vector<784x128xi32>
    %and3A_220 = arith.constant 1 : i32
    %and3A_221 = vector.broadcast %and3A_220 : i32 to vector<784x128xi32>
    %and3A_222 = arith.andi %shift_right_logical3A_219, %and3A_221 : vector<784x128xi32>
    %add3A_223 = arith.addi %add3A_216, %and3A_222 : vector<784x128xi32>
    %and3A_224 = arith.constant -65536 : i32
    %and3A_225 = vector.broadcast %and3A_224 : i32 to vector<784x128xi32>
    %and3A_226 = arith.andi %add3A_223, %and3A_225 : vector<784x128xi32>
    %bitcast_convert_type3A_227 = tpu.bitcast %and3A_226 : vector<784x128xi32> -> vector<784x128xf32>
    %get3A_228 = arith.constant 4 : index
    %get3A_229 = arith.constant 0 : index
    %get3A_230 = memref.load %arg5[%get3A_228, %get3A_229] : memref<64x1xf32, #tpu.memory_space<smem>>
    %mul3A_231 = vector.broadcast %get3A_230 : f32 to vector<784x128xf32>
    %mul3A_232 = arith.mulf %bitcast_convert_type3A_227, %mul3A_231 : vector<784x128xf32>
    %add3A_233 = arith.addf %add3A_194, %mul3A_232 : vector<784x128xf32>
    %get3A_234 = arith.constant 0 : index
    %get3A_235 = arith.constant 5 : index
    %get3A_236 = memref.load %arg3[%get3A_234, %get3A_235] : memref<2x64xf32, #tpu.memory_space<smem>>
    %mul3A_237 = vector.broadcast %get3A_236 : f32 to vector<784x128xf32>
    %mul3A_238 = arith.mulf %mul3A_20, %mul3A_237 : vector<784x128xf32>
    %get3A_239 = arith.constant 1 : index
    %get3A_240 = arith.constant 5 : index
    %get3A_241 = memref.load %arg3[%get3A_239, %get3A_240] : memref<2x64xf32, #tpu.memory_space<smem>>
    %mul3A_242 = vector.broadcast %get3A_241 : f32 to vector<784x128xf32>
    %mul3A_243 = arith.mulf %mul3A_41, %mul3A_242 : vector<784x128xf32>
    %add3A_244 = arith.addf %mul3A_238, %mul3A_243 : vector<784x128xf32>
    %get3A_245 = arith.constant 5 : index
    %get3A_246 = memref.load %arg4[%get3A_245] : memref<64xf32, #tpu.memory_space<smem>>
    %add3A_247 = vector.broadcast %get3A_246 : f32 to vector<784x128xf32>
    %add3A_248 = arith.addf %add3A_244, %add3A_247 : vector<784x128xf32>
    %max3A_249 = arith.constant 0.000000e+00 : f32
    %max3A_250 = vector.broadcast %max3A_249 : f32 to vector<784x128xf32>
    %max3A_251 = arith.maximumf %add3A_248, %max3A_250 : vector<784x128xf32>
    %bitcast_convert_type3A_252 = tpu.bitcast %max3A_251 : vector<784x128xf32> -> vector<784x128xi32>
    %add3A_253 = arith.constant 32767 : i32
    %add3A_254 = vector.broadcast %add3A_253 : i32 to vector<784x128xi32>
    %add3A_255 = arith.addi %bitcast_convert_type3A_252, %add3A_254 : vector<784x128xi32>
    %shift_right_logical3A_256 = arith.constant 16 : i32
    %shift_right_logical3A_257 = vector.broadcast %shift_right_logical3A_256 : i32 to vector<784x128xi32>
    %shift_right_logical3A_258 = arith.shrui %bitcast_convert_type3A_252, %shift_right_logical3A_257 : vector<784x128xi32>
    %and3A_259 = arith.constant 1 : i32
    %and3A_260 = vector.broadcast %and3A_259 : i32 to vector<784x128xi32>
    %and3A_261 = arith.andi %shift_right_logical3A_258, %and3A_260 : vector<784x128xi32>
    %add3A_262 = arith.addi %add3A_255, %and3A_261 : vector<784x128xi32>
    %and3A_263 = arith.constant -65536 : i32
    %and3A_264 = vector.broadcast %and3A_263 : i32 to vector<784x128xi32>
    %and3A_265 = arith.andi %add3A_262, %and3A_264 : vector<784x128xi32>
    %bitcast_convert_type3A_266 = tpu.bitcast %and3A_265 : vector<784x128xi32> -> vector<784x128xf32>
    %get3A_267 = arith.constant 5 : index
    %get3A_268 = arith.constant 0 : index
    %get3A_269 = memref.load %arg5[%get3A_267, %get3A_268] : memref<64x1xf32, #tpu.memory_space<smem>>
    %mul3A_270 = vector.broadcast %get3A_269 : f32 to vector<784x128xf32>
    %mul3A_271 = arith.mulf %bitcast_convert_type3A_266, %mul3A_270 : vector<784x128xf32>
    %add3A_272 = arith.addf %add3A_233, %mul3A_271 : vector<784x128xf32>
    %get3A_273 = arith.constant 0 : index
    %get3A_274 = arith.constant 6 : index
    %get3A_275 = memref.load %arg3[%get3A_273, %get3A_274] : memref<2x64xf32, #tpu.memory_space<smem>>
    %mul3A_276 = vector.broadcast %get3A_275 : f32 to vector<784x128xf32>
    %mul3A_277 = arith.mulf %mul3A_20, %mul3A_276 : vector<784x128xf32>
    %get3A_278 = arith.constant 1 : index
    %get3A_279 = arith.constant 6 : index
    %get3A_280 = memref.load %arg3[%get3A_278, %get3A_279] : memref<2x64xf32, #tpu.memory_space<smem>>
    %mul3A_281 = vector.broadcast %get3A_280 : f32 to vector<784x128xf32>
    %mul3A_282 = arith.mulf %mul3A_41, %mul3A_281 : vector<784x128xf32>
    %add3A_283 = arith.addf %mul3A_277, %mul3A_282 : vector<784x128xf32>
    %get3A_284 = arith.constant 6 : index
    %get3A_285 = memref.load %arg4[%get3A_284] : memref<64xf32, #tpu.memory_space<smem>>
    %add3A_286 = vector.broadcast %get3A_285 : f32 to vector<784x128xf32>
    %add3A_287 = arith.addf %add3A_283, %add3A_286 : vector<784x128xf32>
    %max3A_288 = arith.constant 0.000000e+00 : f32
    %max3A_289 = vector.broadcast %max3A_288 : f32 to vector<784x128xf32>
    %max3A_290 = arith.maximumf %add3A_287, %max3A_289 : vector<784x128xf32>
    %bitcast_convert_type3A_291 = tpu.bitcast %max3A_290 : vector<784x128xf32> -> vector<784x128xi32>
    %add3A_292 = arith.constant 32767 : i32
    %add3A_293 = vector.broadcast %add3A_292 : i32 to vector<784x128xi32>
    %add3A_294 = arith.addi %bitcast_convert_type3A_291, %add3A_293 : vector<784x128xi32>
    %shift_right_logical3A_295 = arith.constant 16 : i32
    %shift_right_logical3A_296 = vector.broadcast %shift_right_logical3A_295 : i32 to vector<784x128xi32>
    %shift_right_logical3A_297 = arith.shrui %bitcast_convert_type3A_291, %shift_right_logical3A_296 : vector<784x128xi32>
    %and3A_298 = arith.constant 1 : i32
    %and3A_299 = vector.broadcast %and3A_298 : i32 to vector<784x128xi32>
    %and3A_300 = arith.andi %shift_right_logical3A_297, %and3A_299 : vector<784x128xi32>
    %add3A_301 = arith.addi %add3A_294, %and3A_300 : vector<784x128xi32>
    %and3A_302 = arith.constant -65536 : i32
    %and3A_303 = vector.broadcast %and3A_302 : i32 to vector<784x128xi32>
    %and3A_304 = arith.andi %add3A_301, %and3A_303 : vector<784x128xi32>
    %bitcast_convert_type3A_305 = tpu.bitcast %and3A_304 : vector<784x128xi32> -> vector<784x128xf32>
    %get3A_306 = arith.constant 6 : index
    %get3A_307 = arith.constant 0 : index
    %get3A_308 = memref.load %arg5[%get3A_306, %get3A_307] : memref<64x1xf32, #tpu.memory_space<smem>>
    %mul3A_309 = vector.broadcast %get3A_308 : f32 to vector<784x128xf32>
    %mul3A_310 = arith.mulf %bitcast_convert_type3A_305, %mul3A_309 : vector<784x128xf32>
    %add3A_311 = arith.addf %add3A_272, %mul3A_310 : vector<784x128xf32>
    %get3A_312 = arith.constant 0 : index
    %get3A_313 = arith.constant 7 : index
    %get3A_314 = memref.load %arg3[%get3A_312, %get3A_313] : memref<2x64xf32, #tpu.memory_space<smem>>
    %mul3A_315 = vector.broadcast %get3A_314 : f32 to vector<784x128xf32>
    %mul3A_316 = arith.mulf %mul3A_20, %mul3A_315 : vector<784x128xf32>
    %get3A_317 = arith.constant 1 : index
    %get3A_318 = arith.constant 7 : index
    %get3A_319 = memref.load %arg3[%get3A_317, %get3A_318] : memref<2x64xf32, #tpu.memory_space<smem>>
    %mul3A_320 = vector.broadcast %get3A_319 : f32 to vector<784x128xf32>
    %mul3A_321 = arith.mulf %mul3A_41, %mul3A_320 : vector<784x128xf32>
    %add3A_322 = arith.addf %mul3A_316, %mul3A_321 : vector<784x128xf32>
    %get3A_323 = arith.constant 7 : index
    %get3A_324 = memref.load %arg4[%get3A_323] : memref<64xf32, #tpu.memory_space<smem>>
    %add3A_325 = vector.broadcast %get3A_324 : f32 to vector<784x128xf32>
    %add3A_326 = arith.addf %add3A_322, %add3A_325 : vector<784x128xf32>
    %max3A_327 = arith.constant 0.000000e+00 : f32
    %max3A_328 = vector.broadcast %max3A_327 : f32 to vector<784x128xf32>
    %max3A_329 = arith.maximumf %add3A_326, %max3A_328 : vector<784x128xf32>
    %bitcast_convert_type3A_330 = tpu.bitcast %max3A_329 : vector<784x128xf32> -> vector<784x128xi32>
    %add3A_331 = arith.constant 32767 : i32
    %add3A_332 = vector.broadcast %add3A_331 : i32 to vector<784x128xi32>
    %add3A_333 = arith.addi %bitcast_convert_type3A_330, %add3A_332 : vector<784x128xi32>
    %shift_right_logical3A_334 = arith.constant 16 : i32
    %shift_right_logical3A_335 = vector.broadcast %shift_right_logical3A_334 : i32 to vector<784x128xi32>
    %shift_right_logical3A_336 = arith.shrui %bitcast_convert_type3A_330, %shift_right_logical3A_335 : vector<784x128xi32>
    %and3A_337 = arith.constant 1 : i32
    %and3A_338 = vector.broadcast %and3A_337 : i32 to vector<784x128xi32>
    %and3A_339 = arith.andi %shift_right_logical3A_336, %and3A_338 : vector<784x128xi32>
    %add3A_340 = arith.addi %add3A_333, %and3A_339 : vector<784x128xi32>
    %and3A_341 = arith.constant -65536 : i32
    %and3A_342 = vector.broadcast %and3A_341 : i32 to vector<784x128xi32>
    %and3A_343 = arith.andi %add3A_340, %and3A_342 : vector<784x128xi32>
    %bitcast_convert_type3A_344 = tpu.bitcast %and3A_343 : vector<784x128xi32> -> vector<784x128xf32>
    %get3A_345 = arith.constant 7 : index
    %get3A_346 = arith.constant 0 : index
    %get3A_347 = memref.load %arg5[%get3A_345, %get3A_346] : memref<64x1xf32, #tpu.memory_space<smem>>
    %mul3A_348 = vector.broadcast %get3A_347 : f32 to vector<784x128xf32>
    %mul3A_349 = arith.mulf %bitcast_convert_type3A_344, %mul3A_348 : vector<784x128xf32>
    %add3A_350 = arith.addf %add3A_311, %mul3A_349 : vector<784x128xf32>
    %get3A_351 = arith.constant 0 : index
    %get3A_352 = arith.constant 8 : index
    %get3A_353 = memref.load %arg3[%get3A_351, %get3A_352] : memref<2x64xf32, #tpu.memory_space<smem>>
    %mul3A_354 = vector.broadcast %get3A_353 : f32 to vector<784x128xf32>
    %mul3A_355 = arith.mulf %mul3A_20, %mul3A_354 : vector<784x128xf32>
    %get3A_356 = arith.constant 1 : index
    %get3A_357 = arith.constant 8 : index
    %get3A_358 = memref.load %arg3[%get3A_356, %get3A_357] : memref<2x64xf32, #tpu.memory_space<smem>>
    %mul3A_359 = vector.broadcast %get3A_358 : f32 to vector<784x128xf32>
    %mul3A_360 = arith.mulf %mul3A_41, %mul3A_359 : vector<784x128xf32>
    %add3A_361 = arith.addf %mul3A_355, %mul3A_360 : vector<784x128xf32>
    %get3A_362 = arith.constant 8 : index
    %get3A_363 = memref.load %arg4[%get3A_362] : memref<64xf32, #tpu.memory_space<smem>>
    %add3A_364 = vector.broadcast %get3A_363 : f32 to vector<784x128xf32>
    %add3A_365 = arith.addf %add3A_361, %add3A_364 : vector<784x128xf32>
    %max3A_366 = arith.constant 0.000000e+00 : f32
    %max3A_367 = vector.broadcast %max3A_366 : f32 to vector<784x128xf32>
    %max3A_368 = arith.maximumf %add3A_365, %max3A_367 : vector<784x128xf32>
    %bitcast_convert_type3A_369 = tpu.bitcast %max3A_368 : vector<784x128xf32> -> vector<784x128xi32>
    %add3A_370 = arith.constant 32767 : i32
    %add3A_371 = vector.broadcast %add3A_370 : i32 to vector<784x128xi32>
    %add3A_372 = arith.addi %bitcast_convert_type3A_369, %add3A_371 : vector<784x128xi32>
    %shift_right_logical3A_373 = arith.constant 16 : i32
    %shift_right_logical3A_374 = vector.broadcast %shift_right_logical3A_373 : i32 to vector<784x128xi32>
    %shift_right_logical3A_375 = arith.shrui %bitcast_convert_type3A_369, %shift_right_logical3A_374 : vector<784x128xi32>
    %and3A_376 = arith.constant 1 : i32
    %and3A_377 = vector.broadcast %and3A_376 : i32 to vector<784x128xi32>
    %and3A_378 = arith.andi %shift_right_logical3A_375, %and3A_377 : vector<784x128xi32>
    %add3A_379 = arith.addi %add3A_372, %and3A_378 : vector<784x128xi32>
    %and3A_380 = arith.constant -65536 : i32
    %and3A_381 = vector.broadcast %and3A_380 : i32 to vector<784x128xi32>
    %and3A_382 = arith.andi %add3A_379, %and3A_381 : vector<784x128xi32>
    %bitcast_convert_type3A_383 = tpu.bitcast %and3A_382 : vector<784x128xi32> -> vector<784x128xf32>
    %get3A_384 = arith.constant 8 : index
    %get3A_385 = arith.constant 0 : index
    %get3A_386 = memref.load %arg5[%get3A_384, %get3A_385] : memref<64x1xf32, #tpu.memory_space<smem>>
    %mul3A_387 = vector.broadcast %get3A_386 : f32 to vector<784x128xf32>
    %mul3A_388 = arith.mulf %bitcast_convert_type3A_383, %mul3A_387 : vector<784x128xf32>
    %add3A_389 = arith.addf %add3A_350, %mul3A_388 : vector<784x128xf32>
    %get3A_390 = arith.constant 0 : index
    %get3A_391 = arith.constant 9 : index
    %get3A_392 = memref.load %arg3[%get3A_390, %get3A_391] : memref<2x64xf32, #tpu.memory_space<smem>>
    %mul3A_393 = vector.broadcast %get3A_392 : f32 to vector<784x128xf32>
    %mul3A_394 = arith.mulf %mul3A_20, %mul3A_393 : vector<784x128xf32>
    %get3A_395 = arith.constant 1 : index
    %get3A_396 = arith.constant 9 : index
    %get3A_397 = memref.load %arg3[%get3A_395, %get3A_396] : memref<2x64xf32, #tpu.memory_space<smem>>
    %mul3A_398 = vector.broadcast %get3A_397 : f32 to vector<784x128xf32>
    %mul3A_399 = arith.mulf %mul3A_41, %mul3A_398 : vector<784x128xf32>
    %add3A_400 = arith.addf %mul3A_394, %mul3A_399 : vector<784x128xf32>
    %get3A_401 = arith.constant 9 : index
    %get3A_402 = memref.load %arg4[%get3A_401] : memref<64xf32, #tpu.memory_space<smem>>
    %add3A_403 = vector.broadcast %get3A_402 : f32 to vector<784x128xf32>
    %add3A_404 = arith.addf %add3A_400, %add3A_403 : vector<784x128xf32>
    %max3A_405 = arith.constant 0.000000e+00 : f32
    %max3A_406 = vector.broadcast %max3A_405 : f32 to vector<784x128xf32>
    %max3A_407 = arith.maximumf %add3A_404, %max3A_406 : vector<784x128xf32>
    %bitcast_convert_type3A_408 = tpu.bitcast %max3A_407 : vector<784x128xf32> -> vector<784x128xi32>
    %add3A_409 = arith.constant 32767 : i32
    %add3A_410 = vector.broadcast %add3A_409 : i32 to vector<784x128xi32>
    %add3A_411 = arith.addi %bitcast_convert_type3A_408, %add3A_410 : vector<784x128xi32>
    %shift_right_logical3A_412 = arith.constant 16 : i32
    %shift_right_logical3A_413 = vector.broadcast %shift_right_logical3A_412 : i32 to vector<784x128xi32>
    %shift_right_logical3A_414 = arith.shrui %bitcast_convert_type3A_408, %shift_right_logical3A_413 : vector<784x128xi32>
    %and3A_415 = arith.constant 1 : i32
    %and3A_416 = vector.broadcast %and3A_415 : i32 to vector<784x128xi32>
    %and3A_417 = arith.andi %shift_right_logical3A_414, %and3A_416 : vector<784x128xi32>
    %add3A_418 = arith.addi %add3A_411, %and3A_417 : vector<784x128xi32>
    %and3A_419 = arith.constant -65536 : i32
    %and3A_420 = vector.broadcast %and3A_419 : i32 to vector<784x128xi32>
    %and3A_421 = arith.andi %add3A_418, %and3A_420 : vector<784x128xi32>
    %bitcast_convert_type3A_422 = tpu.bitcast %and3A_421 : vector<784x128xi32> -> vector<784x128xf32>
    %get3A_423 = arith.constant 9 : index
    %get3A_424 = arith.constant 0 : index
    %get3A_425 = memref.load %arg5[%get3A_423, %get3A_424] : memref<64x1xf32, #tpu.memory_space<smem>>
    %mul3A_426 = vector.broadcast %get3A_425 : f32 to vector<784x128xf32>
    %mul3A_427 = arith.mulf %bitcast_convert_type3A_422, %mul3A_426 : vector<784x128xf32>
    %add3A_428 = arith.addf %add3A_389, %mul3A_427 : vector<784x128xf32>
    %get3A_429 = arith.constant 0 : index
    %get3A_430 = arith.constant 10 : index
    %get3A_431 = memref.load %arg3[%get3A_429, %get3A_430] : memref<2x64xf32, #tpu.memory_space<smem>>
    %mul3A_432 = vector.broadcast %get3A_431 : f32 to vector<784x128xf32>
    %mul3A_433 = arith.mulf %mul3A_20, %mul3A_432 : vector<784x128xf32>
    %get3A_434 = arith.constant 1 : index
    %get3A_435 = arith.constant 10 : index
    %get3A_436 = memref.load %arg3[%get3A_434, %get3A_435] : memref<2x64xf32, #tpu.memory_space<smem>>
    %mul3A_437 = vector.broadcast %get3A_436 : f32 to vector<784x128xf32>
    %mul3A_438 = arith.mulf %mul3A_41, %mul3A_437 : vector<784x128xf32>
    %add3A_439 = arith.addf %mul3A_433, %mul3A_438 : vector<784x128xf32>
    %get3A_440 = arith.constant 10 : index
    %get3A_441 = memref.load %arg4[%get3A_440] : memref<64xf32, #tpu.memory_space<smem>>
    %add3A_442 = vector.broadcast %get3A_441 : f32 to vector<784x128xf32>
    %add3A_443 = arith.addf %add3A_439, %add3A_442 : vector<784x128xf32>
    %max3A_444 = arith.constant 0.000000e+00 : f32
    %max3A_445 = vector.broadcast %max3A_444 : f32 to vector<784x128xf32>
    %max3A_446 = arith.maximumf %add3A_443, %max3A_445 : vector<784x128xf32>
    %bitcast_convert_type3A_447 = tpu.bitcast %max3A_446 : vector<784x128xf32> -> vector<784x128xi32>
    %add3A_448 = arith.constant 32767 : i32
    %add3A_449 = vector.broadcast %add3A_448 : i32 to vector<784x128xi32>
    %add3A_450 = arith.addi %bitcast_convert_type3A_447, %add3A_449 : vector<784x128xi32>
    %shift_right_logical3A_451 = arith.constant 16 : i32
    %shift_right_logical3A_452 = vector.broadcast %shift_right_logical3A_451 : i32 to vector<784x128xi32>
    %shift_right_logical3A_453 = arith.shrui %bitcast_convert_type3A_447, %shift_right_logical3A_452 : vector<784x128xi32>
    %and3A_454 = arith.constant 1 : i32
    %and3A_455 = vector.broadcast %and3A_454 : i32 to vector<784x128xi32>
    %and3A_456 = arith.andi %shift_right_logical3A_453, %and3A_455 : vector<784x128xi32>
    %add3A_457 = arith.addi %add3A_450, %and3A_456 : vector<784x128xi32>
    %and3A_458 = arith.constant -65536 : i32
    %and3A_459 = vector.broadcast %and3A_458 : i32 to vector<784x128xi32>
    %and3A_460 = arith.andi %add3A_457, %and3A_459 : vector<784x128xi32>
    %bitcast_convert_type3A_461 = tpu.bitcast %and3A_460 : vector<784x128xi32> -> vector<784x128xf32>
    %get3A_462 = arith.constant 10 : index
    %get3A_463 = arith.constant 0 : index
    %get3A_464 = memref.load %arg5[%get3A_462, %get3A_463] : memref<64x1xf32, #tpu.memory_space<smem>>
    %mul3A_465 = vector.broadcast %get3A_464 : f32 to vector<784x128xf32>
    %mul3A_466 = arith.mulf %bitcast_convert_type3A_461, %mul3A_465 : vector<784x128xf32>
    %add3A_467 = arith.addf %add3A_428, %mul3A_466 : vector<784x128xf32>
    %get3A_468 = arith.constant 0 : index
    %get3A_469 = arith.constant 11 : index
    %get3A_470 = memref.load %arg3[%get3A_468, %get3A_469] : memref<2x64xf32, #tpu.memory_space<smem>>
    %mul3A_471 = vector.broadcast %get3A_470 : f32 to vector<784x128xf32>
    %mul3A_472 = arith.mulf %mul3A_20, %mul3A_471 : vector<784x128xf32>
    %get3A_473 = arith.constant 1 : index
    %get3A_474 = arith.constant 11 : index
    %get3A_475 = memref.load %arg3[%get3A_473, %get3A_474] : memref<2x64xf32, #tpu.memory_space<smem>>
    %mul3A_476 = vector.broadcast %get3A_475 : f32 to vector<784x128xf32>
    %mul3A_477 = arith.mulf %mul3A_41, %mul3A_476 : vector<784x128xf32>
    %add3A_478 = arith.addf %mul3A_472, %mul3A_477 : vector<784x128xf32>
    %get3A_479 = arith.constant 11 : index
    %get3A_480 = memref.load %arg4[%get3A_479] : memref<64xf32, #tpu.memory_space<smem>>
    %add3A_481 = vector.broadcast %get3A_480 : f32 to vector<784x128xf32>
    %add3A_482 = arith.addf %add3A_478, %add3A_481 : vector<784x128xf32>
    %max3A_483 = arith.constant 0.000000e+00 : f32
    %max3A_484 = vector.broadcast %max3A_483 : f32 to vector<784x128xf32>
    %max3A_485 = arith.maximumf %add3A_482, %max3A_484 : vector<784x128xf32>
    %bitcast_convert_type3A_486 = tpu.bitcast %max3A_485 : vector<784x128xf32> -> vector<784x128xi32>
    %add3A_487 = arith.constant 32767 : i32
    %add3A_488 = vector.broadcast %add3A_487 : i32 to vector<784x128xi32>
    %add3A_489 = arith.addi %bitcast_convert_type3A_486, %add3A_488 : vector<784x128xi32>
    %shift_right_logical3A_490 = arith.constant 16 : i32
    %shift_right_logical3A_491 = vector.broadcast %shift_right_logical3A_490 : i32 to vector<784x128xi32>
    %shift_right_logical3A_492 = arith.shrui %bitcast_convert_type3A_486, %shift_right_logical3A_491 : vector<784x128xi32>
    %and3A_493 = arith.constant 1 : i32
    %and3A_494 = vector.broadcast %and3A_493 : i32 to vector<784x128xi32>
    %and3A_495 = arith.andi %shift_right_logical3A_492, %and3A_494 : vector<784x128xi32>
    %add3A_496 = arith.addi %add3A_489, %and3A_495 : vector<784x128xi32>
    %and3A_497 = arith.constant -65536 : i32
    %and3A_498 = vector.broadcast %and3A_497 : i32 to vector<784x128xi32>
    %and3A_499 = arith.andi %add3A_496, %and3A_498 : vector<784x128xi32>
    %bitcast_convert_type3A_500 = tpu.bitcast %and3A_499 : vector<784x128xi32> -> vector<784x128xf32>
    %get3A_501 = arith.constant 11 : index
    %get3A_502 = arith.constant 0 : index
    %get3A_503 = memref.load %arg5[%get3A_501, %get3A_502] : memref<64x1xf32, #tpu.memory_space<smem>>
    %mul3A_504 = vector.broadcast %get3A_503 : f32 to vector<784x128xf32>
    %mul3A_505 = arith.mulf %bitcast_convert_type3A_500, %mul3A_504 : vector<784x128xf32>
    %add3A_506 = arith.addf %add3A_467, %mul3A_505 : vector<784x128xf32>
    %get3A_507 = arith.constant 0 : index
    %get3A_508 = arith.constant 12 : index
    %get3A_509 = memref.load %arg3[%get3A_507, %get3A_508] : memref<2x64xf32, #tpu.memory_space<smem>>
    %mul3A_510 = vector.broadcast %get3A_509 : f32 to vector<784x128xf32>
    %mul3A_511 = arith.mulf %mul3A_20, %mul3A_510 : vector<784x128xf32>
    %get3A_512 = arith.constant 1 : index
    %get3A_513 = arith.constant 12 : index
    %get3A_514 = memref.load %arg3[%get3A_512, %get3A_513] : memref<2x64xf32, #tpu.memory_space<smem>>
    %mul3A_515 = vector.broadcast %get3A_514 : f32 to vector<784x128xf32>
    %mul3A_516 = arith.mulf %mul3A_41, %mul3A_515 : vector<784x128xf32>
    %add3A_517 = arith.addf %mul3A_511, %mul3A_516 : vector<784x128xf32>
    %get3A_518 = arith.constant 12 : index
    %get3A_519 = memref.load %arg4[%get3A_518] : memref<64xf32, #tpu.memory_space<smem>>
    %add3A_520 = vector.broadcast %get3A_519 : f32 to vector<784x128xf32>
    %add3A_521 = arith.addf %add3A_517, %add3A_520 : vector<784x128xf32>
    %max3A_522 = arith.constant 0.000000e+00 : f32
    %max3A_523 = vector.broadcast %max3A_522 : f32 to vector<784x128xf32>
    %max3A_524 = arith.maximumf %add3A_521, %max3A_523 : vector<784x128xf32>
    %bitcast_convert_type3A_525 = tpu.bitcast %max3A_524 : vector<784x128xf32> -> vector<784x128xi32>
    %add3A_526 = arith.constant 32767 : i32
    %add3A_527 = vector.broadcast %add3A_526 : i32 to vector<784x128xi32>
    %add3A_528 = arith.addi %bitcast_convert_type3A_525, %add3A_527 : vector<784x128xi32>
    %shift_right_logical3A_529 = arith.constant 16 : i32
    %shift_right_logical3A_530 = vector.broadcast %shift_right_logical3A_529 : i32 to vector<784x128xi32>
    %shift_right_logical3A_531 = arith.shrui %bitcast_convert_type3A_525, %shift_right_logical3A_530 : vector<784x128xi32>
    %and3A_532 = arith.constant 1 : i32
    %and3A_533 = vector.broadcast %and3A_532 : i32 to vector<784x128xi32>
    %and3A_534 = arith.andi %shift_right_logical3A_531, %and3A_533 : vector<784x128xi32>
    %add3A_535 = arith.addi %add3A_528, %and3A_534 : vector<784x128xi32>
    %and3A_536 = arith.constant -65536 : i32
    %and3A_537 = vector.broadcast %and3A_536 : i32 to vector<784x128xi32>
    %and3A_538 = arith.andi %add3A_535, %and3A_537 : vector<784x128xi32>
    %bitcast_convert_type3A_539 = tpu.bitcast %and3A_538 : vector<784x128xi32> -> vector<784x128xf32>
    %get3A_540 = arith.constant 12 : index
    %get3A_541 = arith.constant 0 : index
    %get3A_542 = memref.load %arg5[%get3A_540, %get3A_541] : memref<64x1xf32, #tpu.memory_space<smem>>
    %mul3A_543 = vector.broadcast %get3A_542 : f32 to vector<784x128xf32>
    %mul3A_544 = arith.mulf %bitcast_convert_type3A_539, %mul3A_543 : vector<784x128xf32>
    %add3A_545 = arith.addf %add3A_506, %mul3A_544 : vector<784x128xf32>
    %get3A_546 = arith.constant 0 : index
    %get3A_547 = arith.constant 13 : index
    %get3A_548 = memref.load %arg3[%get3A_546, %get3A_547] : memref<2x64xf32, #tpu.memory_space<smem>>
    %mul3A_549 = vector.broadcast %get3A_548 : f32 to vector<784x128xf32>
    %mul3A_550 = arith.mulf %mul3A_20, %mul3A_549 : vector<784x128xf32>
    %get3A_551 = arith.constant 1 : index
    %get3A_552 = arith.constant 13 : index
    %get3A_553 = memref.load %arg3[%get3A_551, %get3A_552] : memref<2x64xf32, #tpu.memory_space<smem>>
    %mul3A_554 = vector.broadcast %get3A_553 : f32 to vector<784x128xf32>
    %mul3A_555 = arith.mulf %mul3A_41, %mul3A_554 : vector<784x128xf32>
    %add3A_556 = arith.addf %mul3A_550, %mul3A_555 : vector<784x128xf32>
    %get3A_557 = arith.constant 13 : index
    %get3A_558 = memref.load %arg4[%get3A_557] : memref<64xf32, #tpu.memory_space<smem>>
    %add3A_559 = vector.broadcast %get3A_558 : f32 to vector<784x128xf32>
    %add3A_560 = arith.addf %add3A_556, %add3A_559 : vector<784x128xf32>
    %max3A_561 = arith.constant 0.000000e+00 : f32
    %max3A_562 = vector.broadcast %max3A_561 : f32 to vector<784x128xf32>
    %max3A_563 = arith.maximumf %add3A_560, %max3A_562 : vector<784x128xf32>
    %bitcast_convert_type3A_564 = tpu.bitcast %max3A_563 : vector<784x128xf32> -> vector<784x128xi32>
    %add3A_565 = arith.constant 32767 : i32
    %add3A_566 = vector.broadcast %add3A_565 : i32 to vector<784x128xi32>
    %add3A_567 = arith.addi %bitcast_convert_type3A_564, %add3A_566 : vector<784x128xi32>
    %shift_right_logical3A_568 = arith.constant 16 : i32
    %shift_right_logical3A_569 = vector.broadcast %shift_right_logical3A_568 : i32 to vector<784x128xi32>
    %shift_right_logical3A_570 = arith.shrui %bitcast_convert_type3A_564, %shift_right_logical3A_569 : vector<784x128xi32>
    %and3A_571 = arith.constant 1 : i32
    %and3A_572 = vector.broadcast %and3A_571 : i32 to vector<784x128xi32>
    %and3A_573 = arith.andi %shift_right_logical3A_570, %and3A_572 : vector<784x128xi32>
    %add3A_574 = arith.addi %add3A_567, %and3A_573 : vector<784x128xi32>
    %and3A_575 = arith.constant -65536 : i32
    %and3A_576 = vector.broadcast %and3A_575 : i32 to vector<784x128xi32>
    %and3A_577 = arith.andi %add3A_574, %and3A_576 : vector<784x128xi32>
    %bitcast_convert_type3A_578 = tpu.bitcast %and3A_577 : vector<784x128xi32> -> vector<784x128xf32>
    %get3A_579 = arith.constant 13 : index
    %get3A_580 = arith.constant 0 : index
    %get3A_581 = memref.load %arg5[%get3A_579, %get3A_580] : memref<64x1xf32, #tpu.memory_space<smem>>
    %mul3A_582 = vector.broadcast %get3A_581 : f32 to vector<784x128xf32>
    %mul3A_583 = arith.mulf %bitcast_convert_type3A_578, %mul3A_582 : vector<784x128xf32>
    %add3A_584 = arith.addf %add3A_545, %mul3A_583 : vector<784x128xf32>
    %get3A_585 = arith.constant 0 : index
    %get3A_586 = arith.constant 14 : index
    %get3A_587 = memref.load %arg3[%get3A_585, %get3A_586] : memref<2x64xf32, #tpu.memory_space<smem>>
    %mul3A_588 = vector.broadcast %get3A_587 : f32 to vector<784x128xf32>
    %mul3A_589 = arith.mulf %mul3A_20, %mul3A_588 : vector<784x128xf32>
    %get3A_590 = arith.constant 1 : index
    %get3A_591 = arith.constant 14 : index
    %get3A_592 = memref.load %arg3[%get3A_590, %get3A_591] : memref<2x64xf32, #tpu.memory_space<smem>>
    %mul3A_593 = vector.broadcast %get3A_592 : f32 to vector<784x128xf32>
    %mul3A_594 = arith.mulf %mul3A_41, %mul3A_593 : vector<784x128xf32>
    %add3A_595 = arith.addf %mul3A_589, %mul3A_594 : vector<784x128xf32>
    %get3A_596 = arith.constant 14 : index
    %get3A_597 = memref.load %arg4[%get3A_596] : memref<64xf32, #tpu.memory_space<smem>>
    %add3A_598 = vector.broadcast %get3A_597 : f32 to vector<784x128xf32>
    %add3A_599 = arith.addf %add3A_595, %add3A_598 : vector<784x128xf32>
    %max3A_600 = arith.constant 0.000000e+00 : f32
    %max3A_601 = vector.broadcast %max3A_600 : f32 to vector<784x128xf32>
    %max3A_602 = arith.maximumf %add3A_599, %max3A_601 : vector<784x128xf32>
    %bitcast_convert_type3A_603 = tpu.bitcast %max3A_602 : vector<784x128xf32> -> vector<784x128xi32>
    %add3A_604 = arith.constant 32767 : i32
    %add3A_605 = vector.broadcast %add3A_604 : i32 to vector<784x128xi32>
    %add3A_606 = arith.addi %bitcast_convert_type3A_603, %add3A_605 : vector<784x128xi32>
    %shift_right_logical3A_607 = arith.constant 16 : i32
    %shift_right_logical3A_608 = vector.broadcast %shift_right_logical3A_607 : i32 to vector<784x128xi32>
    %shift_right_logical3A_609 = arith.shrui %bitcast_convert_type3A_603, %shift_right_logical3A_608 : vector<784x128xi32>
    %and3A_610 = arith.constant 1 : i32
    %and3A_611 = vector.broadcast %and3A_610 : i32 to vector<784x128xi32>
    %and3A_612 = arith.andi %shift_right_logical3A_609, %and3A_611 : vector<784x128xi32>
    %add3A_613 = arith.addi %add3A_606, %and3A_612 : vector<784x128xi32>
    %and3A_614 = arith.constant -65536 : i32
    %and3A_615 = vector.broadcast %and3A_614 : i32 to vector<784x128xi32>
    %and3A_616 = arith.andi %add3A_613, %and3A_615 : vector<784x128xi32>
    %bitcast_convert_type3A_617 = tpu.bitcast %and3A_616 : vector<784x128xi32> -> vector<784x128xf32>
    %get3A_618 = arith.constant 14 : index
    %get3A_619 = arith.constant 0 : index
    %get3A_620 = memref.load %arg5[%get3A_618, %get3A_619] : memref<64x1xf32, #tpu.memory_space<smem>>
    %mul3A_621 = vector.broadcast %get3A_620 : f32 to vector<784x128xf32>
    %mul3A_622 = arith.mulf %bitcast_convert_type3A_617, %mul3A_621 : vector<784x128xf32>
    %add3A_623 = arith.addf %add3A_584, %mul3A_622 : vector<784x128xf32>
    %get3A_624 = arith.constant 0 : index
    %get3A_625 = arith.constant 15 : index
    %get3A_626 = memref.load %arg3[%get3A_624, %get3A_625] : memref<2x64xf32, #tpu.memory_space<smem>>
    %mul3A_627 = vector.broadcast %get3A_626 : f32 to vector<784x128xf32>
    %mul3A_628 = arith.mulf %mul3A_20, %mul3A_627 : vector<784x128xf32>
    %get3A_629 = arith.constant 1 : index
    %get3A_630 = arith.constant 15 : index
    %get3A_631 = memref.load %arg3[%get3A_629, %get3A_630] : memref<2x64xf32, #tpu.memory_space<smem>>
    %mul3A_632 = vector.broadcast %get3A_631 : f32 to vector<784x128xf32>
    %mul3A_633 = arith.mulf %mul3A_41, %mul3A_632 : vector<784x128xf32>
    %add3A_634 = arith.addf %mul3A_628, %mul3A_633 : vector<784x128xf32>
    %get3A_635 = arith.constant 15 : index
    %get3A_636 = memref.load %arg4[%get3A_635] : memref<64xf32, #tpu.memory_space<smem>>
    %add3A_637 = vector.broadcast %get3A_636 : f32 to vector<784x128xf32>
    %add3A_638 = arith.addf %add3A_634, %add3A_637 : vector<784x128xf32>
    %max3A_639 = arith.constant 0.000000e+00 : f32
    %max3A_640 = vector.broadcast %max3A_639 : f32 to vector<784x128xf32>
    %max3A_641 = arith.maximumf %add3A_638, %max3A_640 : vector<784x128xf32>
    %bitcast_convert_type3A_642 = tpu.bitcast %max3A_641 : vector<784x128xf32> -> vector<784x128xi32>
    %add3A_643 = arith.constant 32767 : i32
    %add3A_644 = vector.broadcast %add3A_643 : i32 to vector<784x128xi32>
    %add3A_645 = arith.addi %bitcast_convert_type3A_642, %add3A_644 : vector<784x128xi32>
    %shift_right_logical3A_646 = arith.constant 16 : i32
    %shift_right_logical3A_647 = vector.broadcast %shift_right_logical3A_646 : i32 to vector<784x128xi32>
    %shift_right_logical3A_648 = arith.shrui %bitcast_convert_type3A_642, %shift_right_logical3A_647 : vector<784x128xi32>
    %and3A_649 = arith.constant 1 : i32
    %and3A_650 = vector.broadcast %and3A_649 : i32 to vector<784x128xi32>
    %and3A_651 = arith.andi %shift_right_logical3A_648, %and3A_650 : vector<784x128xi32>
    %add3A_652 = arith.addi %add3A_645, %and3A_651 : vector<784x128xi32>
    %and3A_653 = arith.constant -65536 : i32
    %and3A_654 = vector.broadcast %and3A_653 : i32 to vector<784x128xi32>
    %and3A_655 = arith.andi %add3A_652, %and3A_654 : vector<784x128xi32>
    %bitcast_convert_type3A_656 = tpu.bitcast %and3A_655 : vector<784x128xi32> -> vector<784x128xf32>
    %get3A_657 = arith.constant 15 : index
    %get3A_658 = arith.constant 0 : index
    %get3A_659 = memref.load %arg5[%get3A_657, %get3A_658] : memref<64x1xf32, #tpu.memory_space<smem>>
    %mul3A_660 = vector.broadcast %get3A_659 : f32 to vector<784x128xf32>
    %mul3A_661 = arith.mulf %bitcast_convert_type3A_656, %mul3A_660 : vector<784x128xf32>
    %add3A_662 = arith.addf %add3A_623, %mul3A_661 : vector<784x128xf32>
    %get3A_663 = arith.constant 0 : index
    %get3A_664 = arith.constant 16 : index
    %get3A_665 = memref.load %arg3[%get3A_663, %get3A_664] : memref<2x64xf32, #tpu.memory_space<smem>>
    %mul3A_666 = vector.broadcast %get3A_665 : f32 to vector<784x128xf32>
    %mul3A_667 = arith.mulf %mul3A_20, %mul3A_666 : vector<784x128xf32>
    %get3A_668 = arith.constant 1 : index
    %get3A_669 = arith.constant 16 : index
    %get3A_670 = memref.load %arg3[%get3A_668, %get3A_669] : memref<2x64xf32, #tpu.memory_space<smem>>
    %mul3A_671 = vector.broadcast %get3A_670 : f32 to vector<784x128xf32>
    %mul3A_672 = arith.mulf %mul3A_41, %mul3A_671 : vector<784x128xf32>
    %add3A_673 = arith.addf %mul3A_667, %mul3A_672 : vector<784x128xf32>
    %get3A_674 = arith.constant 16 : index
    %get3A_675 = memref.load %arg4[%get3A_674] : memref<64xf32, #tpu.memory_space<smem>>
    %add3A_676 = vector.broadcast %get3A_675 : f32 to vector<784x128xf32>
    %add3A_677 = arith.addf %add3A_673, %add3A_676 : vector<784x128xf32>
    %max3A_678 = arith.constant 0.000000e+00 : f32
    %max3A_679 = vector.broadcast %max3A_678 : f32 to vector<784x128xf32>
    %max3A_680 = arith.maximumf %add3A_677, %max3A_679 : vector<784x128xf32>
    %bitcast_convert_type3A_681 = tpu.bitcast %max3A_680 : vector<784x128xf32> -> vector<784x128xi32>
    %add3A_682 = arith.constant 32767 : i32
    %add3A_683 = vector.broadcast %add3A_682 : i32 to vector<784x128xi32>
    %add3A_684 = arith.addi %bitcast_convert_type3A_681, %add3A_683 : vector<784x128xi32>
    %shift_right_logical3A_685 = arith.constant 16 : i32
    %shift_right_logical3A_686 = vector.broadcast %shift_right_logical3A_685 : i32 to vector<784x128xi32>
    %shift_right_logical3A_687 = arith.shrui %bitcast_convert_type3A_681, %shift_right_logical3A_686 : vector<784x128xi32>
    %and3A_688 = arith.constant 1 : i32
    %and3A_689 = vector.broadcast %and3A_688 : i32 to vector<784x128xi32>
    %and3A_690 = arith.andi %shift_right_logical3A_687, %and3A_689 : vector<784x128xi32>
    %add3A_691 = arith.addi %add3A_684, %and3A_690 : vector<784x128xi32>
    %and3A_692 = arith.constant -65536 : i32
    %and3A_693 = vector.broadcast %and3A_692 : i32 to vector<784x128xi32>
    %and3A_694 = arith.andi %add3A_691, %and3A_693 : vector<784x128xi32>
    %bitcast_convert_type3A_695 = tpu.bitcast %and3A_694 : vector<784x128xi32> -> vector<784x128xf32>
    %get3A_696 = arith.constant 16 : index
    %get3A_697 = arith.constant 0 : index
    %get3A_698 = memref.load %arg5[%get3A_696, %get3A_697] : memref<64x1xf32, #tpu.memory_space<smem>>
    %mul3A_699 = vector.broadcast %get3A_698 : f32 to vector<784x128xf32>
    %mul3A_700 = arith.mulf %bitcast_convert_type3A_695, %mul3A_699 : vector<784x128xf32>
    %add3A_701 = arith.addf %add3A_662, %mul3A_700 : vector<784x128xf32>
    %get3A_702 = arith.constant 0 : index
    %get3A_703 = arith.constant 17 : index
    %get3A_704 = memref.load %arg3[%get3A_702, %get3A_703] : memref<2x64xf32, #tpu.memory_space<smem>>
    %mul3A_705 = vector.broadcast %get3A_704 : f32 to vector<784x128xf32>
    %mul3A_706 = arith.mulf %mul3A_20, %mul3A_705 : vector<784x128xf32>
    %get3A_707 = arith.constant 1 : index
    %get3A_708 = arith.constant 17 : index
    %get3A_709 = memref.load %arg3[%get3A_707, %get3A_708] : memref<2x64xf32, #tpu.memory_space<smem>>
    %mul3A_710 = vector.broadcast %get3A_709 : f32 to vector<784x128xf32>
    %mul3A_711 = arith.mulf %mul3A_41, %mul3A_710 : vector<784x128xf32>
    %add3A_712 = arith.addf %mul3A_706, %mul3A_711 : vector<784x128xf32>
    %get3A_713 = arith.constant 17 : index
    %get3A_714 = memref.load %arg4[%get3A_713] : memref<64xf32, #tpu.memory_space<smem>>
    %add3A_715 = vector.broadcast %get3A_714 : f32 to vector<784x128xf32>
    %add3A_716 = arith.addf %add3A_712, %add3A_715 : vector<784x128xf32>
    %max3A_717 = arith.constant 0.000000e+00 : f32
    %max3A_718 = vector.broadcast %max3A_717 : f32 to vector<784x128xf32>
    %max3A_719 = arith.maximumf %add3A_716, %max3A_718 : vector<784x128xf32>
    %bitcast_convert_type3A_720 = tpu.bitcast %max3A_719 : vector<784x128xf32> -> vector<784x128xi32>
    %add3A_721 = arith.constant 32767 : i32
    %add3A_722 = vector.broadcast %add3A_721 : i32 to vector<784x128xi32>
    %add3A_723 = arith.addi %bitcast_convert_type3A_720, %add3A_722 : vector<784x128xi32>
    %shift_right_logical3A_724 = arith.constant 16 : i32
    %shift_right_logical3A_725 = vector.broadcast %shift_right_logical3A_724 : i32 to vector<784x128xi32>
    %shift_right_logical3A_726 = arith.shrui %bitcast_convert_type3A_720, %shift_right_logical3A_725 : vector<784x128xi32>
    %and3A_727 = arith.constant 1 : i32
    %and3A_728 = vector.broadcast %and3A_727 : i32 to vector<784x128xi32>
    %and3A_729 = arith.andi %shift_right_logical3A_726, %and3A_728 : vector<784x128xi32>
    %add3A_730 = arith.addi %add3A_723, %and3A_729 : vector<784x128xi32>
    %and3A_731 = arith.constant -65536 : i32
    %and3A_732 = vector.broadcast %and3A_731 : i32 to vector<784x128xi32>
    %and3A_733 = arith.andi %add3A_730, %and3A_732 : vector<784x128xi32>
    %bitcast_convert_type3A_734 = tpu.bitcast %and3A_733 : vector<784x128xi32> -> vector<784x128xf32>
    %get3A_735 = arith.constant 17 : index
    %get3A_736 = arith.constant 0 : index
    %get3A_737 = memref.load %arg5[%get3A_735, %get3A_736] : memref<64x1xf32, #tpu.memory_space<smem>>
    %mul3A_738 = vector.broadcast %get3A_737 : f32 to vector<784x128xf32>
    %mul3A_739 = arith.mulf %bitcast_convert_type3A_734, %mul3A_738 : vector<784x128xf32>
    %add3A_740 = arith.addf %add3A_701, %mul3A_739 : vector<784x128xf32>
    %get3A_741 = arith.constant 0 : index
    %get3A_742 = arith.constant 18 : index
    %get3A_743 = memref.load %arg3[%get3A_741, %get3A_742] : memref<2x64xf32, #tpu.memory_space<smem>>
    %mul3A_744 = vector.broadcast %get3A_743 : f32 to vector<784x128xf32>
    %mul3A_745 = arith.mulf %mul3A_20, %mul3A_744 : vector<784x128xf32>
    %get3A_746 = arith.constant 1 : index
    %get3A_747 = arith.constant 18 : index
    %get3A_748 = memref.load %arg3[%get3A_746, %get3A_747] : memref<2x64xf32, #tpu.memory_space<smem>>
    %mul3A_749 = vector.broadcast %get3A_748 : f32 to vector<784x128xf32>
    %mul3A_750 = arith.mulf %mul3A_41, %mul3A_749 : vector<784x128xf32>
    %add3A_751 = arith.addf %mul3A_745, %mul3A_750 : vector<784x128xf32>
    %get3A_752 = arith.constant 18 : index
    %get3A_753 = memref.load %arg4[%get3A_752] : memref<64xf32, #tpu.memory_space<smem>>
    %add3A_754 = vector.broadcast %get3A_753 : f32 to vector<784x128xf32>
    %add3A_755 = arith.addf %add3A_751, %add3A_754 : vector<784x128xf32>
    %max3A_756 = arith.constant 0.000000e+00 : f32
    %max3A_757 = vector.broadcast %max3A_756 : f32 to vector<784x128xf32>
    %max3A_758 = arith.maximumf %add3A_755, %max3A_757 : vector<784x128xf32>
    %bitcast_convert_type3A_759 = tpu.bitcast %max3A_758 : vector<784x128xf32> -> vector<784x128xi32>
    %add3A_760 = arith.constant 32767 : i32
    %add3A_761 = vector.broadcast %add3A_760 : i32 to vector<784x128xi32>
    %add3A_762 = arith.addi %bitcast_convert_type3A_759, %add3A_761 : vector<784x128xi32>
    %shift_right_logical3A_763 = arith.constant 16 : i32
    %shift_right_logical3A_764 = vector.broadcast %shift_right_logical3A_763 : i32 to vector<784x128xi32>
    %shift_right_logical3A_765 = arith.shrui %bitcast_convert_type3A_759, %shift_right_logical3A_764 : vector<784x128xi32>
    %and3A_766 = arith.constant 1 : i32
    %and3A_767 = vector.broadcast %and3A_766 : i32 to vector<784x128xi32>
    %and3A_768 = arith.andi %shift_right_logical3A_765, %and3A_767 : vector<784x128xi32>
    %add3A_769 = arith.addi %add3A_762, %and3A_768 : vector<784x128xi32>
    %and3A_770 = arith.constant -65536 : i32
    %and3A_771 = vector.broadcast %and3A_770 : i32 to vector<784x128xi32>
    %and3A_772 = arith.andi %add3A_769, %and3A_771 : vector<784x128xi32>
    %bitcast_convert_type3A_773 = tpu.bitcast %and3A_772 : vector<784x128xi32> -> vector<784x128xf32>
    %get3A_774 = arith.constant 18 : index
    %get3A_775 = arith.constant 0 : index
    %get3A_776 = memref.load %arg5[%get3A_774, %get3A_775] : memref<64x1xf32, #tpu.memory_space<smem>>
    %mul3A_777 = vector.broadcast %get3A_776 : f32 to vector<784x128xf32>
    %mul3A_778 = arith.mulf %bitcast_convert_type3A_773, %mul3A_777 : vector<784x128xf32>
    %add3A_779 = arith.addf %add3A_740, %mul3A_778 : vector<784x128xf32>
    %get3A_780 = arith.constant 0 : index
    %get3A_781 = arith.constant 19 : index
    %get3A_782 = memref.load %arg3[%get3A_780, %get3A_781] : memref<2x64xf32, #tpu.memory_space<smem>>
    %mul3A_783 = vector.broadcast %get3A_782 : f32 to vector<784x128xf32>
    %mul3A_784 = arith.mulf %mul3A_20, %mul3A_783 : vector<784x128xf32>
    %get3A_785 = arith.constant 1 : index
    %get3A_786 = arith.constant 19 : index
    %get3A_787 = memref.load %arg3[%get3A_785, %get3A_786] : memref<2x64xf32, #tpu.memory_space<smem>>
    %mul3A_788 = vector.broadcast %get3A_787 : f32 to vector<784x128xf32>
    %mul3A_789 = arith.mulf %mul3A_41, %mul3A_788 : vector<784x128xf32>
    %add3A_790 = arith.addf %mul3A_784, %mul3A_789 : vector<784x128xf32>
    %get3A_791 = arith.constant 19 : index
    %get3A_792 = memref.load %arg4[%get3A_791] : memref<64xf32, #tpu.memory_space<smem>>
    %add3A_793 = vector.broadcast %get3A_792 : f32 to vector<784x128xf32>
    %add3A_794 = arith.addf %add3A_790, %add3A_793 : vector<784x128xf32>
    %max3A_795 = arith.constant 0.000000e+00 : f32
    %max3A_796 = vector.broadcast %max3A_795 : f32 to vector<784x128xf32>
    %max3A_797 = arith.maximumf %add3A_794, %max3A_796 : vector<784x128xf32>
    %bitcast_convert_type3A_798 = tpu.bitcast %max3A_797 : vector<784x128xf32> -> vector<784x128xi32>
    %add3A_799 = arith.constant 32767 : i32
    %add3A_800 = vector.broadcast %add3A_799 : i32 to vector<784x128xi32>
    %add3A_801 = arith.addi %bitcast_convert_type3A_798, %add3A_800 : vector<784x128xi32>
    %shift_right_logical3A_802 = arith.constant 16 : i32
    %shift_right_logical3A_803 = vector.broadcast %shift_right_logical3A_802 : i32 to vector<784x128xi32>
    %shift_right_logical3A_804 = arith.shrui %bitcast_convert_type3A_798, %shift_right_logical3A_803 : vector<784x128xi32>
    %and3A_805 = arith.constant 1 : i32
    %and3A_806 = vector.broadcast %and3A_805 : i32 to vector<784x128xi32>
    %and3A_807 = arith.andi %shift_right_logical3A_804, %and3A_806 : vector<784x128xi32>
    %add3A_808 = arith.addi %add3A_801, %and3A_807 : vector<784x128xi32>
    %and3A_809 = arith.constant -65536 : i32
    %and3A_810 = vector.broadcast %and3A_809 : i32 to vector<784x128xi32>
    %and3A_811 = arith.andi %add3A_808, %and3A_810 : vector<784x128xi32>
    %bitcast_convert_type3A_812 = tpu.bitcast %and3A_811 : vector<784x128xi32> -> vector<784x128xf32>
    %get3A_813 = arith.constant 19 : index
    %get3A_814 = arith.constant 0 : index
    %get3A_815 = memref.load %arg5[%get3A_813, %get3A_814] : memref<64x1xf32, #tpu.memory_space<smem>>
    %mul3A_816 = vector.broadcast %get3A_815 : f32 to vector<784x128xf32>
    %mul3A_817 = arith.mulf %bitcast_convert_type3A_812, %mul3A_816 : vector<784x128xf32>
    %add3A_818 = arith.addf %add3A_779, %mul3A_817 : vector<784x128xf32>
    %get3A_819 = arith.constant 0 : index
    %get3A_820 = arith.constant 20 : index
    %get3A_821 = memref.load %arg3[%get3A_819, %get3A_820] : memref<2x64xf32, #tpu.memory_space<smem>>
    %mul3A_822 = vector.broadcast %get3A_821 : f32 to vector<784x128xf32>
    %mul3A_823 = arith.mulf %mul3A_20, %mul3A_822 : vector<784x128xf32>
    %get3A_824 = arith.constant 1 : index
    %get3A_825 = arith.constant 20 : index
    %get3A_826 = memref.load %arg3[%get3A_824, %get3A_825] : memref<2x64xf32, #tpu.memory_space<smem>>
    %mul3A_827 = vector.broadcast %get3A_826 : f32 to vector<784x128xf32>
    %mul3A_828 = arith.mulf %mul3A_41, %mul3A_827 : vector<784x128xf32>
    %add3A_829 = arith.addf %mul3A_823, %mul3A_828 : vector<784x128xf32>
    %get3A_830 = arith.constant 20 : index
    %get3A_831 = memref.load %arg4[%get3A_830] : memref<64xf32, #tpu.memory_space<smem>>
    %add3A_832 = vector.broadcast %get3A_831 : f32 to vector<784x128xf32>
    %add3A_833 = arith.addf %add3A_829, %add3A_832 : vector<784x128xf32>
    %max3A_834 = arith.constant 0.000000e+00 : f32
    %max3A_835 = vector.broadcast %max3A_834 : f32 to vector<784x128xf32>
    %max3A_836 = arith.maximumf %add3A_833, %max3A_835 : vector<784x128xf32>
    %bitcast_convert_type3A_837 = tpu.bitcast %max3A_836 : vector<784x128xf32> -> vector<784x128xi32>
    %add3A_838 = arith.constant 32767 : i32
    %add3A_839 = vector.broadcast %add3A_838 : i32 to vector<784x128xi32>
    %add3A_840 = arith.addi %bitcast_convert_type3A_837, %add3A_839 : vector<784x128xi32>
    %shift_right_logical3A_841 = arith.constant 16 : i32
    %shift_right_logical3A_842 = vector.broadcast %shift_right_logical3A_841 : i32 to vector<784x128xi32>
    %shift_right_logical3A_843 = arith.shrui %bitcast_convert_type3A_837, %shift_right_logical3A_842 : vector<784x128xi32>
    %and3A_844 = arith.constant 1 : i32
    %and3A_845 = vector.broadcast %and3A_844 : i32 to vector<784x128xi32>
    %and3A_846 = arith.andi %shift_right_logical3A_843, %and3A_845 : vector<784x128xi32>
    %add3A_847 = arith.addi %add3A_840, %and3A_846 : vector<784x128xi32>
    %and3A_848 = arith.constant -65536 : i32
    %and3A_849 = vector.broadcast %and3A_848 : i32 to vector<784x128xi32>
    %and3A_850 = arith.andi %add3A_847, %and3A_849 : vector<784x128xi32>
    %bitcast_convert_type3A_851 = tpu.bitcast %and3A_850 : vector<784x128xi32> -> vector<784x128xf32>
    %get3A_852 = arith.constant 20 : index
    %get3A_853 = arith.constant 0 : index
    %get3A_854 = memref.load %arg5[%get3A_852, %get3A_853] : memref<64x1xf32, #tpu.memory_space<smem>>
    %mul3A_855 = vector.broadcast %get3A_854 : f32 to vector<784x128xf32>
    %mul3A_856 = arith.mulf %bitcast_convert_type3A_851, %mul3A_855 : vector<784x128xf32>
    %add3A_857 = arith.addf %add3A_818, %mul3A_856 : vector<784x128xf32>
    %get3A_858 = arith.constant 0 : index
    %get3A_859 = arith.constant 21 : index
    %get3A_860 = memref.load %arg3[%get3A_858, %get3A_859] : memref<2x64xf32, #tpu.memory_space<smem>>
    %mul3A_861 = vector.broadcast %get3A_860 : f32 to vector<784x128xf32>
    %mul3A_862 = arith.mulf %mul3A_20, %mul3A_861 : vector<784x128xf32>
    %get3A_863 = arith.constant 1 : index
    %get3A_864 = arith.constant 21 : index
    %get3A_865 = memref.load %arg3[%get3A_863, %get3A_864] : memref<2x64xf32, #tpu.memory_space<smem>>
    %mul3A_866 = vector.broadcast %get3A_865 : f32 to vector<784x128xf32>
    %mul3A_867 = arith.mulf %mul3A_41, %mul3A_866 : vector<784x128xf32>
    %add3A_868 = arith.addf %mul3A_862, %mul3A_867 : vector<784x128xf32>
    %get3A_869 = arith.constant 21 : index
    %get3A_870 = memref.load %arg4[%get3A_869] : memref<64xf32, #tpu.memory_space<smem>>
    %add3A_871 = vector.broadcast %get3A_870 : f32 to vector<784x128xf32>
    %add3A_872 = arith.addf %add3A_868, %add3A_871 : vector<784x128xf32>
    %max3A_873 = arith.constant 0.000000e+00 : f32
    %max3A_874 = vector.broadcast %max3A_873 : f32 to vector<784x128xf32>
    %max3A_875 = arith.maximumf %add3A_872, %max3A_874 : vector<784x128xf32>
    %bitcast_convert_type3A_876 = tpu.bitcast %max3A_875 : vector<784x128xf32> -> vector<784x128xi32>
    %add3A_877 = arith.constant 32767 : i32
    %add3A_878 = vector.broadcast %add3A_877 : i32 to vector<784x128xi32>
    %add3A_879 = arith.addi %bitcast_convert_type3A_876, %add3A_878 : vector<784x128xi32>
    %shift_right_logical3A_880 = arith.constant 16 : i32
    %shift_right_logical3A_881 = vector.broadcast %shift_right_logical3A_880 : i32 to vector<784x128xi32>
    %shift_right_logical3A_882 = arith.shrui %bitcast_convert_type3A_876, %shift_right_logical3A_881 : vector<784x128xi32>
    %and3A_883 = arith.constant 1 : i32
    %and3A_884 = vector.broadcast %and3A_883 : i32 to vector<784x128xi32>
    %and3A_885 = arith.andi %shift_right_logical3A_882, %and3A_884 : vector<784x128xi32>
    %add3A_886 = arith.addi %add3A_879, %and3A_885 : vector<784x128xi32>
    %and3A_887 = arith.constant -65536 : i32
    %and3A_888 = vector.broadcast %and3A_887 : i32 to vector<784x128xi32>
    %and3A_889 = arith.andi %add3A_886, %and3A_888 : vector<784x128xi32>
    %bitcast_convert_type3A_890 = tpu.bitcast %and3A_889 : vector<784x128xi32> -> vector<784x128xf32>
    %get3A_891 = arith.constant 21 : index
    %get3A_892 = arith.constant 0 : index
    %get3A_893 = memref.load %arg5[%get3A_891, %get3A_892] : memref<64x1xf32, #tpu.memory_space<smem>>
    %mul3A_894 = vector.broadcast %get3A_893 : f32 to vector<784x128xf32>
    %mul3A_895 = arith.mulf %bitcast_convert_type3A_890, %mul3A_894 : vector<784x128xf32>
    %add3A_896 = arith.addf %add3A_857, %mul3A_895 : vector<784x128xf32>
    %get3A_897 = arith.constant 0 : index
    %get3A_898 = arith.constant 22 : index
    %get3A_899 = memref.load %arg3[%get3A_897, %get3A_898] : memref<2x64xf32, #tpu.memory_space<smem>>
    %mul3A_900 = vector.broadcast %get3A_899 : f32 to vector<784x128xf32>
    %mul3A_901 = arith.mulf %mul3A_20, %mul3A_900 : vector<784x128xf32>
    %get3A_902 = arith.constant 1 : index
    %get3A_903 = arith.constant 22 : index
    %get3A_904 = memref.load %arg3[%get3A_902, %get3A_903] : memref<2x64xf32, #tpu.memory_space<smem>>
    %mul3A_905 = vector.broadcast %get3A_904 : f32 to vector<784x128xf32>
    %mul3A_906 = arith.mulf %mul3A_41, %mul3A_905 : vector<784x128xf32>
    %add3A_907 = arith.addf %mul3A_901, %mul3A_906 : vector<784x128xf32>
    %get3A_908 = arith.constant 22 : index
    %get3A_909 = memref.load %arg4[%get3A_908] : memref<64xf32, #tpu.memory_space<smem>>
    %add3A_910 = vector.broadcast %get3A_909 : f32 to vector<784x128xf32>
    %add3A_911 = arith.addf %add3A_907, %add3A_910 : vector<784x128xf32>
    %max3A_912 = arith.constant 0.000000e+00 : f32
    %max3A_913 = vector.broadcast %max3A_912 : f32 to vector<784x128xf32>
    %max3A_914 = arith.maximumf %add3A_911, %max3A_913 : vector<784x128xf32>
    %bitcast_convert_type3A_915 = tpu.bitcast %max3A_914 : vector<784x128xf32> -> vector<784x128xi32>
    %add3A_916 = arith.constant 32767 : i32
    %add3A_917 = vector.broadcast %add3A_916 : i32 to vector<784x128xi32>
    %add3A_918 = arith.addi %bitcast_convert_type3A_915, %add3A_917 : vector<784x128xi32>
    %shift_right_logical3A_919 = arith.constant 16 : i32
    %shift_right_logical3A_920 = vector.broadcast %shift_right_logical3A_919 : i32 to vector<784x128xi32>
    %shift_right_logical3A_921 = arith.shrui %bitcast_convert_type3A_915, %shift_right_logical3A_920 : vector<784x128xi32>
    %and3A_922 = arith.constant 1 : i32
    %and3A_923 = vector.broadcast %and3A_922 : i32 to vector<784x128xi32>
    %and3A_924 = arith.andi %shift_right_logical3A_921, %and3A_923 : vector<784x128xi32>
    %add3A_925 = arith.addi %add3A_918, %and3A_924 : vector<784x128xi32>
    %and3A_926 = arith.constant -65536 : i32
    %and3A_927 = vector.broadcast %and3A_926 : i32 to vector<784x128xi32>
    %and3A_928 = arith.andi %add3A_925, %and3A_927 : vector<784x128xi32>
    %bitcast_convert_type3A_929 = tpu.bitcast %and3A_928 : vector<784x128xi32> -> vector<784x128xf32>
    %get3A_930 = arith.constant 22 : index
    %get3A_931 = arith.constant 0 : index
    %get3A_932 = memref.load %arg5[%get3A_930, %get3A_931] : memref<64x1xf32, #tpu.memory_space<smem>>
    %mul3A_933 = vector.broadcast %get3A_932 : f32 to vector<784x128xf32>
    %mul3A_934 = arith.mulf %bitcast_convert_type3A_929, %mul3A_933 : vector<784x128xf32>
    %add3A_935 = arith.addf %add3A_896, %mul3A_934 : vector<784x128xf32>
    %get3A_936 = arith.constant 0 : index
    %get3A_937 = arith.constant 23 : index
    %get3A_938 = memref.load %arg3[%get3A_936, %get3A_937] : memref<2x64xf32, #tpu.memory_space<smem>>
    %mul3A_939 = vector.broadcast %get3A_938 : f32 to vector<784x128xf32>
    %mul3A_940 = arith.mulf %mul3A_20, %mul3A_939 : vector<784x128xf32>
    %get3A_941 = arith.constant 1 : index
    %get3A_942 = arith.constant 23 : index
    %get3A_943 = memref.load %arg3[%get3A_941, %get3A_942] : memref<2x64xf32, #tpu.memory_space<smem>>
    %mul3A_944 = vector.broadcast %get3A_943 : f32 to vector<784x128xf32>
    %mul3A_945 = arith.mulf %mul3A_41, %mul3A_944 : vector<784x128xf32>
    %add3A_946 = arith.addf %mul3A_940, %mul3A_945 : vector<784x128xf32>
    %get3A_947 = arith.constant 23 : index
    %get3A_948 = memref.load %arg4[%get3A_947] : memref<64xf32, #tpu.memory_space<smem>>
    %add3A_949 = vector.broadcast %get3A_948 : f32 to vector<784x128xf32>
    %add3A_950 = arith.addf %add3A_946, %add3A_949 : vector<784x128xf32>
    %max3A_951 = arith.constant 0.000000e+00 : f32
    %max3A_952 = vector.broadcast %max3A_951 : f32 to vector<784x128xf32>
    %max3A_953 = arith.maximumf %add3A_950, %max3A_952 : vector<784x128xf32>
    %bitcast_convert_type3A_954 = tpu.bitcast %max3A_953 : vector<784x128xf32> -> vector<784x128xi32>
    %add3A_955 = arith.constant 32767 : i32
    %add3A_956 = vector.broadcast %add3A_955 : i32 to vector<784x128xi32>
    %add3A_957 = arith.addi %bitcast_convert_type3A_954, %add3A_956 : vector<784x128xi32>
    %shift_right_logical3A_958 = arith.constant 16 : i32
    %shift_right_logical3A_959 = vector.broadcast %shift_right_logical3A_958 : i32 to vector<784x128xi32>
    %shift_right_logical3A_960 = arith.shrui %bitcast_convert_type3A_954, %shift_right_logical3A_959 : vector<784x128xi32>
    %and3A_961 = arith.constant 1 : i32
    %and3A_962 = vector.broadcast %and3A_961 : i32 to vector<784x128xi32>
    %and3A_963 = arith.andi %shift_right_logical3A_960, %and3A_962 : vector<784x128xi32>
    %add3A_964 = arith.addi %add3A_957, %and3A_963 : vector<784x128xi32>
    %and3A_965 = arith.constant -65536 : i32
    %and3A_966 = vector.broadcast %and3A_965 : i32 to vector<784x128xi32>
    %and3A_967 = arith.andi %add3A_964, %and3A_966 : vector<784x128xi32>
    %bitcast_convert_type3A_968 = tpu.bitcast %and3A_967 : vector<784x128xi32> -> vector<784x128xf32>
    %get3A_969 = arith.constant 23 : index
    %get3A_970 = arith.constant 0 : index
    %get3A_971 = memref.load %arg5[%get3A_969, %get3A_970] : memref<64x1xf32, #tpu.memory_space<smem>>
    %mul3A_972 = vector.broadcast %get3A_971 : f32 to vector<784x128xf32>
    %mul3A_973 = arith.mulf %bitcast_convert_type3A_968, %mul3A_972 : vector<784x128xf32>
    %add3A_974 = arith.addf %add3A_935, %mul3A_973 : vector<784x128xf32>
    %get3A_975 = arith.constant 0 : index
    %get3A_976 = arith.constant 24 : index
    %get3A_977 = memref.load %arg3[%get3A_975, %get3A_976] : memref<2x64xf32, #tpu.memory_space<smem>>
    %mul3A_978 = vector.broadcast %get3A_977 : f32 to vector<784x128xf32>
    %mul3A_979 = arith.mulf %mul3A_20, %mul3A_978 : vector<784x128xf32>
    %get3A_980 = arith.constant 1 : index
    %get3A_981 = arith.constant 24 : index
    %get3A_982 = memref.load %arg3[%get3A_980, %get3A_981] : memref<2x64xf32, #tpu.memory_space<smem>>
    %mul3A_983 = vector.broadcast %get3A_982 : f32 to vector<784x128xf32>
    %mul3A_984 = arith.mulf %mul3A_41, %mul3A_983 : vector<784x128xf32>
    %add3A_985 = arith.addf %mul3A_979, %mul3A_984 : vector<784x128xf32>
    %get3A_986 = arith.constant 24 : index
    %get3A_987 = memref.load %arg4[%get3A_986] : memref<64xf32, #tpu.memory_space<smem>>
    %add3A_988 = vector.broadcast %get3A_987 : f32 to vector<784x128xf32>
    %add3A_989 = arith.addf %add3A_985, %add3A_988 : vector<784x128xf32>
    %max3A_990 = arith.constant 0.000000e+00 : f32
    %max3A_991 = vector.broadcast %max3A_990 : f32 to vector<784x128xf32>
    %max3A_992 = arith.maximumf %add3A_989, %max3A_991 : vector<784x128xf32>
    %bitcast_convert_type3A_993 = tpu.bitcast %max3A_992 : vector<784x128xf32> -> vector<784x128xi32>
    %add3A_994 = arith.constant 32767 : i32
    %add3A_995 = vector.broadcast %add3A_994 : i32 to vector<784x128xi32>
    %add3A_996 = arith.addi %bitcast_convert_type3A_993, %add3A_995 : vector<784x128xi32>
    %shift_right_logical3A_997 = arith.constant 16 : i32
    %shift_right_logical3A_998 = vector.broadcast %shift_right_logical3A_997 : i32 to vector<784x128xi32>
    %shift_right_logical3A_999 = arith.shrui %bitcast_convert_type3A_993, %shift_right_logical3A_998 : vector<784x128xi32>
    %and3A_1000 = arith.constant 1 : i32
    %and3A_1001 = vector.broadcast %and3A_1000 : i32 to vector<784x128xi32>
    %and3A_1002 = arith.andi %shift_right_logical3A_999, %and3A_1001 : vector<784x128xi32>
    %add3A_1003 = arith.addi %add3A_996, %and3A_1002 : vector<784x128xi32>
    %and3A_1004 = arith.constant -65536 : i32
    %and3A_1005 = vector.broadcast %and3A_1004 : i32 to vector<784x128xi32>
    %and3A_1006 = arith.andi %add3A_1003, %and3A_1005 : vector<784x128xi32>
    %bitcast_convert_type3A_1007 = tpu.bitcast %and3A_1006 : vector<784x128xi32> -> vector<784x128xf32>
    %get3A_1008 = arith.constant 24 : index
    %get3A_1009 = arith.constant 0 : index
    %get3A_1010 = memref.load %arg5[%get3A_1008, %get3A_1009] : memref<64x1xf32, #tpu.memory_space<smem>>
    %mul3A_1011 = vector.broadcast %get3A_1010 : f32 to vector<784x128xf32>
    %mul3A_1012 = arith.mulf %bitcast_convert_type3A_1007, %mul3A_1011 : vector<784x128xf32>
    %add3A_1013 = arith.addf %add3A_974, %mul3A_1012 : vector<784x128xf32>
    %get3A_1014 = arith.constant 0 : index
    %get3A_1015 = arith.constant 25 : index
    %get3A_1016 = memref.load %arg3[%get3A_1014, %get3A_1015] : memref<2x64xf32, #tpu.memory_space<smem>>
    %mul3A_1017 = vector.broadcast %get3A_1016 : f32 to vector<784x128xf32>
    %mul3A_1018 = arith.mulf %mul3A_20, %mul3A_1017 : vector<784x128xf32>
    %get3A_1019 = arith.constant 1 : index
    %get3A_1020 = arith.constant 25 : index
    %get3A_1021 = memref.load %arg3[%get3A_1019, %get3A_1020] : memref<2x64xf32, #tpu.memory_space<smem>>
    %mul3A_1022 = vector.broadcast %get3A_1021 : f32 to vector<784x128xf32>
    %mul3A_1023 = arith.mulf %mul3A_41, %mul3A_1022 : vector<784x128xf32>
    %add3A_1024 = arith.addf %mul3A_1018, %mul3A_1023 : vector<784x128xf32>
    %get3A_1025 = arith.constant 25 : index
    %get3A_1026 = memref.load %arg4[%get3A_1025] : memref<64xf32, #tpu.memory_space<smem>>
    %add3A_1027 = vector.broadcast %get3A_1026 : f32 to vector<784x128xf32>
    %add3A_1028 = arith.addf %add3A_1024, %add3A_1027 : vector<784x128xf32>
    %max3A_1029 = arith.constant 0.000000e+00 : f32
    %max3A_1030 = vector.broadcast %max3A_1029 : f32 to vector<784x128xf32>
    %max3A_1031 = arith.maximumf %add3A_1028, %max3A_1030 : vector<784x128xf32>
    %bitcast_convert_type3A_1032 = tpu.bitcast %max3A_1031 : vector<784x128xf32> -> vector<784x128xi32>
    %add3A_1033 = arith.constant 32767 : i32
    %add3A_1034 = vector.broadcast %add3A_1033 : i32 to vector<784x128xi32>
    %add3A_1035 = arith.addi %bitcast_convert_type3A_1032, %add3A_1034 : vector<784x128xi32>
    %shift_right_logical3A_1036 = arith.constant 16 : i32
    %shift_right_logical3A_1037 = vector.broadcast %shift_right_logical3A_1036 : i32 to vector<784x128xi32>
    %shift_right_logical3A_1038 = arith.shrui %bitcast_convert_type3A_1032, %shift_right_logical3A_1037 : vector<784x128xi32>
    %and3A_1039 = arith.constant 1 : i32
    %and3A_1040 = vector.broadcast %and3A_1039 : i32 to vector<784x128xi32>
    %and3A_1041 = arith.andi %shift_right_logical3A_1038, %and3A_1040 : vector<784x128xi32>
    %add3A_1042 = arith.addi %add3A_1035, %and3A_1041 : vector<784x128xi32>
    %and3A_1043 = arith.constant -65536 : i32
    %and3A_1044 = vector.broadcast %and3A_1043 : i32 to vector<784x128xi32>
    %and3A_1045 = arith.andi %add3A_1042, %and3A_1044 : vector<784x128xi32>
    %bitcast_convert_type3A_1046 = tpu.bitcast %and3A_1045 : vector<784x128xi32> -> vector<784x128xf32>
    %get3A_1047 = arith.constant 25 : index
    %get3A_1048 = arith.constant 0 : index
    %get3A_1049 = memref.load %arg5[%get3A_1047, %get3A_1048] : memref<64x1xf32, #tpu.memory_space<smem>>
    %mul3A_1050 = vector.broadcast %get3A_1049 : f32 to vector<784x128xf32>
    %mul3A_1051 = arith.mulf %bitcast_convert_type3A_1046, %mul3A_1050 : vector<784x128xf32>
    %add3A_1052 = arith.addf %add3A_1013, %mul3A_1051 : vector<784x128xf32>
    %get3A_1053 = arith.constant 0 : index
    %get3A_1054 = arith.constant 26 : index
    %get3A_1055 = memref.load %arg3[%get3A_1053, %get3A_1054] : memref<2x64xf32, #tpu.memory_space<smem>>
    %mul3A_1056 = vector.broadcast %get3A_1055 : f32 to vector<784x128xf32>
    %mul3A_1057 = arith.mulf %mul3A_20, %mul3A_1056 : vector<784x128xf32>
    %get3A_1058 = arith.constant 1 : index
    %get3A_1059 = arith.constant 26 : index
    %get3A_1060 = memref.load %arg3[%get3A_1058, %get3A_1059] : memref<2x64xf32, #tpu.memory_space<smem>>
    %mul3A_1061 = vector.broadcast %get3A_1060 : f32 to vector<784x128xf32>
    %mul3A_1062 = arith.mulf %mul3A_41, %mul3A_1061 : vector<784x128xf32>
    %add3A_1063 = arith.addf %mul3A_1057, %mul3A_1062 : vector<784x128xf32>
    %get3A_1064 = arith.constant 26 : index
    %get3A_1065 = memref.load %arg4[%get3A_1064] : memref<64xf32, #tpu.memory_space<smem>>
    %add3A_1066 = vector.broadcast %get3A_1065 : f32 to vector<784x128xf32>
    %add3A_1067 = arith.addf %add3A_1063, %add3A_1066 : vector<784x128xf32>
    %max3A_1068 = arith.constant 0.000000e+00 : f32
    %max3A_1069 = vector.broadcast %max3A_1068 : f32 to vector<784x128xf32>
    %max3A_1070 = arith.maximumf %add3A_1067, %max3A_1069 : vector<784x128xf32>
    %bitcast_convert_type3A_1071 = tpu.bitcast %max3A_1070 : vector<784x128xf32> -> vector<784x128xi32>
    %add3A_1072 = arith.constant 32767 : i32
    %add3A_1073 = vector.broadcast %add3A_1072 : i32 to vector<784x128xi32>
    %add3A_1074 = arith.addi %bitcast_convert_type3A_1071, %add3A_1073 : vector<784x128xi32>
    %shift_right_logical3A_1075 = arith.constant 16 : i32
    %shift_right_logical3A_1076 = vector.broadcast %shift_right_logical3A_1075 : i32 to vector<784x128xi32>
    %shift_right_logical3A_1077 = arith.shrui %bitcast_convert_type3A_1071, %shift_right_logical3A_1076 : vector<784x128xi32>
    %and3A_1078 = arith.constant 1 : i32
    %and3A_1079 = vector.broadcast %and3A_1078 : i32 to vector<784x128xi32>
    %and3A_1080 = arith.andi %shift_right_logical3A_1077, %and3A_1079 : vector<784x128xi32>
    %add3A_1081 = arith.addi %add3A_1074, %and3A_1080 : vector<784x128xi32>
    %and3A_1082 = arith.constant -65536 : i32
    %and3A_1083 = vector.broadcast %and3A_1082 : i32 to vector<784x128xi32>
    %and3A_1084 = arith.andi %add3A_1081, %and3A_1083 : vector<784x128xi32>
    %bitcast_convert_type3A_1085 = tpu.bitcast %and3A_1084 : vector<784x128xi32> -> vector<784x128xf32>
    %get3A_1086 = arith.constant 26 : index
    %get3A_1087 = arith.constant 0 : index
    %get3A_1088 = memref.load %arg5[%get3A_1086, %get3A_1087] : memref<64x1xf32, #tpu.memory_space<smem>>
    %mul3A_1089 = vector.broadcast %get3A_1088 : f32 to vector<784x128xf32>
    %mul3A_1090 = arith.mulf %bitcast_convert_type3A_1085, %mul3A_1089 : vector<784x128xf32>
    %add3A_1091 = arith.addf %add3A_1052, %mul3A_1090 : vector<784x128xf32>
    %get3A_1092 = arith.constant 0 : index
    %get3A_1093 = arith.constant 27 : index
    %get3A_1094 = memref.load %arg3[%get3A_1092, %get3A_1093] : memref<2x64xf32, #tpu.memory_space<smem>>
    %mul3A_1095 = vector.broadcast %get3A_1094 : f32 to vector<784x128xf32>
    %mul3A_1096 = arith.mulf %mul3A_20, %mul3A_1095 : vector<784x128xf32>
    %get3A_1097 = arith.constant 1 : index
    %get3A_1098 = arith.constant 27 : index
    %get3A_1099 = memref.load %arg3[%get3A_1097, %get3A_1098] : memref<2x64xf32, #tpu.memory_space<smem>>
    %mul3A_1100 = vector.broadcast %get3A_1099 : f32 to vector<784x128xf32>
    %mul3A_1101 = arith.mulf %mul3A_41, %mul3A_1100 : vector<784x128xf32>
    %add3A_1102 = arith.addf %mul3A_1096, %mul3A_1101 : vector<784x128xf32>
    %get3A_1103 = arith.constant 27 : index
    %get3A_1104 = memref.load %arg4[%get3A_1103] : memref<64xf32, #tpu.memory_space<smem>>
    %add3A_1105 = vector.broadcast %get3A_1104 : f32 to vector<784x128xf32>
    %add3A_1106 = arith.addf %add3A_1102, %add3A_1105 : vector<784x128xf32>
    %max3A_1107 = arith.constant 0.000000e+00 : f32
    %max3A_1108 = vector.broadcast %max3A_1107 : f32 to vector<784x128xf32>
    %max3A_1109 = arith.maximumf %add3A_1106, %max3A_1108 : vector<784x128xf32>
    %bitcast_convert_type3A_1110 = tpu.bitcast %max3A_1109 : vector<784x128xf32> -> vector<784x128xi32>
    %add3A_1111 = arith.constant 32767 : i32
    %add3A_1112 = vector.broadcast %add3A_1111 : i32 to vector<784x128xi32>
    %add3A_1113 = arith.addi %bitcast_convert_type3A_1110, %add3A_1112 : vector<784x128xi32>
    %shift_right_logical3A_1114 = arith.constant 16 : i32
    %shift_right_logical3A_1115 = vector.broadcast %shift_right_logical3A_1114 : i32 to vector<784x128xi32>
    %shift_right_logical3A_1116 = arith.shrui %bitcast_convert_type3A_1110, %shift_right_logical3A_1115 : vector<784x128xi32>
    %and3A_1117 = arith.constant 1 : i32
    %and3A_1118 = vector.broadcast %and3A_1117 : i32 to vector<784x128xi32>
    %and3A_1119 = arith.andi %shift_right_logical3A_1116, %and3A_1118 : vector<784x128xi32>
    %add3A_1120 = arith.addi %add3A_1113, %and3A_1119 : vector<784x128xi32>
    %and3A_1121 = arith.constant -65536 : i32
    %and3A_1122 = vector.broadcast %and3A_1121 : i32 to vector<784x128xi32>
    %and3A_1123 = arith.andi %add3A_1120, %and3A_1122 : vector<784x128xi32>
    %bitcast_convert_type3A_1124 = tpu.bitcast %and3A_1123 : vector<784x128xi32> -> vector<784x128xf32>
    %get3A_1125 = arith.constant 27 : index
    %get3A_1126 = arith.constant 0 : index
    %get3A_1127 = memref.load %arg5[%get3A_1125, %get3A_1126] : memref<64x1xf32, #tpu.memory_space<smem>>
    %mul3A_1128 = vector.broadcast %get3A_1127 : f32 to vector<784x128xf32>
    %mul3A_1129 = arith.mulf %bitcast_convert_type3A_1124, %mul3A_1128 : vector<784x128xf32>
    %add3A_1130 = arith.addf %add3A_1091, %mul3A_1129 : vector<784x128xf32>
    %get3A_1131 = arith.constant 0 : index
    %get3A_1132 = arith.constant 28 : index
    %get3A_1133 = memref.load %arg3[%get3A_1131, %get3A_1132] : memref<2x64xf32, #tpu.memory_space<smem>>
    %mul3A_1134 = vector.broadcast %get3A_1133 : f32 to vector<784x128xf32>
    %mul3A_1135 = arith.mulf %mul3A_20, %mul3A_1134 : vector<784x128xf32>
    %get3A_1136 = arith.constant 1 : index
    %get3A_1137 = arith.constant 28 : index
    %get3A_1138 = memref.load %arg3[%get3A_1136, %get3A_1137] : memref<2x64xf32, #tpu.memory_space<smem>>
    %mul3A_1139 = vector.broadcast %get3A_1138 : f32 to vector<784x128xf32>
    %mul3A_1140 = arith.mulf %mul3A_41, %mul3A_1139 : vector<784x128xf32>
    %add3A_1141 = arith.addf %mul3A_1135, %mul3A_1140 : vector<784x128xf32>
    %get3A_1142 = arith.constant 28 : index
    %get3A_1143 = memref.load %arg4[%get3A_1142] : memref<64xf32, #tpu.memory_space<smem>>
    %add3A_1144 = vector.broadcast %get3A_1143 : f32 to vector<784x128xf32>
    %add3A_1145 = arith.addf %add3A_1141, %add3A_1144 : vector<784x128xf32>
    %max3A_1146 = arith.constant 0.000000e+00 : f32
    %max3A_1147 = vector.broadcast %max3A_1146 : f32 to vector<784x128xf32>
    %max3A_1148 = arith.maximumf %add3A_1145, %max3A_1147 : vector<784x128xf32>
    %bitcast_convert_type3A_1149 = tpu.bitcast %max3A_1148 : vector<784x128xf32> -> vector<784x128xi32>
    %add3A_1150 = arith.constant 32767 : i32
    %add3A_1151 = vector.broadcast %add3A_1150 : i32 to vector<784x128xi32>
    %add3A_1152 = arith.addi %bitcast_convert_type3A_1149, %add3A_1151 : vector<784x128xi32>
    %shift_right_logical3A_1153 = arith.constant 16 : i32
    %shift_right_logical3A_1154 = vector.broadcast %shift_right_logical3A_1153 : i32 to vector<784x128xi32>
    %shift_right_logical3A_1155 = arith.shrui %bitcast_convert_type3A_1149, %shift_right_logical3A_1154 : vector<784x128xi32>
    %and3A_1156 = arith.constant 1 : i32
    %and3A_1157 = vector.broadcast %and3A_1156 : i32 to vector<784x128xi32>
    %and3A_1158 = arith.andi %shift_right_logical3A_1155, %and3A_1157 : vector<784x128xi32>
    %add3A_1159 = arith.addi %add3A_1152, %and3A_1158 : vector<784x128xi32>
    %and3A_1160 = arith.constant -65536 : i32
    %and3A_1161 = vector.broadcast %and3A_1160 : i32 to vector<784x128xi32>
    %and3A_1162 = arith.andi %add3A_1159, %and3A_1161 : vector<784x128xi32>
    %bitcast_convert_type3A_1163 = tpu.bitcast %and3A_1162 : vector<784x128xi32> -> vector<784x128xf32>
    %get3A_1164 = arith.constant 28 : index
    %get3A_1165 = arith.constant 0 : index
    %get3A_1166 = memref.load %arg5[%get3A_1164, %get3A_1165] : memref<64x1xf32, #tpu.memory_space<smem>>
    %mul3A_1167 = vector.broadcast %get3A_1166 : f32 to vector<784x128xf32>
    %mul3A_1168 = arith.mulf %bitcast_convert_type3A_1163, %mul3A_1167 : vector<784x128xf32>
    %add3A_1169 = arith.addf %add3A_1130, %mul3A_1168 : vector<784x128xf32>
    %get3A_1170 = arith.constant 0 : index
    %get3A_1171 = arith.constant 29 : index
    %get3A_1172 = memref.load %arg3[%get3A_1170, %get3A_1171] : memref<2x64xf32, #tpu.memory_space<smem>>
    %mul3A_1173 = vector.broadcast %get3A_1172 : f32 to vector<784x128xf32>
    %mul3A_1174 = arith.mulf %mul3A_20, %mul3A_1173 : vector<784x128xf32>
    %get3A_1175 = arith.constant 1 : index
    %get3A_1176 = arith.constant 29 : index
    %get3A_1177 = memref.load %arg3[%get3A_1175, %get3A_1176] : memref<2x64xf32, #tpu.memory_space<smem>>
    %mul3A_1178 = vector.broadcast %get3A_1177 : f32 to vector<784x128xf32>
    %mul3A_1179 = arith.mulf %mul3A_41, %mul3A_1178 : vector<784x128xf32>
    %add3A_1180 = arith.addf %mul3A_1174, %mul3A_1179 : vector<784x128xf32>
    %get3A_1181 = arith.constant 29 : index
    %get3A_1182 = memref.load %arg4[%get3A_1181] : memref<64xf32, #tpu.memory_space<smem>>
    %add3A_1183 = vector.broadcast %get3A_1182 : f32 to vector<784x128xf32>
    %add3A_1184 = arith.addf %add3A_1180, %add3A_1183 : vector<784x128xf32>
    %max3A_1185 = arith.constant 0.000000e+00 : f32
    %max3A_1186 = vector.broadcast %max3A_1185 : f32 to vector<784x128xf32>
    %max3A_1187 = arith.maximumf %add3A_1184, %max3A_1186 : vector<784x128xf32>
    %bitcast_convert_type3A_1188 = tpu.bitcast %max3A_1187 : vector<784x128xf32> -> vector<784x128xi32>
    %add3A_1189 = arith.constant 32767 : i32
    %add3A_1190 = vector.broadcast %add3A_1189 : i32 to vector<784x128xi32>
    %add3A_1191 = arith.addi %bitcast_convert_type3A_1188, %add3A_1190 : vector<784x128xi32>
    %shift_right_logical3A_1192 = arith.constant 16 : i32
    %shift_right_logical3A_1193 = vector.broadcast %shift_right_logical3A_1192 : i32 to vector<784x128xi32>
    %shift_right_logical3A_1194 = arith.shrui %bitcast_convert_type3A_1188, %shift_right_logical3A_1193 : vector<784x128xi32>
    %and3A_1195 = arith.constant 1 : i32
    %and3A_1196 = vector.broadcast %and3A_1195 : i32 to vector<784x128xi32>
    %and3A_1197 = arith.andi %shift_right_logical3A_1194, %and3A_1196 : vector<784x128xi32>
    %add3A_1198 = arith.addi %add3A_1191, %and3A_1197 : vector<784x128xi32>
    %and3A_1199 = arith.constant -65536 : i32
    %and3A_1200 = vector.broadcast %and3A_1199 : i32 to vector<784x128xi32>
    %and3A_1201 = arith.andi %add3A_1198, %and3A_1200 : vector<784x128xi32>
    %bitcast_convert_type3A_1202 = tpu.bitcast %and3A_1201 : vector<784x128xi32> -> vector<784x128xf32>
    %get3A_1203 = arith.constant 29 : index
    %get3A_1204 = arith.constant 0 : index
    %get3A_1205 = memref.load %arg5[%get3A_1203, %get3A_1204] : memref<64x1xf32, #tpu.memory_space<smem>>
    %mul3A_1206 = vector.broadcast %get3A_1205 : f32 to vector<784x128xf32>
    %mul3A_1207 = arith.mulf %bitcast_convert_type3A_1202, %mul3A_1206 : vector<784x128xf32>
    %add3A_1208 = arith.addf %add3A_1169, %mul3A_1207 : vector<784x128xf32>
    %get3A_1209 = arith.constant 0 : index
    %get3A_1210 = arith.constant 30 : index
    %get3A_1211 = memref.load %arg3[%get3A_1209, %get3A_1210] : memref<2x64xf32, #tpu.memory_space<smem>>
    %mul3A_1212 = vector.broadcast %get3A_1211 : f32 to vector<784x128xf32>
    %mul3A_1213 = arith.mulf %mul3A_20, %mul3A_1212 : vector<784x128xf32>
    %get3A_1214 = arith.constant 1 : index
    %get3A_1215 = arith.constant 30 : index
    %get3A_1216 = memref.load %arg3[%get3A_1214, %get3A_1215] : memref<2x64xf32, #tpu.memory_space<smem>>
    %mul3A_1217 = vector.broadcast %get3A_1216 : f32 to vector<784x128xf32>
    %mul3A_1218 = arith.mulf %mul3A_41, %mul3A_1217 : vector<784x128xf32>
    %add3A_1219 = arith.addf %mul3A_1213, %mul3A_1218 : vector<784x128xf32>
    %get3A_1220 = arith.constant 30 : index
    %get3A_1221 = memref.load %arg4[%get3A_1220] : memref<64xf32, #tpu.memory_space<smem>>
    %add3A_1222 = vector.broadcast %get3A_1221 : f32 to vector<784x128xf32>
    %add3A_1223 = arith.addf %add3A_1219, %add3A_1222 : vector<784x128xf32>
    %max3A_1224 = arith.constant 0.000000e+00 : f32
    %max3A_1225 = vector.broadcast %max3A_1224 : f32 to vector<784x128xf32>
    %max3A_1226 = arith.maximumf %add3A_1223, %max3A_1225 : vector<784x128xf32>
    %bitcast_convert_type3A_1227 = tpu.bitcast %max3A_1226 : vector<784x128xf32> -> vector<784x128xi32>
    %add3A_1228 = arith.constant 32767 : i32
    %add3A_1229 = vector.broadcast %add3A_1228 : i32 to vector<784x128xi32>
    %add3A_1230 = arith.addi %bitcast_convert_type3A_1227, %add3A_1229 : vector<784x128xi32>
    %shift_right_logical3A_1231 = arith.constant 16 : i32
    %shift_right_logical3A_1232 = vector.broadcast %shift_right_logical3A_1231 : i32 to vector<784x128xi32>
    %shift_right_logical3A_1233 = arith.shrui %bitcast_convert_type3A_1227, %shift_right_logical3A_1232 : vector<784x128xi32>
    %and3A_1234 = arith.constant 1 : i32
    %and3A_1235 = vector.broadcast %and3A_1234 : i32 to vector<784x128xi32>
    %and3A_1236 = arith.andi %shift_right_logical3A_1233, %and3A_1235 : vector<784x128xi32>
    %add3A_1237 = arith.addi %add3A_1230, %and3A_1236 : vector<784x128xi32>
    %and3A_1238 = arith.constant -65536 : i32
    %and3A_1239 = vector.broadcast %and3A_1238 : i32 to vector<784x128xi32>
    %and3A_1240 = arith.andi %add3A_1237, %and3A_1239 : vector<784x128xi32>
    %bitcast_convert_type3A_1241 = tpu.bitcast %and3A_1240 : vector<784x128xi32> -> vector<784x128xf32>
    %get3A_1242 = arith.constant 30 : index
    %get3A_1243 = arith.constant 0 : index
    %get3A_1244 = memref.load %arg5[%get3A_1242, %get3A_1243] : memref<64x1xf32, #tpu.memory_space<smem>>
    %mul3A_1245 = vector.broadcast %get3A_1244 : f32 to vector<784x128xf32>
    %mul3A_1246 = arith.mulf %bitcast_convert_type3A_1241, %mul3A_1245 : vector<784x128xf32>
    %add3A_1247 = arith.addf %add3A_1208, %mul3A_1246 : vector<784x128xf32>
    %get3A_1248 = arith.constant 0 : index
    %get3A_1249 = arith.constant 31 : index
    %get3A_1250 = memref.load %arg3[%get3A_1248, %get3A_1249] : memref<2x64xf32, #tpu.memory_space<smem>>
    %mul3A_1251 = vector.broadcast %get3A_1250 : f32 to vector<784x128xf32>
    %mul3A_1252 = arith.mulf %mul3A_20, %mul3A_1251 : vector<784x128xf32>
    %get3A_1253 = arith.constant 1 : index
    %get3A_1254 = arith.constant 31 : index
    %get3A_1255 = memref.load %arg3[%get3A_1253, %get3A_1254] : memref<2x64xf32, #tpu.memory_space<smem>>
    %mul3A_1256 = vector.broadcast %get3A_1255 : f32 to vector<784x128xf32>
    %mul3A_1257 = arith.mulf %mul3A_41, %mul3A_1256 : vector<784x128xf32>
    %add3A_1258 = arith.addf %mul3A_1252, %mul3A_1257 : vector<784x128xf32>
    %get3A_1259 = arith.constant 31 : index
    %get3A_1260 = memref.load %arg4[%get3A_1259] : memref<64xf32, #tpu.memory_space<smem>>
    %add3A_1261 = vector.broadcast %get3A_1260 : f32 to vector<784x128xf32>
    %add3A_1262 = arith.addf %add3A_1258, %add3A_1261 : vector<784x128xf32>
    %max3A_1263 = arith.constant 0.000000e+00 : f32
    %max3A_1264 = vector.broadcast %max3A_1263 : f32 to vector<784x128xf32>
    %max3A_1265 = arith.maximumf %add3A_1262, %max3A_1264 : vector<784x128xf32>
    %bitcast_convert_type3A_1266 = tpu.bitcast %max3A_1265 : vector<784x128xf32> -> vector<784x128xi32>
    %add3A_1267 = arith.constant 32767 : i32
    %add3A_1268 = vector.broadcast %add3A_1267 : i32 to vector<784x128xi32>
    %add3A_1269 = arith.addi %bitcast_convert_type3A_1266, %add3A_1268 : vector<784x128xi32>
    %shift_right_logical3A_1270 = arith.constant 16 : i32
    %shift_right_logical3A_1271 = vector.broadcast %shift_right_logical3A_1270 : i32 to vector<784x128xi32>
    %shift_right_logical3A_1272 = arith.shrui %bitcast_convert_type3A_1266, %shift_right_logical3A_1271 : vector<784x128xi32>
    %and3A_1273 = arith.constant 1 : i32
    %and3A_1274 = vector.broadcast %and3A_1273 : i32 to vector<784x128xi32>
    %and3A_1275 = arith.andi %shift_right_logical3A_1272, %and3A_1274 : vector<784x128xi32>
    %add3A_1276 = arith.addi %add3A_1269, %and3A_1275 : vector<784x128xi32>
    %and3A_1277 = arith.constant -65536 : i32
    %and3A_1278 = vector.broadcast %and3A_1277 : i32 to vector<784x128xi32>
    %and3A_1279 = arith.andi %add3A_1276, %and3A_1278 : vector<784x128xi32>
    %bitcast_convert_type3A_1280 = tpu.bitcast %and3A_1279 : vector<784x128xi32> -> vector<784x128xf32>
    %get3A_1281 = arith.constant 31 : index
    %get3A_1282 = arith.constant 0 : index
    %get3A_1283 = memref.load %arg5[%get3A_1281, %get3A_1282] : memref<64x1xf32, #tpu.memory_space<smem>>
    %mul3A_1284 = vector.broadcast %get3A_1283 : f32 to vector<784x128xf32>
    %mul3A_1285 = arith.mulf %bitcast_convert_type3A_1280, %mul3A_1284 : vector<784x128xf32>
    %add3A_1286 = arith.addf %add3A_1247, %mul3A_1285 : vector<784x128xf32>
    %get3A_1287 = arith.constant 0 : index
    %get3A_1288 = arith.constant 32 : index
    %get3A_1289 = memref.load %arg3[%get3A_1287, %get3A_1288] : memref<2x64xf32, #tpu.memory_space<smem>>
    %mul3A_1290 = vector.broadcast %get3A_1289 : f32 to vector<784x128xf32>
    %mul3A_1291 = arith.mulf %mul3A_20, %mul3A_1290 : vector<784x128xf32>
    %get3A_1292 = arith.constant 1 : index
    %get3A_1293 = arith.constant 32 : index
    %get3A_1294 = memref.load %arg3[%get3A_1292, %get3A_1293] : memref<2x64xf32, #tpu.memory_space<smem>>
    %mul3A_1295 = vector.broadcast %get3A_1294 : f32 to vector<784x128xf32>
    %mul3A_1296 = arith.mulf %mul3A_41, %mul3A_1295 : vector<784x128xf32>
    %add3A_1297 = arith.addf %mul3A_1291, %mul3A_1296 : vector<784x128xf32>
    %get3A_1298 = arith.constant 32 : index
    %get3A_1299 = memref.load %arg4[%get3A_1298] : memref<64xf32, #tpu.memory_space<smem>>
    %add3A_1300 = vector.broadcast %get3A_1299 : f32 to vector<784x128xf32>
    %add3A_1301 = arith.addf %add3A_1297, %add3A_1300 : vector<784x128xf32>
    %max3A_1302 = arith.constant 0.000000e+00 : f32
    %max3A_1303 = vector.broadcast %max3A_1302 : f32 to vector<784x128xf32>
    %max3A_1304 = arith.maximumf %add3A_1301, %max3A_1303 : vector<784x128xf32>
    %bitcast_convert_type3A_1305 = tpu.bitcast %max3A_1304 : vector<784x128xf32> -> vector<784x128xi32>
    %add3A_1306 = arith.constant 32767 : i32
    %add3A_1307 = vector.broadcast %add3A_1306 : i32 to vector<784x128xi32>
    %add3A_1308 = arith.addi %bitcast_convert_type3A_1305, %add3A_1307 : vector<784x128xi32>
    %shift_right_logical3A_1309 = arith.constant 16 : i32
    %shift_right_logical3A_1310 = vector.broadcast %shift_right_logical3A_1309 : i32 to vector<784x128xi32>
    %shift_right_logical3A_1311 = arith.shrui %bitcast_convert_type3A_1305, %shift_right_logical3A_1310 : vector<784x128xi32>
    %and3A_1312 = arith.constant 1 : i32
    %and3A_1313 = vector.broadcast %and3A_1312 : i32 to vector<784x128xi32>
    %and3A_1314 = arith.andi %shift_right_logical3A_1311, %and3A_1313 : vector<784x128xi32>
    %add3A_1315 = arith.addi %add3A_1308, %and3A_1314 : vector<784x128xi32>
    %and3A_1316 = arith.constant -65536 : i32
    %and3A_1317 = vector.broadcast %and3A_1316 : i32 to vector<784x128xi32>
    %and3A_1318 = arith.andi %add3A_1315, %and3A_1317 : vector<784x128xi32>
    %bitcast_convert_type3A_1319 = tpu.bitcast %and3A_1318 : vector<784x128xi32> -> vector<784x128xf32>
    %get3A_1320 = arith.constant 32 : index
    %get3A_1321 = arith.constant 0 : index
    %get3A_1322 = memref.load %arg5[%get3A_1320, %get3A_1321] : memref<64x1xf32, #tpu.memory_space<smem>>
    %mul3A_1323 = vector.broadcast %get3A_1322 : f32 to vector<784x128xf32>
    %mul3A_1324 = arith.mulf %bitcast_convert_type3A_1319, %mul3A_1323 : vector<784x128xf32>
    %add3A_1325 = arith.addf %add3A_1286, %mul3A_1324 : vector<784x128xf32>
    %get3A_1326 = arith.constant 0 : index
    %get3A_1327 = arith.constant 33 : index
    %get3A_1328 = memref.load %arg3[%get3A_1326, %get3A_1327] : memref<2x64xf32, #tpu.memory_space<smem>>
    %mul3A_1329 = vector.broadcast %get3A_1328 : f32 to vector<784x128xf32>
    %mul3A_1330 = arith.mulf %mul3A_20, %mul3A_1329 : vector<784x128xf32>
    %get3A_1331 = arith.constant 1 : index
    %get3A_1332 = arith.constant 33 : index
    %get3A_1333 = memref.load %arg3[%get3A_1331, %get3A_1332] : memref<2x64xf32, #tpu.memory_space<smem>>
    %mul3A_1334 = vector.broadcast %get3A_1333 : f32 to vector<784x128xf32>
    %mul3A_1335 = arith.mulf %mul3A_41, %mul3A_1334 : vector<784x128xf32>
    %add3A_1336 = arith.addf %mul3A_1330, %mul3A_1335 : vector<784x128xf32>
    %get3A_1337 = arith.constant 33 : index
    %get3A_1338 = memref.load %arg4[%get3A_1337] : memref<64xf32, #tpu.memory_space<smem>>
    %add3A_1339 = vector.broadcast %get3A_1338 : f32 to vector<784x128xf32>
    %add3A_1340 = arith.addf %add3A_1336, %add3A_1339 : vector<784x128xf32>
    %max3A_1341 = arith.constant 0.000000e+00 : f32
    %max3A_1342 = vector.broadcast %max3A_1341 : f32 to vector<784x128xf32>
    %max3A_1343 = arith.maximumf %add3A_1340, %max3A_1342 : vector<784x128xf32>
    %bitcast_convert_type3A_1344 = tpu.bitcast %max3A_1343 : vector<784x128xf32> -> vector<784x128xi32>
    %add3A_1345 = arith.constant 32767 : i32
    %add3A_1346 = vector.broadcast %add3A_1345 : i32 to vector<784x128xi32>
    %add3A_1347 = arith.addi %bitcast_convert_type3A_1344, %add3A_1346 : vector<784x128xi32>
    %shift_right_logical3A_1348 = arith.constant 16 : i32
    %shift_right_logical3A_1349 = vector.broadcast %shift_right_logical3A_1348 : i32 to vector<784x128xi32>
    %shift_right_logical3A_1350 = arith.shrui %bitcast_convert_type3A_1344, %shift_right_logical3A_1349 : vector<784x128xi32>
    %and3A_1351 = arith.constant 1 : i32
    %and3A_1352 = vector.broadcast %and3A_1351 : i32 to vector<784x128xi32>
    %and3A_1353 = arith.andi %shift_right_logical3A_1350, %and3A_1352 : vector<784x128xi32>
    %add3A_1354 = arith.addi %add3A_1347, %and3A_1353 : vector<784x128xi32>
    %and3A_1355 = arith.constant -65536 : i32
    %and3A_1356 = vector.broadcast %and3A_1355 : i32 to vector<784x128xi32>
    %and3A_1357 = arith.andi %add3A_1354, %and3A_1356 : vector<784x128xi32>
    %bitcast_convert_type3A_1358 = tpu.bitcast %and3A_1357 : vector<784x128xi32> -> vector<784x128xf32>
    %get3A_1359 = arith.constant 33 : index
    %get3A_1360 = arith.constant 0 : index
    %get3A_1361 = memref.load %arg5[%get3A_1359, %get3A_1360] : memref<64x1xf32, #tpu.memory_space<smem>>
    %mul3A_1362 = vector.broadcast %get3A_1361 : f32 to vector<784x128xf32>
    %mul3A_1363 = arith.mulf %bitcast_convert_type3A_1358, %mul3A_1362 : vector<784x128xf32>
    %add3A_1364 = arith.addf %add3A_1325, %mul3A_1363 : vector<784x128xf32>
    %get3A_1365 = arith.constant 0 : index
    %get3A_1366 = arith.constant 34 : index
    %get3A_1367 = memref.load %arg3[%get3A_1365, %get3A_1366] : memref<2x64xf32, #tpu.memory_space<smem>>
    %mul3A_1368 = vector.broadcast %get3A_1367 : f32 to vector<784x128xf32>
    %mul3A_1369 = arith.mulf %mul3A_20, %mul3A_1368 : vector<784x128xf32>
    %get3A_1370 = arith.constant 1 : index
    %get3A_1371 = arith.constant 34 : index
    %get3A_1372 = memref.load %arg3[%get3A_1370, %get3A_1371] : memref<2x64xf32, #tpu.memory_space<smem>>
    %mul3A_1373 = vector.broadcast %get3A_1372 : f32 to vector<784x128xf32>
    %mul3A_1374 = arith.mulf %mul3A_41, %mul3A_1373 : vector<784x128xf32>
    %add3A_1375 = arith.addf %mul3A_1369, %mul3A_1374 : vector<784x128xf32>
    %get3A_1376 = arith.constant 34 : index
    %get3A_1377 = memref.load %arg4[%get3A_1376] : memref<64xf32, #tpu.memory_space<smem>>
    %add3A_1378 = vector.broadcast %get3A_1377 : f32 to vector<784x128xf32>
    %add3A_1379 = arith.addf %add3A_1375, %add3A_1378 : vector<784x128xf32>
    %max3A_1380 = arith.constant 0.000000e+00 : f32
    %max3A_1381 = vector.broadcast %max3A_1380 : f32 to vector<784x128xf32>
    %max3A_1382 = arith.maximumf %add3A_1379, %max3A_1381 : vector<784x128xf32>
    %bitcast_convert_type3A_1383 = tpu.bitcast %max3A_1382 : vector<784x128xf32> -> vector<784x128xi32>
    %add3A_1384 = arith.constant 32767 : i32
    %add3A_1385 = vector.broadcast %add3A_1384 : i32 to vector<784x128xi32>
    %add3A_1386 = arith.addi %bitcast_convert_type3A_1383, %add3A_1385 : vector<784x128xi32>
    %shift_right_logical3A_1387 = arith.constant 16 : i32
    %shift_right_logical3A_1388 = vector.broadcast %shift_right_logical3A_1387 : i32 to vector<784x128xi32>
    %shift_right_logical3A_1389 = arith.shrui %bitcast_convert_type3A_1383, %shift_right_logical3A_1388 : vector<784x128xi32>
    %and3A_1390 = arith.constant 1 : i32
    %and3A_1391 = vector.broadcast %and3A_1390 : i32 to vector<784x128xi32>
    %and3A_1392 = arith.andi %shift_right_logical3A_1389, %and3A_1391 : vector<784x128xi32>
    %add3A_1393 = arith.addi %add3A_1386, %and3A_1392 : vector<784x128xi32>
    %and3A_1394 = arith.constant -65536 : i32
    %and3A_1395 = vector.broadcast %and3A_1394 : i32 to vector<784x128xi32>
    %and3A_1396 = arith.andi %add3A_1393, %and3A_1395 : vector<784x128xi32>
    %bitcast_convert_type3A_1397 = tpu.bitcast %and3A_1396 : vector<784x128xi32> -> vector<784x128xf32>
    %get3A_1398 = arith.constant 34 : index
    %get3A_1399 = arith.constant 0 : index
    %get3A_1400 = memref.load %arg5[%get3A_1398, %get3A_1399] : memref<64x1xf32, #tpu.memory_space<smem>>
    %mul3A_1401 = vector.broadcast %get3A_1400 : f32 to vector<784x128xf32>
    %mul3A_1402 = arith.mulf %bitcast_convert_type3A_1397, %mul3A_1401 : vector<784x128xf32>
    %add3A_1403 = arith.addf %add3A_1364, %mul3A_1402 : vector<784x128xf32>
    %get3A_1404 = arith.constant 0 : index
    %get3A_1405 = arith.constant 35 : index
    %get3A_1406 = memref.load %arg3[%get3A_1404, %get3A_1405] : memref<2x64xf32, #tpu.memory_space<smem>>
    %mul3A_1407 = vector.broadcast %get3A_1406 : f32 to vector<784x128xf32>
    %mul3A_1408 = arith.mulf %mul3A_20, %mul3A_1407 : vector<784x128xf32>
    %get3A_1409 = arith.constant 1 : index
    %get3A_1410 = arith.constant 35 : index
    %get3A_1411 = memref.load %arg3[%get3A_1409, %get3A_1410] : memref<2x64xf32, #tpu.memory_space<smem>>
    %mul3A_1412 = vector.broadcast %get3A_1411 : f32 to vector<784x128xf32>
    %mul3A_1413 = arith.mulf %mul3A_41, %mul3A_1412 : vector<784x128xf32>
    %add3A_1414 = arith.addf %mul3A_1408, %mul3A_1413 : vector<784x128xf32>
    %get3A_1415 = arith.constant 35 : index
    %get3A_1416 = memref.load %arg4[%get3A_1415] : memref<64xf32, #tpu.memory_space<smem>>
    %add3A_1417 = vector.broadcast %get3A_1416 : f32 to vector<784x128xf32>
    %add3A_1418 = arith.addf %add3A_1414, %add3A_1417 : vector<784x128xf32>
    %max3A_1419 = arith.constant 0.000000e+00 : f32
    %max3A_1420 = vector.broadcast %max3A_1419 : f32 to vector<784x128xf32>
    %max3A_1421 = arith.maximumf %add3A_1418, %max3A_1420 : vector<784x128xf32>
    %bitcast_convert_type3A_1422 = tpu.bitcast %max3A_1421 : vector<784x128xf32> -> vector<784x128xi32>
    %add3A_1423 = arith.constant 32767 : i32
    %add3A_1424 = vector.broadcast %add3A_1423 : i32 to vector<784x128xi32>
    %add3A_1425 = arith.addi %bitcast_convert_type3A_1422, %add3A_1424 : vector<784x128xi32>
    %shift_right_logical3A_1426 = arith.constant 16 : i32
    %shift_right_logical3A_1427 = vector.broadcast %shift_right_logical3A_1426 : i32 to vector<784x128xi32>
    %shift_right_logical3A_1428 = arith.shrui %bitcast_convert_type3A_1422, %shift_right_logical3A_1427 : vector<784x128xi32>
    %and3A_1429 = arith.constant 1 : i32
    %and3A_1430 = vector.broadcast %and3A_1429 : i32 to vector<784x128xi32>
    %and3A_1431 = arith.andi %shift_right_logical3A_1428, %and3A_1430 : vector<784x128xi32>
    %add3A_1432 = arith.addi %add3A_1425, %and3A_1431 : vector<784x128xi32>
    %and3A_1433 = arith.constant -65536 : i32
    %and3A_1434 = vector.broadcast %and3A_1433 : i32 to vector<784x128xi32>
    %and3A_1435 = arith.andi %add3A_1432, %and3A_1434 : vector<784x128xi32>
    %bitcast_convert_type3A_1436 = tpu.bitcast %and3A_1435 : vector<784x128xi32> -> vector<784x128xf32>
    %get3A_1437 = arith.constant 35 : index
    %get3A_1438 = arith.constant 0 : index
    %get3A_1439 = memref.load %arg5[%get3A_1437, %get3A_1438] : memref<64x1xf32, #tpu.memory_space<smem>>
    %mul3A_1440 = vector.broadcast %get3A_1439 : f32 to vector<784x128xf32>
    %mul3A_1441 = arith.mulf %bitcast_convert_type3A_1436, %mul3A_1440 : vector<784x128xf32>
    %add3A_1442 = arith.addf %add3A_1403, %mul3A_1441 : vector<784x128xf32>
    %get3A_1443 = arith.constant 0 : index
    %get3A_1444 = arith.constant 36 : index
    %get3A_1445 = memref.load %arg3[%get3A_1443, %get3A_1444] : memref<2x64xf32, #tpu.memory_space<smem>>
    %mul3A_1446 = vector.broadcast %get3A_1445 : f32 to vector<784x128xf32>
    %mul3A_1447 = arith.mulf %mul3A_20, %mul3A_1446 : vector<784x128xf32>
    %get3A_1448 = arith.constant 1 : index
    %get3A_1449 = arith.constant 36 : index
    %get3A_1450 = memref.load %arg3[%get3A_1448, %get3A_1449] : memref<2x64xf32, #tpu.memory_space<smem>>
    %mul3A_1451 = vector.broadcast %get3A_1450 : f32 to vector<784x128xf32>
    %mul3A_1452 = arith.mulf %mul3A_41, %mul3A_1451 : vector<784x128xf32>
    %add3A_1453 = arith.addf %mul3A_1447, %mul3A_1452 : vector<784x128xf32>
    %get3A_1454 = arith.constant 36 : index
    %get3A_1455 = memref.load %arg4[%get3A_1454] : memref<64xf32, #tpu.memory_space<smem>>
    %add3A_1456 = vector.broadcast %get3A_1455 : f32 to vector<784x128xf32>
    %add3A_1457 = arith.addf %add3A_1453, %add3A_1456 : vector<784x128xf32>
    %max3A_1458 = arith.constant 0.000000e+00 : f32
    %max3A_1459 = vector.broadcast %max3A_1458 : f32 to vector<784x128xf32>
    %max3A_1460 = arith.maximumf %add3A_1457, %max3A_1459 : vector<784x128xf32>
    %bitcast_convert_type3A_1461 = tpu.bitcast %max3A_1460 : vector<784x128xf32> -> vector<784x128xi32>
    %add3A_1462 = arith.constant 32767 : i32
    %add3A_1463 = vector.broadcast %add3A_1462 : i32 to vector<784x128xi32>
    %add3A_1464 = arith.addi %bitcast_convert_type3A_1461, %add3A_1463 : vector<784x128xi32>
    %shift_right_logical3A_1465 = arith.constant 16 : i32
    %shift_right_logical3A_1466 = vector.broadcast %shift_right_logical3A_1465 : i32 to vector<784x128xi32>
    %shift_right_logical3A_1467 = arith.shrui %bitcast_convert_type3A_1461, %shift_right_logical3A_1466 : vector<784x128xi32>
    %and3A_1468 = arith.constant 1 : i32
    %and3A_1469 = vector.broadcast %and3A_1468 : i32 to vector<784x128xi32>
    %and3A_1470 = arith.andi %shift_right_logical3A_1467, %and3A_1469 : vector<784x128xi32>
    %add3A_1471 = arith.addi %add3A_1464, %and3A_1470 : vector<784x128xi32>
    %and3A_1472 = arith.constant -65536 : i32
    %and3A_1473 = vector.broadcast %and3A_1472 : i32 to vector<784x128xi32>
    %and3A_1474 = arith.andi %add3A_1471, %and3A_1473 : vector<784x128xi32>
    %bitcast_convert_type3A_1475 = tpu.bitcast %and3A_1474 : vector<784x128xi32> -> vector<784x128xf32>
    %get3A_1476 = arith.constant 36 : index
    %get3A_1477 = arith.constant 0 : index
    %get3A_1478 = memref.load %arg5[%get3A_1476, %get3A_1477] : memref<64x1xf32, #tpu.memory_space<smem>>
    %mul3A_1479 = vector.broadcast %get3A_1478 : f32 to vector<784x128xf32>
    %mul3A_1480 = arith.mulf %bitcast_convert_type3A_1475, %mul3A_1479 : vector<784x128xf32>
    %add3A_1481 = arith.addf %add3A_1442, %mul3A_1480 : vector<784x128xf32>
    %get3A_1482 = arith.constant 0 : index
    %get3A_1483 = arith.constant 37 : index
    %get3A_1484 = memref.load %arg3[%get3A_1482, %get3A_1483] : memref<2x64xf32, #tpu.memory_space<smem>>
    %mul3A_1485 = vector.broadcast %get3A_1484 : f32 to vector<784x128xf32>
    %mul3A_1486 = arith.mulf %mul3A_20, %mul3A_1485 : vector<784x128xf32>
    %get3A_1487 = arith.constant 1 : index
    %get3A_1488 = arith.constant 37 : index
    %get3A_1489 = memref.load %arg3[%get3A_1487, %get3A_1488] : memref<2x64xf32, #tpu.memory_space<smem>>
    %mul3A_1490 = vector.broadcast %get3A_1489 : f32 to vector<784x128xf32>
    %mul3A_1491 = arith.mulf %mul3A_41, %mul3A_1490 : vector<784x128xf32>
    %add3A_1492 = arith.addf %mul3A_1486, %mul3A_1491 : vector<784x128xf32>
    %get3A_1493 = arith.constant 37 : index
    %get3A_1494 = memref.load %arg4[%get3A_1493] : memref<64xf32, #tpu.memory_space<smem>>
    %add3A_1495 = vector.broadcast %get3A_1494 : f32 to vector<784x128xf32>
    %add3A_1496 = arith.addf %add3A_1492, %add3A_1495 : vector<784x128xf32>
    %max3A_1497 = arith.constant 0.000000e+00 : f32
    %max3A_1498 = vector.broadcast %max3A_1497 : f32 to vector<784x128xf32>
    %max3A_1499 = arith.maximumf %add3A_1496, %max3A_1498 : vector<784x128xf32>
    %bitcast_convert_type3A_1500 = tpu.bitcast %max3A_1499 : vector<784x128xf32> -> vector<784x128xi32>
    %add3A_1501 = arith.constant 32767 : i32
    %add3A_1502 = vector.broadcast %add3A_1501 : i32 to vector<784x128xi32>
    %add3A_1503 = arith.addi %bitcast_convert_type3A_1500, %add3A_1502 : vector<784x128xi32>
    %shift_right_logical3A_1504 = arith.constant 16 : i32
    %shift_right_logical3A_1505 = vector.broadcast %shift_right_logical3A_1504 : i32 to vector<784x128xi32>
    %shift_right_logical3A_1506 = arith.shrui %bitcast_convert_type3A_1500, %shift_right_logical3A_1505 : vector<784x128xi32>
    %and3A_1507 = arith.constant 1 : i32
    %and3A_1508 = vector.broadcast %and3A_1507 : i32 to vector<784x128xi32>
    %and3A_1509 = arith.andi %shift_right_logical3A_1506, %and3A_1508 : vector<784x128xi32>
    %add3A_1510 = arith.addi %add3A_1503, %and3A_1509 : vector<784x128xi32>
    %and3A_1511 = arith.constant -65536 : i32
    %and3A_1512 = vector.broadcast %and3A_1511 : i32 to vector<784x128xi32>
    %and3A_1513 = arith.andi %add3A_1510, %and3A_1512 : vector<784x128xi32>
    %bitcast_convert_type3A_1514 = tpu.bitcast %and3A_1513 : vector<784x128xi32> -> vector<784x128xf32>
    %get3A_1515 = arith.constant 37 : index
    %get3A_1516 = arith.constant 0 : index
    %get3A_1517 = memref.load %arg5[%get3A_1515, %get3A_1516] : memref<64x1xf32, #tpu.memory_space<smem>>
    %mul3A_1518 = vector.broadcast %get3A_1517 : f32 to vector<784x128xf32>
    %mul3A_1519 = arith.mulf %bitcast_convert_type3A_1514, %mul3A_1518 : vector<784x128xf32>
    %add3A_1520 = arith.addf %add3A_1481, %mul3A_1519 : vector<784x128xf32>
    %get3A_1521 = arith.constant 0 : index
    %get3A_1522 = arith.constant 38 : index
    %get3A_1523 = memref.load %arg3[%get3A_1521, %get3A_1522] : memref<2x64xf32, #tpu.memory_space<smem>>
    %mul3A_1524 = vector.broadcast %get3A_1523 : f32 to vector<784x128xf32>
    %mul3A_1525 = arith.mulf %mul3A_20, %mul3A_1524 : vector<784x128xf32>
    %get3A_1526 = arith.constant 1 : index
    %get3A_1527 = arith.constant 38 : index
    %get3A_1528 = memref.load %arg3[%get3A_1526, %get3A_1527] : memref<2x64xf32, #tpu.memory_space<smem>>
    %mul3A_1529 = vector.broadcast %get3A_1528 : f32 to vector<784x128xf32>
    %mul3A_1530 = arith.mulf %mul3A_41, %mul3A_1529 : vector<784x128xf32>
    %add3A_1531 = arith.addf %mul3A_1525, %mul3A_1530 : vector<784x128xf32>
    %get3A_1532 = arith.constant 38 : index
    %get3A_1533 = memref.load %arg4[%get3A_1532] : memref<64xf32, #tpu.memory_space<smem>>
    %add3A_1534 = vector.broadcast %get3A_1533 : f32 to vector<784x128xf32>
    %add3A_1535 = arith.addf %add3A_1531, %add3A_1534 : vector<784x128xf32>
    %max3A_1536 = arith.constant 0.000000e+00 : f32
    %max3A_1537 = vector.broadcast %max3A_1536 : f32 to vector<784x128xf32>
    %max3A_1538 = arith.maximumf %add3A_1535, %max3A_1537 : vector<784x128xf32>
    %bitcast_convert_type3A_1539 = tpu.bitcast %max3A_1538 : vector<784x128xf32> -> vector<784x128xi32>
    %add3A_1540 = arith.constant 32767 : i32
    %add3A_1541 = vector.broadcast %add3A_1540 : i32 to vector<784x128xi32>
    %add3A_1542 = arith.addi %bitcast_convert_type3A_1539, %add3A_1541 : vector<784x128xi32>
    %shift_right_logical3A_1543 = arith.constant 16 : i32
    %shift_right_logical3A_1544 = vector.broadcast %shift_right_logical3A_1543 : i32 to vector<784x128xi32>
    %shift_right_logical3A_1545 = arith.shrui %bitcast_convert_type3A_1539, %shift_right_logical3A_1544 : vector<784x128xi32>
    %and3A_1546 = arith.constant 1 : i32
    %and3A_1547 = vector.broadcast %and3A_1546 : i32 to vector<784x128xi32>
    %and3A_1548 = arith.andi %shift_right_logical3A_1545, %and3A_1547 : vector<784x128xi32>
    %add3A_1549 = arith.addi %add3A_1542, %and3A_1548 : vector<784x128xi32>
    %and3A_1550 = arith.constant -65536 : i32
    %and3A_1551 = vector.broadcast %and3A_1550 : i32 to vector<784x128xi32>
    %and3A_1552 = arith.andi %add3A_1549, %and3A_1551 : vector<784x128xi32>
    %bitcast_convert_type3A_1553 = tpu.bitcast %and3A_1552 : vector<784x128xi32> -> vector<784x128xf32>
    %get3A_1554 = arith.constant 38 : index
    %get3A_1555 = arith.constant 0 : index
    %get3A_1556 = memref.load %arg5[%get3A_1554, %get3A_1555] : memref<64x1xf32, #tpu.memory_space<smem>>
    %mul3A_1557 = vector.broadcast %get3A_1556 : f32 to vector<784x128xf32>
    %mul3A_1558 = arith.mulf %bitcast_convert_type3A_1553, %mul3A_1557 : vector<784x128xf32>
    %add3A_1559 = arith.addf %add3A_1520, %mul3A_1558 : vector<784x128xf32>
    %get3A_1560 = arith.constant 0 : index
    %get3A_1561 = arith.constant 39 : index
    %get3A_1562 = memref.load %arg3[%get3A_1560, %get3A_1561] : memref<2x64xf32, #tpu.memory_space<smem>>
    %mul3A_1563 = vector.broadcast %get3A_1562 : f32 to vector<784x128xf32>
    %mul3A_1564 = arith.mulf %mul3A_20, %mul3A_1563 : vector<784x128xf32>
    %get3A_1565 = arith.constant 1 : index
    %get3A_1566 = arith.constant 39 : index
    %get3A_1567 = memref.load %arg3[%get3A_1565, %get3A_1566] : memref<2x64xf32, #tpu.memory_space<smem>>
    %mul3A_1568 = vector.broadcast %get3A_1567 : f32 to vector<784x128xf32>
    %mul3A_1569 = arith.mulf %mul3A_41, %mul3A_1568 : vector<784x128xf32>
    %add3A_1570 = arith.addf %mul3A_1564, %mul3A_1569 : vector<784x128xf32>
    %get3A_1571 = arith.constant 39 : index
    %get3A_1572 = memref.load %arg4[%get3A_1571] : memref<64xf32, #tpu.memory_space<smem>>
    %add3A_1573 = vector.broadcast %get3A_1572 : f32 to vector<784x128xf32>
    %add3A_1574 = arith.addf %add3A_1570, %add3A_1573 : vector<784x128xf32>
    %max3A_1575 = arith.constant 0.000000e+00 : f32
    %max3A_1576 = vector.broadcast %max3A_1575 : f32 to vector<784x128xf32>
    %max3A_1577 = arith.maximumf %add3A_1574, %max3A_1576 : vector<784x128xf32>
    %bitcast_convert_type3A_1578 = tpu.bitcast %max3A_1577 : vector<784x128xf32> -> vector<784x128xi32>
    %add3A_1579 = arith.constant 32767 : i32
    %add3A_1580 = vector.broadcast %add3A_1579 : i32 to vector<784x128xi32>
    %add3A_1581 = arith.addi %bitcast_convert_type3A_1578, %add3A_1580 : vector<784x128xi32>
    %shift_right_logical3A_1582 = arith.constant 16 : i32
    %shift_right_logical3A_1583 = vector.broadcast %shift_right_logical3A_1582 : i32 to vector<784x128xi32>
    %shift_right_logical3A_1584 = arith.shrui %bitcast_convert_type3A_1578, %shift_right_logical3A_1583 : vector<784x128xi32>
    %and3A_1585 = arith.constant 1 : i32
    %and3A_1586 = vector.broadcast %and3A_1585 : i32 to vector<784x128xi32>
    %and3A_1587 = arith.andi %shift_right_logical3A_1584, %and3A_1586 : vector<784x128xi32>
    %add3A_1588 = arith.addi %add3A_1581, %and3A_1587 : vector<784x128xi32>
    %and3A_1589 = arith.constant -65536 : i32
    %and3A_1590 = vector.broadcast %and3A_1589 : i32 to vector<784x128xi32>
    %and3A_1591 = arith.andi %add3A_1588, %and3A_1590 : vector<784x128xi32>
    %bitcast_convert_type3A_1592 = tpu.bitcast %and3A_1591 : vector<784x128xi32> -> vector<784x128xf32>
    %get3A_1593 = arith.constant 39 : index
    %get3A_1594 = arith.constant 0 : index
    %get3A_1595 = memref.load %arg5[%get3A_1593, %get3A_1594] : memref<64x1xf32, #tpu.memory_space<smem>>
    %mul3A_1596 = vector.broadcast %get3A_1595 : f32 to vector<784x128xf32>
    %mul3A_1597 = arith.mulf %bitcast_convert_type3A_1592, %mul3A_1596 : vector<784x128xf32>
    %add3A_1598 = arith.addf %add3A_1559, %mul3A_1597 : vector<784x128xf32>
    %get3A_1599 = arith.constant 0 : index
    %get3A_1600 = arith.constant 40 : index
    %get3A_1601 = memref.load %arg3[%get3A_1599, %get3A_1600] : memref<2x64xf32, #tpu.memory_space<smem>>
    %mul3A_1602 = vector.broadcast %get3A_1601 : f32 to vector<784x128xf32>
    %mul3A_1603 = arith.mulf %mul3A_20, %mul3A_1602 : vector<784x128xf32>
    %get3A_1604 = arith.constant 1 : index
    %get3A_1605 = arith.constant 40 : index
    %get3A_1606 = memref.load %arg3[%get3A_1604, %get3A_1605] : memref<2x64xf32, #tpu.memory_space<smem>>
    %mul3A_1607 = vector.broadcast %get3A_1606 : f32 to vector<784x128xf32>
    %mul3A_1608 = arith.mulf %mul3A_41, %mul3A_1607 : vector<784x128xf32>
    %add3A_1609 = arith.addf %mul3A_1603, %mul3A_1608 : vector<784x128xf32>
    %get3A_1610 = arith.constant 40 : index
    %get3A_1611 = memref.load %arg4[%get3A_1610] : memref<64xf32, #tpu.memory_space<smem>>
    %add3A_1612 = vector.broadcast %get3A_1611 : f32 to vector<784x128xf32>
    %add3A_1613 = arith.addf %add3A_1609, %add3A_1612 : vector<784x128xf32>
    %max3A_1614 = arith.constant 0.000000e+00 : f32
    %max3A_1615 = vector.broadcast %max3A_1614 : f32 to vector<784x128xf32>
    %max3A_1616 = arith.maximumf %add3A_1613, %max3A_1615 : vector<784x128xf32>
    %bitcast_convert_type3A_1617 = tpu.bitcast %max3A_1616 : vector<784x128xf32> -> vector<784x128xi32>
    %add3A_1618 = arith.constant 32767 : i32
    %add3A_1619 = vector.broadcast %add3A_1618 : i32 to vector<784x128xi32>
    %add3A_1620 = arith.addi %bitcast_convert_type3A_1617, %add3A_1619 : vector<784x128xi32>
    %shift_right_logical3A_1621 = arith.constant 16 : i32
    %shift_right_logical3A_1622 = vector.broadcast %shift_right_logical3A_1621 : i32 to vector<784x128xi32>
    %shift_right_logical3A_1623 = arith.shrui %bitcast_convert_type3A_1617, %shift_right_logical3A_1622 : vector<784x128xi32>
    %and3A_1624 = arith.constant 1 : i32
    %and3A_1625 = vector.broadcast %and3A_1624 : i32 to vector<784x128xi32>
    %and3A_1626 = arith.andi %shift_right_logical3A_1623, %and3A_1625 : vector<784x128xi32>
    %add3A_1627 = arith.addi %add3A_1620, %and3A_1626 : vector<784x128xi32>
    %and3A_1628 = arith.constant -65536 : i32
    %and3A_1629 = vector.broadcast %and3A_1628 : i32 to vector<784x128xi32>
    %and3A_1630 = arith.andi %add3A_1627, %and3A_1629 : vector<784x128xi32>
    %bitcast_convert_type3A_1631 = tpu.bitcast %and3A_1630 : vector<784x128xi32> -> vector<784x128xf32>
    %get3A_1632 = arith.constant 40 : index
    %get3A_1633 = arith.constant 0 : index
    %get3A_1634 = memref.load %arg5[%get3A_1632, %get3A_1633] : memref<64x1xf32, #tpu.memory_space<smem>>
    %mul3A_1635 = vector.broadcast %get3A_1634 : f32 to vector<784x128xf32>
    %mul3A_1636 = arith.mulf %bitcast_convert_type3A_1631, %mul3A_1635 : vector<784x128xf32>
    %add3A_1637 = arith.addf %add3A_1598, %mul3A_1636 : vector<784x128xf32>
    %get3A_1638 = arith.constant 0 : index
    %get3A_1639 = arith.constant 41 : index
    %get3A_1640 = memref.load %arg3[%get3A_1638, %get3A_1639] : memref<2x64xf32, #tpu.memory_space<smem>>
    %mul3A_1641 = vector.broadcast %get3A_1640 : f32 to vector<784x128xf32>
    %mul3A_1642 = arith.mulf %mul3A_20, %mul3A_1641 : vector<784x128xf32>
    %get3A_1643 = arith.constant 1 : index
    %get3A_1644 = arith.constant 41 : index
    %get3A_1645 = memref.load %arg3[%get3A_1643, %get3A_1644] : memref<2x64xf32, #tpu.memory_space<smem>>
    %mul3A_1646 = vector.broadcast %get3A_1645 : f32 to vector<784x128xf32>
    %mul3A_1647 = arith.mulf %mul3A_41, %mul3A_1646 : vector<784x128xf32>
    %add3A_1648 = arith.addf %mul3A_1642, %mul3A_1647 : vector<784x128xf32>
    %get3A_1649 = arith.constant 41 : index
    %get3A_1650 = memref.load %arg4[%get3A_1649] : memref<64xf32, #tpu.memory_space<smem>>
    %add3A_1651 = vector.broadcast %get3A_1650 : f32 to vector<784x128xf32>
    %add3A_1652 = arith.addf %add3A_1648, %add3A_1651 : vector<784x128xf32>
    %max3A_1653 = arith.constant 0.000000e+00 : f32
    %max3A_1654 = vector.broadcast %max3A_1653 : f32 to vector<784x128xf32>
    %max3A_1655 = arith.maximumf %add3A_1652, %max3A_1654 : vector<784x128xf32>
    %bitcast_convert_type3A_1656 = tpu.bitcast %max3A_1655 : vector<784x128xf32> -> vector<784x128xi32>
    %add3A_1657 = arith.constant 32767 : i32
    %add3A_1658 = vector.broadcast %add3A_1657 : i32 to vector<784x128xi32>
    %add3A_1659 = arith.addi %bitcast_convert_type3A_1656, %add3A_1658 : vector<784x128xi32>
    %shift_right_logical3A_1660 = arith.constant 16 : i32
    %shift_right_logical3A_1661 = vector.broadcast %shift_right_logical3A_1660 : i32 to vector<784x128xi32>
    %shift_right_logical3A_1662 = arith.shrui %bitcast_convert_type3A_1656, %shift_right_logical3A_1661 : vector<784x128xi32>
    %and3A_1663 = arith.constant 1 : i32
    %and3A_1664 = vector.broadcast %and3A_1663 : i32 to vector<784x128xi32>
    %and3A_1665 = arith.andi %shift_right_logical3A_1662, %and3A_1664 : vector<784x128xi32>
    %add3A_1666 = arith.addi %add3A_1659, %and3A_1665 : vector<784x128xi32>
    %and3A_1667 = arith.constant -65536 : i32
    %and3A_1668 = vector.broadcast %and3A_1667 : i32 to vector<784x128xi32>
    %and3A_1669 = arith.andi %add3A_1666, %and3A_1668 : vector<784x128xi32>
    %bitcast_convert_type3A_1670 = tpu.bitcast %and3A_1669 : vector<784x128xi32> -> vector<784x128xf32>
    %get3A_1671 = arith.constant 41 : index
    %get3A_1672 = arith.constant 0 : index
    %get3A_1673 = memref.load %arg5[%get3A_1671, %get3A_1672] : memref<64x1xf32, #tpu.memory_space<smem>>
    %mul3A_1674 = vector.broadcast %get3A_1673 : f32 to vector<784x128xf32>
    %mul3A_1675 = arith.mulf %bitcast_convert_type3A_1670, %mul3A_1674 : vector<784x128xf32>
    %add3A_1676 = arith.addf %add3A_1637, %mul3A_1675 : vector<784x128xf32>
    %get3A_1677 = arith.constant 0 : index
    %get3A_1678 = arith.constant 42 : index
    %get3A_1679 = memref.load %arg3[%get3A_1677, %get3A_1678] : memref<2x64xf32, #tpu.memory_space<smem>>
    %mul3A_1680 = vector.broadcast %get3A_1679 : f32 to vector<784x128xf32>
    %mul3A_1681 = arith.mulf %mul3A_20, %mul3A_1680 : vector<784x128xf32>
    %get3A_1682 = arith.constant 1 : index
    %get3A_1683 = arith.constant 42 : index
    %get3A_1684 = memref.load %arg3[%get3A_1682, %get3A_1683] : memref<2x64xf32, #tpu.memory_space<smem>>
    %mul3A_1685 = vector.broadcast %get3A_1684 : f32 to vector<784x128xf32>
    %mul3A_1686 = arith.mulf %mul3A_41, %mul3A_1685 : vector<784x128xf32>
    %add3A_1687 = arith.addf %mul3A_1681, %mul3A_1686 : vector<784x128xf32>
    %get3A_1688 = arith.constant 42 : index
    %get3A_1689 = memref.load %arg4[%get3A_1688] : memref<64xf32, #tpu.memory_space<smem>>
    %add3A_1690 = vector.broadcast %get3A_1689 : f32 to vector<784x128xf32>
    %add3A_1691 = arith.addf %add3A_1687, %add3A_1690 : vector<784x128xf32>
    %max3A_1692 = arith.constant 0.000000e+00 : f32
    %max3A_1693 = vector.broadcast %max3A_1692 : f32 to vector<784x128xf32>
    %max3A_1694 = arith.maximumf %add3A_1691, %max3A_1693 : vector<784x128xf32>
    %bitcast_convert_type3A_1695 = tpu.bitcast %max3A_1694 : vector<784x128xf32> -> vector<784x128xi32>
    %add3A_1696 = arith.constant 32767 : i32
    %add3A_1697 = vector.broadcast %add3A_1696 : i32 to vector<784x128xi32>
    %add3A_1698 = arith.addi %bitcast_convert_type3A_1695, %add3A_1697 : vector<784x128xi32>
    %shift_right_logical3A_1699 = arith.constant 16 : i32
    %shift_right_logical3A_1700 = vector.broadcast %shift_right_logical3A_1699 : i32 to vector<784x128xi32>
    %shift_right_logical3A_1701 = arith.shrui %bitcast_convert_type3A_1695, %shift_right_logical3A_1700 : vector<784x128xi32>
    %and3A_1702 = arith.constant 1 : i32
    %and3A_1703 = vector.broadcast %and3A_1702 : i32 to vector<784x128xi32>
    %and3A_1704 = arith.andi %shift_right_logical3A_1701, %and3A_1703 : vector<784x128xi32>
    %add3A_1705 = arith.addi %add3A_1698, %and3A_1704 : vector<784x128xi32>
    %and3A_1706 = arith.constant -65536 : i32
    %and3A_1707 = vector.broadcast %and3A_1706 : i32 to vector<784x128xi32>
    %and3A_1708 = arith.andi %add3A_1705, %and3A_1707 : vector<784x128xi32>
    %bitcast_convert_type3A_1709 = tpu.bitcast %and3A_1708 : vector<784x128xi32> -> vector<784x128xf32>
    %get3A_1710 = arith.constant 42 : index
    %get3A_1711 = arith.constant 0 : index
    %get3A_1712 = memref.load %arg5[%get3A_1710, %get3A_1711] : memref<64x1xf32, #tpu.memory_space<smem>>
    %mul3A_1713 = vector.broadcast %get3A_1712 : f32 to vector<784x128xf32>
    %mul3A_1714 = arith.mulf %bitcast_convert_type3A_1709, %mul3A_1713 : vector<784x128xf32>
    %add3A_1715 = arith.addf %add3A_1676, %mul3A_1714 : vector<784x128xf32>
    %get3A_1716 = arith.constant 0 : index
    %get3A_1717 = arith.constant 43 : index
    %get3A_1718 = memref.load %arg3[%get3A_1716, %get3A_1717] : memref<2x64xf32, #tpu.memory_space<smem>>
    %mul3A_1719 = vector.broadcast %get3A_1718 : f32 to vector<784x128xf32>
    %mul3A_1720 = arith.mulf %mul3A_20, %mul3A_1719 : vector<784x128xf32>
    %get3A_1721 = arith.constant 1 : index
    %get3A_1722 = arith.constant 43 : index
    %get3A_1723 = memref.load %arg3[%get3A_1721, %get3A_1722] : memref<2x64xf32, #tpu.memory_space<smem>>
    %mul3A_1724 = vector.broadcast %get3A_1723 : f32 to vector<784x128xf32>
    %mul3A_1725 = arith.mulf %mul3A_41, %mul3A_1724 : vector<784x128xf32>
    %add3A_1726 = arith.addf %mul3A_1720, %mul3A_1725 : vector<784x128xf32>
    %get3A_1727 = arith.constant 43 : index
    %get3A_1728 = memref.load %arg4[%get3A_1727] : memref<64xf32, #tpu.memory_space<smem>>
    %add3A_1729 = vector.broadcast %get3A_1728 : f32 to vector<784x128xf32>
    %add3A_1730 = arith.addf %add3A_1726, %add3A_1729 : vector<784x128xf32>
    %max3A_1731 = arith.constant 0.000000e+00 : f32
    %max3A_1732 = vector.broadcast %max3A_1731 : f32 to vector<784x128xf32>
    %max3A_1733 = arith.maximumf %add3A_1730, %max3A_1732 : vector<784x128xf32>
    %bitcast_convert_type3A_1734 = tpu.bitcast %max3A_1733 : vector<784x128xf32> -> vector<784x128xi32>
    %add3A_1735 = arith.constant 32767 : i32
    %add3A_1736 = vector.broadcast %add3A_1735 : i32 to vector<784x128xi32>
    %add3A_1737 = arith.addi %bitcast_convert_type3A_1734, %add3A_1736 : vector<784x128xi32>
    %shift_right_logical3A_1738 = arith.constant 16 : i32
    %shift_right_logical3A_1739 = vector.broadcast %shift_right_logical3A_1738 : i32 to vector<784x128xi32>
    %shift_right_logical3A_1740 = arith.shrui %bitcast_convert_type3A_1734, %shift_right_logical3A_1739 : vector<784x128xi32>
    %and3A_1741 = arith.constant 1 : i32
    %and3A_1742 = vector.broadcast %and3A_1741 : i32 to vector<784x128xi32>
    %and3A_1743 = arith.andi %shift_right_logical3A_1740, %and3A_1742 : vector<784x128xi32>
    %add3A_1744 = arith.addi %add3A_1737, %and3A_1743 : vector<784x128xi32>
    %and3A_1745 = arith.constant -65536 : i32
    %and3A_1746 = vector.broadcast %and3A_1745 : i32 to vector<784x128xi32>
    %and3A_1747 = arith.andi %add3A_1744, %and3A_1746 : vector<784x128xi32>
    %bitcast_convert_type3A_1748 = tpu.bitcast %and3A_1747 : vector<784x128xi32> -> vector<784x128xf32>
    %get3A_1749 = arith.constant 43 : index
    %get3A_1750 = arith.constant 0 : index
    %get3A_1751 = memref.load %arg5[%get3A_1749, %get3A_1750] : memref<64x1xf32, #tpu.memory_space<smem>>
    %mul3A_1752 = vector.broadcast %get3A_1751 : f32 to vector<784x128xf32>
    %mul3A_1753 = arith.mulf %bitcast_convert_type3A_1748, %mul3A_1752 : vector<784x128xf32>
    %add3A_1754 = arith.addf %add3A_1715, %mul3A_1753 : vector<784x128xf32>
    %get3A_1755 = arith.constant 0 : index
    %get3A_1756 = arith.constant 44 : index
    %get3A_1757 = memref.load %arg3[%get3A_1755, %get3A_1756] : memref<2x64xf32, #tpu.memory_space<smem>>
    %mul3A_1758 = vector.broadcast %get3A_1757 : f32 to vector<784x128xf32>
    %mul3A_1759 = arith.mulf %mul3A_20, %mul3A_1758 : vector<784x128xf32>
    %get3A_1760 = arith.constant 1 : index
    %get3A_1761 = arith.constant 44 : index
    %get3A_1762 = memref.load %arg3[%get3A_1760, %get3A_1761] : memref<2x64xf32, #tpu.memory_space<smem>>
    %mul3A_1763 = vector.broadcast %get3A_1762 : f32 to vector<784x128xf32>
    %mul3A_1764 = arith.mulf %mul3A_41, %mul3A_1763 : vector<784x128xf32>
    %add3A_1765 = arith.addf %mul3A_1759, %mul3A_1764 : vector<784x128xf32>
    %get3A_1766 = arith.constant 44 : index
    %get3A_1767 = memref.load %arg4[%get3A_1766] : memref<64xf32, #tpu.memory_space<smem>>
    %add3A_1768 = vector.broadcast %get3A_1767 : f32 to vector<784x128xf32>
    %add3A_1769 = arith.addf %add3A_1765, %add3A_1768 : vector<784x128xf32>
    %max3A_1770 = arith.constant 0.000000e+00 : f32
    %max3A_1771 = vector.broadcast %max3A_1770 : f32 to vector<784x128xf32>
    %max3A_1772 = arith.maximumf %add3A_1769, %max3A_1771 : vector<784x128xf32>
    %bitcast_convert_type3A_1773 = tpu.bitcast %max3A_1772 : vector<784x128xf32> -> vector<784x128xi32>
    %add3A_1774 = arith.constant 32767 : i32
    %add3A_1775 = vector.broadcast %add3A_1774 : i32 to vector<784x128xi32>
    %add3A_1776 = arith.addi %bitcast_convert_type3A_1773, %add3A_1775 : vector<784x128xi32>
    %shift_right_logical3A_1777 = arith.constant 16 : i32
    %shift_right_logical3A_1778 = vector.broadcast %shift_right_logical3A_1777 : i32 to vector<784x128xi32>
    %shift_right_logical3A_1779 = arith.shrui %bitcast_convert_type3A_1773, %shift_right_logical3A_1778 : vector<784x128xi32>
    %and3A_1780 = arith.constant 1 : i32
    %and3A_1781 = vector.broadcast %and3A_1780 : i32 to vector<784x128xi32>
    %and3A_1782 = arith.andi %shift_right_logical3A_1779, %and3A_1781 : vector<784x128xi32>
    %add3A_1783 = arith.addi %add3A_1776, %and3A_1782 : vector<784x128xi32>
    %and3A_1784 = arith.constant -65536 : i32
    %and3A_1785 = vector.broadcast %and3A_1784 : i32 to vector<784x128xi32>
    %and3A_1786 = arith.andi %add3A_1783, %and3A_1785 : vector<784x128xi32>
    %bitcast_convert_type3A_1787 = tpu.bitcast %and3A_1786 : vector<784x128xi32> -> vector<784x128xf32>
    %get3A_1788 = arith.constant 44 : index
    %get3A_1789 = arith.constant 0 : index
    %get3A_1790 = memref.load %arg5[%get3A_1788, %get3A_1789] : memref<64x1xf32, #tpu.memory_space<smem>>
    %mul3A_1791 = vector.broadcast %get3A_1790 : f32 to vector<784x128xf32>
    %mul3A_1792 = arith.mulf %bitcast_convert_type3A_1787, %mul3A_1791 : vector<784x128xf32>
    %add3A_1793 = arith.addf %add3A_1754, %mul3A_1792 : vector<784x128xf32>
    %get3A_1794 = arith.constant 0 : index
    %get3A_1795 = arith.constant 45 : index
    %get3A_1796 = memref.load %arg3[%get3A_1794, %get3A_1795] : memref<2x64xf32, #tpu.memory_space<smem>>
    %mul3A_1797 = vector.broadcast %get3A_1796 : f32 to vector<784x128xf32>
    %mul3A_1798 = arith.mulf %mul3A_20, %mul3A_1797 : vector<784x128xf32>
    %get3A_1799 = arith.constant 1 : index
    %get3A_1800 = arith.constant 45 : index
    %get3A_1801 = memref.load %arg3[%get3A_1799, %get3A_1800] : memref<2x64xf32, #tpu.memory_space<smem>>
    %mul3A_1802 = vector.broadcast %get3A_1801 : f32 to vector<784x128xf32>
    %mul3A_1803 = arith.mulf %mul3A_41, %mul3A_1802 : vector<784x128xf32>
    %add3A_1804 = arith.addf %mul3A_1798, %mul3A_1803 : vector<784x128xf32>
    %get3A_1805 = arith.constant 45 : index
    %get3A_1806 = memref.load %arg4[%get3A_1805] : memref<64xf32, #tpu.memory_space<smem>>
    %add3A_1807 = vector.broadcast %get3A_1806 : f32 to vector<784x128xf32>
    %add3A_1808 = arith.addf %add3A_1804, %add3A_1807 : vector<784x128xf32>
    %max3A_1809 = arith.constant 0.000000e+00 : f32
    %max3A_1810 = vector.broadcast %max3A_1809 : f32 to vector<784x128xf32>
    %max3A_1811 = arith.maximumf %add3A_1808, %max3A_1810 : vector<784x128xf32>
    %bitcast_convert_type3A_1812 = tpu.bitcast %max3A_1811 : vector<784x128xf32> -> vector<784x128xi32>
    %add3A_1813 = arith.constant 32767 : i32
    %add3A_1814 = vector.broadcast %add3A_1813 : i32 to vector<784x128xi32>
    %add3A_1815 = arith.addi %bitcast_convert_type3A_1812, %add3A_1814 : vector<784x128xi32>
    %shift_right_logical3A_1816 = arith.constant 16 : i32
    %shift_right_logical3A_1817 = vector.broadcast %shift_right_logical3A_1816 : i32 to vector<784x128xi32>
    %shift_right_logical3A_1818 = arith.shrui %bitcast_convert_type3A_1812, %shift_right_logical3A_1817 : vector<784x128xi32>
    %and3A_1819 = arith.constant 1 : i32
    %and3A_1820 = vector.broadcast %and3A_1819 : i32 to vector<784x128xi32>
    %and3A_1821 = arith.andi %shift_right_logical3A_1818, %and3A_1820 : vector<784x128xi32>
    %add3A_1822 = arith.addi %add3A_1815, %and3A_1821 : vector<784x128xi32>
    %and3A_1823 = arith.constant -65536 : i32
    %and3A_1824 = vector.broadcast %and3A_1823 : i32 to vector<784x128xi32>
    %and3A_1825 = arith.andi %add3A_1822, %and3A_1824 : vector<784x128xi32>
    %bitcast_convert_type3A_1826 = tpu.bitcast %and3A_1825 : vector<784x128xi32> -> vector<784x128xf32>
    %get3A_1827 = arith.constant 45 : index
    %get3A_1828 = arith.constant 0 : index
    %get3A_1829 = memref.load %arg5[%get3A_1827, %get3A_1828] : memref<64x1xf32, #tpu.memory_space<smem>>
    %mul3A_1830 = vector.broadcast %get3A_1829 : f32 to vector<784x128xf32>
    %mul3A_1831 = arith.mulf %bitcast_convert_type3A_1826, %mul3A_1830 : vector<784x128xf32>
    %add3A_1832 = arith.addf %add3A_1793, %mul3A_1831 : vector<784x128xf32>
    %get3A_1833 = arith.constant 0 : index
    %get3A_1834 = arith.constant 46 : index
    %get3A_1835 = memref.load %arg3[%get3A_1833, %get3A_1834] : memref<2x64xf32, #tpu.memory_space<smem>>
    %mul3A_1836 = vector.broadcast %get3A_1835 : f32 to vector<784x128xf32>
    %mul3A_1837 = arith.mulf %mul3A_20, %mul3A_1836 : vector<784x128xf32>
    %get3A_1838 = arith.constant 1 : index
    %get3A_1839 = arith.constant 46 : index
    %get3A_1840 = memref.load %arg3[%get3A_1838, %get3A_1839] : memref<2x64xf32, #tpu.memory_space<smem>>
    %mul3A_1841 = vector.broadcast %get3A_1840 : f32 to vector<784x128xf32>
    %mul3A_1842 = arith.mulf %mul3A_41, %mul3A_1841 : vector<784x128xf32>
    %add3A_1843 = arith.addf %mul3A_1837, %mul3A_1842 : vector<784x128xf32>
    %get3A_1844 = arith.constant 46 : index
    %get3A_1845 = memref.load %arg4[%get3A_1844] : memref<64xf32, #tpu.memory_space<smem>>
    %add3A_1846 = vector.broadcast %get3A_1845 : f32 to vector<784x128xf32>
    %add3A_1847 = arith.addf %add3A_1843, %add3A_1846 : vector<784x128xf32>
    %max3A_1848 = arith.constant 0.000000e+00 : f32
    %max3A_1849 = vector.broadcast %max3A_1848 : f32 to vector<784x128xf32>
    %max3A_1850 = arith.maximumf %add3A_1847, %max3A_1849 : vector<784x128xf32>
    %bitcast_convert_type3A_1851 = tpu.bitcast %max3A_1850 : vector<784x128xf32> -> vector<784x128xi32>
    %add3A_1852 = arith.constant 32767 : i32
    %add3A_1853 = vector.broadcast %add3A_1852 : i32 to vector<784x128xi32>
    %add3A_1854 = arith.addi %bitcast_convert_type3A_1851, %add3A_1853 : vector<784x128xi32>
    %shift_right_logical3A_1855 = arith.constant 16 : i32
    %shift_right_logical3A_1856 = vector.broadcast %shift_right_logical3A_1855 : i32 to vector<784x128xi32>
    %shift_right_logical3A_1857 = arith.shrui %bitcast_convert_type3A_1851, %shift_right_logical3A_1856 : vector<784x128xi32>
    %and3A_1858 = arith.constant 1 : i32
    %and3A_1859 = vector.broadcast %and3A_1858 : i32 to vector<784x128xi32>
    %and3A_1860 = arith.andi %shift_right_logical3A_1857, %and3A_1859 : vector<784x128xi32>
    %add3A_1861 = arith.addi %add3A_1854, %and3A_1860 : vector<784x128xi32>
    %and3A_1862 = arith.constant -65536 : i32
    %and3A_1863 = vector.broadcast %and3A_1862 : i32 to vector<784x128xi32>
    %and3A_1864 = arith.andi %add3A_1861, %and3A_1863 : vector<784x128xi32>
    %bitcast_convert_type3A_1865 = tpu.bitcast %and3A_1864 : vector<784x128xi32> -> vector<784x128xf32>
    %get3A_1866 = arith.constant 46 : index
    %get3A_1867 = arith.constant 0 : index
    %get3A_1868 = memref.load %arg5[%get3A_1866, %get3A_1867] : memref<64x1xf32, #tpu.memory_space<smem>>
    %mul3A_1869 = vector.broadcast %get3A_1868 : f32 to vector<784x128xf32>
    %mul3A_1870 = arith.mulf %bitcast_convert_type3A_1865, %mul3A_1869 : vector<784x128xf32>
    %add3A_1871 = arith.addf %add3A_1832, %mul3A_1870 : vector<784x128xf32>
    %get3A_1872 = arith.constant 0 : index
    %get3A_1873 = arith.constant 47 : index
    %get3A_1874 = memref.load %arg3[%get3A_1872, %get3A_1873] : memref<2x64xf32, #tpu.memory_space<smem>>
    %mul3A_1875 = vector.broadcast %get3A_1874 : f32 to vector<784x128xf32>
    %mul3A_1876 = arith.mulf %mul3A_20, %mul3A_1875 : vector<784x128xf32>
    %get3A_1877 = arith.constant 1 : index
    %get3A_1878 = arith.constant 47 : index
    %get3A_1879 = memref.load %arg3[%get3A_1877, %get3A_1878] : memref<2x64xf32, #tpu.memory_space<smem>>
    %mul3A_1880 = vector.broadcast %get3A_1879 : f32 to vector<784x128xf32>
    %mul3A_1881 = arith.mulf %mul3A_41, %mul3A_1880 : vector<784x128xf32>
    %add3A_1882 = arith.addf %mul3A_1876, %mul3A_1881 : vector<784x128xf32>
    %get3A_1883 = arith.constant 47 : index
    %get3A_1884 = memref.load %arg4[%get3A_1883] : memref<64xf32, #tpu.memory_space<smem>>
    %add3A_1885 = vector.broadcast %get3A_1884 : f32 to vector<784x128xf32>
    %add3A_1886 = arith.addf %add3A_1882, %add3A_1885 : vector<784x128xf32>
    %max3A_1887 = arith.constant 0.000000e+00 : f32
    %max3A_1888 = vector.broadcast %max3A_1887 : f32 to vector<784x128xf32>
    %max3A_1889 = arith.maximumf %add3A_1886, %max3A_1888 : vector<784x128xf32>
    %bitcast_convert_type3A_1890 = tpu.bitcast %max3A_1889 : vector<784x128xf32> -> vector<784x128xi32>
    %add3A_1891 = arith.constant 32767 : i32
    %add3A_1892 = vector.broadcast %add3A_1891 : i32 to vector<784x128xi32>
    %add3A_1893 = arith.addi %bitcast_convert_type3A_1890, %add3A_1892 : vector<784x128xi32>
    %shift_right_logical3A_1894 = arith.constant 16 : i32
    %shift_right_logical3A_1895 = vector.broadcast %shift_right_logical3A_1894 : i32 to vector<784x128xi32>
    %shift_right_logical3A_1896 = arith.shrui %bitcast_convert_type3A_1890, %shift_right_logical3A_1895 : vector<784x128xi32>
    %and3A_1897 = arith.constant 1 : i32
    %and3A_1898 = vector.broadcast %and3A_1897 : i32 to vector<784x128xi32>
    %and3A_1899 = arith.andi %shift_right_logical3A_1896, %and3A_1898 : vector<784x128xi32>
    %add3A_1900 = arith.addi %add3A_1893, %and3A_1899 : vector<784x128xi32>
    %and3A_1901 = arith.constant -65536 : i32
    %and3A_1902 = vector.broadcast %and3A_1901 : i32 to vector<784x128xi32>
    %and3A_1903 = arith.andi %add3A_1900, %and3A_1902 : vector<784x128xi32>
    %bitcast_convert_type3A_1904 = tpu.bitcast %and3A_1903 : vector<784x128xi32> -> vector<784x128xf32>
    %get3A_1905 = arith.constant 47 : index
    %get3A_1906 = arith.constant 0 : index
    %get3A_1907 = memref.load %arg5[%get3A_1905, %get3A_1906] : memref<64x1xf32, #tpu.memory_space<smem>>
    %mul3A_1908 = vector.broadcast %get3A_1907 : f32 to vector<784x128xf32>
    %mul3A_1909 = arith.mulf %bitcast_convert_type3A_1904, %mul3A_1908 : vector<784x128xf32>
    %add3A_1910 = arith.addf %add3A_1871, %mul3A_1909 : vector<784x128xf32>
    %get3A_1911 = arith.constant 0 : index
    %get3A_1912 = arith.constant 48 : index
    %get3A_1913 = memref.load %arg3[%get3A_1911, %get3A_1912] : memref<2x64xf32, #tpu.memory_space<smem>>
    %mul3A_1914 = vector.broadcast %get3A_1913 : f32 to vector<784x128xf32>
    %mul3A_1915 = arith.mulf %mul3A_20, %mul3A_1914 : vector<784x128xf32>
    %get3A_1916 = arith.constant 1 : index
    %get3A_1917 = arith.constant 48 : index
    %get3A_1918 = memref.load %arg3[%get3A_1916, %get3A_1917] : memref<2x64xf32, #tpu.memory_space<smem>>
    %mul3A_1919 = vector.broadcast %get3A_1918 : f32 to vector<784x128xf32>
    %mul3A_1920 = arith.mulf %mul3A_41, %mul3A_1919 : vector<784x128xf32>
    %add3A_1921 = arith.addf %mul3A_1915, %mul3A_1920 : vector<784x128xf32>
    %get3A_1922 = arith.constant 48 : index
    %get3A_1923 = memref.load %arg4[%get3A_1922] : memref<64xf32, #tpu.memory_space<smem>>
    %add3A_1924 = vector.broadcast %get3A_1923 : f32 to vector<784x128xf32>
    %add3A_1925 = arith.addf %add3A_1921, %add3A_1924 : vector<784x128xf32>
    %max3A_1926 = arith.constant 0.000000e+00 : f32
    %max3A_1927 = vector.broadcast %max3A_1926 : f32 to vector<784x128xf32>
    %max3A_1928 = arith.maximumf %add3A_1925, %max3A_1927 : vector<784x128xf32>
    %bitcast_convert_type3A_1929 = tpu.bitcast %max3A_1928 : vector<784x128xf32> -> vector<784x128xi32>
    %add3A_1930 = arith.constant 32767 : i32
    %add3A_1931 = vector.broadcast %add3A_1930 : i32 to vector<784x128xi32>
    %add3A_1932 = arith.addi %bitcast_convert_type3A_1929, %add3A_1931 : vector<784x128xi32>
    %shift_right_logical3A_1933 = arith.constant 16 : i32
    %shift_right_logical3A_1934 = vector.broadcast %shift_right_logical3A_1933 : i32 to vector<784x128xi32>
    %shift_right_logical3A_1935 = arith.shrui %bitcast_convert_type3A_1929, %shift_right_logical3A_1934 : vector<784x128xi32>
    %and3A_1936 = arith.constant 1 : i32
    %and3A_1937 = vector.broadcast %and3A_1936 : i32 to vector<784x128xi32>
    %and3A_1938 = arith.andi %shift_right_logical3A_1935, %and3A_1937 : vector<784x128xi32>
    %add3A_1939 = arith.addi %add3A_1932, %and3A_1938 : vector<784x128xi32>
    %and3A_1940 = arith.constant -65536 : i32
    %and3A_1941 = vector.broadcast %and3A_1940 : i32 to vector<784x128xi32>
    %and3A_1942 = arith.andi %add3A_1939, %and3A_1941 : vector<784x128xi32>
    %bitcast_convert_type3A_1943 = tpu.bitcast %and3A_1942 : vector<784x128xi32> -> vector<784x128xf32>
    %get3A_1944 = arith.constant 48 : index
    %get3A_1945 = arith.constant 0 : index
    %get3A_1946 = memref.load %arg5[%get3A_1944, %get3A_1945] : memref<64x1xf32, #tpu.memory_space<smem>>
    %mul3A_1947 = vector.broadcast %get3A_1946 : f32 to vector<784x128xf32>
    %mul3A_1948 = arith.mulf %bitcast_convert_type3A_1943, %mul3A_1947 : vector<784x128xf32>
    %add3A_1949 = arith.addf %add3A_1910, %mul3A_1948 : vector<784x128xf32>
    %get3A_1950 = arith.constant 0 : index
    %get3A_1951 = arith.constant 49 : index
    %get3A_1952 = memref.load %arg3[%get3A_1950, %get3A_1951] : memref<2x64xf32, #tpu.memory_space<smem>>
    %mul3A_1953 = vector.broadcast %get3A_1952 : f32 to vector<784x128xf32>
    %mul3A_1954 = arith.mulf %mul3A_20, %mul3A_1953 : vector<784x128xf32>
    %get3A_1955 = arith.constant 1 : index
    %get3A_1956 = arith.constant 49 : index
    %get3A_1957 = memref.load %arg3[%get3A_1955, %get3A_1956] : memref<2x64xf32, #tpu.memory_space<smem>>
    %mul3A_1958 = vector.broadcast %get3A_1957 : f32 to vector<784x128xf32>
    %mul3A_1959 = arith.mulf %mul3A_41, %mul3A_1958 : vector<784x128xf32>
    %add3A_1960 = arith.addf %mul3A_1954, %mul3A_1959 : vector<784x128xf32>
    %get3A_1961 = arith.constant 49 : index
    %get3A_1962 = memref.load %arg4[%get3A_1961] : memref<64xf32, #tpu.memory_space<smem>>
    %add3A_1963 = vector.broadcast %get3A_1962 : f32 to vector<784x128xf32>
    %add3A_1964 = arith.addf %add3A_1960, %add3A_1963 : vector<784x128xf32>
    %max3A_1965 = arith.constant 0.000000e+00 : f32
    %max3A_1966 = vector.broadcast %max3A_1965 : f32 to vector<784x128xf32>
    %max3A_1967 = arith.maximumf %add3A_1964, %max3A_1966 : vector<784x128xf32>
    %bitcast_convert_type3A_1968 = tpu.bitcast %max3A_1967 : vector<784x128xf32> -> vector<784x128xi32>
    %add3A_1969 = arith.constant 32767 : i32
    %add3A_1970 = vector.broadcast %add3A_1969 : i32 to vector<784x128xi32>
    %add3A_1971 = arith.addi %bitcast_convert_type3A_1968, %add3A_1970 : vector<784x128xi32>
    %shift_right_logical3A_1972 = arith.constant 16 : i32
    %shift_right_logical3A_1973 = vector.broadcast %shift_right_logical3A_1972 : i32 to vector<784x128xi32>
    %shift_right_logical3A_1974 = arith.shrui %bitcast_convert_type3A_1968, %shift_right_logical3A_1973 : vector<784x128xi32>
    %and3A_1975 = arith.constant 1 : i32
    %and3A_1976 = vector.broadcast %and3A_1975 : i32 to vector<784x128xi32>
    %and3A_1977 = arith.andi %shift_right_logical3A_1974, %and3A_1976 : vector<784x128xi32>
    %add3A_1978 = arith.addi %add3A_1971, %and3A_1977 : vector<784x128xi32>
    %and3A_1979 = arith.constant -65536 : i32
    %and3A_1980 = vector.broadcast %and3A_1979 : i32 to vector<784x128xi32>
    %and3A_1981 = arith.andi %add3A_1978, %and3A_1980 : vector<784x128xi32>
    %bitcast_convert_type3A_1982 = tpu.bitcast %and3A_1981 : vector<784x128xi32> -> vector<784x128xf32>
    %get3A_1983 = arith.constant 49 : index
    %get3A_1984 = arith.constant 0 : index
    %get3A_1985 = memref.load %arg5[%get3A_1983, %get3A_1984] : memref<64x1xf32, #tpu.memory_space<smem>>
    %mul3A_1986 = vector.broadcast %get3A_1985 : f32 to vector<784x128xf32>
    %mul3A_1987 = arith.mulf %bitcast_convert_type3A_1982, %mul3A_1986 : vector<784x128xf32>
    %add3A_1988 = arith.addf %add3A_1949, %mul3A_1987 : vector<784x128xf32>
    %get3A_1989 = arith.constant 0 : index
    %get3A_1990 = arith.constant 50 : index
    %get3A_1991 = memref.load %arg3[%get3A_1989, %get3A_1990] : memref<2x64xf32, #tpu.memory_space<smem>>
    %mul3A_1992 = vector.broadcast %get3A_1991 : f32 to vector<784x128xf32>
    %mul3A_1993 = arith.mulf %mul3A_20, %mul3A_1992 : vector<784x128xf32>
    %get3A_1994 = arith.constant 1 : index
    %get3A_1995 = arith.constant 50 : index
    %get3A_1996 = memref.load %arg3[%get3A_1994, %get3A_1995] : memref<2x64xf32, #tpu.memory_space<smem>>
    %mul3A_1997 = vector.broadcast %get3A_1996 : f32 to vector<784x128xf32>
    %mul3A_1998 = arith.mulf %mul3A_41, %mul3A_1997 : vector<784x128xf32>
    %add3A_1999 = arith.addf %mul3A_1993, %mul3A_1998 : vector<784x128xf32>
    %get3A_2000 = arith.constant 50 : index
    %get3A_2001 = memref.load %arg4[%get3A_2000] : memref<64xf32, #tpu.memory_space<smem>>
    %add3A_2002 = vector.broadcast %get3A_2001 : f32 to vector<784x128xf32>
    %add3A_2003 = arith.addf %add3A_1999, %add3A_2002 : vector<784x128xf32>
    %max3A_2004 = arith.constant 0.000000e+00 : f32
    %max3A_2005 = vector.broadcast %max3A_2004 : f32 to vector<784x128xf32>
    %max3A_2006 = arith.maximumf %add3A_2003, %max3A_2005 : vector<784x128xf32>
    %bitcast_convert_type3A_2007 = tpu.bitcast %max3A_2006 : vector<784x128xf32> -> vector<784x128xi32>
    %add3A_2008 = arith.constant 32767 : i32
    %add3A_2009 = vector.broadcast %add3A_2008 : i32 to vector<784x128xi32>
    %add3A_2010 = arith.addi %bitcast_convert_type3A_2007, %add3A_2009 : vector<784x128xi32>
    %shift_right_logical3A_2011 = arith.constant 16 : i32
    %shift_right_logical3A_2012 = vector.broadcast %shift_right_logical3A_2011 : i32 to vector<784x128xi32>
    %shift_right_logical3A_2013 = arith.shrui %bitcast_convert_type3A_2007, %shift_right_logical3A_2012 : vector<784x128xi32>
    %and3A_2014 = arith.constant 1 : i32
    %and3A_2015 = vector.broadcast %and3A_2014 : i32 to vector<784x128xi32>
    %and3A_2016 = arith.andi %shift_right_logical3A_2013, %and3A_2015 : vector<784x128xi32>
    %add3A_2017 = arith.addi %add3A_2010, %and3A_2016 : vector<784x128xi32>
    %and3A_2018 = arith.constant -65536 : i32
    %and3A_2019 = vector.broadcast %and3A_2018 : i32 to vector<784x128xi32>
    %and3A_2020 = arith.andi %add3A_2017, %and3A_2019 : vector<784x128xi32>
    %bitcast_convert_type3A_2021 = tpu.bitcast %and3A_2020 : vector<784x128xi32> -> vector<784x128xf32>
    %get3A_2022 = arith.constant 50 : index
    %get3A_2023 = arith.constant 0 : index
    %get3A_2024 = memref.load %arg5[%get3A_2022, %get3A_2023] : memref<64x1xf32, #tpu.memory_space<smem>>
    %mul3A_2025 = vector.broadcast %get3A_2024 : f32 to vector<784x128xf32>
    %mul3A_2026 = arith.mulf %bitcast_convert_type3A_2021, %mul3A_2025 : vector<784x128xf32>
    %add3A_2027 = arith.addf %add3A_1988, %mul3A_2026 : vector<784x128xf32>
    %get3A_2028 = arith.constant 0 : index
    %get3A_2029 = arith.constant 51 : index
    %get3A_2030 = memref.load %arg3[%get3A_2028, %get3A_2029] : memref<2x64xf32, #tpu.memory_space<smem>>
    %mul3A_2031 = vector.broadcast %get3A_2030 : f32 to vector<784x128xf32>
    %mul3A_2032 = arith.mulf %mul3A_20, %mul3A_2031 : vector<784x128xf32>
    %get3A_2033 = arith.constant 1 : index
    %get3A_2034 = arith.constant 51 : index
    %get3A_2035 = memref.load %arg3[%get3A_2033, %get3A_2034] : memref<2x64xf32, #tpu.memory_space<smem>>
    %mul3A_2036 = vector.broadcast %get3A_2035 : f32 to vector<784x128xf32>
    %mul3A_2037 = arith.mulf %mul3A_41, %mul3A_2036 : vector<784x128xf32>
    %add3A_2038 = arith.addf %mul3A_2032, %mul3A_2037 : vector<784x128xf32>
    %get3A_2039 = arith.constant 51 : index
    %get3A_2040 = memref.load %arg4[%get3A_2039] : memref<64xf32, #tpu.memory_space<smem>>
    %add3A_2041 = vector.broadcast %get3A_2040 : f32 to vector<784x128xf32>
    %add3A_2042 = arith.addf %add3A_2038, %add3A_2041 : vector<784x128xf32>
    %max3A_2043 = arith.constant 0.000000e+00 : f32
    %max3A_2044 = vector.broadcast %max3A_2043 : f32 to vector<784x128xf32>
    %max3A_2045 = arith.maximumf %add3A_2042, %max3A_2044 : vector<784x128xf32>
    %bitcast_convert_type3A_2046 = tpu.bitcast %max3A_2045 : vector<784x128xf32> -> vector<784x128xi32>
    %add3A_2047 = arith.constant 32767 : i32
    %add3A_2048 = vector.broadcast %add3A_2047 : i32 to vector<784x128xi32>
    %add3A_2049 = arith.addi %bitcast_convert_type3A_2046, %add3A_2048 : vector<784x128xi32>
    %shift_right_logical3A_2050 = arith.constant 16 : i32
    %shift_right_logical3A_2051 = vector.broadcast %shift_right_logical3A_2050 : i32 to vector<784x128xi32>
    %shift_right_logical3A_2052 = arith.shrui %bitcast_convert_type3A_2046, %shift_right_logical3A_2051 : vector<784x128xi32>
    %and3A_2053 = arith.constant 1 : i32
    %and3A_2054 = vector.broadcast %and3A_2053 : i32 to vector<784x128xi32>
    %and3A_2055 = arith.andi %shift_right_logical3A_2052, %and3A_2054 : vector<784x128xi32>
    %add3A_2056 = arith.addi %add3A_2049, %and3A_2055 : vector<784x128xi32>
    %and3A_2057 = arith.constant -65536 : i32
    %and3A_2058 = vector.broadcast %and3A_2057 : i32 to vector<784x128xi32>
    %and3A_2059 = arith.andi %add3A_2056, %and3A_2058 : vector<784x128xi32>
    %bitcast_convert_type3A_2060 = tpu.bitcast %and3A_2059 : vector<784x128xi32> -> vector<784x128xf32>
    %get3A_2061 = arith.constant 51 : index
    %get3A_2062 = arith.constant 0 : index
    %get3A_2063 = memref.load %arg5[%get3A_2061, %get3A_2062] : memref<64x1xf32, #tpu.memory_space<smem>>
    %mul3A_2064 = vector.broadcast %get3A_2063 : f32 to vector<784x128xf32>
    %mul3A_2065 = arith.mulf %bitcast_convert_type3A_2060, %mul3A_2064 : vector<784x128xf32>
    %add3A_2066 = arith.addf %add3A_2027, %mul3A_2065 : vector<784x128xf32>
    %get3A_2067 = arith.constant 0 : index
    %get3A_2068 = arith.constant 52 : index
    %get3A_2069 = memref.load %arg3[%get3A_2067, %get3A_2068] : memref<2x64xf32, #tpu.memory_space<smem>>
    %mul3A_2070 = vector.broadcast %get3A_2069 : f32 to vector<784x128xf32>
    %mul3A_2071 = arith.mulf %mul3A_20, %mul3A_2070 : vector<784x128xf32>
    %get3A_2072 = arith.constant 1 : index
    %get3A_2073 = arith.constant 52 : index
    %get3A_2074 = memref.load %arg3[%get3A_2072, %get3A_2073] : memref<2x64xf32, #tpu.memory_space<smem>>
    %mul3A_2075 = vector.broadcast %get3A_2074 : f32 to vector<784x128xf32>
    %mul3A_2076 = arith.mulf %mul3A_41, %mul3A_2075 : vector<784x128xf32>
    %add3A_2077 = arith.addf %mul3A_2071, %mul3A_2076 : vector<784x128xf32>
    %get3A_2078 = arith.constant 52 : index
    %get3A_2079 = memref.load %arg4[%get3A_2078] : memref<64xf32, #tpu.memory_space<smem>>
    %add3A_2080 = vector.broadcast %get3A_2079 : f32 to vector<784x128xf32>
    %add3A_2081 = arith.addf %add3A_2077, %add3A_2080 : vector<784x128xf32>
    %max3A_2082 = arith.constant 0.000000e+00 : f32
    %max3A_2083 = vector.broadcast %max3A_2082 : f32 to vector<784x128xf32>
    %max3A_2084 = arith.maximumf %add3A_2081, %max3A_2083 : vector<784x128xf32>
    %bitcast_convert_type3A_2085 = tpu.bitcast %max3A_2084 : vector<784x128xf32> -> vector<784x128xi32>
    %add3A_2086 = arith.constant 32767 : i32
    %add3A_2087 = vector.broadcast %add3A_2086 : i32 to vector<784x128xi32>
    %add3A_2088 = arith.addi %bitcast_convert_type3A_2085, %add3A_2087 : vector<784x128xi32>
    %shift_right_logical3A_2089 = arith.constant 16 : i32
    %shift_right_logical3A_2090 = vector.broadcast %shift_right_logical3A_2089 : i32 to vector<784x128xi32>
    %shift_right_logical3A_2091 = arith.shrui %bitcast_convert_type3A_2085, %shift_right_logical3A_2090 : vector<784x128xi32>
    %and3A_2092 = arith.constant 1 : i32
    %and3A_2093 = vector.broadcast %and3A_2092 : i32 to vector<784x128xi32>
    %and3A_2094 = arith.andi %shift_right_logical3A_2091, %and3A_2093 : vector<784x128xi32>
    %add3A_2095 = arith.addi %add3A_2088, %and3A_2094 : vector<784x128xi32>
    %and3A_2096 = arith.constant -65536 : i32
    %and3A_2097 = vector.broadcast %and3A_2096 : i32 to vector<784x128xi32>
    %and3A_2098 = arith.andi %add3A_2095, %and3A_2097 : vector<784x128xi32>
    %bitcast_convert_type3A_2099 = tpu.bitcast %and3A_2098 : vector<784x128xi32> -> vector<784x128xf32>
    %get3A_2100 = arith.constant 52 : index
    %get3A_2101 = arith.constant 0 : index
    %get3A_2102 = memref.load %arg5[%get3A_2100, %get3A_2101] : memref<64x1xf32, #tpu.memory_space<smem>>
    %mul3A_2103 = vector.broadcast %get3A_2102 : f32 to vector<784x128xf32>
    %mul3A_2104 = arith.mulf %bitcast_convert_type3A_2099, %mul3A_2103 : vector<784x128xf32>
    %add3A_2105 = arith.addf %add3A_2066, %mul3A_2104 : vector<784x128xf32>
    %get3A_2106 = arith.constant 0 : index
    %get3A_2107 = arith.constant 53 : index
    %get3A_2108 = memref.load %arg3[%get3A_2106, %get3A_2107] : memref<2x64xf32, #tpu.memory_space<smem>>
    %mul3A_2109 = vector.broadcast %get3A_2108 : f32 to vector<784x128xf32>
    %mul3A_2110 = arith.mulf %mul3A_20, %mul3A_2109 : vector<784x128xf32>
    %get3A_2111 = arith.constant 1 : index
    %get3A_2112 = arith.constant 53 : index
    %get3A_2113 = memref.load %arg3[%get3A_2111, %get3A_2112] : memref<2x64xf32, #tpu.memory_space<smem>>
    %mul3A_2114 = vector.broadcast %get3A_2113 : f32 to vector<784x128xf32>
    %mul3A_2115 = arith.mulf %mul3A_41, %mul3A_2114 : vector<784x128xf32>
    %add3A_2116 = arith.addf %mul3A_2110, %mul3A_2115 : vector<784x128xf32>
    %get3A_2117 = arith.constant 53 : index
    %get3A_2118 = memref.load %arg4[%get3A_2117] : memref<64xf32, #tpu.memory_space<smem>>
    %add3A_2119 = vector.broadcast %get3A_2118 : f32 to vector<784x128xf32>
    %add3A_2120 = arith.addf %add3A_2116, %add3A_2119 : vector<784x128xf32>
    %max3A_2121 = arith.constant 0.000000e+00 : f32
    %max3A_2122 = vector.broadcast %max3A_2121 : f32 to vector<784x128xf32>
    %max3A_2123 = arith.maximumf %add3A_2120, %max3A_2122 : vector<784x128xf32>
    %bitcast_convert_type3A_2124 = tpu.bitcast %max3A_2123 : vector<784x128xf32> -> vector<784x128xi32>
    %add3A_2125 = arith.constant 32767 : i32
    %add3A_2126 = vector.broadcast %add3A_2125 : i32 to vector<784x128xi32>
    %add3A_2127 = arith.addi %bitcast_convert_type3A_2124, %add3A_2126 : vector<784x128xi32>
    %shift_right_logical3A_2128 = arith.constant 16 : i32
    %shift_right_logical3A_2129 = vector.broadcast %shift_right_logical3A_2128 : i32 to vector<784x128xi32>
    %shift_right_logical3A_2130 = arith.shrui %bitcast_convert_type3A_2124, %shift_right_logical3A_2129 : vector<784x128xi32>
    %and3A_2131 = arith.constant 1 : i32
    %and3A_2132 = vector.broadcast %and3A_2131 : i32 to vector<784x128xi32>
    %and3A_2133 = arith.andi %shift_right_logical3A_2130, %and3A_2132 : vector<784x128xi32>
    %add3A_2134 = arith.addi %add3A_2127, %and3A_2133 : vector<784x128xi32>
    %and3A_2135 = arith.constant -65536 : i32
    %and3A_2136 = vector.broadcast %and3A_2135 : i32 to vector<784x128xi32>
    %and3A_2137 = arith.andi %add3A_2134, %and3A_2136 : vector<784x128xi32>
    %bitcast_convert_type3A_2138 = tpu.bitcast %and3A_2137 : vector<784x128xi32> -> vector<784x128xf32>
    %get3A_2139 = arith.constant 53 : index
    %get3A_2140 = arith.constant 0 : index
    %get3A_2141 = memref.load %arg5[%get3A_2139, %get3A_2140] : memref<64x1xf32, #tpu.memory_space<smem>>
    %mul3A_2142 = vector.broadcast %get3A_2141 : f32 to vector<784x128xf32>
    %mul3A_2143 = arith.mulf %bitcast_convert_type3A_2138, %mul3A_2142 : vector<784x128xf32>
    %add3A_2144 = arith.addf %add3A_2105, %mul3A_2143 : vector<784x128xf32>
    %get3A_2145 = arith.constant 0 : index
    %get3A_2146 = arith.constant 54 : index
    %get3A_2147 = memref.load %arg3[%get3A_2145, %get3A_2146] : memref<2x64xf32, #tpu.memory_space<smem>>
    %mul3A_2148 = vector.broadcast %get3A_2147 : f32 to vector<784x128xf32>
    %mul3A_2149 = arith.mulf %mul3A_20, %mul3A_2148 : vector<784x128xf32>
    %get3A_2150 = arith.constant 1 : index
    %get3A_2151 = arith.constant 54 : index
    %get3A_2152 = memref.load %arg3[%get3A_2150, %get3A_2151] : memref<2x64xf32, #tpu.memory_space<smem>>
    %mul3A_2153 = vector.broadcast %get3A_2152 : f32 to vector<784x128xf32>
    %mul3A_2154 = arith.mulf %mul3A_41, %mul3A_2153 : vector<784x128xf32>
    %add3A_2155 = arith.addf %mul3A_2149, %mul3A_2154 : vector<784x128xf32>
    %get3A_2156 = arith.constant 54 : index
    %get3A_2157 = memref.load %arg4[%get3A_2156] : memref<64xf32, #tpu.memory_space<smem>>
    %add3A_2158 = vector.broadcast %get3A_2157 : f32 to vector<784x128xf32>
    %add3A_2159 = arith.addf %add3A_2155, %add3A_2158 : vector<784x128xf32>
    %max3A_2160 = arith.constant 0.000000e+00 : f32
    %max3A_2161 = vector.broadcast %max3A_2160 : f32 to vector<784x128xf32>
    %max3A_2162 = arith.maximumf %add3A_2159, %max3A_2161 : vector<784x128xf32>
    %bitcast_convert_type3A_2163 = tpu.bitcast %max3A_2162 : vector<784x128xf32> -> vector<784x128xi32>
    %add3A_2164 = arith.constant 32767 : i32
    %add3A_2165 = vector.broadcast %add3A_2164 : i32 to vector<784x128xi32>
    %add3A_2166 = arith.addi %bitcast_convert_type3A_2163, %add3A_2165 : vector<784x128xi32>
    %shift_right_logical3A_2167 = arith.constant 16 : i32
    %shift_right_logical3A_2168 = vector.broadcast %shift_right_logical3A_2167 : i32 to vector<784x128xi32>
    %shift_right_logical3A_2169 = arith.shrui %bitcast_convert_type3A_2163, %shift_right_logical3A_2168 : vector<784x128xi32>
    %and3A_2170 = arith.constant 1 : i32
    %and3A_2171 = vector.broadcast %and3A_2170 : i32 to vector<784x128xi32>
    %and3A_2172 = arith.andi %shift_right_logical3A_2169, %and3A_2171 : vector<784x128xi32>
    %add3A_2173 = arith.addi %add3A_2166, %and3A_2172 : vector<784x128xi32>
    %and3A_2174 = arith.constant -65536 : i32
    %and3A_2175 = vector.broadcast %and3A_2174 : i32 to vector<784x128xi32>
    %and3A_2176 = arith.andi %add3A_2173, %and3A_2175 : vector<784x128xi32>
    %bitcast_convert_type3A_2177 = tpu.bitcast %and3A_2176 : vector<784x128xi32> -> vector<784x128xf32>
    %get3A_2178 = arith.constant 54 : index
    %get3A_2179 = arith.constant 0 : index
    %get3A_2180 = memref.load %arg5[%get3A_2178, %get3A_2179] : memref<64x1xf32, #tpu.memory_space<smem>>
    %mul3A_2181 = vector.broadcast %get3A_2180 : f32 to vector<784x128xf32>
    %mul3A_2182 = arith.mulf %bitcast_convert_type3A_2177, %mul3A_2181 : vector<784x128xf32>
    %add3A_2183 = arith.addf %add3A_2144, %mul3A_2182 : vector<784x128xf32>
    %get3A_2184 = arith.constant 0 : index
    %get3A_2185 = arith.constant 55 : index
    %get3A_2186 = memref.load %arg3[%get3A_2184, %get3A_2185] : memref<2x64xf32, #tpu.memory_space<smem>>
    %mul3A_2187 = vector.broadcast %get3A_2186 : f32 to vector<784x128xf32>
    %mul3A_2188 = arith.mulf %mul3A_20, %mul3A_2187 : vector<784x128xf32>
    %get3A_2189 = arith.constant 1 : index
    %get3A_2190 = arith.constant 55 : index
    %get3A_2191 = memref.load %arg3[%get3A_2189, %get3A_2190] : memref<2x64xf32, #tpu.memory_space<smem>>
    %mul3A_2192 = vector.broadcast %get3A_2191 : f32 to vector<784x128xf32>
    %mul3A_2193 = arith.mulf %mul3A_41, %mul3A_2192 : vector<784x128xf32>
    %add3A_2194 = arith.addf %mul3A_2188, %mul3A_2193 : vector<784x128xf32>
    %get3A_2195 = arith.constant 55 : index
    %get3A_2196 = memref.load %arg4[%get3A_2195] : memref<64xf32, #tpu.memory_space<smem>>
    %add3A_2197 = vector.broadcast %get3A_2196 : f32 to vector<784x128xf32>
    %add3A_2198 = arith.addf %add3A_2194, %add3A_2197 : vector<784x128xf32>
    %max3A_2199 = arith.constant 0.000000e+00 : f32
    %max3A_2200 = vector.broadcast %max3A_2199 : f32 to vector<784x128xf32>
    %max3A_2201 = arith.maximumf %add3A_2198, %max3A_2200 : vector<784x128xf32>
    %bitcast_convert_type3A_2202 = tpu.bitcast %max3A_2201 : vector<784x128xf32> -> vector<784x128xi32>
    %add3A_2203 = arith.constant 32767 : i32
    %add3A_2204 = vector.broadcast %add3A_2203 : i32 to vector<784x128xi32>
    %add3A_2205 = arith.addi %bitcast_convert_type3A_2202, %add3A_2204 : vector<784x128xi32>
    %shift_right_logical3A_2206 = arith.constant 16 : i32
    %shift_right_logical3A_2207 = vector.broadcast %shift_right_logical3A_2206 : i32 to vector<784x128xi32>
    %shift_right_logical3A_2208 = arith.shrui %bitcast_convert_type3A_2202, %shift_right_logical3A_2207 : vector<784x128xi32>
    %and3A_2209 = arith.constant 1 : i32
    %and3A_2210 = vector.broadcast %and3A_2209 : i32 to vector<784x128xi32>
    %and3A_2211 = arith.andi %shift_right_logical3A_2208, %and3A_2210 : vector<784x128xi32>
    %add3A_2212 = arith.addi %add3A_2205, %and3A_2211 : vector<784x128xi32>
    %and3A_2213 = arith.constant -65536 : i32
    %and3A_2214 = vector.broadcast %and3A_2213 : i32 to vector<784x128xi32>
    %and3A_2215 = arith.andi %add3A_2212, %and3A_2214 : vector<784x128xi32>
    %bitcast_convert_type3A_2216 = tpu.bitcast %and3A_2215 : vector<784x128xi32> -> vector<784x128xf32>
    %get3A_2217 = arith.constant 55 : index
    %get3A_2218 = arith.constant 0 : index
    %get3A_2219 = memref.load %arg5[%get3A_2217, %get3A_2218] : memref<64x1xf32, #tpu.memory_space<smem>>
    %mul3A_2220 = vector.broadcast %get3A_2219 : f32 to vector<784x128xf32>
    %mul3A_2221 = arith.mulf %bitcast_convert_type3A_2216, %mul3A_2220 : vector<784x128xf32>
    %add3A_2222 = arith.addf %add3A_2183, %mul3A_2221 : vector<784x128xf32>
    %get3A_2223 = arith.constant 0 : index
    %get3A_2224 = arith.constant 56 : index
    %get3A_2225 = memref.load %arg3[%get3A_2223, %get3A_2224] : memref<2x64xf32, #tpu.memory_space<smem>>
    %mul3A_2226 = vector.broadcast %get3A_2225 : f32 to vector<784x128xf32>
    %mul3A_2227 = arith.mulf %mul3A_20, %mul3A_2226 : vector<784x128xf32>
    %get3A_2228 = arith.constant 1 : index
    %get3A_2229 = arith.constant 56 : index
    %get3A_2230 = memref.load %arg3[%get3A_2228, %get3A_2229] : memref<2x64xf32, #tpu.memory_space<smem>>
    %mul3A_2231 = vector.broadcast %get3A_2230 : f32 to vector<784x128xf32>
    %mul3A_2232 = arith.mulf %mul3A_41, %mul3A_2231 : vector<784x128xf32>
    %add3A_2233 = arith.addf %mul3A_2227, %mul3A_2232 : vector<784x128xf32>
    %get3A_2234 = arith.constant 56 : index
    %get3A_2235 = memref.load %arg4[%get3A_2234] : memref<64xf32, #tpu.memory_space<smem>>
    %add3A_2236 = vector.broadcast %get3A_2235 : f32 to vector<784x128xf32>
    %add3A_2237 = arith.addf %add3A_2233, %add3A_2236 : vector<784x128xf32>
    %max3A_2238 = arith.constant 0.000000e+00 : f32
    %max3A_2239 = vector.broadcast %max3A_2238 : f32 to vector<784x128xf32>
    %max3A_2240 = arith.maximumf %add3A_2237, %max3A_2239 : vector<784x128xf32>
    %bitcast_convert_type3A_2241 = tpu.bitcast %max3A_2240 : vector<784x128xf32> -> vector<784x128xi32>
    %add3A_2242 = arith.constant 32767 : i32
    %add3A_2243 = vector.broadcast %add3A_2242 : i32 to vector<784x128xi32>
    %add3A_2244 = arith.addi %bitcast_convert_type3A_2241, %add3A_2243 : vector<784x128xi32>
    %shift_right_logical3A_2245 = arith.constant 16 : i32
    %shift_right_logical3A_2246 = vector.broadcast %shift_right_logical3A_2245 : i32 to vector<784x128xi32>
    %shift_right_logical3A_2247 = arith.shrui %bitcast_convert_type3A_2241, %shift_right_logical3A_2246 : vector<784x128xi32>
    %and3A_2248 = arith.constant 1 : i32
    %and3A_2249 = vector.broadcast %and3A_2248 : i32 to vector<784x128xi32>
    %and3A_2250 = arith.andi %shift_right_logical3A_2247, %and3A_2249 : vector<784x128xi32>
    %add3A_2251 = arith.addi %add3A_2244, %and3A_2250 : vector<784x128xi32>
    %and3A_2252 = arith.constant -65536 : i32
    %and3A_2253 = vector.broadcast %and3A_2252 : i32 to vector<784x128xi32>
    %and3A_2254 = arith.andi %add3A_2251, %and3A_2253 : vector<784x128xi32>
    %bitcast_convert_type3A_2255 = tpu.bitcast %and3A_2254 : vector<784x128xi32> -> vector<784x128xf32>
    %get3A_2256 = arith.constant 56 : index
    %get3A_2257 = arith.constant 0 : index
    %get3A_2258 = memref.load %arg5[%get3A_2256, %get3A_2257] : memref<64x1xf32, #tpu.memory_space<smem>>
    %mul3A_2259 = vector.broadcast %get3A_2258 : f32 to vector<784x128xf32>
    %mul3A_2260 = arith.mulf %bitcast_convert_type3A_2255, %mul3A_2259 : vector<784x128xf32>
    %add3A_2261 = arith.addf %add3A_2222, %mul3A_2260 : vector<784x128xf32>
    %get3A_2262 = arith.constant 0 : index
    %get3A_2263 = arith.constant 57 : index
    %get3A_2264 = memref.load %arg3[%get3A_2262, %get3A_2263] : memref<2x64xf32, #tpu.memory_space<smem>>
    %mul3A_2265 = vector.broadcast %get3A_2264 : f32 to vector<784x128xf32>
    %mul3A_2266 = arith.mulf %mul3A_20, %mul3A_2265 : vector<784x128xf32>
    %get3A_2267 = arith.constant 1 : index
    %get3A_2268 = arith.constant 57 : index
    %get3A_2269 = memref.load %arg3[%get3A_2267, %get3A_2268] : memref<2x64xf32, #tpu.memory_space<smem>>
    %mul3A_2270 = vector.broadcast %get3A_2269 : f32 to vector<784x128xf32>
    %mul3A_2271 = arith.mulf %mul3A_41, %mul3A_2270 : vector<784x128xf32>
    %add3A_2272 = arith.addf %mul3A_2266, %mul3A_2271 : vector<784x128xf32>
    %get3A_2273 = arith.constant 57 : index
    %get3A_2274 = memref.load %arg4[%get3A_2273] : memref<64xf32, #tpu.memory_space<smem>>
    %add3A_2275 = vector.broadcast %get3A_2274 : f32 to vector<784x128xf32>
    %add3A_2276 = arith.addf %add3A_2272, %add3A_2275 : vector<784x128xf32>
    %max3A_2277 = arith.constant 0.000000e+00 : f32
    %max3A_2278 = vector.broadcast %max3A_2277 : f32 to vector<784x128xf32>
    %max3A_2279 = arith.maximumf %add3A_2276, %max3A_2278 : vector<784x128xf32>
    %bitcast_convert_type3A_2280 = tpu.bitcast %max3A_2279 : vector<784x128xf32> -> vector<784x128xi32>
    %add3A_2281 = arith.constant 32767 : i32
    %add3A_2282 = vector.broadcast %add3A_2281 : i32 to vector<784x128xi32>
    %add3A_2283 = arith.addi %bitcast_convert_type3A_2280, %add3A_2282 : vector<784x128xi32>
    %shift_right_logical3A_2284 = arith.constant 16 : i32
    %shift_right_logical3A_2285 = vector.broadcast %shift_right_logical3A_2284 : i32 to vector<784x128xi32>
    %shift_right_logical3A_2286 = arith.shrui %bitcast_convert_type3A_2280, %shift_right_logical3A_2285 : vector<784x128xi32>
    %and3A_2287 = arith.constant 1 : i32
    %and3A_2288 = vector.broadcast %and3A_2287 : i32 to vector<784x128xi32>
    %and3A_2289 = arith.andi %shift_right_logical3A_2286, %and3A_2288 : vector<784x128xi32>
    %add3A_2290 = arith.addi %add3A_2283, %and3A_2289 : vector<784x128xi32>
    %and3A_2291 = arith.constant -65536 : i32
    %and3A_2292 = vector.broadcast %and3A_2291 : i32 to vector<784x128xi32>
    %and3A_2293 = arith.andi %add3A_2290, %and3A_2292 : vector<784x128xi32>
    %bitcast_convert_type3A_2294 = tpu.bitcast %and3A_2293 : vector<784x128xi32> -> vector<784x128xf32>
    %get3A_2295 = arith.constant 57 : index
    %get3A_2296 = arith.constant 0 : index
    %get3A_2297 = memref.load %arg5[%get3A_2295, %get3A_2296] : memref<64x1xf32, #tpu.memory_space<smem>>
    %mul3A_2298 = vector.broadcast %get3A_2297 : f32 to vector<784x128xf32>
    %mul3A_2299 = arith.mulf %bitcast_convert_type3A_2294, %mul3A_2298 : vector<784x128xf32>
    %add3A_2300 = arith.addf %add3A_2261, %mul3A_2299 : vector<784x128xf32>
    %get3A_2301 = arith.constant 0 : index
    %get3A_2302 = arith.constant 58 : index
    %get3A_2303 = memref.load %arg3[%get3A_2301, %get3A_2302] : memref<2x64xf32, #tpu.memory_space<smem>>
    %mul3A_2304 = vector.broadcast %get3A_2303 : f32 to vector<784x128xf32>
    %mul3A_2305 = arith.mulf %mul3A_20, %mul3A_2304 : vector<784x128xf32>
    %get3A_2306 = arith.constant 1 : index
    %get3A_2307 = arith.constant 58 : index
    %get3A_2308 = memref.load %arg3[%get3A_2306, %get3A_2307] : memref<2x64xf32, #tpu.memory_space<smem>>
    %mul3A_2309 = vector.broadcast %get3A_2308 : f32 to vector<784x128xf32>
    %mul3A_2310 = arith.mulf %mul3A_41, %mul3A_2309 : vector<784x128xf32>
    %add3A_2311 = arith.addf %mul3A_2305, %mul3A_2310 : vector<784x128xf32>
    %get3A_2312 = arith.constant 58 : index
    %get3A_2313 = memref.load %arg4[%get3A_2312] : memref<64xf32, #tpu.memory_space<smem>>
    %add3A_2314 = vector.broadcast %get3A_2313 : f32 to vector<784x128xf32>
    %add3A_2315 = arith.addf %add3A_2311, %add3A_2314 : vector<784x128xf32>
    %max3A_2316 = arith.constant 0.000000e+00 : f32
    %max3A_2317 = vector.broadcast %max3A_2316 : f32 to vector<784x128xf32>
    %max3A_2318 = arith.maximumf %add3A_2315, %max3A_2317 : vector<784x128xf32>
    %bitcast_convert_type3A_2319 = tpu.bitcast %max3A_2318 : vector<784x128xf32> -> vector<784x128xi32>
    %add3A_2320 = arith.constant 32767 : i32
    %add3A_2321 = vector.broadcast %add3A_2320 : i32 to vector<784x128xi32>
    %add3A_2322 = arith.addi %bitcast_convert_type3A_2319, %add3A_2321 : vector<784x128xi32>
    %shift_right_logical3A_2323 = arith.constant 16 : i32
    %shift_right_logical3A_2324 = vector.broadcast %shift_right_logical3A_2323 : i32 to vector<784x128xi32>
    %shift_right_logical3A_2325 = arith.shrui %bitcast_convert_type3A_2319, %shift_right_logical3A_2324 : vector<784x128xi32>
    %and3A_2326 = arith.constant 1 : i32
    %and3A_2327 = vector.broadcast %and3A_2326 : i32 to vector<784x128xi32>
    %and3A_2328 = arith.andi %shift_right_logical3A_2325, %and3A_2327 : vector<784x128xi32>
    %add3A_2329 = arith.addi %add3A_2322, %and3A_2328 : vector<784x128xi32>
    %and3A_2330 = arith.constant -65536 : i32
    %and3A_2331 = vector.broadcast %and3A_2330 : i32 to vector<784x128xi32>
    %and3A_2332 = arith.andi %add3A_2329, %and3A_2331 : vector<784x128xi32>
    %bitcast_convert_type3A_2333 = tpu.bitcast %and3A_2332 : vector<784x128xi32> -> vector<784x128xf32>
    %get3A_2334 = arith.constant 58 : index
    %get3A_2335 = arith.constant 0 : index
    %get3A_2336 = memref.load %arg5[%get3A_2334, %get3A_2335] : memref<64x1xf32, #tpu.memory_space<smem>>
    %mul3A_2337 = vector.broadcast %get3A_2336 : f32 to vector<784x128xf32>
    %mul3A_2338 = arith.mulf %bitcast_convert_type3A_2333, %mul3A_2337 : vector<784x128xf32>
    %add3A_2339 = arith.addf %add3A_2300, %mul3A_2338 : vector<784x128xf32>
    %get3A_2340 = arith.constant 0 : index
    %get3A_2341 = arith.constant 59 : index
    %get3A_2342 = memref.load %arg3[%get3A_2340, %get3A_2341] : memref<2x64xf32, #tpu.memory_space<smem>>
    %mul3A_2343 = vector.broadcast %get3A_2342 : f32 to vector<784x128xf32>
    %mul3A_2344 = arith.mulf %mul3A_20, %mul3A_2343 : vector<784x128xf32>
    %get3A_2345 = arith.constant 1 : index
    %get3A_2346 = arith.constant 59 : index
    %get3A_2347 = memref.load %arg3[%get3A_2345, %get3A_2346] : memref<2x64xf32, #tpu.memory_space<smem>>
    %mul3A_2348 = vector.broadcast %get3A_2347 : f32 to vector<784x128xf32>
    %mul3A_2349 = arith.mulf %mul3A_41, %mul3A_2348 : vector<784x128xf32>
    %add3A_2350 = arith.addf %mul3A_2344, %mul3A_2349 : vector<784x128xf32>
    %get3A_2351 = arith.constant 59 : index
    %get3A_2352 = memref.load %arg4[%get3A_2351] : memref<64xf32, #tpu.memory_space<smem>>
    %add3A_2353 = vector.broadcast %get3A_2352 : f32 to vector<784x128xf32>
    %add3A_2354 = arith.addf %add3A_2350, %add3A_2353 : vector<784x128xf32>
    %max3A_2355 = arith.constant 0.000000e+00 : f32
    %max3A_2356 = vector.broadcast %max3A_2355 : f32 to vector<784x128xf32>
    %max3A_2357 = arith.maximumf %add3A_2354, %max3A_2356 : vector<784x128xf32>
    %bitcast_convert_type3A_2358 = tpu.bitcast %max3A_2357 : vector<784x128xf32> -> vector<784x128xi32>
    %add3A_2359 = arith.constant 32767 : i32
    %add3A_2360 = vector.broadcast %add3A_2359 : i32 to vector<784x128xi32>
    %add3A_2361 = arith.addi %bitcast_convert_type3A_2358, %add3A_2360 : vector<784x128xi32>
    %shift_right_logical3A_2362 = arith.constant 16 : i32
    %shift_right_logical3A_2363 = vector.broadcast %shift_right_logical3A_2362 : i32 to vector<784x128xi32>
    %shift_right_logical3A_2364 = arith.shrui %bitcast_convert_type3A_2358, %shift_right_logical3A_2363 : vector<784x128xi32>
    %and3A_2365 = arith.constant 1 : i32
    %and3A_2366 = vector.broadcast %and3A_2365 : i32 to vector<784x128xi32>
    %and3A_2367 = arith.andi %shift_right_logical3A_2364, %and3A_2366 : vector<784x128xi32>
    %add3A_2368 = arith.addi %add3A_2361, %and3A_2367 : vector<784x128xi32>
    %and3A_2369 = arith.constant -65536 : i32
    %and3A_2370 = vector.broadcast %and3A_2369 : i32 to vector<784x128xi32>
    %and3A_2371 = arith.andi %add3A_2368, %and3A_2370 : vector<784x128xi32>
    %bitcast_convert_type3A_2372 = tpu.bitcast %and3A_2371 : vector<784x128xi32> -> vector<784x128xf32>
    %get3A_2373 = arith.constant 59 : index
    %get3A_2374 = arith.constant 0 : index
    %get3A_2375 = memref.load %arg5[%get3A_2373, %get3A_2374] : memref<64x1xf32, #tpu.memory_space<smem>>
    %mul3A_2376 = vector.broadcast %get3A_2375 : f32 to vector<784x128xf32>
    %mul3A_2377 = arith.mulf %bitcast_convert_type3A_2372, %mul3A_2376 : vector<784x128xf32>
    %add3A_2378 = arith.addf %add3A_2339, %mul3A_2377 : vector<784x128xf32>
    %get3A_2379 = arith.constant 0 : index
    %get3A_2380 = arith.constant 60 : index
    %get3A_2381 = memref.load %arg3[%get3A_2379, %get3A_2380] : memref<2x64xf32, #tpu.memory_space<smem>>
    %mul3A_2382 = vector.broadcast %get3A_2381 : f32 to vector<784x128xf32>
    %mul3A_2383 = arith.mulf %mul3A_20, %mul3A_2382 : vector<784x128xf32>
    %get3A_2384 = arith.constant 1 : index
    %get3A_2385 = arith.constant 60 : index
    %get3A_2386 = memref.load %arg3[%get3A_2384, %get3A_2385] : memref<2x64xf32, #tpu.memory_space<smem>>
    %mul3A_2387 = vector.broadcast %get3A_2386 : f32 to vector<784x128xf32>
    %mul3A_2388 = arith.mulf %mul3A_41, %mul3A_2387 : vector<784x128xf32>
    %add3A_2389 = arith.addf %mul3A_2383, %mul3A_2388 : vector<784x128xf32>
    %get3A_2390 = arith.constant 60 : index
    %get3A_2391 = memref.load %arg4[%get3A_2390] : memref<64xf32, #tpu.memory_space<smem>>
    %add3A_2392 = vector.broadcast %get3A_2391 : f32 to vector<784x128xf32>
    %add3A_2393 = arith.addf %add3A_2389, %add3A_2392 : vector<784x128xf32>
    %max3A_2394 = arith.constant 0.000000e+00 : f32
    %max3A_2395 = vector.broadcast %max3A_2394 : f32 to vector<784x128xf32>
    %max3A_2396 = arith.maximumf %add3A_2393, %max3A_2395 : vector<784x128xf32>
    %bitcast_convert_type3A_2397 = tpu.bitcast %max3A_2396 : vector<784x128xf32> -> vector<784x128xi32>
    %add3A_2398 = arith.constant 32767 : i32
    %add3A_2399 = vector.broadcast %add3A_2398 : i32 to vector<784x128xi32>
    %add3A_2400 = arith.addi %bitcast_convert_type3A_2397, %add3A_2399 : vector<784x128xi32>
    %shift_right_logical3A_2401 = arith.constant 16 : i32
    %shift_right_logical3A_2402 = vector.broadcast %shift_right_logical3A_2401 : i32 to vector<784x128xi32>
    %shift_right_logical3A_2403 = arith.shrui %bitcast_convert_type3A_2397, %shift_right_logical3A_2402 : vector<784x128xi32>
    %and3A_2404 = arith.constant 1 : i32
    %and3A_2405 = vector.broadcast %and3A_2404 : i32 to vector<784x128xi32>
    %and3A_2406 = arith.andi %shift_right_logical3A_2403, %and3A_2405 : vector<784x128xi32>
    %add3A_2407 = arith.addi %add3A_2400, %and3A_2406 : vector<784x128xi32>
    %and3A_2408 = arith.constant -65536 : i32
    %and3A_2409 = vector.broadcast %and3A_2408 : i32 to vector<784x128xi32>
    %and3A_2410 = arith.andi %add3A_2407, %and3A_2409 : vector<784x128xi32>
    %bitcast_convert_type3A_2411 = tpu.bitcast %and3A_2410 : vector<784x128xi32> -> vector<784x128xf32>
    %get3A_2412 = arith.constant 60 : index
    %get3A_2413 = arith.constant 0 : index
    %get3A_2414 = memref.load %arg5[%get3A_2412, %get3A_2413] : memref<64x1xf32, #tpu.memory_space<smem>>
    %mul3A_2415 = vector.broadcast %get3A_2414 : f32 to vector<784x128xf32>
    %mul3A_2416 = arith.mulf %bitcast_convert_type3A_2411, %mul3A_2415 : vector<784x128xf32>
    %add3A_2417 = arith.addf %add3A_2378, %mul3A_2416 : vector<784x128xf32>
    %get3A_2418 = arith.constant 0 : index
    %get3A_2419 = arith.constant 61 : index
    %get3A_2420 = memref.load %arg3[%get3A_2418, %get3A_2419] : memref<2x64xf32, #tpu.memory_space<smem>>
    %mul3A_2421 = vector.broadcast %get3A_2420 : f32 to vector<784x128xf32>
    %mul3A_2422 = arith.mulf %mul3A_20, %mul3A_2421 : vector<784x128xf32>
    %get3A_2423 = arith.constant 1 : index
    %get3A_2424 = arith.constant 61 : index
    %get3A_2425 = memref.load %arg3[%get3A_2423, %get3A_2424] : memref<2x64xf32, #tpu.memory_space<smem>>
    %mul3A_2426 = vector.broadcast %get3A_2425 : f32 to vector<784x128xf32>
    %mul3A_2427 = arith.mulf %mul3A_41, %mul3A_2426 : vector<784x128xf32>
    %add3A_2428 = arith.addf %mul3A_2422, %mul3A_2427 : vector<784x128xf32>
    %get3A_2429 = arith.constant 61 : index
    %get3A_2430 = memref.load %arg4[%get3A_2429] : memref<64xf32, #tpu.memory_space<smem>>
    %add3A_2431 = vector.broadcast %get3A_2430 : f32 to vector<784x128xf32>
    %add3A_2432 = arith.addf %add3A_2428, %add3A_2431 : vector<784x128xf32>
    %max3A_2433 = arith.constant 0.000000e+00 : f32
    %max3A_2434 = vector.broadcast %max3A_2433 : f32 to vector<784x128xf32>
    %max3A_2435 = arith.maximumf %add3A_2432, %max3A_2434 : vector<784x128xf32>
    %bitcast_convert_type3A_2436 = tpu.bitcast %max3A_2435 : vector<784x128xf32> -> vector<784x128xi32>
    %add3A_2437 = arith.constant 32767 : i32
    %add3A_2438 = vector.broadcast %add3A_2437 : i32 to vector<784x128xi32>
    %add3A_2439 = arith.addi %bitcast_convert_type3A_2436, %add3A_2438 : vector<784x128xi32>
    %shift_right_logical3A_2440 = arith.constant 16 : i32
    %shift_right_logical3A_2441 = vector.broadcast %shift_right_logical3A_2440 : i32 to vector<784x128xi32>
    %shift_right_logical3A_2442 = arith.shrui %bitcast_convert_type3A_2436, %shift_right_logical3A_2441 : vector<784x128xi32>
    %and3A_2443 = arith.constant 1 : i32
    %and3A_2444 = vector.broadcast %and3A_2443 : i32 to vector<784x128xi32>
    %and3A_2445 = arith.andi %shift_right_logical3A_2442, %and3A_2444 : vector<784x128xi32>
    %add3A_2446 = arith.addi %add3A_2439, %and3A_2445 : vector<784x128xi32>
    %and3A_2447 = arith.constant -65536 : i32
    %and3A_2448 = vector.broadcast %and3A_2447 : i32 to vector<784x128xi32>
    %and3A_2449 = arith.andi %add3A_2446, %and3A_2448 : vector<784x128xi32>
    %bitcast_convert_type3A_2450 = tpu.bitcast %and3A_2449 : vector<784x128xi32> -> vector<784x128xf32>
    %get3A_2451 = arith.constant 61 : index
    %get3A_2452 = arith.constant 0 : index
    %get3A_2453 = memref.load %arg5[%get3A_2451, %get3A_2452] : memref<64x1xf32, #tpu.memory_space<smem>>
    %mul3A_2454 = vector.broadcast %get3A_2453 : f32 to vector<784x128xf32>
    %mul3A_2455 = arith.mulf %bitcast_convert_type3A_2450, %mul3A_2454 : vector<784x128xf32>
    %add3A_2456 = arith.addf %add3A_2417, %mul3A_2455 : vector<784x128xf32>
    %get3A_2457 = arith.constant 0 : index
    %get3A_2458 = arith.constant 62 : index
    %get3A_2459 = memref.load %arg3[%get3A_2457, %get3A_2458] : memref<2x64xf32, #tpu.memory_space<smem>>
    %mul3A_2460 = vector.broadcast %get3A_2459 : f32 to vector<784x128xf32>
    %mul3A_2461 = arith.mulf %mul3A_20, %mul3A_2460 : vector<784x128xf32>
    %get3A_2462 = arith.constant 1 : index
    %get3A_2463 = arith.constant 62 : index
    %get3A_2464 = memref.load %arg3[%get3A_2462, %get3A_2463] : memref<2x64xf32, #tpu.memory_space<smem>>
    %mul3A_2465 = vector.broadcast %get3A_2464 : f32 to vector<784x128xf32>
    %mul3A_2466 = arith.mulf %mul3A_41, %mul3A_2465 : vector<784x128xf32>
    %add3A_2467 = arith.addf %mul3A_2461, %mul3A_2466 : vector<784x128xf32>
    %get3A_2468 = arith.constant 62 : index
    %get3A_2469 = memref.load %arg4[%get3A_2468] : memref<64xf32, #tpu.memory_space<smem>>
    %add3A_2470 = vector.broadcast %get3A_2469 : f32 to vector<784x128xf32>
    %add3A_2471 = arith.addf %add3A_2467, %add3A_2470 : vector<784x128xf32>
    %max3A_2472 = arith.constant 0.000000e+00 : f32
    %max3A_2473 = vector.broadcast %max3A_2472 : f32 to vector<784x128xf32>
    %max3A_2474 = arith.maximumf %add3A_2471, %max3A_2473 : vector<784x128xf32>
    %bitcast_convert_type3A_2475 = tpu.bitcast %max3A_2474 : vector<784x128xf32> -> vector<784x128xi32>
    %add3A_2476 = arith.constant 32767 : i32
    %add3A_2477 = vector.broadcast %add3A_2476 : i32 to vector<784x128xi32>
    %add3A_2478 = arith.addi %bitcast_convert_type3A_2475, %add3A_2477 : vector<784x128xi32>
    %shift_right_logical3A_2479 = arith.constant 16 : i32
    %shift_right_logical3A_2480 = vector.broadcast %shift_right_logical3A_2479 : i32 to vector<784x128xi32>
    %shift_right_logical3A_2481 = arith.shrui %bitcast_convert_type3A_2475, %shift_right_logical3A_2480 : vector<784x128xi32>
    %and3A_2482 = arith.constant 1 : i32
    %and3A_2483 = vector.broadcast %and3A_2482 : i32 to vector<784x128xi32>
    %and3A_2484 = arith.andi %shift_right_logical3A_2481, %and3A_2483 : vector<784x128xi32>
    %add3A_2485 = arith.addi %add3A_2478, %and3A_2484 : vector<784x128xi32>
    %and3A_2486 = arith.constant -65536 : i32
    %and3A_2487 = vector.broadcast %and3A_2486 : i32 to vector<784x128xi32>
    %and3A_2488 = arith.andi %add3A_2485, %and3A_2487 : vector<784x128xi32>
    %bitcast_convert_type3A_2489 = tpu.bitcast %and3A_2488 : vector<784x128xi32> -> vector<784x128xf32>
    %get3A_2490 = arith.constant 62 : index
    %get3A_2491 = arith.constant 0 : index
    %get3A_2492 = memref.load %arg5[%get3A_2490, %get3A_2491] : memref<64x1xf32, #tpu.memory_space<smem>>
    %mul3A_2493 = vector.broadcast %get3A_2492 : f32 to vector<784x128xf32>
    %mul3A_2494 = arith.mulf %bitcast_convert_type3A_2489, %mul3A_2493 : vector<784x128xf32>
    %add3A_2495 = arith.addf %add3A_2456, %mul3A_2494 : vector<784x128xf32>
    %get3A_2496 = arith.constant 0 : index
    %get3A_2497 = arith.constant 63 : index
    %get3A_2498 = memref.load %arg3[%get3A_2496, %get3A_2497] : memref<2x64xf32, #tpu.memory_space<smem>>
    %mul3A_2499 = vector.broadcast %get3A_2498 : f32 to vector<784x128xf32>
    %mul3A_2500 = arith.mulf %mul3A_20, %mul3A_2499 : vector<784x128xf32>
    %get3A_2501 = arith.constant 1 : index
    %get3A_2502 = arith.constant 63 : index
    %get3A_2503 = memref.load %arg3[%get3A_2501, %get3A_2502] : memref<2x64xf32, #tpu.memory_space<smem>>
    %mul3A_2504 = vector.broadcast %get3A_2503 : f32 to vector<784x128xf32>
    %mul3A_2505 = arith.mulf %mul3A_41, %mul3A_2504 : vector<784x128xf32>
    %add3A_2506 = arith.addf %mul3A_2500, %mul3A_2505 : vector<784x128xf32>
    %get3A_2507 = arith.constant 63 : index
    %get3A_2508 = memref.load %arg4[%get3A_2507] : memref<64xf32, #tpu.memory_space<smem>>
    %add3A_2509 = vector.broadcast %get3A_2508 : f32 to vector<784x128xf32>
    %add3A_2510 = arith.addf %add3A_2506, %add3A_2509 : vector<784x128xf32>
    %max3A_2511 = arith.constant 0.000000e+00 : f32
    %max3A_2512 = vector.broadcast %max3A_2511 : f32 to vector<784x128xf32>
    %max3A_2513 = arith.maximumf %add3A_2510, %max3A_2512 : vector<784x128xf32>
    %bitcast_convert_type3A_2514 = tpu.bitcast %max3A_2513 : vector<784x128xf32> -> vector<784x128xi32>
    %add3A_2515 = arith.constant 32767 : i32
    %add3A_2516 = vector.broadcast %add3A_2515 : i32 to vector<784x128xi32>
    %add3A_2517 = arith.addi %bitcast_convert_type3A_2514, %add3A_2516 : vector<784x128xi32>
    %shift_right_logical3A_2518 = arith.constant 16 : i32
    %shift_right_logical3A_2519 = vector.broadcast %shift_right_logical3A_2518 : i32 to vector<784x128xi32>
    %shift_right_logical3A_2520 = arith.shrui %bitcast_convert_type3A_2514, %shift_right_logical3A_2519 : vector<784x128xi32>
    %and3A_2521 = arith.constant 1 : i32
    %and3A_2522 = vector.broadcast %and3A_2521 : i32 to vector<784x128xi32>
    %and3A_2523 = arith.andi %shift_right_logical3A_2520, %and3A_2522 : vector<784x128xi32>
    %add3A_2524 = arith.addi %add3A_2517, %and3A_2523 : vector<784x128xi32>
    %and3A_2525 = arith.constant -65536 : i32
    %and3A_2526 = vector.broadcast %and3A_2525 : i32 to vector<784x128xi32>
    %and3A_2527 = arith.andi %add3A_2524, %and3A_2526 : vector<784x128xi32>
    %bitcast_convert_type3A_2528 = tpu.bitcast %and3A_2527 : vector<784x128xi32> -> vector<784x128xf32>
    %get3A_2529 = arith.constant 63 : index
    %get3A_2530 = arith.constant 0 : index
    %get3A_2531 = memref.load %arg5[%get3A_2529, %get3A_2530] : memref<64x1xf32, #tpu.memory_space<smem>>
    %mul3A_2532 = vector.broadcast %get3A_2531 : f32 to vector<784x128xf32>
    %mul3A_2533 = arith.mulf %bitcast_convert_type3A_2528, %mul3A_2532 : vector<784x128xf32>
    %add3A_2534 = arith.addf %add3A_2495, %mul3A_2533 : vector<784x128xf32>
    %mul3A_2535 = arith.mulf %get3A_1, %add3A_2534 : vector<784x128xf32>
    %swap3A = arith.constant 0 : index
    %swap3A_2536 = arith.constant 0 : index
    %swap3A_2537 = vector.load %arg6[%swap3A, %swap3A_2536] : memref<784x128xf32, #tpu.memory_space<vmem>>, vector<784x128xf32>
    tpu.vector_store %arg6[%swap3A, %swap3A_2536], %mul3A_2535 {strides = array<i32>} : memref<784x128xf32, #tpu.memory_space<vmem>>, vector<784x128xf32>,
    return
  }
}

module attributes {stable_mosaic.version = 14 : i64} {
  func.func @_tc3_body(%arg0: memref<2x1x784x128xf32, #tpu.memory_space<vmem>>, %arg1: memref<784x128xf32, #tpu.memory_space<vmem>>, %arg2: memref<784x128xf32, #tpu.memory_space<vmem>>, %arg3: memref<1xf32, #tpu.memory_space<smem>>, %arg4: memref<784x128xf32, #tpu.memory_space<vmem>>) attributes {dimension_semantics = [], scalar_prefetch = 0 : i64, scratch_operands = 0 : i64, tpu.core_type = #tpu.core_type<tc>} {
    %get3A = arith.constant 0 : index
    %get3A_0 = arith.constant 0 : index
    %get3A_1 = vector.load %arg1[%get3A, %get3A_0] : memref<784x128xf32, #tpu.memory_space<vmem>>, vector<784x128xf32>
    %get3A_2 = arith.constant 0 : index
    %get3A_3 = arith.constant 0 : index
    %get3A_4 = arith.constant 0 : index
    %get3A_5 = arith.constant 0 : index
    %get3A_6 = vector.load %arg0[%get3A_2, %get3A_3, %get3A_4, %get3A_5] : memref<2x1x784x128xf32, #tpu.memory_space<vmem>>, vector<1x1x784x128xf32>
    %get3A_7 = vector.shape_cast %get3A_6 : vector<1x1x784x128xf32> to vector<784x128xf32>
    %get3A_8 = arith.constant 1 : index
    %get3A_9 = arith.constant 0 : index
    %get3A_10 = arith.constant 0 : index
    %get3A_11 = arith.constant 0 : index
    %get3A_12 = vector.load %arg0[%get3A_8, %get3A_9, %get3A_10, %get3A_11] : memref<2x1x784x128xf32, #tpu.memory_space<vmem>>, vector<1x1x784x128xf32>
    %get3A_13 = vector.shape_cast %get3A_12 : vector<1x1x784x128xf32> to vector<784x128xf32>
    %add3A = arith.addf %get3A_7, %get3A_13 : vector<784x128xf32>
    %mul3A = arith.mulf %get3A_1, %add3A : vector<784x128xf32>
    %get3A_14 = arith.constant 0 : index
    %get3A_15 = arith.constant 0 : index
    %get3A_16 = vector.load %arg2[%get3A_14, %get3A_15] : memref<784x128xf32, #tpu.memory_space<vmem>>, vector<784x128xf32>
    %mul3A_17 = arith.mulf %get3A_1, %get3A_16 : vector<784x128xf32>
    %add3A_18 = arith.addf %mul3A, %mul3A_17 : vector<784x128xf32>
    %get3A_19 = arith.constant 0 : index
    %get3A_20 = memref.load %arg3[%get3A_19] : memref<1xf32, #tpu.memory_space<smem>>
    %add3A_21 = vector.broadcast %get3A_20 : f32 to vector<784x128xf32>
    %add3A_22 = arith.addf %add3A_18, %add3A_21 : vector<784x128xf32>
    %swap3A = arith.constant 0 : index
    %swap3A_23 = arith.constant 0 : index
    %swap3A_24 = vector.load %arg4[%swap3A, %swap3A_23] : memref<784x128xf32, #tpu.memory_space<vmem>>, vector<784x128xf32>
    tpu.vector_store %arg4[%swap3A, %swap3A_23], %add3A_22 {strides = array<i32>} : memref<784x128xf32, #tpu.memory_space<vmem>>, vector<784x128xf32>,
    return
  }
}

</mosaic_0001>

<sc_bundles>
// kernel: kernel.11.cloned.1.call-start
scs
__scs_entry_jumppad:
0x0: {  	(pc) =	sbr.rel $0x88, $3  }
0x1: {  	(tag) =	ssettag $0x0;
	lr =	simm.s32 $0x1  }
0x2: {  	[smem:$0x3F9B] =	sst lr;
	_ =	strace $0xD0000000  }
0x3: {  	_ = 	snop  }
0x4: {  	_ = 	snop  }
0x5: {  	_ = 	snop  }
0x6: {  	_ = 	snop  }
0x7: {  	_ = 	snop  }
__scs_overlays_trampoline_lowered:
0x8: {  	[smem:$0x3FAA] =	sst s0  }
0x9: {  	[smem:$0x3FAB] =	sst s1  }
0xa: {  	[smem:$0x3FAC] =	sst s2  }
0xb: {  	[smem:$0x3FAD] =	sst s3  }
0xc: {  	[smem:$0x3FAE] =	sst s4  }
0xd: {  	[smem:$0x3FAF] =	sst s5  }
0xe: {  	[smem:$0x3FB0] =	sst s6  }
0xf: {  	[smem:$0x3FB1] =	sst s7  }
0x10: {  	[smem:$0x3FB2] =	sst s8  }
0x11: {  	[smem:$0x3FB3] =	sst s9;
	s0 =	simm.s32 @!p0 $0x0  }
0x12: {  	s1 =	sld [smem:$0x3F99];
	s0 =	simm.s32 @p0 $0x1  }
0x13: {  	[smem:$0x3FB4] =	sst s0;
	s0 =	simm.s32 @!p1 $0x0  }
0x14: {  	s2 =	sld [smem:$0x3F98];
	s0 =	simm.s32 @p1 $0x1  }
0x15: {  	[smem:$0x3FB5] =	sst s0;
	s0 =	simm.s32 @!p2 $0x0  }
0x16: {  	s3 =	sld [smem:$0x3FDB];
	s0 =	simm.s32 @p2 $0x1  }
0x17: {  	s4 =	simm.s32 $0x1BF5;
	[smem:$0x3FB7] =	sst s0  }
0x18: {  	s0 =	sld [smem:$0x3F9A];
	_ =	swait.ge [sflag:s4], $0x0  }
0x19: {  	s7 =	sld [smem:$0x3F9B]  }
0x1a: {  	s8 =	sadd.s32 $0xFFFFE003, lr  }
0x1b: {  	s9 =	sadd.s32 $0xFFFFFEF7, lr;
	s5 =	simm.s32 $0xFFFFFFFF;
	p2 =	slt.u32 s8, $0xFFFFF086  }
0x1c: {  	p1 =	slt.u32 s9, $0xF7A;
	s5 =	simm.s32 @!p2 $0x0  }
0x1d: {  	s5 =	simm.s32 @p1 $0x1;
	p0 =	seq.s32 s7, s2  }
0x1e: {  	s7 =	smul.u32 @!p0 $0xF7A, s2;
	p2 =	seq.s32 @!p0 s5, $0x0  }
0x1f: {  	s9 =	smul.u32 $0xF7A, s1;
	s8 =	simm.s32 @!p0 $0x1BF5;
	p2 =	por !p2, p0  }
0x20: {  	[sflag:s8] =	ssyncset.s32 @!p0 $0xFFFFF086;
	s6 =	sadd.s32 @!p0 s3, s7;
	s7 =	simm.s32 @!p0 $0x108  }
0x21: {  	s3 =	sadd.s32 s3, s9;
	s6 =	sadd.s32 @!p0 $0x88, s6;
	s7 =	simm.s32 @p2 $0x1082  }
0x22: {  	[simem:s7], [sflag:s8] =	dma.local @!p0 [hbm:s6], $0xF7A  }
0x23: {  	s9 =	sor.u32 $0xD0000000, s2;
	s6 =	simm.s32 $0x108;
	_ =	swait.ge @!p0 [sflag:s8], $0x0  }
0x24: {  	s3 =	sadd.s32 $0x88, s3;
	s6 =	simm.s32 @!p1 $0x1082;
	[sflag:s4] =	ssyncset.s32 $0xFFFFF086  }
0x25: {  	[simem:s6], [sflag:s4] =	dma.local [hbm:s3], $0xF7A  }
0x26: {  	[smem:$0x3F9B] =	sst s1;
	(tag) =	ssettag s2;
	_ =	strace s9  }
0x27: {  	s1 =	sld [smem:$0x3FAB]  }
0x28: {  	s2 =	sld [smem:$0x3FAC]  }
0x29: {  	s4 =	sld [smem:$0x3FAE]  }
0x2a: {  	p0 =	seq.s32 s5, $0x0;
	s5 =	sld [smem:$0x3FAF]  }
0x2b: {  	s6 =	sld [smem:$0x3FB0]  }
0x2c: {  	s7 =	sld [smem:$0x3FB1]  }
0x2d: {  	s3 =	simm.s32 $0x108;
	s8 =	sld [smem:$0x3FB2]  }
0x2e: {  	s3 =	simm.s32 @!p0 $0x1082;
	s9 =	sld [smem:$0x3FB3]  }
0x2f: {  	lr =	sadd.s32 s0, s3;
	s0 =	sld [smem:$0x3FAA]  }
0x30: {  	s3 =	sld [smem:$0x3FAD]  }
0x31: {  	[smem:$0x3FB6] =	sst s10  }
0x32: {  	s10 =	sld [smem:$0x3FB4];
	_ =	sdelay $0x3  }
0x33: {  	p0 =	seq.s32 s10, $0x1;
	s10 =	sld [smem:$0x3FB6];
	_ =	sdelay $0x3  }
0x34: {  	[smem:$0x3FB6] =	sst s10  }
0x35: {  	s10 =	sld [smem:$0x3FB5];
	_ =	sdelay $0x3  }
0x36: {  	p1 =	seq.s32 s10, $0x1;
	s10 =	sld [smem:$0x3FB6];
	_ =	sdelay $0x3  }
0x37: {  	[smem:$0x3FB6] =	sst s10  }
0x38: {  	s10 =	sld [smem:$0x3FB7]  }
0x39: {  	_ = 	snop;
	(pc) =	sbr.ind lr, $3  }
0x3a: {  	_ = 	snop  }
0x3b: {  	_ = 	snop  }
0x3c: {  	p2 =	seq.s32 s10, $0x1;
	s10 =	sld [smem:$0x3FB6]  }
0x3d: {  	_ =	shalt  }
0x3e: {  	_ =	shalt  }
0x3f: {  	_ =	shalt  }
0x40: {  	_ =	shalt  }
0x41: {  	_ =	shalt  }
0x42: {  	_ =	shalt  }
0x43: {  	_ =	shalt  }
0x44: {  	_ =	shalt  }
0x45: {  	_ =	shalt  }
0x46: {  	_ =	shalt  }
0x47: {  	_ =	shalt  }
0x48: {  	_ =	shalt  }
0x49: {  	_ =	shalt  }
0x4a: {  	_ =	shalt  }
0x4b: {  	_ =	shalt  }
0x4c: {  	_ =	shalt  }
0x4d: {  	_ =	shalt  }
0x4e: {  	_ =	shalt  }
0x4f: {  	_ =	shalt  }
0x50: {  	_ =	shalt  }
0x51: {  	_ =	shalt  }
0x52: {  	_ =	shalt  }
0x53: {  	_ =	shalt  }
0x54: {  	_ =	shalt  }
0x55: {  	_ =	shalt  }
0x56: {  	_ =	shalt  }
0x57: {  	_ =	shalt  }
0x58: {  	_ =	shalt  }
0x59: {  	_ =	shalt  }
0x5a: {  	_ =	shalt  }
0x5b: {  	_ =	shalt  }
0x5c: {  	_ =	shalt  }
0x5d: {  	_ =	shalt  }
0x5e: {  	_ =	shalt  }
0x5f: {  	_ =	shalt  }
0x60: {  	_ =	shalt  }
0x61: {  	_ =	shalt  }
0x62: {  	_ =	shalt  }
0x63: {  	_ =	shalt  }
0x64: {  	_ =	shalt  }
0x65: {  	_ =	shalt  }
0x66: {  	_ =	shalt  }
0x67: {  	_ =	shalt  }
0x68: {  	_ =	shalt  }
0x69: {  	_ =	shalt  }
0x6a: {  	_ =	shalt  }
0x6b: {  	_ =	shalt  }
0x6c: {  	_ =	shalt  }
0x6d: {  	_ =	shalt  }
0x6e: {  	_ =	shalt  }
0x6f: {  	_ =	shalt  }
0x70: {  	_ =	shalt  }
0x71: {  	_ =	shalt  }
0x72: {  	_ =	shalt  }
0x73: {  	_ =	shalt  }
0x74: {  	_ =	shalt  }
0x75: {  	_ =	shalt  }
0x76: {  	_ =	shalt  }
0x77: {  	_ =	shalt  }
0x78: {  	_ =	shalt  }
0x79: {  	_ =	shalt  }
0x7a: {  	_ =	shalt  }
0x7b: {  	_ =	shalt  }
0x7c: {  	_ =	shalt  }
0x7d: {  	_ =	shalt  }
0x7e: {  	_ =	shalt  }
0x7f: {  	_ =	shalt  }
0x80: {  	_ =	shalt  }
0x81: {  	_ =	shalt  }
0x82: {  	_ =	shalt  }
0x83: {  	_ =	shalt  }
0x84: {  	_ =	shalt  }
0x85: {  	_ =	shalt  }
0x86: {  	_ =	shalt  }
0x87: {  	_ =	shalt  }
.Lfunc_end0:
.L_simem_size_0:
called_computation.1_lowered:
.L_overlay_start_0:
0x88: {  	s2 =	sld [smem:$0x3FD9]  }
0x89: {  	s3 =	sld [smem:$0x3FFE];
	_ =	sdelay $0x1  }
0x8a: {  	s1 =	srdreg.scid  }
0x8b: {  	s0 =	sand.u32 $0x1, s1  }
0x8c: {  	s16 =	sshll.u32 s0, $0xA;
	s2 =	sadd.s32 s3, s2  }
0x8d: {  	s2 =	sadd.s32 s2, s16  }
0x8e: {  	[smem:$0x3FC2] =	sst s2  }
0x8f: {  	_ = 	snop  }
0x90: {  	(tm) =	ssettm $0x1  }
0x91: {  	s17 =	sld [smem:$0x3FFB];
	_ =	sdelay $0x3  }
0x92: {  	_ =	strace s17  }
0x93: {  	s2 =	sld [smem:$0x3FFC];
	_ =	sdelay $0x3  }
0x94: {  	_ =	strace s2  }
0x95: {  	s2 =	sld [smem:$0x3FFD];
	_ =	sdelay $0x3  }
0x96: {  	_ =	strace s2  }
0x97: {  	_ =	strace $0x8FFFFFFF  }
0x98: {  	s18 =	sld [smem:$0x3FDB];
	_ =	sdelay $0x1  }
0x99: {  	s19 =	simm.s32 $_scs_section_size  }
0x9a: {  	s4 =	simm.s32 $_size__tile_overlayer_lowered;
	s5 =	simm.s32 $_tile_overlayer_lowered  }
0x9b: {  	s22 =	simm.s32 $0x1BFF;
	s21 =	sshll.u32 s5, $0x1;
	s2 =	sadd.s32 s19, s18  }
0x9c: {  	s6 =	simm.s32 $0x0;
	s20 =	sshll.u32 s4, $0x1;
	s4 =	sadd.s32 s21, s2  }
0x9d: {  	[timem:s6], [sflag:s22] =	dma.local [hbm:s4], s20  }
0x9e: {  	_ =	swait.ge [sflag:s22], s20  }
0x9f: {  	s3 =	ssub.s32 $0x0, s20;
	[sflag:s22] =	ssyncset.done $0x0  }
0xa0: {  	[sflag:s22] =	ssyncadd.s32 s3;
	_ =	sdelay $0x1  }
0xa1: {  	s23 =	simm.s32 $0x1B8B  }
0xa2: {  	_ =	swait.ge [sflag:s23], $0x1  }
0xa3: {  	[sflag:s23] =	ssyncset.done $0x0  }
0xa4: {  	s25 =	simm.s32 $0x1B8E;
	s24 =	sld [smem:$0x3FFE];
	[sflag:s23] =	ssyncadd.s32 $0xFFFFFFFF  }
0xa5: {  	s26 =	simm.s32 $execute0_lowered;
	[smem:$0x3FD2] =	sst s25  }
0xa6: {  	s4 =	sshll.u32 s26, $0x1;
	_ =	strace $0x80000049;
	[dreg:$0x1] =	wrdreg $0xFFFFFFFF  }
0xa7: {  	s28 =	simm.s32 $_size_execute0_lowered;
	s2 =	sadd.s32 s2, s4;
	[dreg:$0x0] =	wrdreg $0x0  }
0xa8: {  	s4 =	sshll.u32 s28, $0x1;
	[dreg:$0x2] =	wrdreg s2  }
0xa9: {  	[dreg:$0x3] =	wrdreg s4  }
0xaa: {  	[dreg:$0x4] =	wrdreg $0xC0  }
0xab: {  	_ =	task [dreg:s6], $0x5FFFF  }
0xac: {  	[dreg:$0x1] =	wrdreg $0xFFFFFFFF  }
0xad: {  	[dreg:$0x0] =	wrdreg $0x60  }
0xae: {  	[dreg:$0x2] =	wrdreg s24  }
0xaf: {  	[dreg:$0x3] =	wrdreg $0x154800  }
0xb0: {  	[dreg:$0x4] =	wrdreg $0x16D000  }
0xb1: {  	[dreg:$0x5] =	wrdreg $0x185800  }
0xb2: {  	[dreg:$0x6] =	wrdreg $0x19E000  }
0xb3: {  	[dreg:$0x7] =	wrdreg $0x9  }
0xb4: {  	_ =	task.clear_ibuf [dreg:s6], $0x8FFFF;
	_ =	strace $0x90000049  }
0xb5: {  	s29 =	simm.s32 $0x9;
	_ =	strace $0x8000004B  }
0xb6: {  	_ =	swait.ge [sflag:s29], $0x1  }
0xb7: {  	[sflag:s29] =	ssyncadd.s32 $0xFFFFFFFF  }
0xb8: {  	_ =	strace $0x9000004B  }
0xb9: {  	_ =	sfence  }
0xba: {  	s30 =	sld [smem:$0x0];
	_ =	sdelay $0x2  }
0xbb: {  	s31 =	sshll.u32 s1, $0xD;
	s1 =	sshrl.u32 s1, $0x2  }
0xbc: {  	s3 =	sand.u32 $0x4000, s31;
	s1 =	sadd.s32 s1, s30  }
0xbd: {  	s0 =	sor.u32 s3, s0;
	s1 =	sshll.u32 s1, $0x11  }
0xbe: {  	s0 =	sor.u32 s1, s0  }
0xbf: {  	s0 =	sadd.s32 $0x8F2B, s0  }
0xc0: {  	[sflag:s0] =	ssyncadd.remote.s32 $0x1  }
0xc1: {  	_ =	sfence.sel $0xFFFF  }
0xc2: {  	[dreg:$0x0] =	wrdreg $0xFFFFFFFF;
	(pc) =	sbr.abs _section_cstart, $3  }
0xc3: {  	[dreg:$0x1] =	wrdreg $0xFFFFFFFF  }
0xc4: {  	_ =	task.clear_ibuf [dreg:s6], $0x2FFFF;
	_ =	strace $0x9FFFFFFF  }
0xc5: {  	(tm) =	ssettm $0x7FFFFFFF  }
tec
execute0_lowered:
.L_overlay_start_1:
0x0: {  	(tag) =	ssettag $0x1  }
0x1: {  	s0 =	rddreg [dreg:$0x0]  }
0x2: {  	s2 =	rddreg [dreg:$0x1]  }
0x3: {  	s3 =	rddreg [dreg:$0x2]  }
0x4: {  	s4 =	rddreg [dreg:$0x3]  }
0x5: {  	s5 =	rddreg [dreg:$0x4]  }
0x6: {  	s1 =	stileid.u32;
	s6 =	simm.s32 $0x0;
	s7 =	srdreg.scid  }
0x7: {  	s10 =	smul.u32 $0x1880, s1;
	[smem:$0x7FF] =	sst s6  }
0x8: {  	s31 =	sand.u32 $0x1, s7;
	s9 =	sadd.s32 $0x64000, s0;
	_ =	strace $0x8000004A  }
0x9: {  	s7 =	sshll.u32 s31, $0x4;
	[dreg:$0x6] =	wrdreg s9;
	s8 =	sshrl.u32 s10, $0x3  }
0xa: {  	s7 =	sor.u32 s1, s7;
	s12 =	sadd.s32 s10, s4;
	s19 =	rddreg [dreg:$0x6]  }
0xb: {  	s13 =	sadd.s32 s10, s5;
	s7 =	smul.u32 $0xC350, s7;
	[dreg:$0x8] =	wrdreg s12  }
0xc: {  	s8 =	sadd.s32 s8, s0;
	[dreg:$0xa] =	wrdreg s13  }
0xd: {  	s11 =	sadd.s32 $0x64400, s8;
	s8 =	sadd.s32 $0x67600, s8;
	s7 =	sshrl.u32 s7, $0x3  }
0xe: {  	[dreg:$0x9] =	wrdreg s8;
	s8 =	simm.s32 $0x13C00;
	s26 =	sadd.s32 s7, s0  }
0xf: {  	[tilespmem:s8], [sflag:$0x5] =	stream.linear.gather [hbm4b:s19+s6], $0x1880, $0x38;
	[tilespmem:$0x1B680] =	vst v63  }
0x10: {  	[dreg:$0x7] =	wrdreg s11;
	s14 =	sadd.s32 $0x2400, s26  }
0x11: {  	s15 =	sadd.s32 $0x33140, s26;
	[dreg:$0xb] =	wrdreg s14  }
0x12: {  	s16 =	sadd.s32 $0x28E2, s26;
	[dreg:$0xc] =	wrdreg s15  }
0x13: {  	s17 =	sadd.s32 $0x33622, s26;
	[dreg:$0xd] =	wrdreg s16  }
0x14: {  	s18 =	sadd.s32 $0x2DC4, s26;
	[dreg:$0xe] =	wrdreg s17  }
0x15: {  	s20 =	sadd.s32 $0x33B04, s26;
	[dreg:$0xf] =	wrdreg s18  }
0x16: {  	s7 =	simm.s32 $0x5;
	[dreg:$0x10] =	wrdreg s20  }
0x17: {  	_ =	swait.ge [sflag:s7], $0x1880  }
0x18: {  	[sflag:s7] =	ssyncset.done $0x0  }
0x19: {  	s9 =	sadd.s32 s10, s2;
	[sflag:s7] =	ssyncadd.s32 $0xFFFFE780  }
0x1a: {  	[spmem:s9] =	stream.linear.scatter [tilespmem:s8], [sflag:$0x5], $0x1880, $0x38;
	[tilespmem:$0x1B680] =	vst v63  }
0x1b: {  	_ =	swait.ge [sflag:s7], $0x1880  }
0x1c: {  	[sflag:s7] =	ssyncset.done $0x0  }
0x1d: {  	s10 =	sadd.s32 s10, s3;
	[sflag:s7] =	ssyncadd.s32 $0xFFFFE780  }
0x1e: {  	[spmem:s10] =	stream.linear.scatter [tilespmem:s8], [sflag:$0x5], $0x1880, $0x38;
	[tilespmem:$0x1B680] =	vst v63  }
0x1f: {  	_ =	swait.ge [sflag:s7], $0x1880  }
0x20: {  	[sflag:s7] =	ssyncset.done $0x0  }
0x21: {  	s11 =	rddreg [dreg:$0x7];
	[sflag:s7] =	ssyncadd.s32 $0xFFFFE780  }
0x22: {  	[tilespmem:s8], [sflag:$0x5] =	stream.linear.gather [hbm4b:s11+s6], $0x1880, $0x38;
	[tilespmem:$0x1B680] =	vst v63  }
0x23: {  	_ =	swait.ge [sflag:s7], $0x1880  }
0x24: {  	[sflag:s7] =	ssyncset.done $0x0  }
0x25: {  	s21 =	rddreg [dreg:$0x8];
	[sflag:s7] =	ssyncadd.s32 $0xFFFFE780  }
0x26: {  	[spmem:s21] =	stream.linear.scatter [tilespmem:s8], [sflag:$0x5], $0x1880, $0x38;
	[tilespmem:$0x1B680] =	vst v63  }
0x27: {  	_ =	swait.ge [sflag:s7], $0x1880  }
0x28: {  	[sflag:s7] =	ssyncset.done $0x0  }
0x29: {  	s22 =	rddreg [dreg:$0x9];
	[sflag:s7] =	ssyncadd.s32 $0xFFFFE780  }
0x2a: {  	[tilespmem:s8], [sflag:$0x5] =	stream.linear.gather [hbm4b:s22+s6], $0x1880, $0x38;
	[tilespmem:$0x1B680] =	vst v63  }
0x2b: {  	_ =	swait.ge [sflag:s7], $0x1880  }
0x2c: {  	[sflag:s7] =	ssyncset.done $0x0  }
0x2d: {  	s23 =	rddreg [dreg:$0xa];
	[sflag:s7] =	ssyncadd.s32 $0xFFFFE780  }
0x2e: {  	[spmem:s23] =	stream.linear.scatter [tilespmem:s8], [sflag:$0x5], $0x1880, $0x38;
	[tilespmem:$0x1B680] =	vst v63  }
0x2f: {  	_ =	swait.ge [sflag:s7], $0x1880  }
0x30: {  	[sflag:s7] =	ssyncset.done $0x0  }
0x31: {  	[sflag:s7] =	ssyncadd.s32 $0xFFFFE780  }
0x32: {  	[bflag:$0x0] =	sbarrier.arrive $0xFFFF  }
0x33: {  	s24 =	rddreg [dreg:$0xb]  }
0x34: {  	[tilespmem:s6], [sflag:$0x5] =	stream.linear.gather [hbm4b:s24+s6], $0x2710, $0x38;
	[tilespmem:$0x1B680] =	vst v63  }
0x35: {  	_ =	swait.ge [sflag:s7], $0x2710  }
0x36: {  	[sflag:s7] =	ssyncset.done $0x0  }
0x37: {  	s11 =	simm.s32 $0x4F00;
	s12 =	rddreg [dreg:$0xc];
	[sflag:s7] =	ssyncadd.s32 $0xFFFFD8F0  }
0x38: {  	[tilespmem:s11], [sflag:$0x5] =	stream.linear.gather [hbm4b:s12+s6], $0x2710, $0x38;
	[tilespmem:$0x1B680] =	vst v63  }
0x39: {  	_ =	swait.ge [sflag:s7], $0x2710  }
0x3a: {  	[sflag:s7] =	ssyncset.done $0x0  }
0x3b: {  	s13 =	simm.s32 $0x9E00;
	s12 =	simm.s32 $0x2710;
	[sflag:s7] =	ssyncadd.s32 $0xFFFFD8F0  }
0x3c: {  	[tilespmem:s13], [sflag:$0x1] =	stream.indirect.gather [spmem:s4], $0x1, s6, s12, $0xb8;
	[tilespmem:$0x1B680] =	vst v63  }
0x3d: {  	s14 =	simm.s32 $0xC580  }
0x3e: {  	[tilespmem:s14], [sflag:$0x2] =	stream.indirect.gather [spmem:s5], $0x1, s6, s12, $0xb8;
	[tilespmem:$0x1B680] =	vst v63  }
0x3f: {  	s15 =	simm.s32 $0x2780;
	s16 =	rddreg [dreg:$0xd]  }
0x40: {  	[tilespmem:s15], [sflag:$0x5] =	stream.linear.gather [hbm4b:s16+s6], $0x2710, $0x38;
	[tilespmem:$0x1B680] =	vst v63  }
0x41: {  	_ =	swait.ge [sflag:s7], $0x2710  }
0x42: {  	[sflag:s7] =	ssyncset.done $0x0  }
0x43: {  	s16 =	simm.s32 $0x7680;
	s17 =	rddreg [dreg:$0xe];
	[sflag:s7] =	ssyncadd.s32 $0xFFFFD8F0  }
0x44: {  	[tilespmem:s16], [sflag:$0x5] =	stream.linear.gather [hbm4b:s17+s6], $0x2710, $0x38;
	[tilespmem:$0x1B680] =	vst v63  }
0x45: {  	_ =	swait.ge [sflag:s7], $0x2710  }
0x46: {  	[sflag:s7] =	ssyncset.done $0x0  }
0x47: {  	s17 =	simm.s32 $0xED00;
	[sflag:s7] =	ssyncadd.s32 $0xFFFFD8F0  }
0x48: {  	[tilespmem:s17], [sflag:$0x3] =	stream.indirect.gather [spmem:s4], $0x1, s15, s12, $0xb8;
	[tilespmem:$0x1B680] =	vst v63  }
0x49: {  	s19 =	simm.s32 $0x1;
	s18 =	simm.s32 $0x11480  }
0x4a: {  	[tilespmem:s18], [sflag:$0x4] =	stream.indirect.gather [spmem:s5], $0x1, s15, s12, $0xb8;
	[tilespmem:$0x1B680] =	vst v63  }
0x4b: {  	_ =	swait.ge [sflag:s19], $0x2710  }
0x4c: {  	[sflag:s19] =	ssyncset.done $0x0  }
0x4d: {  	s20 =	simm.s32 $0x2;
	[sflag:s19] =	ssyncadd.s32 $0xFFFFD8F0  }
0x4e: {  	_ =	swait.ge [sflag:s20], $0x2710  }
0x4f: {  	[sflag:s20] =	ssyncset.done $0x0  }
0x50: {  	[sflag:s20] =	ssyncadd.s32 $0xFFFFD8F0  }
0x51: {  	[spmem:s2] =	stream.indirect.scatter.add.f32 [tilespmem:s13], [sflag:$0x5], $0x1, s11, s12, $0xb8;
	[tilespmem:$0x1B680] =	vst v63  }
0x52: {  	_ =	swait.ge [sflag:s7], $0x2710  }
0x53: {  	[sflag:s7] =	ssyncset.done $0x0  }
0x54: {  	[sflag:s7] =	ssyncadd.s32 $0xFFFFD8F0  }
0x55: {  	[spmem:s3] =	stream.indirect.scatter.add.f32 [tilespmem:s14], [sflag:$0x5], $0x1, s11, s12, $0xb8;
	[tilespmem:$0x1B680] =	vst v63  }
0x56: {  	_ =	swait.ge [sflag:s7], $0x2710  }
0x57: {  	[sflag:s7] =	ssyncset.done $0x0  }
0x58: {  	s21 =	rddreg [dreg:$0xf];
	[sflag:s7] =	ssyncadd.s32 $0xFFFFD8F0  }
0x59: {  	[tilespmem:s6], [sflag:$0x5] =	stream.linear.gather [hbm4b:s21+s6], $0x2710, $0x38;
	[tilespmem:$0x1B680] =	vst v63  }
0x5a: {  	_ =	swait.ge [sflag:s7], $0x2710  }
0x5b: {  	[sflag:s7] =	ssyncset.done $0x0  }
0x5c: {  	s25 =	rddreg [dreg:$0x10];
	[sflag:s7] =	ssyncadd.s32 $0xFFFFD8F0  }
0x5d: {  	[tilespmem:s11], [sflag:$0x5] =	stream.linear.gather [hbm4b:s25+s6], $0x2710, $0x38;
	[tilespmem:$0x1B680] =	vst v63  }
0x5e: {  	_ =	swait.ge [sflag:s7], $0x2710  }
0x5f: {  	[sflag:s7] =	ssyncset.done $0x0  }
0x60: {  	[sflag:s7] =	ssyncadd.s32 $0xFFFFD8F0  }
0x61: {  	[tilespmem:s13], [sflag:$0x1] =	stream.indirect.gather [spmem:s4], $0x1, s6, s12, $0xb8;
	[tilespmem:$0x1B680] =	vst v63  }
0x62: {  	s21 =	simm.s32 $0x3  }
0x63: {  	[tilespmem:s14], [sflag:$0x2] =	stream.indirect.gather [spmem:s5], $0x1, s6, s12, $0xb8;
	[tilespmem:$0x1B680] =	vst v63  }
0x64: {  	_ =	swait.ge [sflag:s21], $0x2710  }
0x65: {  	[sflag:s21] =	ssyncset.done $0x0  }
0x66: {  	s22 =	simm.s32 $0x4;
	[sflag:s21] =	ssyncadd.s32 $0xFFFFD8F0  }
0x67: {  	_ =	swait.ge [sflag:s22], $0x2710  }
0x68: {  	[sflag:s22] =	ssyncset.done $0x0  }
0x69: {  	[sflag:s22] =	ssyncadd.s32 $0xFFFFD8F0  }
0x6a: {  	[spmem:s2] =	stream.indirect.scatter.add.f32 [tilespmem:s17], [sflag:$0x5], $0x1, s16, s12, $0xb8;
	[tilespmem:$0x1B680] =	vst v63  }
0x6b: {  	_ =	swait.ge [sflag:s7], $0x2710  }
0x6c: {  	[sflag:s7] =	ssyncset.done $0x0  }
0x6d: {  	[sflag:s7] =	ssyncadd.s32 $0xFFFFD8F0  }
0x6e: {  	[spmem:s3] =	stream.indirect.scatter.add.f32 [tilespmem:s18], [sflag:$0x5], $0x1, s16, s12, $0xb8;
	[tilespmem:$0x1B680] =	vst v63  }
0x6f: {  	_ =	swait.ge [sflag:s7], $0x2710  }
0x70: {  	[sflag:s7] =	ssyncset.done $0x0  }
0x71: {  	s23 =	sadd.s32 $0x32A6, s26;
	[sflag:s7] =	ssyncadd.s32 $0xFFFFD8F0  }
0x72: {  	[tilespmem:s15], [sflag:$0x5] =	stream.linear.gather [hbm4b:s23+s6], $0x2710, $0x38;
	[tilespmem:$0x1B680] =	vst v63  }
0x73: {  	_ =	swait.ge [sflag:s7], $0x2710  }
0x74: {  	[sflag:s7] =	ssyncset.done $0x0  }
0x75: {  	s24 =	sadd.s32 $0x33FE6, s26;
	[sflag:s7] =	ssyncadd.s32 $0xFFFFD8F0  }
0x76: {  	[tilespmem:s16], [sflag:$0x5] =	stream.linear.gather [hbm4b:s24+s6], $0x2710, $0x38;
	[tilespmem:$0x1B680] =	vst v63  }
0x77: {  	_ =	swait.ge [sflag:s7], $0x2710  }
0x78: {  	[sflag:s7] =	ssyncset.done $0x0  }
0x79: {  	[sflag:s7] =	ssyncadd.s32 $0xFFFFD8F0  }
0x7a: {  	[tilespmem:s17], [sflag:$0x3] =	stream.indirect.gather [spmem:s4], $0x1, s15, s12, $0xb8;
	[tilespmem:$0x1B680] =	vst v63  }
0x7b: {  	_ = 	snop  }
0x7c: {  	[tilespmem:s18], [sflag:$0x4] =	stream.indirect.gather [spmem:s5], $0x1, s15, s12, $0xb8;
	[tilespmem:$0x1B680] =	vst v63  }
0x7d: {  	_ =	swait.ge [sflag:s19], $0x2710  }
0x7e: {  	[sflag:s19] =	ssyncset.done $0x0  }
0x7f: {  	[sflag:s19] =	ssyncadd.s32 $0xFFFFD8F0  }
0x80: {  	_ =	swait.ge [sflag:s20], $0x2710  }
0x81: {  	[sflag:s20] =	ssyncset.done $0x0  }
0x82: {  	[sflag:s20] =	ssyncadd.s32 $0xFFFFD8F0  }
0x83: {  	[spmem:s2] =	stream.indirect.scatter.add.f32 [tilespmem:s13], [sflag:$0x5], $0x1, s11, s12, $0xb8;
	[tilespmem:$0x1B680] =	vst v63  }
0x84: {  	_ =	swait.ge [sflag:s7], $0x2710  }
0x85: {  	[sflag:s7] =	ssyncset.done $0x0  }
0x86: {  	[sflag:s7] =	ssyncadd.s32 $0xFFFFD8F0  }
0x87: {  	[spmem:s3] =	stream.indirect.scatter.add.f32 [tilespmem:s14], [sflag:$0x5], $0x1, s11, s12, $0xb8;
	[tilespmem:$0x1B680] =	vst v63  }
0x88: {  	_ =	swait.ge [sflag:s7], $0x2710  }
0x89: {  	[sflag:s7] =	ssyncset.done $0x0  }
0x8a: {  	s25 =	sadd.s32 $0x3788, s26;
	[sflag:s7] =	ssyncadd.s32 $0xFFFFD8F0  }
0x8b: {  	[tilespmem:s6], [sflag:$0x5] =	stream.linear.gather [hbm4b:s25+s6], $0x2710, $0x38;
	[tilespmem:$0x1B680] =	vst v63  }
0x8c: {  	_ =	swait.ge [sflag:s7], $0x2710  }
0x8d: {  	[sflag:s7] =	ssyncset.done $0x0  }
0x8e: {  	s26 =	sadd.s32 $0x344C8, s26;
	[sflag:s7] =	ssyncadd.s32 $0xFFFFD8F0  }
0x8f: {  	[tilespmem:s11], [sflag:$0x5] =	stream.linear.gather [hbm4b:s26+s6], $0x2710, $0x38;
	[tilespmem:$0x1B680] =	vst v63  }
0x90: {  	_ =	swait.ge [sflag:s7], $0x2710  }
0x91: {  	[sflag:s7] =	ssyncset.done $0x0  }
0x92: {  	[sflag:s7] =	ssyncadd.s32 $0xFFFFD8F0  }
0x93: {  	[tilespmem:s13], [sflag:$0x1] =	stream.indirect.gather [spmem:s4], $0x1, s6, s12, $0xb8;
	[tilespmem:$0x1B680] =	vst v63  }
0x94: {  	_ = 	snop  }
0x95: {  	[tilespmem:s14], [sflag:$0x2] =	stream.indirect.gather [spmem:s5], $0x1, s6, s12, $0xb8;
	[tilespmem:$0x1B680] =	vst v63  }
0x96: {  	_ =	swait.ge [sflag:s21], $0x2710  }
0x97: {  	[sflag:s21] =	ssyncset.done $0x0  }
0x98: {  	[sflag:s21] =	ssyncadd.s32 $0xFFFFD8F0  }
0x99: {  	_ =	swait.ge [sflag:s22], $0x2710  }
0x9a: {  	[sflag:s22] =	ssyncset.done $0x0  }
0x9b: {  	[sflag:s22] =	ssyncadd.s32 $0xFFFFD8F0  }
0x9c: {  	[spmem:s2] =	stream.indirect.scatter.add.f32 [tilespmem:s17], [sflag:$0x5], $0x1, s16, s12, $0xb8;
	[tilespmem:$0x1B680] =	vst v63  }
0x9d: {  	_ =	swait.ge [sflag:s7], $0x2710  }
0x9e: {  	[sflag:s7] =	ssyncset.done $0x0  }
0x9f: {  	[sflag:s7] =	ssyncadd.s32 $0xFFFFD8F0  }
0xa0: {  	[spmem:s3] =	stream.indirect.scatter.add.f32 [tilespmem:s18], [sflag:$0x5], $0x1, s16, s12, $0xb8;
	[tilespmem:$0x1B680] =	vst v63  }
0xa1: {  	_ =	swait.ge [sflag:s7], $0x2710  }
0xa2: {  	[sflag:s7] =	ssyncset.done $0x0  }
0xa3: {  	[sflag:s7] =	ssyncadd.s32 $0xFFFFD8F0  }
0xa4: {  	_ =	swait.ge [sflag:s19], $0x2710  }
0xa5: {  	[sflag:s19] =	ssyncset.done $0x0  }
0xa6: {  	[sflag:s19] =	ssyncadd.s32 $0xFFFFD8F0  }
0xa7: {  	_ =	swait.ge [sflag:s20], $0x2710  }
0xa8: {  	[sflag:s20] =	ssyncset.done $0x0  }
0xa9: {  	[sflag:s20] =	ssyncadd.s32 $0xFFFFD8F0  }
0xaa: {  	[spmem:s2] =	stream.indirect.scatter.add.f32 [tilespmem:s13], [sflag:$0x5], $0x1, s11, s12, $0xb8;
	[tilespmem:$0x1B680] =	vst v63  }
0xab: {  	_ =	swait.ge [sflag:s7], $0x2710  }
0xac: {  	[sflag:s7] =	ssyncset.done $0x0  }
0xad: {  	[sflag:s7] =	ssyncadd.s32 $0xFFFFD8F0  }
0xae: {  	[spmem:s3] =	stream.indirect.scatter.add.f32 [tilespmem:s14], [sflag:$0x5], $0x1, s11, s12, $0xb8;
	[tilespmem:$0x1B680] =	vst v63  }
0xaf: {  	s29 =	smul.u32 $0x3100, s1;
	_ =	swait.ge [sflag:s7], $0x2710  }
0xb0: {  	s28 =	smul.u32 $0x31000, s31;
	[sflag:s7] =	ssyncset.done $0x0  }
0xb1: {  	[sflag:s7] =	ssyncadd.s32 $0xFFFFD8F0  }
0xb2: {  	s30 =	simm.s32 $0x100;
	s28 =	sadd.s32 s29, s28;
	[bflag:$0x0] =	sbarrier.arrive $0xFFFF  }
0xb3: {  	[tilespmem:s8], [sflag:$0x5] =	stream.linear.gather [spmem:s9], $0x1880, $0x38;
	[tilespmem:$0x1B680] =	vst v63  }
0xb4: {  	s31 =	ssub.s32 $0x2, s31;
	s28 =	sshrl.u32 s28, $0x3;
	_ =	swait.ge [sflag:s7], $0x1880  }
0xb5: {  	s1 =	sshrl.u32 s31, $0x1;
	s0 =	sadd.s32 s28, s0;
	[sflag:s7] =	ssyncset.done $0x0  }
0xb6: {  	s29 =	simm.s32 $0x80;
	s28 =	sadd.s32 $0x6A800, s0;
	[sflag:s7] =	ssyncadd.s32 $0xFFFFE780  }
0xb7: {  	[hbm4b:s28+s29] =	stream.strided.scatter [tilespmem:s8], [sflag:$0x5], $0x1880, s30, s29, $0x38;
	[tilespmem:$0x1B680] =	vst v63  }
0xb8: {  	s1 =	ssub.s32 s31, s1;
	_ =	swait.ge [sflag:s7], $0x1880  }
0xb9: {  	s1 =	smax.u32 s1, $0x1;
	[sflag:s7] =	ssyncset.done $0x0  }
0xba: {  	p0 =	sne.s32 s1, $0x1;
	[sflag:s7] =	ssyncadd.s32 $0xFFFFE780  }
0xbb: {  	[tilespmem:s8], [sflag:$0x5] =	stream.linear.gather [spmem:s10], $0x1880, $0x38;
	[tilespmem:$0x1B680] =	vst v63  }
.Ltmp0:
0xbc: {  	_ =	swait.ge [sflag:s7], $0x1880;
	(pc) =	sbr.rel @!p0 .LBB2_2-.Ltmp0, $4  }
0xbd: {  	[sflag:s7] =	ssyncset.done $0x0  }
0xbe: {  	s31 =	sadd.s32 $0x6A810, s0;
	[sflag:s7] =	ssyncadd.s32 $0xFFFFE780  }
0xbf: {  	[hbm4b:s31+s29] =	stream.strided.scatter [tilespmem:s8], [sflag:$0x5], $0x1880, s30, s29, $0x38;
	[tilespmem:$0x1B680] =	vst v63  }
0xc0: {  	s0 =	sadd.s32 $0xFFFFFFFF, s1;
	_ =	swait.ge [sflag:s7], $0x1880  }
.LBB2_1:
0xc1: {  	[sflag:s7] =	ssyncset.done $0x0  }
0xc2: {  	s1 =	rddreg [dreg:$0x6];
	[sflag:s7] =	ssyncadd.s32 $0xFFFFE780  }
0xc3: {  	[tilespmem:s8], [sflag:$0x5] =	stream.linear.gather [hbm4b:s1+s6], $0x1880, $0x38;
	[tilespmem:$0x1B680] =	vst v63  }
0xc4: {  	_ =	swait.ge [sflag:s7], $0x1880  }
0xc5: {  	[sflag:s7] =	ssyncset.done $0x0  }
0xc6: {  	[sflag:s7] =	ssyncadd.s32 $0xFFFFE780  }
0xc7: {  	[spmem:s9] =	stream.linear.scatter [tilespmem:s8], [sflag:$0x5], $0x1880, $0x38;
	[tilespmem:$0x1B680] =	vst v63  }
0xc8: {  	_ =	swait.ge [sflag:s7], $0x1880  }
0xc9: {  	[sflag:s7] =	ssyncset.done $0x0  }
0xca: {  	[sflag:s7] =	ssyncadd.s32 $0xFFFFE780  }
0xcb: {  	[spmem:s10] =	stream.linear.scatter [tilespmem:s8], [sflag:$0x5], $0x1880, $0x38;
	[tilespmem:$0x1B680] =	vst v63  }
0xcc: {  	_ =	swait.ge [sflag:s7], $0x1880  }
0xcd: {  	[sflag:s7] =	ssyncset.done $0x0  }
0xce: {  	s1 =	rddreg [dreg:$0x7];
	[sflag:s7] =	ssyncadd.s32 $0xFFFFE780  }
0xcf: {  	[tilespmem:s8], [sflag:$0x5] =	stream.linear.gather [hbm4b:s1+s6], $0x1880, $0x38;
	[tilespmem:$0x1B680] =	vst v63  }
0xd0: {  	_ =	swait.ge [sflag:s7], $0x1880  }
0xd1: {  	[sflag:s7] =	ssyncset.done $0x0  }
0xd2: {  	s1 =	rddreg [dreg:$0x8];
	[sflag:s7] =	ssyncadd.s32 $0xFFFFE780  }
0xd3: {  	[spmem:s1] =	stream.linear.scatter [tilespmem:s8], [sflag:$0x5], $0x1880, $0x38;
	[tilespmem:$0x1B680] =	vst v63  }
0xd4: {  	_ =	swait.ge [sflag:s7], $0x1880  }
0xd5: {  	[sflag:s7] =	ssyncset.done $0x0  }
0xd6: {  	s1 =	rddreg [dreg:$0x9];
	[sflag:s7] =	ssyncadd.s32 $0xFFFFE780  }
0xd7: {  	[tilespmem:s8], [sflag:$0x5] =	stream.linear.gather [hbm4b:s1+s6], $0x1880, $0x38;
	[tilespmem:$0x1B680] =	vst v63  }
0xd8: {  	_ =	swait.ge [sflag:s7], $0x1880  }
0xd9: {  	[sflag:s7] =	ssyncset.done $0x0  }
0xda: {  	s1 =	rddreg [dreg:$0xa];
	[sflag:s7] =	ssyncadd.s32 $0xFFFFE780  }
0xdb: {  	[spmem:s1] =	stream.linear.scatter [tilespmem:s8], [sflag:$0x5], $0x1880, $0x38;
	[tilespmem:$0x1B680] =	vst v63  }
0xdc: {  	_ =	swait.ge [sflag:s7], $0x1880  }
0xdd: {  	[sflag:s7] =	ssyncset.done $0x0  }
0xde: {  	[sflag:s7] =	ssyncadd.s32 $0xFFFFE780  }
0xdf: {  	[bflag:$0x0] =	sbarrier.arrive $0xFFFF  }
0xe0: {  	s1 =	rddreg [dreg:$0xb]  }
0xe1: {  	[tilespmem:s6], [sflag:$0x5] =	stream.linear.gather [hbm4b:s1+s6], $0x2710, $0x38;
	[tilespmem:$0x1B680] =	vst v63  }
0xe2: {  	_ =	swait.ge [sflag:s7], $0x2710  }
0xe3: {  	[sflag:s7] =	ssyncset.done $0x0  }
0xe4: {  	s1 =	rddreg [dreg:$0xc];
	[sflag:s7] =	ssyncadd.s32 $0xFFFFD8F0  }
0xe5: {  	[tilespmem:s11], [sflag:$0x5] =	stream.linear.gather [hbm4b:s1+s6], $0x2710, $0x38;
	[tilespmem:$0x1B680] =	vst v63  }
0xe6: {  	_ =	swait.ge [sflag:s7], $0x2710  }
0xe7: {  	[sflag:s7] =	ssyncset.done $0x0  }
0xe8: {  	[sflag:s7] =	ssyncadd.s32 $0xFFFFD8F0  }
0xe9: {  	[tilespmem:s13], [sflag:$0x1] =	stream.indirect.gather [spmem:s4], $0x1, s6, s12, $0xb8;
	[tilespmem:$0x1B680] =	vst v63  }
0xea: {  	_ = 	snop  }
0xeb: {  	[tilespmem:s14], [sflag:$0x2] =	stream.indirect.gather [spmem:s5], $0x1, s6, s12, $0xb8;
	[tilespmem:$0x1B680] =	vst v63  }
0xec: {  	s1 =	rddreg [dreg:$0xd]  }
0xed: {  	[tilespmem:s15], [sflag:$0x5] =	stream.linear.gather [hbm4b:s1+s6], $0x2710, $0x38;
	[tilespmem:$0x1B680] =	vst v63  }
0xee: {  	_ =	swait.ge [sflag:s7], $0x2710  }
0xef: {  	[sflag:s7] =	ssyncset.done $0x0  }
0xf0: {  	s1 =	rddreg [dreg:$0xe];
	[sflag:s7] =	ssyncadd.s32 $0xFFFFD8F0  }
0xf1: {  	[tilespmem:s16], [sflag:$0x5] =	stream.linear.gather [hbm4b:s1+s6], $0x2710, $0x38;
	[tilespmem:$0x1B680] =	vst v63  }
0xf2: {  	_ =	swait.ge [sflag:s7], $0x2710  }
0xf3: {  	[sflag:s7] =	ssyncset.done $0x0  }
0xf4: {  	[sflag:s7] =	ssyncadd.s32 $0xFFFFD8F0  }
0xf5: {  	[tilespmem:s17], [sflag:$0x3] =	stream.indirect.gather [spmem:s4], $0x1, s15, s12, $0xb8;
	[tilespmem:$0x1B680] =	vst v63  }
0xf6: {  	_ = 	snop  }
0xf7: {  	[tilespmem:s18], [sflag:$0x4] =	stream.indirect.gather [spmem:s5], $0x1, s15, s12, $0xb8;
	[tilespmem:$0x1B680] =	vst v63  }
0xf8: {  	_ =	swait.ge [sflag:s19], $0x2710  }
0xf9: {  	[sflag:s19] =	ssyncset.done $0x0  }
0xfa: {  	[sflag:s19] =	ssyncadd.s32 $0xFFFFD8F0  }
0xfb: {  	_ =	swait.ge [sflag:s20], $0x2710  }
0xfc: {  	[sflag:s20] =	ssyncset.done $0x0  }
0xfd: {  	[sflag:s20] =	ssyncadd.s32 $0xFFFFD8F0  }
0xfe: {  	[spmem:s2] =	stream.indirect.scatter.add.f32 [tilespmem:s13], [sflag:$0x5], $0x1, s11, s12, $0xb8;
	[tilespmem:$0x1B680] =	vst v63  }
0xff: {  	_ =	swait.ge [sflag:s7], $0x2710  }
0x100: {  	[sflag:s7] =	ssyncset.done $0x0  }
0x101: {  	[sflag:s7] =	ssyncadd.s32 $0xFFFFD8F0  }
0x102: {  	[spmem:s3] =	stream.indirect.scatter.add.f32 [tilespmem:s14], [sflag:$0x5], $0x1, s11, s12, $0xb8;
	[tilespmem:$0x1B680] =	vst v63  }
0x103: {  	_ =	swait.ge [sflag:s7], $0x2710  }
0x104: {  	[sflag:s7] =	ssyncset.done $0x0  }
0x105: {  	s1 =	rddreg [dreg:$0xf];
	[sflag:s7] =	ssyncadd.s32 $0xFFFFD8F0  }
0x106: {  	[tilespmem:s6], [sflag:$0x5] =	stream.linear.gather [hbm4b:s1+s6], $0x2710, $0x38;
	[tilespmem:$0x1B680] =	vst v63  }
0x107: {  	_ =	swait.ge [sflag:s7], $0x2710  }
0x108: {  	[sflag:s7] =	ssyncset.done $0x0  }
0x109: {  	s1 =	rddreg [dreg:$0x10];
	[sflag:s7] =	ssyncadd.s32 $0xFFFFD8F0  }
0x10a: {  	[tilespmem:s11], [sflag:$0x5] =	stream.linear.gather [hbm4b:s1+s6], $0x2710, $0x38;
	[tilespmem:$0x1B680] =	vst v63  }
0x10b: {  	_ =	swait.ge [sflag:s7], $0x2710  }
0x10c: {  	[sflag:s7] =	ssyncset.done $0x0  }
0x10d: {  	[sflag:s7] =	ssyncadd.s32 $0xFFFFD8F0  }
0x10e: {  	[tilespmem:s13], [sflag:$0x1] =	stream.indirect.gather [spmem:s4], $0x1, s6, s12, $0xb8;
	[tilespmem:$0x1B680] =	vst v63  }
0x10f: {  	_ = 	snop  }
0x110: {  	[tilespmem:s14], [sflag:$0x2] =	stream.indirect.gather [spmem:s5], $0x1, s6, s12, $0xb8;
	[tilespmem:$0x1B680] =	vst v63  }
0x111: {  	_ =	swait.ge [sflag:s21], $0x2710  }
0x112: {  	[sflag:s21] =	ssyncset.done $0x0  }
0x113: {  	[sflag:s21] =	ssyncadd.s32 $0xFFFFD8F0  }
0x114: {  	_ =	swait.ge [sflag:s22], $0x2710  }
0x115: {  	[sflag:s22] =	ssyncset.done $0x0  }
0x116: {  	[sflag:s22] =	ssyncadd.s32 $0xFFFFD8F0  }
0x117: {  	[spmem:s2] =	stream.indirect.scatter.add.f32 [tilespmem:s17], [sflag:$0x5], $0x1, s16, s12, $0xb8;
	[tilespmem:$0x1B680] =	vst v63  }
0x118: {  	_ =	swait.ge [sflag:s7], $0x2710  }
0x119: {  	[sflag:s7] =	ssyncset.done $0x0  }
0x11a: {  	[sflag:s7] =	ssyncadd.s32 $0xFFFFD8F0  }
0x11b: {  	[spmem:s3] =	stream.indirect.scatter.add.f32 [tilespmem:s18], [sflag:$0x5], $0x1, s16, s12, $0xb8;
	[tilespmem:$0x1B680] =	vst v63  }
0x11c: {  	_ =	swait.ge [sflag:s7], $0x2710  }
0x11d: {  	[sflag:s7] =	ssyncset.done $0x0  }
0x11e: {  	[sflag:s7] =	ssyncadd.s32 $0xFFFFD8F0  }
0x11f: {  	[tilespmem:s15], [sflag:$0x5] =	stream.linear.gather [hbm4b:s23+s6], $0x2710, $0x38;
	[tilespmem:$0x1B680] =	vst v63  }
0x120: {  	_ =	swait.ge [sflag:s7], $0x2710  }
0x121: {  	[sflag:s7] =	ssyncset.done $0x0  }
0x122: {  	[sflag:s7] =	ssyncadd.s32 $0xFFFFD8F0  }
0x123: {  	[tilespmem:s16], [sflag:$0x5] =	stream.linear.gather [hbm4b:s24+s6], $0x2710, $0x38;
	[tilespmem:$0x1B680] =	vst v63  }
0x124: {  	_ =	swait.ge [sflag:s7], $0x2710  }
0x125: {  	[sflag:s7] =	ssyncset.done $0x0  }
0x126: {  	[sflag:s7] =	ssyncadd.s32 $0xFFFFD8F0  }
0x127: {  	[tilespmem:s17], [sflag:$0x3] =	stream.indirect.gather [spmem:s4], $0x1, s15, s12, $0xb8;
	[tilespmem:$0x1B680] =	vst v63  }
0x128: {  	_ = 	snop  }
0x129: {  	[tilespmem:s18], [sflag:$0x4] =	stream.indirect.gather [spmem:s5], $0x1, s15, s12, $0xb8;
	[tilespmem:$0x1B680] =	vst v63  }
0x12a: {  	_ =	swait.ge [sflag:s19], $0x2710  }
0x12b: {  	[sflag:s19] =	ssyncset.done $0x0  }
0x12c: {  	[sflag:s19] =	ssyncadd.s32 $0xFFFFD8F0  }
0x12d: {  	_ =	swait.ge [sflag:s20], $0x2710  }
0x12e: {  	[sflag:s20] =	ssyncset.done $0x0  }
0x12f: {  	[sflag:s20] =	ssyncadd.s32 $0xFFFFD8F0  }
0x130: {  	[spmem:s2] =	stream.indirect.scatter.add.f32 [tilespmem:s13], [sflag:$0x5], $0x1, s11, s12, $0xb8;
	[tilespmem:$0x1B680] =	vst v63  }
0x131: {  	_ =	swait.ge [sflag:s7], $0x2710  }
0x132: {  	[sflag:s7] =	ssyncset.done $0x0  }
0x133: {  	[sflag:s7] =	ssyncadd.s32 $0xFFFFD8F0  }
0x134: {  	[spmem:s3] =	stream.indirect.scatter.add.f32 [tilespmem:s14], [sflag:$0x5], $0x1, s11, s12, $0xb8;
	[tilespmem:$0x1B680] =	vst v63  }
0x135: {  	_ =	swait.ge [sflag:s7], $0x2710  }
0x136: {  	[sflag:s7] =	ssyncset.done $0x0  }
0x137: {  	[sflag:s7] =	ssyncadd.s32 $0xFFFFD8F0  }
0x138: {  	[tilespmem:s6], [sflag:$0x5] =	stream.linear.gather [hbm4b:s25+s6], $0x2710, $0x38;
	[tilespmem:$0x1B680] =	vst v63  }
0x139: {  	_ =	swait.ge [sflag:s7], $0x2710  }
0x13a: {  	[sflag:s7] =	ssyncset.done $0x0  }
0x13b: {  	[sflag:s7] =	ssyncadd.s32 $0xFFFFD8F0  }
0x13c: {  	[tilespmem:s11], [sflag:$0x5] =	stream.linear.gather [hbm4b:s26+s6], $0x2710, $0x38;
	[tilespmem:$0x1B680] =	vst v63  }
0x13d: {  	_ =	swait.ge [sflag:s7], $0x2710  }
0x13e: {  	[sflag:s7] =	ssyncset.done $0x0  }
0x13f: {  	[sflag:s7] =	ssyncadd.s32 $0xFFFFD8F0  }
0x140: {  	[tilespmem:s13], [sflag:$0x1] =	stream.indirect.gather [spmem:s4], $0x1, s6, s12, $0xb8;
	[tilespmem:$0x1B680] =	vst v63  }
0x141: {  	_ = 	snop  }
0x142: {  	[tilespmem:s14], [sflag:$0x2] =	stream.indirect.gather [spmem:s5], $0x1, s6, s12, $0xb8;
	[tilespmem:$0x1B680] =	vst v63  }
0x143: {  	_ =	swait.ge [sflag:s21], $0x2710  }
0x144: {  	[sflag:s21] =	ssyncset.done $0x0  }
0x145: {  	[sflag:s21] =	ssyncadd.s32 $0xFFFFD8F0  }
0x146: {  	_ =	swait.ge [sflag:s22], $0x2710  }
0x147: {  	[sflag:s22] =	ssyncset.done $0x0  }
0x148: {  	[sflag:s22] =	ssyncadd.s32 $0xFFFFD8F0  }
0x149: {  	[spmem:s2] =	stream.indirect.scatter.add.f32 [tilespmem:s17], [sflag:$0x5], $0x1, s16, s12, $0xb8;
	[tilespmem:$0x1B680] =	vst v63  }
0x14a: {  	_ =	swait.ge [sflag:s7], $0x2710  }
0x14b: {  	[sflag:s7] =	ssyncset.done $0x0  }
0x14c: {  	[sflag:s7] =	ssyncadd.s32 $0xFFFFD8F0  }
0x14d: {  	[spmem:s3] =	stream.indirect.scatter.add.f32 [tilespmem:s18], [sflag:$0x5], $0x1, s16, s12, $0xb8;
	[tilespmem:$0x1B680] =	vst v63  }
0x14e: {  	_ =	swait.ge [sflag:s7], $0x2710  }
0x14f: {  	[sflag:s7] =	ssyncset.done $0x0  }
0x150: {  	[sflag:s7] =	ssyncadd.s32 $0xFFFFD8F0  }
0x151: {  	_ =	swait.ge [sflag:s19], $0x2710  }
0x152: {  	[sflag:s19] =	ssyncset.done $0x0  }
0x153: {  	[sflag:s19] =	ssyncadd.s32 $0xFFFFD8F0  }
0x154: {  	_ =	swait.ge [sflag:s20], $0x2710  }
0x155: {  	[sflag:s20] =	ssyncset.done $0x0  }
0x156: {  	[sflag:s20] =	ssyncadd.s32 $0xFFFFD8F0  }
0x157: {  	[spmem:s2] =	stream.indirect.scatter.add.f32 [tilespmem:s13], [sflag:$0x5], $0x1, s11, s12, $0xb8;
	[tilespmem:$0x1B680] =	vst v63  }
0x158: {  	_ =	swait.ge [sflag:s7], $0x2710  }
0x159: {  	[sflag:s7] =	ssyncset.done $0x0  }
0x15a: {  	[sflag:s7] =	ssyncadd.s32 $0xFFFFD8F0  }
0x15b: {  	[spmem:s3] =	stream.indirect.scatter.add.f32 [tilespmem:s14], [sflag:$0x5], $0x1, s11, s12, $0xb8;
	[tilespmem:$0x1B680] =	vst v63  }
0x15c: {  	_ =	swait.ge [sflag:s7], $0x2710  }
0x15d: {  	[sflag:s7] =	ssyncset.done $0x0  }
0x15e: {  	[sflag:s7] =	ssyncadd.s32 $0xFFFFD8F0  }
0x15f: {  	[bflag:$0x0] =	sbarrier.arrive $0xFFFF  }
0x160: {  	[tilespmem:s8], [sflag:$0x5] =	stream.linear.gather [spmem:s9], $0x1880, $0x38;
	[tilespmem:$0x1B680] =	vst v63  }
0x161: {  	_ =	swait.ge [sflag:s7], $0x1880  }
0x162: {  	[sflag:s7] =	ssyncset.done $0x0  }
0x163: {  	[sflag:s7] =	ssyncadd.s32 $0xFFFFE780  }
0x164: {  	[hbm4b:s28+s29] =	stream.strided.scatter [tilespmem:s8], [sflag:$0x5], $0x1880, s30, s29, $0x38;
	[tilespmem:$0x1B680] =	vst v63  }
0x165: {  	_ =	swait.ge [sflag:s7], $0x1880  }
0x166: {  	[sflag:s7] =	ssyncset.done $0x0  }
0x167: {  	p0 =	sne.s32 s0, $0x1;
	[sflag:s7] =	ssyncadd.s32 $0xFFFFE780  }
0x168: {  	[tilespmem:s8], [sflag:$0x5] =	stream.linear.gather [spmem:s10], $0x1880, $0x38;
	[tilespmem:$0x1B680] =	vst v63  }
.Ltmp1:
0x169: {  	_ =	swait.ge [sflag:s7], $0x1880;
	(pc) =	sbr.rel @p0 .LBB2_1-.Ltmp1, $4  }
0x16a: {  	[sflag:s7] =	ssyncset.done $0x0  }
0x16b: {  	[sflag:s7] =	ssyncadd.s32 $0xFFFFE780  }
0x16c: {  	[hbm4b:s31+s29] =	stream.strided.scatter [tilespmem:s8], [sflag:$0x5], $0x1880, s30, s29, $0x38;
	[tilespmem:$0x1B680] =	vst v63  }
0x16d: {  	s0 =	sadd.s32 $0xFFFFFFFF, s0;
	_ =	swait.ge [sflag:s7], $0x1880  }
.LBB2_2:
0x16e: {  	[sflag:s7] =	ssyncset.done $0x0  }
0x16f: {  	[sflag:s7] =	ssyncadd.s32 $0xFFFFE780  }
0x170: {  	_ =	sfence.sel $0x180000  }
0x171: {  	[bflag:$0x0] =	sbarrier.arrive $0xFFFF  }
0x172: {  	_ =	strace $0x9000004A  }
0x173: {  	s0 =	stileid.u32;
	[bflag:$0x2] =	sbarrier.arrive $0xFFFF  }
0x174: {  	p0 =	sne.s32 s0, $0x0;
	s0 =	rddreg [dreg:$0x5]  }
0x175: {  	s0 =	sadd.s32 @!p0 $0x100000, s0  }
0x176: {  	[sflag:s0] =	ssyncadd.tile.s32 @!p0 $0x1;
	_ =	shalt  }
.Lfunc_end2:
_tile_overlayer_lowered:
.L_overlay_start_2:
0x177: {  	(tag) =	ssettag $0x2  }
0x178: {  	s0 =	rddreg [dreg:$0x0];
	s2 =	stileid.u32  }
0x179: {  	s1 =	rddreg [dreg:$0x1];
	p0 =	sne.s32 s2, $0x0  }
0x17a: {  	s3 =	rddreg [dreg:$0x2];
	[bflag:$0x3] =	sbarrier.arrive $0xFFFF;
	s2 =	simm.s32 @!p0 $0x1C05  }
0x17b: {  	[timem:s3], [sflag:s2] =	dma.local @!p0 [hbm:s0], s1  }
0x17c: {  	s0 =	simm.s32 @!p0 $0x5  }
0x17d: {  	_ =	swait.ge @!p0 [sflag:s0], s1  }
0x17e: {  	s1 =	ssub.s32 @!p0 $0x0, s1;
	[sflag:s0] =	ssyncset.done @!p0 $0x0  }
0x17f: {  	[sflag:s0] =	ssyncadd.s32 @!p0 s1  }
0x180: {  	[bflag:$0x3] =	sbarrier.arrive $0xFFFF  }
0x181: {  	_ =	shalt  }

// kernel: kernel.14.cloned.1.call-start
scs
__scs_entry_jumppad:
0x0: {  	(pc) =	sbr.rel $0x88, $3  }
0x1: {  	(tag) =	ssettag $0x0;
	lr =	simm.s32 $0x1  }
0x2: {  	[smem:$0x3F9B] =	sst lr;
	_ =	strace $0xD0000000  }
0x3: {  	_ = 	snop  }
0x4: {  	_ = 	snop  }
0x5: {  	_ = 	snop  }
0x6: {  	_ = 	snop  }
0x7: {  	_ = 	snop  }
__scs_overlays_trampoline_lowered:
0x8: {  	[smem:$0x3FAA] =	sst s0  }
0x9: {  	[smem:$0x3FAB] =	sst s1  }
0xa: {  	[smem:$0x3FAC] =	sst s2  }
0xb: {  	[smem:$0x3FAD] =	sst s3  }
0xc: {  	[smem:$0x3FAE] =	sst s4  }
0xd: {  	[smem:$0x3FAF] =	sst s5  }
0xe: {  	[smem:$0x3FB0] =	sst s6  }
0xf: {  	[smem:$0x3FB1] =	sst s7  }
0x10: {  	[smem:$0x3FB2] =	sst s8  }
0x11: {  	[smem:$0x3FB3] =	sst s9;
	s0 =	simm.s32 @!p0 $0x0  }
0x12: {  	s1 =	sld [smem:$0x3F99];
	s0 =	simm.s32 @p0 $0x1  }
0x13: {  	[smem:$0x3FB4] =	sst s0;
	s0 =	simm.s32 @!p1 $0x0  }
0x14: {  	s2 =	sld [smem:$0x3F98];
	s0 =	simm.s32 @p1 $0x1  }
0x15: {  	[smem:$0x3FB5] =	sst s0;
	s0 =	simm.s32 @!p2 $0x0  }
0x16: {  	s3 =	sld [smem:$0x3FDB];
	s0 =	simm.s32 @p2 $0x1  }
0x17: {  	s4 =	simm.s32 $0x1BF5;
	[smem:$0x3FB7] =	sst s0  }
0x18: {  	s0 =	sld [smem:$0x3F9A];
	_ =	swait.ge [sflag:s4], $0x0  }
0x19: {  	s7 =	sld [smem:$0x3F9B]  }
0x1a: {  	s8 =	sadd.s32 $0xFFFFE003, lr  }
0x1b: {  	s9 =	sadd.s32 $0xFFFFFEF7, lr;
	s5 =	simm.s32 $0xFFFFFFFF;
	p2 =	slt.u32 s8, $0xFFFFF086  }
0x1c: {  	p1 =	slt.u32 s9, $0xF7A;
	s5 =	simm.s32 @!p2 $0x0  }
0x1d: {  	s5 =	simm.s32 @p1 $0x1;
	p0 =	seq.s32 s7, s2  }
0x1e: {  	s7 =	smul.u32 @!p0 $0xF7A, s2;
	p2 =	seq.s32 @!p0 s5, $0x0  }
0x1f: {  	s9 =	smul.u32 $0xF7A, s1;
	s8 =	simm.s32 @!p0 $0x1BF5;
	p2 =	por !p2, p0  }
0x20: {  	[sflag:s8] =	ssyncset.s32 @!p0 $0xFFFFF086;
	s6 =	sadd.s32 @!p0 s3, s7;
	s7 =	simm.s32 @!p0 $0x108  }
0x21: {  	s3 =	sadd.s32 s3, s9;
	s6 =	sadd.s32 @!p0 $0x88, s6;
	s7 =	simm.s32 @p2 $0x1082  }
0x22: {  	[simem:s7], [sflag:s8] =	dma.local @!p0 [hbm:s6], $0xF7A  }
0x23: {  	s9 =	sor.u32 $0xD0000000, s2;
	s6 =	simm.s32 $0x108;
	_ =	swait.ge @!p0 [sflag:s8], $0x0  }
0x24: {  	s3 =	sadd.s32 $0x88, s3;
	s6 =	simm.s32 @!p1 $0x1082;
	[sflag:s4] =	ssyncset.s32 $0xFFFFF086  }
0x25: {  	[simem:s6], [sflag:s4] =	dma.local [hbm:s3], $0xF7A  }
0x26: {  	[smem:$0x3F9B] =	sst s1;
	(tag) =	ssettag s2;
	_ =	strace s9  }
0x27: {  	s1 =	sld [smem:$0x3FAB]  }
0x28: {  	s2 =	sld [smem:$0x3FAC]  }
0x29: {  	s4 =	sld [smem:$0x3FAE]  }
0x2a: {  	p0 =	seq.s32 s5, $0x0;
	s5 =	sld [smem:$0x3FAF]  }
0x2b: {  	s6 =	sld [smem:$0x3FB0]  }
0x2c: {  	s7 =	sld [smem:$0x3FB1]  }
0x2d: {  	s3 =	simm.s32 $0x108;
	s8 =	sld [smem:$0x3FB2]  }
0x2e: {  	s3 =	simm.s32 @!p0 $0x1082;
	s9 =	sld [smem:$0x3FB3]  }
0x2f: {  	lr =	sadd.s32 s0, s3;
	s0 =	sld [smem:$0x3FAA]  }
0x30: {  	s3 =	sld [smem:$0x3FAD]  }
0x31: {  	[smem:$0x3FB6] =	sst s10  }
0x32: {  	s10 =	sld [smem:$0x3FB4];
	_ =	sdelay $0x3  }
0x33: {  	p0 =	seq.s32 s10, $0x1;
	s10 =	sld [smem:$0x3FB6];
	_ =	sdelay $0x3  }
0x34: {  	[smem:$0x3FB6] =	sst s10  }
0x35: {  	s10 =	sld [smem:$0x3FB5];
	_ =	sdelay $0x3  }
0x36: {  	p1 =	seq.s32 s10, $0x1;
	s10 =	sld [smem:$0x3FB6];
	_ =	sdelay $0x3  }
0x37: {  	[smem:$0x3FB6] =	sst s10  }
0x38: {  	s10 =	sld [smem:$0x3FB7]  }
0x39: {  	_ = 	snop;
	(pc) =	sbr.ind lr, $3  }
0x3a: {  	_ = 	snop  }
0x3b: {  	_ = 	snop  }
0x3c: {  	p2 =	seq.s32 s10, $0x1;
	s10 =	sld [smem:$0x3FB6]  }
0x3d: {  	_ =	shalt  }
0x3e: {  	_ =	shalt  }
0x3f: {  	_ =	shalt  }
0x40: {  	_ =	shalt  }
0x41: {  	_ =	shalt  }
0x42: {  	_ =	shalt  }
0x43: {  	_ =	shalt  }
0x44: {  	_ =	shalt  }
0x45: {  	_ =	shalt  }
0x46: {  	_ =	shalt  }
0x47: {  	_ =	shalt  }
0x48: {  	_ =	shalt  }
0x49: {  	_ =	shalt  }
0x4a: {  	_ =	shalt  }
0x4b: {  	_ =	shalt  }
0x4c: {  	_ =	shalt  }
0x4d: {  	_ =	shalt  }
0x4e: {  	_ =	shalt  }
0x4f: {  	_ =	shalt  }
0x50: {  	_ =	shalt  }
0x51: {  	_ =	shalt  }
0x52: {  	_ =	shalt  }
0x53: {  	_ =	shalt  }
0x54: {  	_ =	shalt  }
0x55: {  	_ =	shalt  }
0x56: {  	_ =	shalt  }
0x57: {  	_ =	shalt  }
0x58: {  	_ =	shalt  }
0x59: {  	_ =	shalt  }
0x5a: {  	_ =	shalt  }
0x5b: {  	_ =	shalt  }
0x5c: {  	_ =	shalt  }
0x5d: {  	_ =	shalt  }
0x5e: {  	_ =	shalt  }
0x5f: {  	_ =	shalt  }
0x60: {  	_ =	shalt  }
0x61: {  	_ =	shalt  }
0x62: {  	_ =	shalt  }
0x63: {  	_ =	shalt  }
0x64: {  	_ =	shalt  }
0x65: {  	_ =	shalt  }
0x66: {  	_ =	shalt  }
0x67: {  	_ =	shalt  }
0x68: {  	_ =	shalt  }
0x69: {  	_ =	shalt  }
0x6a: {  	_ =	shalt  }
0x6b: {  	_ =	shalt  }
0x6c: {  	_ =	shalt  }
0x6d: {  	_ =	shalt  }
0x6e: {  	_ =	shalt  }
0x6f: {  	_ =	shalt  }
0x70: {  	_ =	shalt  }
0x71: {  	_ =	shalt  }
0x72: {  	_ =	shalt  }
0x73: {  	_ =	shalt  }
0x74: {  	_ =	shalt  }
0x75: {  	_ =	shalt  }
0x76: {  	_ =	shalt  }
0x77: {  	_ =	shalt  }
0x78: {  	_ =	shalt  }
0x79: {  	_ =	shalt  }
0x7a: {  	_ =	shalt  }
0x7b: {  	_ =	shalt  }
0x7c: {  	_ =	shalt  }
0x7d: {  	_ =	shalt  }
0x7e: {  	_ =	shalt  }
0x7f: {  	_ =	shalt  }
0x80: {  	_ =	shalt  }
0x81: {  	_ =	shalt  }
0x82: {  	_ =	shalt  }
0x83: {  	_ =	shalt  }
0x84: {  	_ =	shalt  }
0x85: {  	_ =	shalt  }
0x86: {  	_ =	shalt  }
0x87: {  	_ =	shalt  }
.Lfunc_end0:
.L_simem_size_0:
called_computation.2_lowered:
.L_overlay_start_0:
0x88: {  	s2 =	sld [smem:$0x3FD9]  }
0x89: {  	s3 =	sld [smem:$0x3FFE];
	_ =	sdelay $0x1  }
0x8a: {  	s1 =	srdreg.scid  }
0x8b: {  	s0 =	sand.u32 $0x1, s1  }
0x8c: {  	s16 =	sshll.u32 s0, $0xA;
	s2 =	sadd.s32 s3, s2  }
0x8d: {  	s2 =	sadd.s32 s2, s16  }
0x8e: {  	[smem:$0x3FC2] =	sst s2  }
0x8f: {  	_ = 	snop  }
0x90: {  	(tm) =	ssettm $0x1  }
0x91: {  	s17 =	sld [smem:$0x3FFB];
	_ =	sdelay $0x3  }
0x92: {  	_ =	strace s17  }
0x93: {  	s2 =	sld [smem:$0x3FFC];
	_ =	sdelay $0x3  }
0x94: {  	_ =	strace s2  }
0x95: {  	s2 =	sld [smem:$0x3FFD];
	_ =	sdelay $0x3  }
0x96: {  	_ =	strace s2  }
0x97: {  	_ =	strace $0x8FFFFFFF  }
0x98: {  	s18 =	sld [smem:$0x3FDB];
	_ =	sdelay $0x1  }
0x99: {  	s19 =	simm.s32 $_scs_section_size  }
0x9a: {  	s4 =	simm.s32 $_size__tile_overlayer_lowered;
	s5 =	simm.s32 $_tile_overlayer_lowered  }
0x9b: {  	s22 =	simm.s32 $0x1BFF;
	s21 =	sshll.u32 s5, $0x1;
	s2 =	sadd.s32 s19, s18  }
0x9c: {  	s6 =	simm.s32 $0x0;
	s20 =	sshll.u32 s4, $0x1;
	s4 =	sadd.s32 s21, s2  }
0x9d: {  	[timem:s6], [sflag:s22] =	dma.local [hbm:s4], s20  }
0x9e: {  	_ =	swait.ge [sflag:s22], s20  }
0x9f: {  	s3 =	ssub.s32 $0x0, s20;
	[sflag:s22] =	ssyncset.done $0x0  }
0xa0: {  	[sflag:s22] =	ssyncadd.s32 s3;
	_ =	sdelay $0x1  }
0xa1: {  	s23 =	simm.s32 $0x1B8B  }
0xa2: {  	_ =	swait.ge [sflag:s23], $0x1  }
0xa3: {  	[sflag:s23] =	ssyncset.done $0x0  }
0xa4: {  	s25 =	simm.s32 $0x1B8E;
	s24 =	sld [smem:$0x3FFE];
	[sflag:s23] =	ssyncadd.s32 $0xFFFFFFFF  }
0xa5: {  	s26 =	simm.s32 $execute0_lowered;
	[smem:$0x3FD2] =	sst s25  }
0xa6: {  	s4 =	sshll.u32 s26, $0x1;
	_ =	strace $0x8000004C;
	[dreg:$0x1] =	wrdreg $0xFFFFFFFF  }
0xa7: {  	s28 =	simm.s32 $_size_execute0_lowered;
	s2 =	sadd.s32 s2, s4;
	[dreg:$0x0] =	wrdreg $0x0  }
0xa8: {  	s4 =	sshll.u32 s28, $0x1;
	[dreg:$0x2] =	wrdreg s2  }
0xa9: {  	[dreg:$0x3] =	wrdreg s4  }
0xaa: {  	[dreg:$0x4] =	wrdreg $0xC0  }
0xab: {  	_ =	task [dreg:s6], $0x5FFFF  }
0xac: {  	[dreg:$0x1] =	wrdreg $0xFFFFFFFF  }
0xad: {  	[dreg:$0x0] =	wrdreg $0x60  }
0xae: {  	[dreg:$0x2] =	wrdreg s24  }
0xaf: {  	[dreg:$0x3] =	wrdreg $0x105800  }
0xb0: {  	[dreg:$0x4] =	wrdreg $0x11E000  }
0xb1: {  	[dreg:$0x5] =	wrdreg $0x9  }
0xb2: {  	_ =	task.clear_ibuf [dreg:s6], $0x6FFFF;
	_ =	strace $0x9000004C  }
0xb3: {  	s29 =	simm.s32 $0x9;
	_ =	strace $0x8000004E  }
0xb4: {  	_ =	swait.ge [sflag:s29], $0x1  }
0xb5: {  	[sflag:s29] =	ssyncadd.s32 $0xFFFFFFFF  }
0xb6: {  	_ =	strace $0x9000004E  }
0xb7: {  	_ =	sfence  }
0xb8: {  	s30 =	sld [smem:$0x0];
	_ =	sdelay $0x2  }
0xb9: {  	s31 =	sshll.u32 s1, $0xD;
	s1 =	sshrl.u32 s1, $0x2  }
0xba: {  	s3 =	sand.u32 $0x4000, s31;
	s1 =	sadd.s32 s1, s30  }
0xbb: {  	s0 =	sor.u32 s3, s0;
	s1 =	sshll.u32 s1, $0x11  }
0xbc: {  	s0 =	sor.u32 s1, s0  }
0xbd: {  	s0 =	sadd.s32 $0x8F2B, s0  }
0xbe: {  	[sflag:s0] =	ssyncadd.remote.s32 $0x1  }
0xbf: {  	_ =	sfence.sel $0xFFFF  }
0xc0: {  	[dreg:$0x0] =	wrdreg $0xFFFFFFFF;
	(pc) =	sbr.abs _section_cstart, $3  }
0xc1: {  	[dreg:$0x1] =	wrdreg $0xFFFFFFFF  }
0xc2: {  	_ =	task.clear_ibuf [dreg:s6], $0x2FFFF;
	_ =	strace $0x9FFFFFFF  }
0xc3: {  	(tm) =	ssettm $0x7FFFFFFF  }
tec
execute0_lowered:
.L_overlay_start_1:
0x0: {  	(tag) =	ssettag $0x1  }
0x1: {  	s30 =	rddreg [dreg:$0x0]  }
0x2: {  	s1 =	rddreg [dreg:$0x1]  }
0x3: {  	s3 =	rddreg [dreg:$0x2];
	s4 =	simm.s32 $0x0  }
0x4: {  	s2 =	stileid.u32;
	s7 =	simm.s32 $0xED00;
	[smem:$0x7FF] =	sst s4  }
0x5: {  	s6 =	simm.s32 $0x3;
	s5 =	sadd.s32 $0x64000, s30;
	_ =	strace $0x8000004D  }
0x6: {  	[tilespmem:s7], [sflag:$0x3] =	stream.linear.gather [hbm4b:s5+s4], $0x1880, $0x38;
	[tilespmem:$0x13680] =	vst v63  }
0x7: {  	s31 =	smul.u32 $0x1880, s2;
	_ =	swait.ge [sflag:s6], $0x1880  }
0x8: {  	[sflag:s6] =	ssyncset.done $0x0  }
0x9: {  	s8 =	sadd.s32 s31, s1;
	[sflag:s6] =	ssyncadd.s32 $0xFFFFE780  }
0xa: {  	[spmem:s8] =	stream.linear.scatter [tilespmem:s7], [sflag:$0x3], $0x1880, $0x38;
	[tilespmem:$0x13680] =	vst v63  }
0xb: {  	s0 =	sshrl.u32 s31, $0x3;
	_ =	swait.ge [sflag:s6], $0x1880  }
0xc: {  	s9 =	srdreg.scid;
	s10 =	sadd.s32 s0, s30;
	[sflag:s6] =	ssyncset.done $0x0  }
0xd: {  	s0 =	sand.u32 $0x1, s9;
	s9 =	sadd.s32 $0x64400, s10;
	[sflag:s6] =	ssyncadd.s32 $0xFFFFE780  }
0xe: {  	[tilespmem:s7], [sflag:$0x3] =	stream.linear.gather [hbm4b:s9+s4], $0x1880, $0x38;
	[tilespmem:$0x13680] =	vst v63  }
0xf: {  	s26 =	sshll.u32 s0, $0x4;
	_ =	swait.ge [sflag:s6], $0x1880  }
0x10: {  	s10 =	sor.u32 s2, s26;
	[sflag:s6] =	ssyncset.done $0x0  }
0x11: {  	s11 =	smul.u32 $0xC350, s10;
	s10 =	sadd.s32 s31, s3;
	[sflag:s6] =	ssyncadd.s32 $0xFFFFE780  }
0x12: {  	[spmem:s10] =	stream.linear.scatter [tilespmem:s7], [sflag:$0x3], $0x1880, $0x38;
	[tilespmem:$0x13680] =	vst v63  }
0x13: {  	_ =	swait.ge [sflag:s6], $0x1880  }
0x14: {  	s11 =	sshrl.u32 s11, $0x3;
	[sflag:s6] =	ssyncset.done $0x0  }
0x15: {  	s29 =	sadd.s32 s11, s30;
	[sflag:s6] =	ssyncadd.s32 $0xFFFFE780  }
0x16: {  	s11 =	sadd.s32 $0x2400, s29;
	[bflag:$0x0] =	sbarrier.arrive $0xFFFF  }
0x17: {  	[tilespmem:s4], [sflag:$0x3] =	stream.linear.gather [hbm4b:s11+s4], $0x2710, $0x38;
	[tilespmem:$0x13680] =	vst v63  }
0x18: {  	_ =	swait.ge [sflag:s6], $0x2710  }
0x19: {  	[sflag:s6] =	ssyncset.done $0x0  }
0x1a: {  	s13 =	simm.s32 $0x4F00;
	s12 =	sadd.s32 $0x33140, s29;
	[sflag:s6] =	ssyncadd.s32 $0xFFFFD8F0  }
0x1b: {  	[tilespmem:s13], [sflag:$0x3] =	stream.linear.gather [hbm4b:s12+s4], $0x2710, $0x38;
	[tilespmem:$0x13680] =	vst v63  }
0x1c: {  	_ =	swait.ge [sflag:s6], $0x2710  }
0x1d: {  	[sflag:s6] =	ssyncset.done $0x0  }
0x1e: {  	s14 =	simm.s32 $0x2710;
	s15 =	simm.s32 $0x9E00;
	[sflag:s6] =	ssyncadd.s32 $0xFFFFD8F0  }
0x1f: {  	[tilespmem:s15], [sflag:$0x1] =	stream.indirect.gather [spmem:s3], $0x1, s4, s14, $0xb8;
	[tilespmem:$0x13680] =	vst v63  }
0x20: {  	s17 =	simm.s32 $0x2780;
	s16 =	sadd.s32 $0x28E2, s29  }
0x21: {  	[tilespmem:s17], [sflag:$0x3] =	stream.linear.gather [hbm4b:s16+s4], $0x2710, $0x38;
	[tilespmem:$0x13680] =	vst v63  }
0x22: {  	_ =	swait.ge [sflag:s6], $0x2710  }
0x23: {  	[sflag:s6] =	ssyncset.done $0x0  }
0x24: {  	s19 =	simm.s32 $0x7680;
	s18 =	sadd.s32 $0x33622, s29;
	[sflag:s6] =	ssyncadd.s32 $0xFFFFD8F0  }
0x25: {  	[tilespmem:s19], [sflag:$0x3] =	stream.linear.gather [hbm4b:s18+s4], $0x2710, $0x38;
	[tilespmem:$0x13680] =	vst v63  }
0x26: {  	_ =	swait.ge [sflag:s6], $0x2710  }
0x27: {  	[sflag:s6] =	ssyncset.done $0x0  }
0x28: {  	s20 =	simm.s32 $0xC580;
	s21 =	simm.s32 $0x1;
	[sflag:s6] =	ssyncadd.s32 $0xFFFFD8F0  }
0x29: {  	[tilespmem:s20], [sflag:$0x2] =	stream.indirect.gather [spmem:s3], $0x1, s17, s14, $0xb8;
	[tilespmem:$0x13680] =	vst v63  }
0x2a: {  	_ =	swait.ge [sflag:s21], $0x2710  }
0x2b: {  	[sflag:s21] =	ssyncset.done $0x0  }
0x2c: {  	[sflag:s21] =	ssyncadd.s32 $0xFFFFD8F0  }
0x2d: {  	[spmem:s1] =	stream.indirect.scatter.add.f32 [tilespmem:s15], [sflag:$0x3], $0x1, s13, s14, $0xb8;
	[tilespmem:$0x13680] =	vst v63  }
0x2e: {  	_ =	swait.ge [sflag:s6], $0x2710  }
0x2f: {  	[sflag:s6] =	ssyncset.done $0x0  }
0x30: {  	s22 =	sadd.s32 $0x2DC4, s29;
	[sflag:s6] =	ssyncadd.s32 $0xFFFFD8F0  }
0x31: {  	[tilespmem:s4], [sflag:$0x3] =	stream.linear.gather [hbm4b:s22+s4], $0x2710, $0x38;
	[tilespmem:$0x13680] =	vst v63  }
0x32: {  	_ =	swait.ge [sflag:s6], $0x2710  }
0x33: {  	[sflag:s6] =	ssyncset.done $0x0  }
0x34: {  	s23 =	sadd.s32 $0x33B04, s29;
	[sflag:s6] =	ssyncadd.s32 $0xFFFFD8F0  }
0x35: {  	[tilespmem:s13], [sflag:$0x3] =	stream.linear.gather [hbm4b:s23+s4], $0x2710, $0x38;
	[tilespmem:$0x13680] =	vst v63  }
0x36: {  	_ =	swait.ge [sflag:s6], $0x2710  }
0x37: {  	[sflag:s6] =	ssyncset.done $0x0  }
0x38: {  	s24 =	simm.s32 $0x2;
	[sflag:s6] =	ssyncadd.s32 $0xFFFFD8F0  }
0x39: {  	[tilespmem:s15], [sflag:$0x1] =	stream.indirect.gather [spmem:s3], $0x1, s4, s14, $0xb8;
	[tilespmem:$0x13680] =	vst v63  }
0x3a: {  	_ =	swait.ge [sflag:s24], $0x2710  }
0x3b: {  	[sflag:s24] =	ssyncset.done $0x0  }
0x3c: {  	[sflag:s24] =	ssyncadd.s32 $0xFFFFD8F0  }
0x3d: {  	[spmem:s1] =	stream.indirect.scatter.add.f32 [tilespmem:s20], [sflag:$0x3], $0x1, s19, s14, $0xb8;
	[tilespmem:$0x13680] =	vst v63  }
0x3e: {  	_ =	swait.ge [sflag:s6], $0x2710  }
0x3f: {  	[sflag:s6] =	ssyncset.done $0x0  }
0x40: {  	s25 =	sadd.s32 $0x32A6, s29;
	[sflag:s6] =	ssyncadd.s32 $0xFFFFD8F0  }
0x41: {  	[tilespmem:s17], [sflag:$0x3] =	stream.linear.gather [hbm4b:s25+s4], $0x2710, $0x38;
	[tilespmem:$0x13680] =	vst v63  }
0x42: {  	_ =	swait.ge [sflag:s6], $0x2710  }
0x43: {  	[sflag:s6] =	ssyncset.done $0x0  }
0x44: {  	s26 =	sadd.s32 $0x33FE6, s29;
	[sflag:s6] =	ssyncadd.s32 $0xFFFFD8F0  }
0x45: {  	[tilespmem:s19], [sflag:$0x3] =	stream.linear.gather [hbm4b:s26+s4], $0x2710, $0x38;
	[tilespmem:$0x13680] =	vst v63  }
0x46: {  	_ =	swait.ge [sflag:s6], $0x2710  }
0x47: {  	[sflag:s6] =	ssyncset.done $0x0  }
0x48: {  	[sflag:s6] =	ssyncadd.s32 $0xFFFFD8F0  }
0x49: {  	[tilespmem:s20], [sflag:$0x2] =	stream.indirect.gather [spmem:s3], $0x1, s17, s14, $0xb8;
	[tilespmem:$0x13680] =	vst v63  }
0x4a: {  	_ =	swait.ge [sflag:s21], $0x2710  }
0x4b: {  	[sflag:s21] =	ssyncset.done $0x0  }
0x4c: {  	[sflag:s21] =	ssyncadd.s32 $0xFFFFD8F0  }
0x4d: {  	[spmem:s1] =	stream.indirect.scatter.add.f32 [tilespmem:s15], [sflag:$0x3], $0x1, s13, s14, $0xb8;
	[tilespmem:$0x13680] =	vst v63  }
0x4e: {  	_ =	swait.ge [sflag:s6], $0x2710  }
0x4f: {  	[sflag:s6] =	ssyncset.done $0x0  }
0x50: {  	s28 =	sadd.s32 $0x3788, s29;
	[sflag:s6] =	ssyncadd.s32 $0xFFFFD8F0  }
0x51: {  	[tilespmem:s4], [sflag:$0x3] =	stream.linear.gather [hbm4b:s28+s4], $0x2710, $0x38;
	[tilespmem:$0x13680] =	vst v63  }
0x52: {  	_ =	swait.ge [sflag:s6], $0x2710  }
0x53: {  	[sflag:s6] =	ssyncset.done $0x0  }
0x54: {  	s29 =	sadd.s32 $0x344C8, s29;
	[sflag:s6] =	ssyncadd.s32 $0xFFFFD8F0  }
0x55: {  	[tilespmem:s13], [sflag:$0x3] =	stream.linear.gather [hbm4b:s29+s4], $0x2710, $0x38;
	[tilespmem:$0x13680] =	vst v63  }
0x56: {  	_ =	swait.ge [sflag:s6], $0x2710  }
0x57: {  	[sflag:s6] =	ssyncset.done $0x0  }
0x58: {  	[sflag:s6] =	ssyncadd.s32 $0xFFFFD8F0  }
0x59: {  	[tilespmem:s15], [sflag:$0x1] =	stream.indirect.gather [spmem:s3], $0x1, s4, s14, $0xb8;
	[tilespmem:$0x13680] =	vst v63  }
0x5a: {  	_ =	swait.ge [sflag:s24], $0x2710  }
0x5b: {  	[sflag:s24] =	ssyncset.done $0x0  }
0x5c: {  	[sflag:s24] =	ssyncadd.s32 $0xFFFFD8F0  }
0x5d: {  	[spmem:s1] =	stream.indirect.scatter.add.f32 [tilespmem:s20], [sflag:$0x3], $0x1, s19, s14, $0xb8;
	[tilespmem:$0x13680] =	vst v63  }
0x5e: {  	_ =	swait.ge [sflag:s6], $0x2710  }
0x5f: {  	[sflag:s6] =	ssyncset.done $0x0  }
0x60: {  	[sflag:s6] =	ssyncadd.s32 $0xFFFFD8F0  }
0x61: {  	_ =	swait.ge [sflag:s21], $0x2710  }
0x62: {  	[sflag:s21] =	ssyncset.done $0x0  }
0x63: {  	s2 =	smul.u32 $0x18800, s0;
	[sflag:s21] =	ssyncadd.s32 $0xFFFFD8F0  }
0x64: {  	[spmem:s1] =	stream.indirect.scatter.add.f32 [tilespmem:s15], [sflag:$0x3], $0x1, s13, s14, $0xb8;
	[tilespmem:$0x13680] =	vst v63  }
0x65: {  	s0 =	ssub.s32 $0x2, s0;
	_ =	swait.ge [sflag:s6], $0x2710  }
0x66: {  	s2 =	sadd.s32 s31, s2;
	s31 =	sshrl.u32 s0, $0x1;
	[sflag:s6] =	ssyncset.done $0x0  }
0x67: {  	s0 =	ssub.s32 s0, s31;
	[sflag:s6] =	ssyncadd.s32 $0xFFFFD8F0  }
0x68: {  	s0 =	smax.u32 s0, $0x1;
	[bflag:$0x0] =	sbarrier.arrive $0xFFFF  }
0x69: {  	[tilespmem:s7], [sflag:$0x3] =	stream.linear.gather [spmem:s8], $0x1880, $0x38;
	[tilespmem:$0x13680] =	vst v63  }
0x6a: {  	s2 =	sshrl.u32 s2, $0x3;
	p0 =	sne.s32 s0, $0x1;
	_ =	swait.ge [sflag:s6], $0x1880  }
.Ltmp0:
0x6b: {  	s2 =	sadd.s32 s2, s30;
	[sflag:s6] =	ssyncset.done $0x0;
	(pc) =	sbr.rel @!p0 .LBB2_2-.Ltmp0, $4  }
0x6c: {  	s30 =	sadd.s32 $0x67600, s2;
	[sflag:s6] =	ssyncadd.s32 $0xFFFFE780  }
0x6d: {  	[hbm4b:s30+s4] =	stream.linear.scatter [tilespmem:s7], [sflag:$0x3], $0x1880, $0x38;
	[tilespmem:$0x13680] =	vst v63  }
0x6e: {  	_ =	swait.ge [sflag:s6], $0x1880  }
0x6f: {  	s31 =	sadd.s32 $0xFFFFFFFF, s0;
	[sflag:s6] =	ssyncset.done $0x0  }
.LBB2_1:
0x70: {  	p0 =	sne.s32 s31, $0x1;
	s31 =	sadd.s32 $0xFFFFFFFF, s31;
	[sflag:s6] =	ssyncadd.s32 $0xFFFFE780  }
0x71: {  	[tilespmem:s7], [sflag:$0x3] =	stream.linear.gather [hbm4b:s5+s4], $0x1880, $0x38;
	[tilespmem:$0x13680] =	vst v63  }
0x72: {  	_ =	swait.ge [sflag:s6], $0x1880  }
0x73: {  	[sflag:s6] =	ssyncset.done $0x0  }
0x74: {  	[sflag:s6] =	ssyncadd.s32 $0xFFFFE780  }
0x75: {  	[spmem:s8] =	stream.linear.scatter [tilespmem:s7], [sflag:$0x3], $0x1880, $0x38;
	[tilespmem:$0x13680] =	vst v63  }
0x76: {  	_ =	swait.ge [sflag:s6], $0x1880  }
0x77: {  	[sflag:s6] =	ssyncset.done $0x0  }
0x78: {  	[sflag:s6] =	ssyncadd.s32 $0xFFFFE780  }
0x79: {  	[tilespmem:s7], [sflag:$0x3] =	stream.linear.gather [hbm4b:s9+s4], $0x1880, $0x38;
	[tilespmem:$0x13680] =	vst v63  }
0x7a: {  	_ =	swait.ge [sflag:s6], $0x1880  }
0x7b: {  	[sflag:s6] =	ssyncset.done $0x0  }
0x7c: {  	[sflag:s6] =	ssyncadd.s32 $0xFFFFE780  }
0x7d: {  	[spmem:s10] =	stream.linear.scatter [tilespmem:s7], [sflag:$0x3], $0x1880, $0x38;
	[tilespmem:$0x13680] =	vst v63  }
0x7e: {  	_ =	swait.ge [sflag:s6], $0x1880  }
0x7f: {  	[sflag:s6] =	ssyncset.done $0x0  }
0x80: {  	[sflag:s6] =	ssyncadd.s32 $0xFFFFE780  }
0x81: {  	[bflag:$0x0] =	sbarrier.arrive $0xFFFF  }
0x82: {  	[tilespmem:s4], [sflag:$0x3] =	stream.linear.gather [hbm4b:s11+s4], $0x2710, $0x38;
	[tilespmem:$0x13680] =	vst v63  }
0x83: {  	_ =	swait.ge [sflag:s6], $0x2710  }
0x84: {  	[sflag:s6] =	ssyncset.done $0x0  }
0x85: {  	[sflag:s6] =	ssyncadd.s32 $0xFFFFD8F0  }
0x86: {  	[tilespmem:s13], [sflag:$0x3] =	stream.linear.gather [hbm4b:s12+s4], $0x2710, $0x38;
	[tilespmem:$0x13680] =	vst v63  }
0x87: {  	_ =	swait.ge [sflag:s6], $0x2710  }
0x88: {  	[sflag:s6] =	ssyncset.done $0x0  }
0x89: {  	[sflag:s6] =	ssyncadd.s32 $0xFFFFD8F0  }
0x8a: {  	[tilespmem:s15], [sflag:$0x1] =	stream.indirect.gather [spmem:s3], $0x1, s4, s14, $0xb8;
	[tilespmem:$0x13680] =	vst v63  }
0x8b: {  	_ = 	snop  }
0x8c: {  	[tilespmem:s17], [sflag:$0x3] =	stream.linear.gather [hbm4b:s16+s4], $0x2710, $0x38;
	[tilespmem:$0x13680] =	vst v63  }
0x8d: {  	_ =	swait.ge [sflag:s6], $0x2710  }
0x8e: {  	[sflag:s6] =	ssyncset.done $0x0  }
0x8f: {  	[sflag:s6] =	ssyncadd.s32 $0xFFFFD8F0  }
0x90: {  	[tilespmem:s19], [sflag:$0x3] =	stream.linear.gather [hbm4b:s18+s4], $0x2710, $0x38;
	[tilespmem:$0x13680] =	vst v63  }
0x91: {  	_ =	swait.ge [sflag:s6], $0x2710  }
0x92: {  	[sflag:s6] =	ssyncset.done $0x0  }
0x93: {  	[sflag:s6] =	ssyncadd.s32 $0xFFFFD8F0  }
0x94: {  	[tilespmem:s20], [sflag:$0x2] =	stream.indirect.gather [spmem:s3], $0x1, s17, s14, $0xb8;
	[tilespmem:$0x13680] =	vst v63  }
0x95: {  	_ =	swait.ge [sflag:s21], $0x2710  }
0x96: {  	[sflag:s21] =	ssyncset.done $0x0  }
0x97: {  	[sflag:s21] =	ssyncadd.s32 $0xFFFFD8F0  }
0x98: {  	[spmem:s1] =	stream.indirect.scatter.add.f32 [tilespmem:s15], [sflag:$0x3], $0x1, s13, s14, $0xb8;
	[tilespmem:$0x13680] =	vst v63  }
0x99: {  	_ =	swait.ge [sflag:s6], $0x2710  }
0x9a: {  	[sflag:s6] =	ssyncset.done $0x0  }
0x9b: {  	[sflag:s6] =	ssyncadd.s32 $0xFFFFD8F0  }
0x9c: {  	[tilespmem:s4], [sflag:$0x3] =	stream.linear.gather [hbm4b:s22+s4], $0x2710, $0x38;
	[tilespmem:$0x13680] =	vst v63  }
0x9d: {  	_ =	swait.ge [sflag:s6], $0x2710  }
0x9e: {  	[sflag:s6] =	ssyncset.done $0x0  }
0x9f: {  	[sflag:s6] =	ssyncadd.s32 $0xFFFFD8F0  }
0xa0: {  	[tilespmem:s13], [sflag:$0x3] =	stream.linear.gather [hbm4b:s23+s4], $0x2710, $0x38;
	[tilespmem:$0x13680] =	vst v63  }
0xa1: {  	_ =	swait.ge [sflag:s6], $0x2710  }
0xa2: {  	[sflag:s6] =	ssyncset.done $0x0  }
0xa3: {  	[sflag:s6] =	ssyncadd.s32 $0xFFFFD8F0  }
0xa4: {  	[tilespmem:s15], [sflag:$0x1] =	stream.indirect.gather [spmem:s3], $0x1, s4, s14, $0xb8;
	[tilespmem:$0x13680] =	vst v63  }
0xa5: {  	_ =	swait.ge [sflag:s24], $0x2710  }
0xa6: {  	[sflag:s24] =	ssyncset.done $0x0  }
0xa7: {  	[sflag:s24] =	ssyncadd.s32 $0xFFFFD8F0  }
0xa8: {  	[spmem:s1] =	stream.indirect.scatter.add.f32 [tilespmem:s20], [sflag:$0x3], $0x1, s19, s14, $0xb8;
	[tilespmem:$0x13680] =	vst v63  }
0xa9: {  	_ =	swait.ge [sflag:s6], $0x2710  }
0xaa: {  	[sflag:s6] =	ssyncset.done $0x0  }
0xab: {  	[sflag:s6] =	ssyncadd.s32 $0xFFFFD8F0  }
0xac: {  	[tilespmem:s17], [sflag:$0x3] =	stream.linear.gather [hbm4b:s25+s4], $0x2710, $0x38;
	[tilespmem:$0x13680] =	vst v63  }
0xad: {  	_ =	swait.ge [sflag:s6], $0x2710  }
0xae: {  	[sflag:s6] =	ssyncset.done $0x0  }
0xaf: {  	[sflag:s6] =	ssyncadd.s32 $0xFFFFD8F0  }
0xb0: {  	[tilespmem:s19], [sflag:$0x3] =	stream.linear.gather [hbm4b:s26+s4], $0x2710, $0x38;
	[tilespmem:$0x13680] =	vst v63  }
0xb1: {  	_ =	swait.ge [sflag:s6], $0x2710  }
0xb2: {  	[sflag:s6] =	ssyncset.done $0x0  }
0xb3: {  	[sflag:s6] =	ssyncadd.s32 $0xFFFFD8F0  }
0xb4: {  	[tilespmem:s20], [sflag:$0x2] =	stream.indirect.gather [spmem:s3], $0x1, s17, s14, $0xb8;
	[tilespmem:$0x13680] =	vst v63  }
0xb5: {  	_ =	swait.ge [sflag:s21], $0x2710  }
0xb6: {  	[sflag:s21] =	ssyncset.done $0x0  }
0xb7: {  	[sflag:s21] =	ssyncadd.s32 $0xFFFFD8F0  }
0xb8: {  	[spmem:s1] =	stream.indirect.scatter.add.f32 [tilespmem:s15], [sflag:$0x3], $0x1, s13, s14, $0xb8;
	[tilespmem:$0x13680] =	vst v63  }
0xb9: {  	_ =	swait.ge [sflag:s6], $0x2710  }
0xba: {  	[sflag:s6] =	ssyncset.done $0x0  }
0xbb: {  	[sflag:s6] =	ssyncadd.s32 $0xFFFFD8F0  }
0xbc: {  	[tilespmem:s4], [sflag:$0x3] =	stream.linear.gather [hbm4b:s28+s4], $0x2710, $0x38;
	[tilespmem:$0x13680] =	vst v63  }
0xbd: {  	_ =	swait.ge [sflag:s6], $0x2710  }
0xbe: {  	[sflag:s6] =	ssyncset.done $0x0  }
0xbf: {  	[sflag:s6] =	ssyncadd.s32 $0xFFFFD8F0  }
0xc0: {  	[tilespmem:s13], [sflag:$0x3] =	stream.linear.gather [hbm4b:s29+s4], $0x2710, $0x38;
	[tilespmem:$0x13680] =	vst v63  }
0xc1: {  	_ =	swait.ge [sflag:s6], $0x2710  }
0xc2: {  	[sflag:s6] =	ssyncset.done $0x0  }
0xc3: {  	[sflag:s6] =	ssyncadd.s32 $0xFFFFD8F0  }
0xc4: {  	[tilespmem:s15], [sflag:$0x1] =	stream.indirect.gather [spmem:s3], $0x1, s4, s14, $0xb8;
	[tilespmem:$0x13680] =	vst v63  }
0xc5: {  	_ =	swait.ge [sflag:s24], $0x2710  }
0xc6: {  	[sflag:s24] =	ssyncset.done $0x0  }
0xc7: {  	[sflag:s24] =	ssyncadd.s32 $0xFFFFD8F0  }
0xc8: {  	[spmem:s1] =	stream.indirect.scatter.add.f32 [tilespmem:s20], [sflag:$0x3], $0x1, s19, s14, $0xb8;
	[tilespmem:$0x13680] =	vst v63  }
0xc9: {  	_ =	swait.ge [sflag:s6], $0x2710  }
0xca: {  	[sflag:s6] =	ssyncset.done $0x0  }
0xcb: {  	[sflag:s6] =	ssyncadd.s32 $0xFFFFD8F0  }
0xcc: {  	_ =	swait.ge [sflag:s21], $0x2710  }
0xcd: {  	[sflag:s21] =	ssyncset.done $0x0  }
0xce: {  	[sflag:s21] =	ssyncadd.s32 $0xFFFFD8F0  }
0xcf: {  	[spmem:s1] =	stream.indirect.scatter.add.f32 [tilespmem:s15], [sflag:$0x3], $0x1, s13, s14, $0xb8;
	[tilespmem:$0x13680] =	vst v63  }
0xd0: {  	_ =	swait.ge [sflag:s6], $0x2710  }
0xd1: {  	[sflag:s6] =	ssyncset.done $0x0  }
0xd2: {  	[sflag:s6] =	ssyncadd.s32 $0xFFFFD8F0  }
0xd3: {  	[bflag:$0x0] =	sbarrier.arrive $0xFFFF  }
0xd4: {  	[tilespmem:s7], [sflag:$0x3] =	stream.linear.gather [spmem:s8], $0x1880, $0x38;
	[tilespmem:$0x13680] =	vst v63  }
0xd5: {  	_ =	swait.ge [sflag:s6], $0x1880  }
.Ltmp1:
0xd6: {  	[sflag:s6] =	ssyncset.done $0x0;
	(pc) =	sbr.rel @p0 .LBB2_1-.Ltmp1, $4  }
0xd7: {  	[sflag:s6] =	ssyncadd.s32 $0xFFFFE780  }
0xd8: {  	[hbm4b:s30+s4] =	stream.linear.scatter [tilespmem:s7], [sflag:$0x3], $0x1880, $0x38;
	[tilespmem:$0x13680] =	vst v63  }
0xd9: {  	_ =	swait.ge [sflag:s6], $0x1880  }
0xda: {  	[sflag:s6] =	ssyncset.done $0x0  }
.LBB2_2:
0xdb: {  	[sflag:s6] =	ssyncadd.s32 $0xFFFFE780  }
0xdc: {  	_ =	sfence.sel $0x180000  }
0xdd: {  	[bflag:$0x0] =	sbarrier.arrive $0xFFFF  }
0xde: {  	_ =	strace $0x9000004D  }
0xdf: {  	s0 =	stileid.u32;
	[bflag:$0x2] =	sbarrier.arrive $0xFFFF  }
0xe0: {  	p0 =	sne.s32 s0, $0x0;
	s0 =	rddreg [dreg:$0x3]  }
0xe1: {  	s0 =	sadd.s32 @!p0 $0x100000, s0  }
0xe2: {  	[sflag:s0] =	ssyncadd.tile.s32 @!p0 $0x1;
	_ =	shalt  }
.Lfunc_end2:
_tile_overlayer_lowered:
.L_overlay_start_2:
0xe3: {  	(tag) =	ssettag $0x2  }
0xe4: {  	s0 =	rddreg [dreg:$0x0];
	s2 =	stileid.u32  }
0xe5: {  	s1 =	rddreg [dreg:$0x1];
	p0 =	sne.s32 s2, $0x0  }
0xe6: {  	s3 =	rddreg [dreg:$0x2];
	[bflag:$0x3] =	sbarrier.arrive $0xFFFF;
	s2 =	simm.s32 @!p0 $0x1C03  }
0xe7: {  	[timem:s3], [sflag:s2] =	dma.local @!p0 [hbm:s0], s1  }
0xe8: {  	s0 =	simm.s32 @!p0 $0x3  }
0xe9: {  	_ =	swait.ge @!p0 [sflag:s0], s1  }
0xea: {  	s1 =	ssub.s32 @!p0 $0x0, s1;
	[sflag:s0] =	ssyncset.done @!p0 $0x0  }
0xeb: {  	[sflag:s0] =	ssyncadd.s32 @!p0 s1  }
0xec: {  	[bflag:$0x3] =	sbarrier.arrive $0xFFFF  }
0xed: {  	_ =	shalt  }

// kernel: kernel.8.cloned.1.call-start
scs
__scs_entry_jumppad:
0x0: {  	(pc) =	sbr.rel $0x88, $3  }
0x1: {  	(tag) =	ssettag $0x0;
	lr =	simm.s32 $0x1  }
0x2: {  	[smem:$0x3F9B] =	sst lr;
	_ =	strace $0xD0000000  }
0x3: {  	_ = 	snop  }
0x4: {  	_ = 	snop  }
0x5: {  	_ = 	snop  }
0x6: {  	_ = 	snop  }
0x7: {  	_ = 	snop  }
__scs_overlays_trampoline_lowered:
0x8: {  	[smem:$0x3FAA] =	sst s0  }
0x9: {  	[smem:$0x3FAB] =	sst s1  }
0xa: {  	[smem:$0x3FAC] =	sst s2  }
0xb: {  	[smem:$0x3FAD] =	sst s3  }
0xc: {  	[smem:$0x3FAE] =	sst s4  }
0xd: {  	[smem:$0x3FAF] =	sst s5  }
0xe: {  	[smem:$0x3FB0] =	sst s6  }
0xf: {  	[smem:$0x3FB1] =	sst s7  }
0x10: {  	[smem:$0x3FB2] =	sst s8  }
0x11: {  	[smem:$0x3FB3] =	sst s9;
	s0 =	simm.s32 @!p0 $0x0  }
0x12: {  	s1 =	sld [smem:$0x3F99];
	s0 =	simm.s32 @p0 $0x1  }
0x13: {  	[smem:$0x3FB4] =	sst s0;
	s0 =	simm.s32 @!p1 $0x0  }
0x14: {  	s2 =	sld [smem:$0x3F98];
	s0 =	simm.s32 @p1 $0x1  }
0x15: {  	[smem:$0x3FB5] =	sst s0;
	s0 =	simm.s32 @!p2 $0x0  }
0x16: {  	s3 =	sld [smem:$0x3FDB];
	s0 =	simm.s32 @p2 $0x1  }
0x17: {  	s4 =	simm.s32 $0x1BF5;
	[smem:$0x3FB7] =	sst s0  }
0x18: {  	s0 =	sld [smem:$0x3F9A];
	_ =	swait.ge [sflag:s4], $0x0  }
0x19: {  	s7 =	sld [smem:$0x3F9B]  }
0x1a: {  	s8 =	sadd.s32 $0xFFFFE003, lr  }
0x1b: {  	s9 =	sadd.s32 $0xFFFFFEF7, lr;
	s5 =	simm.s32 $0xFFFFFFFF;
	p2 =	slt.u32 s8, $0xFFFFF086  }
0x1c: {  	p1 =	slt.u32 s9, $0xF7A;
	s5 =	simm.s32 @!p2 $0x0  }
0x1d: {  	s5 =	simm.s32 @p1 $0x1;
	p0 =	seq.s32 s7, s2  }
0x1e: {  	s7 =	smul.u32 @!p0 $0xF7A, s2;
	p2 =	seq.s32 @!p0 s5, $0x0  }
0x1f: {  	s9 =	smul.u32 $0xF7A, s1;
	s8 =	simm.s32 @!p0 $0x1BF5;
	p2 =	por !p2, p0  }
0x20: {  	[sflag:s8] =	ssyncset.s32 @!p0 $0xFFFFF086;
	s6 =	sadd.s32 @!p0 s3, s7;
	s7 =	simm.s32 @!p0 $0x108  }
0x21: {  	s3 =	sadd.s32 s3, s9;
	s6 =	sadd.s32 @!p0 $0x88, s6;
	s7 =	simm.s32 @p2 $0x1082  }
0x22: {  	[simem:s7], [sflag:s8] =	dma.local @!p0 [hbm:s6], $0xF7A  }
0x23: {  	s9 =	sor.u32 $0xD0000000, s2;
	s6 =	simm.s32 $0x108;
	_ =	swait.ge @!p0 [sflag:s8], $0x0  }
0x24: {  	s3 =	sadd.s32 $0x88, s3;
	s6 =	simm.s32 @!p1 $0x1082;
	[sflag:s4] =	ssyncset.s32 $0xFFFFF086  }
0x25: {  	[simem:s6], [sflag:s4] =	dma.local [hbm:s3], $0xF7A  }
0x26: {  	[smem:$0x3F9B] =	sst s1;
	(tag) =	ssettag s2;
	_ =	strace s9  }
0x27: {  	s1 =	sld [smem:$0x3FAB]  }
0x28: {  	s2 =	sld [smem:$0x3FAC]  }
0x29: {  	s4 =	sld [smem:$0x3FAE]  }
0x2a: {  	p0 =	seq.s32 s5, $0x0;
	s5 =	sld [smem:$0x3FAF]  }
0x2b: {  	s6 =	sld [smem:$0x3FB0]  }
0x2c: {  	s7 =	sld [smem:$0x3FB1]  }
0x2d: {  	s3 =	simm.s32 $0x108;
	s8 =	sld [smem:$0x3FB2]  }
0x2e: {  	s3 =	simm.s32 @!p0 $0x1082;
	s9 =	sld [smem:$0x3FB3]  }
0x2f: {  	lr =	sadd.s32 s0, s3;
	s0 =	sld [smem:$0x3FAA]  }
0x30: {  	s3 =	sld [smem:$0x3FAD]  }
0x31: {  	[smem:$0x3FB6] =	sst s10  }
0x32: {  	s10 =	sld [smem:$0x3FB4];
	_ =	sdelay $0x3  }
0x33: {  	p0 =	seq.s32 s10, $0x1;
	s10 =	sld [smem:$0x3FB6];
	_ =	sdelay $0x3  }
0x34: {  	[smem:$0x3FB6] =	sst s10  }
0x35: {  	s10 =	sld [smem:$0x3FB5];
	_ =	sdelay $0x3  }
0x36: {  	p1 =	seq.s32 s10, $0x1;
	s10 =	sld [smem:$0x3FB6];
	_ =	sdelay $0x3  }
0x37: {  	[smem:$0x3FB6] =	sst s10  }
0x38: {  	s10 =	sld [smem:$0x3FB7]  }
0x39: {  	_ = 	snop;
	(pc) =	sbr.ind lr, $3  }
0x3a: {  	_ = 	snop  }
0x3b: {  	_ = 	snop  }
0x3c: {  	p2 =	seq.s32 s10, $0x1;
	s10 =	sld [smem:$0x3FB6]  }
0x3d: {  	_ =	shalt  }
0x3e: {  	_ =	shalt  }
0x3f: {  	_ =	shalt  }
0x40: {  	_ =	shalt  }
0x41: {  	_ =	shalt  }
0x42: {  	_ =	shalt  }
0x43: {  	_ =	shalt  }
0x44: {  	_ =	shalt  }
0x45: {  	_ =	shalt  }
0x46: {  	_ =	shalt  }
0x47: {  	_ =	shalt  }
0x48: {  	_ =	shalt  }
0x49: {  	_ =	shalt  }
0x4a: {  	_ =	shalt  }
0x4b: {  	_ =	shalt  }
0x4c: {  	_ =	shalt  }
0x4d: {  	_ =	shalt  }
0x4e: {  	_ =	shalt  }
0x4f: {  	_ =	shalt  }
0x50: {  	_ =	shalt  }
0x51: {  	_ =	shalt  }
0x52: {  	_ =	shalt  }
0x53: {  	_ =	shalt  }
0x54: {  	_ =	shalt  }
0x55: {  	_ =	shalt  }
0x56: {  	_ =	shalt  }
0x57: {  	_ =	shalt  }
0x58: {  	_ =	shalt  }
0x59: {  	_ =	shalt  }
0x5a: {  	_ =	shalt  }
0x5b: {  	_ =	shalt  }
0x5c: {  	_ =	shalt  }
0x5d: {  	_ =	shalt  }
0x5e: {  	_ =	shalt  }
0x5f: {  	_ =	shalt  }
0x60: {  	_ =	shalt  }
0x61: {  	_ =	shalt  }
0x62: {  	_ =	shalt  }
0x63: {  	_ =	shalt  }
0x64: {  	_ =	shalt  }
0x65: {  	_ =	shalt  }
0x66: {  	_ =	shalt  }
0x67: {  	_ =	shalt  }
0x68: {  	_ =	shalt  }
0x69: {  	_ =	shalt  }
0x6a: {  	_ =	shalt  }
0x6b: {  	_ =	shalt  }
0x6c: {  	_ =	shalt  }
0x6d: {  	_ =	shalt  }
0x6e: {  	_ =	shalt  }
0x6f: {  	_ =	shalt  }
0x70: {  	_ =	shalt  }
0x71: {  	_ =	shalt  }
0x72: {  	_ =	shalt  }
0x73: {  	_ =	shalt  }
0x74: {  	_ =	shalt  }
0x75: {  	_ =	shalt  }
0x76: {  	_ =	shalt  }
0x77: {  	_ =	shalt  }
0x78: {  	_ =	shalt  }
0x79: {  	_ =	shalt  }
0x7a: {  	_ =	shalt  }
0x7b: {  	_ =	shalt  }
0x7c: {  	_ =	shalt  }
0x7d: {  	_ =	shalt  }
0x7e: {  	_ =	shalt  }
0x7f: {  	_ =	shalt  }
0x80: {  	_ =	shalt  }
0x81: {  	_ =	shalt  }
0x82: {  	_ =	shalt  }
0x83: {  	_ =	shalt  }
0x84: {  	_ =	shalt  }
0x85: {  	_ =	shalt  }
0x86: {  	_ =	shalt  }
0x87: {  	_ =	shalt  }
.Lfunc_end0:
.L_simem_size_0:
called_computation_lowered:
.L_overlay_start_0:
0x88: {  	s2 =	sld [smem:$0x3FD9]  }
0x89: {  	s3 =	sld [smem:$0x3FFE];
	_ =	sdelay $0x1  }
0x8a: {  	s1 =	srdreg.scid  }
0x8b: {  	s0 =	sand.u32 $0x1, s1  }
0x8c: {  	s17 =	sshll.u32 s0, $0xA;
	s2 =	sadd.s32 s3, s2  }
0x8d: {  	s2 =	sadd.s32 s2, s17  }
0x8e: {  	[smem:$0x3FC2] =	sst s2  }
0x8f: {  	_ = 	snop  }
0x90: {  	s2 =	sld [smem:$0x3FD0];
	(tm) =	ssettm $0x1  }
0x91: {  	s18 =	sld [smem:$0x3FFB];
	_ =	sdelay $0x3  }
0x92: {  	_ =	strace s18  }
0x93: {  	s3 =	sld [smem:$0x3FFC];
	_ =	sdelay $0x3  }
0x94: {  	_ =	strace s3  }
0x95: {  	s3 =	sld [smem:$0x3FFD];
	_ =	sdelay $0x3  }
0x96: {  	_ =	strace s3  }
0x97: {  	_ =	strace $0x8FFFFFFF  }
0x98: {  	s19 =	sld [smem:$0x3FDB];
	_ =	sdelay $0x1  }
0x99: {  	s4 =	simm.s32 $_scs_section_size  }
0x9a: {  	s5 =	simm.s32 $_size__tile_overlayer_lowered;
	s6 =	simm.s32 $_tile_overlayer_lowered  }
0x9b: {  	s22 =	simm.s32 $0x1BFF;
	s21 =	sshll.u32 s6, $0x1;
	s3 =	sadd.s32 s4, s19  }
0x9c: {  	s7 =	simm.s32 $0x0;
	s20 =	sshll.u32 s5, $0x1;
	s5 =	sadd.s32 s21, s3  }
0x9d: {  	[timem:s7], [sflag:s22] =	dma.local [hbm:s5], s20  }
0x9e: {  	_ =	swait.ge [sflag:s22], s20  }
0x9f: {  	s4 =	ssub.s32 $0x0, s20;
	[sflag:s22] =	ssyncset.done $0x0  }
0xa0: {  	[sflag:s22] =	ssyncadd.s32 s4;
	_ =	sdelay $0x1  }
0xa1: {  	s23 =	simm.s32 $0x1B8B  }
0xa2: {  	_ =	swait.ge [sflag:s23], $0x1  }
0xa3: {  	[sflag:s23] =	ssyncset.done $0x0  }
0xa4: {  	s25 =	simm.s32 $0x1B8E;
	s24 =	sld [smem:$0x3FFE];
	[sflag:s23] =	ssyncadd.s32 $0xFFFFFFFF  }
0xa5: {  	s26 =	simm.s32 $execute0_lowered;
	[smem:$0x3FD2] =	sst s25  }
0xa6: {  	s5 =	sshll.u32 s26, $0x1;
	_ =	strace $0x80000046;
	[dreg:$0x1] =	wrdreg $0xFFFFFFFF  }
0xa7: {  	s28 =	simm.s32 $_size_execute0_lowered;
	s3 =	sadd.s32 s3, s5;
	[dreg:$0x0] =	wrdreg $0x0  }
0xa8: {  	s5 =	sshll.u32 s28, $0x1;
	[dreg:$0x2] =	wrdreg s3  }
0xa9: {  	[dreg:$0x3] =	wrdreg s5  }
0xaa: {  	[dreg:$0x4] =	wrdreg $0xC0  }
0xab: {  	_ =	task [dreg:s7], $0x5FFFF  }
0xac: {  	[dreg:$0x1] =	wrdreg $0xFFFFFFFF  }
0xad: {  	[dreg:$0x0] =	wrdreg $0x60  }
0xae: {  	[dreg:$0x2] =	wrdreg s24  }
0xaf: {  	[dreg:$0x3] =	wrdreg s2  }
0xb0: {  	[dreg:$0x4] =	wrdreg $0xDE000  }
0xb1: {  	[dreg:$0x5] =	wrdreg $0x9  }
0xb2: {  	_ =	task.clear_ibuf [dreg:s7], $0x6FFFF;
	_ =	strace $0x90000046  }
0xb3: {  	s29 =	simm.s32 $0x9;
	_ =	strace $0x80000048  }
0xb4: {  	_ =	swait.ge [sflag:s29], $0x1  }
0xb5: {  	[sflag:s29] =	ssyncadd.s32 $0xFFFFFFFF  }
0xb6: {  	_ =	strace $0x90000048  }
0xb7: {  	_ =	sfence  }
0xb8: {  	s30 =	sld [smem:$0x0];
	_ =	sdelay $0x2  }
0xb9: {  	s31 =	sshll.u32 s1, $0xD;
	s1 =	sshrl.u32 s1, $0x2  }
0xba: {  	s3 =	sand.u32 $0x4000, s31;
	s1 =	sadd.s32 s1, s30  }
0xbb: {  	s0 =	sor.u32 s3, s0;
	s1 =	sshll.u32 s1, $0x11  }
0xbc: {  	s0 =	sor.u32 s1, s0  }
0xbd: {  	s0 =	sadd.s32 $0x8F2B, s0  }
0xbe: {  	[sflag:s0] =	ssyncadd.remote.s32 $0x1  }
0xbf: {  	_ =	sfence.sel $0xFFFF  }
0xc0: {  	[dreg:$0x0] =	wrdreg $0xFFFFFFFF;
	(pc) =	sbr.abs _section_cstart, $3  }
0xc1: {  	[dreg:$0x1] =	wrdreg $0xFFFFFFFF  }
0xc2: {  	_ =	task.clear_ibuf [dreg:s7], $0x2FFFF;
	_ =	strace $0x9FFFFFFF  }
0xc3: {  	(tm) =	ssettm $0x7FFFFFFF  }
tec
execute0_lowered:
.L_overlay_start_1:
0x0: {  	(tag) =	ssettag $0x1  }
0x1: {  	s24 =	rddreg [dreg:$0x0]  }
0x2: {  	s1 =	rddreg [dreg:$0x1]  }
0x3: {  	s3 =	rddreg [dreg:$0x2]  }
0x4: {  	s0 =	rddreg [dreg:$0x3];
	s4 =	simm.s32 $0x0  }
0x5: {  	s2 =	stileid.u32;
	s7 =	simm.s32 $0xC580;
	[smem:$0x7FF] =	sst s4  }
0x6: {  	s6 =	simm.s32 $0x1;
	s5 =	sadd.s32 $0x64000, s24;
	_ =	strace $0x80000047  }
0x7: {  	[tilespmem:s7], [sflag:$0x1] =	stream.linear.gather [hbm4b:s5+s4], $0x1880, $0x38;
	[tilespmem:$0xF680] =	vst v63  }
0x8: {  	s25 =	smul.u32 $0x1880, s2;
	_ =	swait.ge [sflag:s6], $0x1880  }
0x9: {  	s8 =	srdreg.scid;
	[sflag:s6] =	ssyncset.done $0x0  }
0xa: {  	s26 =	sand.u32 $0x1, s8;
	s8 =	sadd.s32 s25, s3;
	[sflag:s6] =	ssyncadd.s32 $0xFFFFE780  }
0xb: {  	[spmem:s8] =	stream.linear.scatter [tilespmem:s7], [sflag:$0x1], $0x1880, $0x38;
	[tilespmem:$0xF680] =	vst v63  }
0xc: {  	s9 =	sshll.u32 s26, $0x4;
	_ =	swait.ge [sflag:s6], $0x1880  }
0xd: {  	s9 =	sor.u32 s2, s9;
	[sflag:s6] =	ssyncset.done $0x0  }
0xe: {  	s10 =	smul.u32 $0xC350, s9;
	s9 =	simm.s32 $0x9E00;
	[sflag:s6] =	ssyncadd.s32 $0xFFFFE780  }
0xf: {  	[tilespmem:s9], [sflag:$0x1] =	stream.linear.gather [hbm4b:s1+s4], $0x2780, $0x38;
	[tilespmem:$0xF680] =	vst v63  }
0x10: {  	_ =	swait.ge [sflag:s6], $0x2780  }
0x11: {  	s10 =	sshrl.u32 s10, $0x3;
	[sflag:s6] =	ssyncset.done $0x0  }
0x12: {  	s23 =	sadd.s32 s10, s24;
	[sflag:s6] =	ssyncadd.s32 $0xFFFFD880  }
0x13: {  	s10 =	sadd.s32 $0x2400, s23;
	[bflag:$0x0] =	sbarrier.arrive $0xFFFF  }
0x14: {  	[tilespmem:s4], [sflag:$0x1] =	stream.linear.gather [hbm4b:s10+s4], $0x2710, $0x38;
	[tilespmem:$0xF680] =	vst v63  }
0x15: {  	_ =	swait.ge [sflag:s6], $0x2710  }
0x16: {  	[sflag:s6] =	ssyncset.done $0x0  }
0x17: {  	s12 =	simm.s32 $0x4F00;
	s11 =	sadd.s32 $0x33140, s23;
	[sflag:s6] =	ssyncadd.s32 $0xFFFFD8F0  }
0x18: {  	[tilespmem:s12], [sflag:$0x1] =	stream.linear.gather [hbm4b:s11+s4], $0x2710, $0x38;
	[tilespmem:$0xF680] =	vst v63  }
0x19: {  	_ =	swait.ge [sflag:s6], $0x2710  }
0x1a: {  	[sflag:s6] =	ssyncset.done $0x0  }
0x1b: {  	s14 =	simm.s32 $0x2780;
	s13 =	sadd.s32 $0x28E2, s23;
	[sflag:s6] =	ssyncadd.s32 $0xFFFFD8F0  }
0x1c: {  	[tilespmem:s14], [sflag:$0x1] =	stream.linear.gather [hbm4b:s13+s4], $0x2710, $0x38;
	[tilespmem:$0xF680] =	vst v63  }
0x1d: {  	_ =	swait.ge [sflag:s6], $0x2710  }
0x1e: {  	[sflag:s6] =	ssyncset.done $0x0  }
0x1f: {  	s16 =	simm.s32 $0x7680;
	s15 =	sadd.s32 $0x33622, s23;
	[sflag:s6] =	ssyncadd.s32 $0xFFFFD8F0  }
0x20: {  	[tilespmem:s16], [sflag:$0x1] =	stream.linear.gather [hbm4b:s15+s4], $0x2710, $0x38;
	[tilespmem:$0xF680] =	vst v63  }
0x21: {  	_ =	swait.ge [sflag:s6], $0x2710  }
0x22: {  	[sflag:s6] =	ssyncset.done $0x0  }
0x23: {  	s17 =	simm.s32 $0x2710;
	[sflag:s6] =	ssyncadd.s32 $0xFFFFD8F0  }
0x24: {  	[spmem:s3] =	stream.indirect.scatter.add.f32 [tilespmem:s9], [sflag:$0x1], $0x1, s12, s17, $0xb8;
	[tilespmem:$0xF680] =	vst v63  }
0x25: {  	_ =	swait.ge [sflag:s6], $0x2710  }
0x26: {  	[sflag:s6] =	ssyncset.done $0x0  }
0x27: {  	s18 =	sadd.s32 $0x2DC4, s23;
	[sflag:s6] =	ssyncadd.s32 $0xFFFFD8F0  }
0x28: {  	[tilespmem:s4], [sflag:$0x1] =	stream.linear.gather [hbm4b:s18+s4], $0x2710, $0x38;
	[tilespmem:$0xF680] =	vst v63  }
0x29: {  	_ =	swait.ge [sflag:s6], $0x2710  }
0x2a: {  	[sflag:s6] =	ssyncset.done $0x0  }
0x2b: {  	s19 =	sadd.s32 $0x33B04, s23;
	[sflag:s6] =	ssyncadd.s32 $0xFFFFD8F0  }
0x2c: {  	[tilespmem:s12], [sflag:$0x1] =	stream.linear.gather [hbm4b:s19+s4], $0x2710, $0x38;
	[tilespmem:$0xF680] =	vst v63  }
0x2d: {  	_ =	swait.ge [sflag:s6], $0x2710  }
0x2e: {  	[sflag:s6] =	ssyncset.done $0x0  }
0x2f: {  	[sflag:s6] =	ssyncadd.s32 $0xFFFFD8F0  }
0x30: {  	[spmem:s3] =	stream.indirect.scatter.add.f32 [tilespmem:s9], [sflag:$0x1], $0x1, s16, s17, $0xb8;
	[tilespmem:$0xF680] =	vst v63  }
0x31: {  	_ =	swait.ge [sflag:s6], $0x2710  }
0x32: {  	[sflag:s6] =	ssyncset.done $0x0  }
0x33: {  	s20 =	sadd.s32 $0x32A6, s23;
	[sflag:s6] =	ssyncadd.s32 $0xFFFFD8F0  }
0x34: {  	[tilespmem:s14], [sflag:$0x1] =	stream.linear.gather [hbm4b:s20+s4], $0x2710, $0x38;
	[tilespmem:$0xF680] =	vst v63  }
0x35: {  	_ =	swait.ge [sflag:s6], $0x2710  }
0x36: {  	[sflag:s6] =	ssyncset.done $0x0  }
0x37: {  	s21 =	sadd.s32 $0x33FE6, s23;
	[sflag:s6] =	ssyncadd.s32 $0xFFFFD8F0  }
0x38: {  	[tilespmem:s16], [sflag:$0x1] =	stream.linear.gather [hbm4b:s21+s4], $0x2710, $0x38;
	[tilespmem:$0xF680] =	vst v63  }
0x39: {  	_ =	swait.ge [sflag:s6], $0x2710  }
0x3a: {  	[sflag:s6] =	ssyncset.done $0x0  }
0x3b: {  	[sflag:s6] =	ssyncadd.s32 $0xFFFFD8F0  }
0x3c: {  	[spmem:s3] =	stream.indirect.scatter.add.f32 [tilespmem:s9], [sflag:$0x1], $0x1, s12, s17, $0xb8;
	[tilespmem:$0xF680] =	vst v63  }
0x3d: {  	_ =	swait.ge [sflag:s6], $0x2710  }
0x3e: {  	[sflag:s6] =	ssyncset.done $0x0  }
0x3f: {  	s22 =	sadd.s32 $0x3788, s23;
	[sflag:s6] =	ssyncadd.s32 $0xFFFFD8F0  }
0x40: {  	[tilespmem:s4], [sflag:$0x1] =	stream.linear.gather [hbm4b:s22+s4], $0x2710, $0x38;
	[tilespmem:$0xF680] =	vst v63  }
0x41: {  	_ =	swait.ge [sflag:s6], $0x2710  }
0x42: {  	[sflag:s6] =	ssyncset.done $0x0  }
0x43: {  	s23 =	sadd.s32 $0x344C8, s23;
	[sflag:s6] =	ssyncadd.s32 $0xFFFFD8F0  }
0x44: {  	[tilespmem:s12], [sflag:$0x1] =	stream.linear.gather [hbm4b:s23+s4], $0x2710, $0x38;
	[tilespmem:$0xF680] =	vst v63  }
0x45: {  	_ =	swait.ge [sflag:s6], $0x2710  }
0x46: {  	[sflag:s6] =	ssyncset.done $0x0  }
0x47: {  	[sflag:s6] =	ssyncadd.s32 $0xFFFFD8F0  }
0x48: {  	[spmem:s3] =	stream.indirect.scatter.add.f32 [tilespmem:s9], [sflag:$0x1], $0x1, s16, s17, $0xb8;
	[tilespmem:$0xF680] =	vst v63  }
0x49: {  	_ =	swait.ge [sflag:s6], $0x2710  }
0x4a: {  	[sflag:s6] =	ssyncset.done $0x0  }
0x4b: {  	s28 =	smul.u32 $0x18800, s26;
	[sflag:s6] =	ssyncadd.s32 $0xFFFFD8F0  }
0x4c: {  	[spmem:s3] =	stream.indirect.scatter.add.f32 [tilespmem:s9], [sflag:$0x1], $0x1, s12, s17, $0xb8;
	[tilespmem:$0xF680] =	vst v63  }
0x4d: {  	s26 =	ssub.s32 $0x2, s26;
	_ =	swait.ge [sflag:s6], $0x2710  }
0x4e: {  	s30 =	sshrl.u32 s26, $0x1;
	s25 =	sadd.s32 s25, s28;
	[sflag:s6] =	ssyncset.done $0x0  }
0x4f: {  	s31 =	ssub.s32 s26, s30;
	s25 =	sshrl.u32 s25, $0x3;
	[sflag:s6] =	ssyncadd.s32 $0xFFFFD8F0  }
0x50: {  	s24 =	sadd.s32 s25, s24;
	s25 =	smax.u32 s31, $0x1;
	[bflag:$0x0] =	sbarrier.arrive $0xFFFF  }
0x51: {  	[tilespmem:s7], [sflag:$0x1] =	stream.linear.gather [spmem:s8], $0x1880, $0x38;
	[tilespmem:$0xF680] =	vst v63  }
0x52: {  	p0 =	sne.s32 s25, $0x1;
	_ =	swait.ge [sflag:s6], $0x1880  }
.Ltmp0:
0x53: {  	[sflag:s6] =	ssyncset.done $0x0;
	(pc) =	sbr.rel @!p0 .LBB2_2-.Ltmp0, $4  }
0x54: {  	s24 =	sadd.s32 $0x64400, s24;
	[sflag:s6] =	ssyncadd.s32 $0xFFFFE780  }
0x55: {  	[hbm4b:s24+s4] =	stream.linear.scatter [tilespmem:s7], [sflag:$0x1], $0x1880, $0x38;
	[tilespmem:$0xF680] =	vst v63  }
0x56: {  	_ =	swait.ge [sflag:s6], $0x1880  }
0x57: {  	s25 =	sadd.s32 $0xFFFFFFFF, s25;
	[sflag:s6] =	ssyncset.done $0x0  }
.LBB2_1:
0x58: {  	p0 =	sne.s32 s25, $0x1;
	s25 =	sadd.s32 $0xFFFFFFFF, s25;
	[sflag:s6] =	ssyncadd.s32 $0xFFFFE780  }
0x59: {  	[tilespmem:s7], [sflag:$0x1] =	stream.linear.gather [hbm4b:s5+s4], $0x1880, $0x38;
	[tilespmem:$0xF680] =	vst v63  }
0x5a: {  	_ =	swait.ge [sflag:s6], $0x1880  }
0x5b: {  	[sflag:s6] =	ssyncset.done $0x0  }
0x5c: {  	[sflag:s6] =	ssyncadd.s32 $0xFFFFE780  }
0x5d: {  	[spmem:s8] =	stream.linear.scatter [tilespmem:s7], [sflag:$0x1], $0x1880, $0x38;
	[tilespmem:$0xF680] =	vst v63  }
0x5e: {  	_ =	swait.ge [sflag:s6], $0x1880  }
0x5f: {  	[sflag:s6] =	ssyncset.done $0x0  }
0x60: {  	[sflag:s6] =	ssyncadd.s32 $0xFFFFE780  }
0x61: {  	[tilespmem:s9], [sflag:$0x1] =	stream.linear.gather [hbm4b:s1+s4], $0x2780, $0x38;
	[tilespmem:$0xF680] =	vst v63  }
0x62: {  	_ =	swait.ge [sflag:s6], $0x2780  }
0x63: {  	[sflag:s6] =	ssyncset.done $0x0  }
0x64: {  	[sflag:s6] =	ssyncadd.s32 $0xFFFFD880  }
0x65: {  	[bflag:$0x0] =	sbarrier.arrive $0xFFFF  }
0x66: {  	[tilespmem:s4], [sflag:$0x1] =	stream.linear.gather [hbm4b:s10+s4], $0x2710, $0x38;
	[tilespmem:$0xF680] =	vst v63  }
0x67: {  	_ =	swait.ge [sflag:s6], $0x2710  }
0x68: {  	[sflag:s6] =	ssyncset.done $0x0  }
0x69: {  	[sflag:s6] =	ssyncadd.s32 $0xFFFFD8F0  }
0x6a: {  	[tilespmem:s12], [sflag:$0x1] =	stream.linear.gather [hbm4b:s11+s4], $0x2710, $0x38;
	[tilespmem:$0xF680] =	vst v63  }
0x6b: {  	_ =	swait.ge [sflag:s6], $0x2710  }
0x6c: {  	[sflag:s6] =	ssyncset.done $0x0  }
0x6d: {  	[sflag:s6] =	ssyncadd.s32 $0xFFFFD8F0  }
0x6e: {  	[tilespmem:s14], [sflag:$0x1] =	stream.linear.gather [hbm4b:s13+s4], $0x2710, $0x38;
	[tilespmem:$0xF680] =	vst v63  }
0x6f: {  	_ =	swait.ge [sflag:s6], $0x2710  }
0x70: {  	[sflag:s6] =	ssyncset.done $0x0  }
0x71: {  	[sflag:s6] =	ssyncadd.s32 $0xFFFFD8F0  }
0x72: {  	[tilespmem:s16], [sflag:$0x1] =	stream.linear.gather [hbm4b:s15+s4], $0x2710, $0x38;
	[tilespmem:$0xF680] =	vst v63  }
0x73: {  	_ =	swait.ge [sflag:s6], $0x2710  }
0x74: {  	[sflag:s6] =	ssyncset.done $0x0  }
0x75: {  	[sflag:s6] =	ssyncadd.s32 $0xFFFFD8F0  }
0x76: {  	[spmem:s3] =	stream.indirect.scatter.add.f32 [tilespmem:s9], [sflag:$0x1], $0x1, s12, s17, $0xb8;
	[tilespmem:$0xF680] =	vst v63  }
0x77: {  	_ =	swait.ge [sflag:s6], $0x2710  }
0x78: {  	[sflag:s6] =	ssyncset.done $0x0  }
0x79: {  	[sflag:s6] =	ssyncadd.s32 $0xFFFFD8F0  }
0x7a: {  	[tilespmem:s4], [sflag:$0x1] =	stream.linear.gather [hbm4b:s18+s4], $0x2710, $0x38;
	[tilespmem:$0xF680] =	vst v63  }
0x7b: {  	_ =	swait.ge [sflag:s6], $0x2710  }
0x7c: {  	[sflag:s6] =	ssyncset.done $0x0  }
0x7d: {  	[sflag:s6] =	ssyncadd.s32 $0xFFFFD8F0  }
0x7e: {  	[tilespmem:s12], [sflag:$0x1] =	stream.linear.gather [hbm4b:s19+s4], $0x2710, $0x38;
	[tilespmem:$0xF680] =	vst v63  }
0x7f: {  	_ =	swait.ge [sflag:s6], $0x2710  }
0x80: {  	[sflag:s6] =	ssyncset.done $0x0  }
0x81: {  	[sflag:s6] =	ssyncadd.s32 $0xFFFFD8F0  }
0x82: {  	[spmem:s3] =	stream.indirect.scatter.add.f32 [tilespmem:s9], [sflag:$0x1], $0x1, s16, s17, $0xb8;
	[tilespmem:$0xF680] =	vst v63  }
0x83: {  	_ =	swait.ge [sflag:s6], $0x2710  }
0x84: {  	[sflag:s6] =	ssyncset.done $0x0  }
0x85: {  	[sflag:s6] =	ssyncadd.s32 $0xFFFFD8F0  }
0x86: {  	[tilespmem:s14], [sflag:$0x1] =	stream.linear.gather [hbm4b:s20+s4], $0x2710, $0x38;
	[tilespmem:$0xF680] =	vst v63  }
0x87: {  	_ =	swait.ge [sflag:s6], $0x2710  }
0x88: {  	[sflag:s6] =	ssyncset.done $0x0  }
0x89: {  	[sflag:s6] =	ssyncadd.s32 $0xFFFFD8F0  }
0x8a: {  	[tilespmem:s16], [sflag:$0x1] =	stream.linear.gather [hbm4b:s21+s4], $0x2710, $0x38;
	[tilespmem:$0xF680] =	vst v63  }
0x8b: {  	_ =	swait.ge [sflag:s6], $0x2710  }
0x8c: {  	[sflag:s6] =	ssyncset.done $0x0  }
0x8d: {  	[sflag:s6] =	ssyncadd.s32 $0xFFFFD8F0  }
0x8e: {  	[spmem:s3] =	stream.indirect.scatter.add.f32 [tilespmem:s9], [sflag:$0x1], $0x1, s12, s17, $0xb8;
	[tilespmem:$0xF680] =	vst v63  }
0x8f: {  	_ =	swait.ge [sflag:s6], $0x2710  }
0x90: {  	[sflag:s6] =	ssyncset.done $0x0  }
0x91: {  	[sflag:s6] =	ssyncadd.s32 $0xFFFFD8F0  }
0x92: {  	[tilespmem:s4], [sflag:$0x1] =	stream.linear.gather [hbm4b:s22+s4], $0x2710, $0x38;
	[tilespmem:$0xF680] =	vst v63  }
0x93: {  	_ =	swait.ge [sflag:s6], $0x2710  }
0x94: {  	[sflag:s6] =	ssyncset.done $0x0  }
0x95: {  	[sflag:s6] =	ssyncadd.s32 $0xFFFFD8F0  }
0x96: {  	[tilespmem:s12], [sflag:$0x1] =	stream.linear.gather [hbm4b:s23+s4], $0x2710, $0x38;
	[tilespmem:$0xF680] =	vst v63  }
0x97: {  	_ =	swait.ge [sflag:s6], $0x2710  }
0x98: {  	[sflag:s6] =	ssyncset.done $0x0  }
0x99: {  	[sflag:s6] =	ssyncadd.s32 $0xFFFFD8F0  }
0x9a: {  	[spmem:s3] =	stream.indirect.scatter.add.f32 [tilespmem:s9], [sflag:$0x1], $0x1, s16, s17, $0xb8;
	[tilespmem:$0xF680] =	vst v63  }
0x9b: {  	_ =	swait.ge [sflag:s6], $0x2710  }
0x9c: {  	[sflag:s6] =	ssyncset.done $0x0  }
0x9d: {  	[sflag:s6] =	ssyncadd.s32 $0xFFFFD8F0  }
0x9e: {  	[spmem:s3] =	stream.indirect.scatter.add.f32 [tilespmem:s9], [sflag:$0x1], $0x1, s12, s17, $0xb8;
	[tilespmem:$0xF680] =	vst v63  }
0x9f: {  	_ =	swait.ge [sflag:s6], $0x2710  }
0xa0: {  	[sflag:s6] =	ssyncset.done $0x0  }
0xa1: {  	[sflag:s6] =	ssyncadd.s32 $0xFFFFD8F0  }
0xa2: {  	[bflag:$0x0] =	sbarrier.arrive $0xFFFF  }
0xa3: {  	[tilespmem:s7], [sflag:$0x1] =	stream.linear.gather [spmem:s8], $0x1880, $0x38;
	[tilespmem:$0xF680] =	vst v63  }
0xa4: {  	_ =	swait.ge [sflag:s6], $0x1880  }
.Ltmp1:
0xa5: {  	[sflag:s6] =	ssyncset.done $0x0;
	(pc) =	sbr.rel @p0 .LBB2_1-.Ltmp1, $4  }
0xa6: {  	[sflag:s6] =	ssyncadd.s32 $0xFFFFE780  }
0xa7: {  	[hbm4b:s24+s4] =	stream.linear.scatter [tilespmem:s7], [sflag:$0x1], $0x1880, $0x38;
	[tilespmem:$0xF680] =	vst v63  }
0xa8: {  	_ =	swait.ge [sflag:s6], $0x1880  }
0xa9: {  	[sflag:s6] =	ssyncset.done $0x0  }
.LBB2_2:
0xaa: {  	[sflag:s6] =	ssyncadd.s32 $0xFFFFE780  }
0xab: {  	_ =	sfence.sel $0x180000  }
0xac: {  	[bflag:$0x0] =	sbarrier.arrive $0xFFFF  }
0xad: {  	p0 =	sne.s32 s2, $0x0;
	_ =	strace $0x90000047  }
0xae: {  	s0 =	sadd.s32 @!p0 $0x100000, s0;
	[bflag:$0x2] =	sbarrier.arrive $0xFFFF  }
0xaf: {  	[sflag:s0] =	ssyncadd.tile.s32 @!p0 $0x1;
	_ =	shalt  }
.Lfunc_end2:
_tile_overlayer_lowered:
.L_overlay_start_2:
0xb0: {  	(tag) =	ssettag $0x2  }
0xb1: {  	s0 =	rddreg [dreg:$0x0];
	s2 =	stileid.u32  }
0xb2: {  	s1 =	rddreg [dreg:$0x1];
	p0 =	sne.s32 s2, $0x0  }
0xb3: {  	s3 =	rddreg [dreg:$0x2];
	[bflag:$0x3] =	sbarrier.arrive $0xFFFF;
	s2 =	simm.s32 @!p0 $0x1C01  }
0xb4: {  	[timem:s3], [sflag:s2] =	dma.local @!p0 [hbm:s0], s1  }
0xb5: {  	s0 =	simm.s32 @!p0 $0x1  }
0xb6: {  	_ =	swait.ge @!p0 [sflag:s0], s1  }
0xb7: {  	s1 =	ssub.s32 @!p0 $0x0, s1;
	[sflag:s0] =	ssyncset.done @!p0 $0x0  }
0xb8: {  	[sflag:s0] =	ssyncadd.s32 @!p0 s1  }
0xb9: {  	[bflag:$0x3] =	sbarrier.arrive $0xFFFF  }
0xba: {  	_ =	shalt  }

</sc_bundles>
